<compile_context>
chip_gen: v7x
topology: tpu7x:2x2x1
jax: 0.10.2.dev20260603
libtpu: 0.0.44.dev20260713+nightly
codegen_flags: <defaults>
</compile_context>

<pallas_src>
import functools

import jax
import jax.numpy as jnp
from jax import lax
from jax.experimental import pallas as pl
from jax.experimental.pallas import tpu as pltpu, tpu_sc as plsc

N = 10000
NPAD = 10240
IN_D = 128
HID = 128
OUT_D = 64
E = 320000
NC = 2
NS = 16
NW = NC * NS
K = 128
EPW = 10240
EPAD = EPW * NW
EPWP = EPW + K
NPADH = NPAD // NC
NACC = NPADH + 128
RPT = NPADH // NS
LH = 16

_mesh = lambda: plsc.VectorSubcoreMesh(
    core_axis_name="c", subcore_axis_name="s", num_cores=NC, num_subcores=NS)


@functools.cache
def _make_prep():
    @functools.partial(
        pl.kernel,
        out_type=(
            jax.ShapeDtypeStruct((2, NW, NPAD), jnp.float32),
            jax.ShapeDtypeStruct((2, NW, EPWP), jnp.int32),
            jax.ShapeDtypeStruct((2, NW, EPWP), jnp.int32),
            jax.ShapeDtypeStruct((NW, 16), jnp.int32),
        ),
        mesh=_mesh(),
        compiler_params=pltpu.CompilerParams(needs_layout_passes=False),
        scratch_types=[
            pltpu.VMEM((EPW,), jnp.int32),
            pltpu.VMEM((EPW,), jnp.int32),
            pltpu.VMEM((NPAD,), jnp.float32),
            pltpu.VMEM((EPWP,), jnp.int32),
            pltpu.VMEM((EPWP,), jnp.int32),
            pltpu.VMEM((EPWP,), jnp.int32),
            pltpu.VMEM((EPWP,), jnp.int32),
            pltpu.VMEM((16,), jnp.int32),
        ],
    )
    def _prep_sc(src_hbm, dst_hbm, hist_hbm, psrc_hbm, pdst_hbm,
                 cnt_hbm, si_all, di_all, hist_v, ls_v, ld_v, hs_v, hd_v,
                 cnt_v):
        cid = lax.axis_index("c")
        sid = lax.axis_index("s")
        wid = sid * NC + cid
        ereal = E // NW
        base = pl.multiple_of(wid * ereal, 8)
        pltpu.sync_copy(src_hbm.at[pl.ds(base, ereal)], si_all.at[pl.ds(0, ereal)])
        pltpu.sync_copy(dst_hbm.at[pl.ds(base, ereal)], di_all.at[pl.ds(0, ereal)])
        iot16 = lax.iota(jnp.int32, 16)
        for j in range((EPW - ereal) // 16):
            pad = N + iot16 + (j * 16)
            si_all[pl.ds(ereal + j * 16, 16)] = pad
            di_all[pl.ds(ereal + j * 16, 16)] = pad
        ones = jnp.full((16,), 1.0, jnp.float32)
        zeros16 = jnp.zeros((16,), jnp.float32)

        def count(ref):
            def step(j, carry):
                plsc.addupdate_scatter(hist_v, [ref[pl.ds(j * 16, 16)]], ones)
                return carry
            return step

        def zero_hist(j, carry):
            hist_v[pl.ds(j * 16, 16)] = zeros16
            return carry

        lax.fori_loop(0, NPAD // 16, zero_hist, 0)
        lax.fori_loop(0, EPW // 16, count(si_all), 0)
        pltpu.sync_copy(hist_v, hist_hbm.at[0, wid])
        lax.fori_loop(0, NPAD // 16, zero_hist, 0)
        lax.fori_loop(0, EPW // 16, count(di_all), 0)
        pltpu.sync_copy(hist_v, hist_hbm.at[1, wid])

        def part(j, carry):
            nlo, nhi = carry
            sv = si_all[pl.ds(j * 16, 16)]
            dv = di_all[pl.ds(j * 16, 16)]
            m = dv < NPADH
            plsc.store_compressed(ls_v.at[pl.ds(nlo, 16)], sv, mask=m)
            plsc.store_compressed(ld_v.at[pl.ds(nlo, 16)], dv, mask=m)
            nm = jnp.logical_not(m)
            plsc.store_compressed(hs_v.at[pl.ds(nhi, 16)], sv, mask=nm)
            plsc.store_compressed(hd_v.at[pl.ds(nhi, 16)], dv, mask=nm)
            c = jnp.sum(m.astype(jnp.int32))
            return (nlo + c, nhi + 16 - c)

        nlo, nhi = lax.fori_loop(0, EPW // 16, part, (0, 0))

        iot16 = lax.iota(jnp.int32, 16)
        for j in range(K // 16):
            dummy = iot16 + (j * 16)
            dsrc = N + dummy
            ls_v[pl.ds(nlo + j * 16, 16)] = dsrc
            ld_v[pl.ds(nlo + j * 16, 16)] = NPADH + dummy
            hs_v[pl.ds(nhi + j * 16, 16)] = dsrc
            hd_v[pl.ds(nhi + j * 16, 16)] = 2 * NPADH + dummy
        pltpu.sync_copy(ls_v, psrc_hbm.at[0, wid])
        pltpu.sync_copy(ld_v, pdst_hbm.at[0, wid])
        pltpu.sync_copy(hs_v, psrc_hbm.at[1, wid])
        pltpu.sync_copy(hd_v, pdst_hbm.at[1, wid])
        iot = lax.iota(jnp.int32, 16)
        nloc = (nlo + K - 1) // K
        nhic = (nhi + K - 1) // K
        cnt_v[...] = jnp.where(iot == 0, nloc, jnp.where(iot == 1, nhic, 0))
        pltpu.sync_copy(cnt_v, cnt_hbm.at[wid])

    return _prep_sc


def _make_agg(D):
    @functools.partial(
        pl.kernel,
        out_type=jax.ShapeDtypeStruct((NC, NPADH, D), jnp.float32),
        mesh=_mesh(),
        compiler_params=pltpu.CompilerParams(needs_layout_passes=False),
        scratch_types=[
            pltpu.VMEM((K,), jnp.int32),
            pltpu.VMEM((K,), jnp.int32),
            pltpu.VMEM((K,), jnp.int32),
            pltpu.VMEM((K,), jnp.int32),
            pltpu.VMEM((K,), jnp.int32),
            pltpu.VMEM((K,), jnp.int32),
            pltpu.VMEM((K, D), jnp.float32),
            pltpu.VMEM((K, D), jnp.float32),
            pltpu.VMEM((RPT, D), jnp.float32),
            pltpu.VMEM((16,), jnp.int32),
            pltpu.SemaphoreType.DMA,
            pltpu.SemaphoreType.DMA,
            pltpu.SemaphoreType.DMA,
            pltpu.SemaphoreType.DMA,
            pltpu.VMEM_SHARED((NACC, D), jnp.float32),
        ],
    )
    def _agg_sc(z_hbm, psrc_hbm, pdst_hbm, cnt_hbm, out_hbm,
                si0, si1, di0, di1, dd0, dd1, rows0, rows1, buf, cnt_v,
                sem0, sem1, sem0b, sem1b, acc):
        si = [si0, si1]
        di = [di0, di1]
        dd = [dd0, dd1]
        rows = [rows0, rows1]
        sem = [sem0, sem1]
        semb = [sem0b, sem1b]
        cid = lax.axis_index("c")
        sid = lax.axis_index("s")
        r0 = sid * RPT
        lo = cid * NPADH
        zeros16 = jnp.zeros((16,), jnp.float32)

        def zero_row(rr, carry):
            for j in range(D // 16):
                buf[rr, pl.ds(j * 16, 16)] = zeros16
            return carry

        lax.fori_loop(0, RPT, zero_row, 0)
        pltpu.sync_copy(buf, acc.at[pl.ds(r0, RPT)])
        plsc.subcore_barrier()

        def region(r):
            pltpu.sync_copy(cnt_hbm.at[r], cnt_v)
            iot = lax.iota(jnp.int32, 16)
            nch = jnp.sum(jnp.where(iot == cid, cnt_v[...], 0))

            def load_idx(i, b):
                base = i * K
                pltpu.sync_copy(psrc_hbm.at[cid, r, pl.ds(base, K)], si[b])
                pltpu.sync_copy(pdst_hbm.at[cid, r, pl.ds(base, K)], di[b])

            H2 = K // 2

            def gather(b):
                pltpu.async_copy(z_hbm.at[si[b].at[pl.ds(0, H2)]],
                                 rows[b].at[pl.ds(0, H2)], sem[b])
                pltpu.async_copy(z_hbm.at[si[b].at[pl.ds(H2, H2)]],
                                 rows[b].at[pl.ds(H2, H2)], semb[b])

            def wait_gather(b):
                pltpu.make_async_copy(z_hbm.at[si[b].at[pl.ds(0, H2)]],
                                      rows[b].at[pl.ds(0, H2)], sem[b]).wait()
                pltpu.make_async_copy(z_hbm.at[si[b].at[pl.ds(H2, H2)]],
                                      rows[b].at[pl.ds(H2, H2)], semb[b]).wait()

            def consume(b):
                for j in range(K // 16):
                    dd[b][pl.ds(j * 16, 16)] = di[b][pl.ds(j * 16, 16)] - lo
                pltpu.sync_copy(rows[b], acc.at[dd[b]], add=True)

            @pl.when(nch > 0)
            def _():
                load_idx(0, 0)
                gather(0)

            def body(h, carry):
                i0 = 2 * h
                i1 = i0 + 1
                i2 = i0 + 2

                @pl.when(i0 < nch)
                def _():
                    wait_gather(0)
                    @pl.when(i1 < nch)
                    def _():
                        load_idx(i1, 1)
                        gather(1)
                    consume(0)

                @pl.when(i1 < nch)
                def _():
                    wait_gather(1)
                    @pl.when(i2 < nch)
                    def _():
                        load_idx(i2, 0)
                        gather(0)
                    consume(1)
                return carry

            lax.fori_loop(0, (nch + 1) // 2, body, 0)

        for t in range(2):
            region(2 * sid + t)
        plsc.subcore_barrier()
        pltpu.sync_copy(acc.at[pl.ds(r0, RPT)], buf)
        pltpu.sync_copy(buf, out_hbm.at[cid, pl.ds(r0, RPT)])

    return _agg_sc


_make_agg = functools.cache(_make_agg)


def _deg_norms(hp):
    degs = jnp.sum(hp[0], axis=0)
    degd = jnp.sum(hp[1], axis=0)
    ns = lax.rsqrt(jnp.maximum(degs, 1.0))
    nd = lax.rsqrt(jnp.maximum(degd, 1.0))
    return ns, nd


def _z1_body(x_ref, w_ref, h_ref, o_ref):
    ns, _ = _deg_norms(h_ref[...])
    xw = jnp.dot(x_ref[...], w_ref[...], preferred_element_type=jnp.float32)
    o_ref[0:N, :] = xw * ns[0:N, None]
    o_ref[N:NPAD, :] = jnp.zeros((NPAD - N, HID), jnp.float32)


def _mid_body(acc_ref, h_ref, b1_ref, g1_ref, be1_ref, w2_ref, o_ref):
    ns, nd = _deg_norms(h_ref[...])
    a = acc_ref[...]
    h = a * nd[:, None] + b1_ref[...][None, :]
    mask = (lax.broadcasted_iota(jnp.int32, (NPAD, 1), 0) < N).astype(jnp.float32)
    mean = jnp.sum(h * mask, axis=0) / N
    cen = h - mean[None, :]
    var = jnp.sum(cen * cen * mask, axis=0) / N
    hbn = cen * lax.rsqrt(var + 1e-5)[None, :] * g1_ref[...][None, :] + be1_ref[...][None, :]
    hr = jnp.maximum(hbn, 0.0)
    z2 = jnp.dot(hr, w2_ref[...], preferred_element_type=jnp.float32)
    o_ref[...] = z2 * ns[:, None] * mask


def _out_body(acc_ref, h_ref, b2_ref, g2_ref, be2_ref, o_ref):
    _, nd = _deg_norms(h_ref[...])
    a = acc_ref[...][:, :OUT_D]
    h = a * nd[:, None] + b2_ref[...][None, :]
    mask = (lax.broadcasted_iota(jnp.int32, (NPAD, 1), 0) < N).astype(jnp.float32)
    mean = jnp.sum(h * mask, axis=0) / N
    cen = h - mean[None, :]
    var = jnp.sum(cen * cen * mask, axis=0) / N
    hbn = cen * lax.rsqrt(var + 1e-5)[None, :] * g2_ref[...][None, :] + be2_ref[...][None, :]
    hh = hbn[:N, :]
    m = jnp.max(hh, axis=1, keepdims=True)
    ex = jnp.exp(hh - m)
    lse = jnp.log(jnp.sum(ex, axis=1, keepdims=True))
    o_ref[...] = hh - m - lse


def _tc_call(body, out_shape, *args):
    return pl.pallas_call(
        body, out_shape=jax.ShapeDtypeStruct(out_shape, jnp.float32))(*args)


def kernel(x, W1, b1, gamma1, beta1, W2, b2, gamma2, beta2, edge_index):
    src = edge_index[0].astype(jnp.int32)
    dst = edge_index[1].astype(jnp.int32)
    W2p = jnp.pad(W2, ((0, 0), (0, HID - OUT_D)))

    histp, psrc, pdst, cnt = _make_prep()(src, dst)
    z1 = _tc_call(_z1_body, (NPAD, HID), x, W1, histp)
    agg = _make_agg(HID)
    acc1 = agg(z1, psrc, pdst, cnt)
    z2 = _tc_call(_mid_body, (NPAD, HID), acc1.reshape(NPAD, HID), histp, b1,
                  gamma1, beta1, W2p)
    acc2 = agg(z2, psrc, pdst, cnt)
    out = _tc_call(_out_body, (N, OUT_D), acc2.reshape(NPAD, HID), histp, b2,
                  gamma2, beta2)
    return out

# --- scband reference (transcript-rebuilt; emitter-appended) ---
"""Pipeline reference for scband-gnnwith-regularization-52699248722264 (READ-ONLY COPY).

The authoritative reference and input builder live on the scoring server;
editing this copy changes nothing except your own understanding.
"""

import jax, jax.numpy as jnp
import numpy as np

N_NODES = 10000
N_EDGES = 320000
IN_DIM = 128
HID_DIM = 128
OUT_DIM = 64


def setup_inputs(seed: int = 0) -> dict:
    key = jax.random.key(seed)
    ks = jax.random.split(key, 12)
    x = jax.random.normal(ks[0], (N_NODES, IN_DIM), dtype=jnp.float32)
    edge_index = jax.random.randint(ks[1], (2, N_EDGES), 0, N_NODES, dtype=jnp.int64 if jax.config.jax_enable_x64 else jnp.int32).astype(jnp.int32)
    W1 = jax.random.normal(ks[2], (IN_DIM, HID_DIM), dtype=jnp.float32) * 0.05
    b1 = jnp.zeros((HID_DIM,), dtype=jnp.float32)
    gamma1 = jnp.ones((HID_DIM,), dtype=jnp.float32)
    beta1 = jnp.zeros((HID_DIM,), dtype=jnp.float32)
    W2 = jax.random.normal(ks[3], (HID_DIM, OUT_DIM), dtype=jnp.float32) * 0.05
    b2 = jnp.zeros((OUT_DIM,), dtype=jnp.float32)
    gamma2 = jnp.ones((OUT_DIM,), dtype=jnp.float32)
    beta2 = jnp.zeros((OUT_DIM,), dtype=jnp.float32)
    return {"x": x, "W1": W1, "b1": b1, "gamma1": gamma1, "beta1": beta1,
            "W2": W2, "b2": b2, "gamma2": gamma2, "beta2": beta2,
            "edge_index": edge_index}


def _graph_conv(x, edge_index, W, b):
    # DGL GraphConv with norm='both': D_out^{-1/2} on src, aggregate (scatter-add), D_in^{-1/2} on dst, then linear.
    src = edge_index[0]
    dst = edge_index[1]
    ones = jnp.ones((edge_index.shape[1],), dtype=x.dtype)
    deg_out = jnp.clip(jax.ops.segment_sum(ones, src, num_segments=N_NODES), 1.0)
    deg_in = jnp.clip(jax.ops.segment_sum(ones, dst, num_segments=N_NODES), 1.0)
    norm_src = deg_out ** -0.5
    norm_dst = deg_in ** -0.5
    msg = x[src] * norm_src[src][:, None]
    agg = jax.ops.segment_sum(msg, dst, num_segments=N_NODES)
    agg = agg * norm_dst[:, None]
    return agg @ W + b


def _batch_norm(h, gamma, beta, eps=1e-5):
    mean = jnp.mean(h, axis=0)
    var = jnp.mean((h - mean) ** 2, axis=0)
    return (h - mean) / jnp.sqrt(var + eps) * gamma + beta


def reference(x, W1, b1, gamma1, beta1, W2, b2, gamma2, beta2, edge_index):
    # edge_dropout_rate=0 -> no edge dropout; dropout is a no-op in eval; batch norm uses batch stats.
    h = _graph_conv(x, edge_index, W1, b1)
    h = _batch_norm(h, gamma1, beta1)
    h = jax.nn.relu(h)
    h = _graph_conv(h, edge_index, W2, b2)
    h = _batch_norm(h, gamma2, beta2)
    # task_type == 'node_classification'
    return jax.nn.log_softmax(h, axis=1)

if __name__ == "__main__":
    import jax
    _d = setup_inputs()
    print(jax.jit(kernel)(*tuple(_d.values())))

</pallas_src>

<mosaic_0001>
#map = affine_map<(d0, d1) -> (0)>
#map1 = affine_map<(d0, d1) -> (0, 0, 0)>
#map2 = affine_map<(d0, d1) -> (0, 0)>
module attributes {stable_mosaic.version = 14 : i64} {
  func.func @_prep_sc(%arg0: i32, %arg1: i32, %arg2: memref<320000xi32, #tpu.memory_space<hbm>>, %arg3: memref<320000xi32, #tpu.memory_space<hbm>>, %arg4: memref<2x32x10240xf32, #tpu.memory_space<hbm>>, %arg5: memref<2x32x10368xi32, #tpu.memory_space<hbm>>, %arg6: memref<2x32x10368xi32, #tpu.memory_space<hbm>>, %arg7: memref<32x16xi32, #tpu.memory_space<hbm>>, %arg8: memref<10240xi32, #tpu.memory_space<vmem>>, %arg9: memref<10240xi32, #tpu.memory_space<vmem>>, %arg10: memref<10240xf32, #tpu.memory_space<vmem>>, %arg11: memref<10368xi32, #tpu.memory_space<vmem>>, %arg12: memref<10368xi32, #tpu.memory_space<vmem>>, %arg13: memref<10368xi32, #tpu.memory_space<vmem>>, %arg14: memref<10368xi32, #tpu.memory_space<vmem>>, %arg15: memref<16xi32, #tpu.memory_space<vmem>>) attributes {dimension_semantics = [#tpu.dimension_semantics<core_parallel>, #tpu.dimension_semantics<subcore_parallel>], iteration_bounds = array<i64: 2, 16>, scalar_prefetch = 0 : i64, scratch_operands = 8 : i64, tpu.core_type = #tpu.core_type<sc_vector_subcore>, window_params = [{transform_indices = #map}, {transform_indices = #map}, {transform_indices = #map1}, {transform_indices = #map1}, {transform_indices = #map1}, {transform_indices = #map2}]} {
    %mul3A = arith.constant 2 : i32
    %mul3A_0 = arith.muli %arg1, %mul3A : i32
    %add3A = arith.addi %mul3A_0, %arg0 : i32
    %mul3A_1 = arith.constant 10000 : i32
    %mul3A_2 = arith.muli %add3A, %mul3A_1 : i32
    %multiple_of3A = tpu.assume_multiple %mul3A_2, 8 : i32
    "tpu.region"() ({
      %run_scoped3A_478 = tpu.sem_alloc : memref<!tpu.dma_semaphore, #tpu.memory_space<semaphore_mem>>
      %dma_start3A = arith.constant 0 : i32
      %dma_start3A_479 = tpu.memref_slice %arg8[%dma_start3A] : memref<10240xi32, #tpu.memory_space<vmem>> -> memref<10000xi32, #tpu.memory_space<vmem>>
      %dma_start3A_480 = tpu.memref_slice %arg2[%multiple_of3A] : memref<320000xi32, #tpu.memory_space<hbm>> -> memref<10000xi32, #tpu.memory_space<hbm>>
      %dma_start3A_481 = arith.constant 0 : i32
      %dma_start3A_482 = tpu.memref_slice %arg8[%dma_start3A_481] : memref<10240xi32, #tpu.memory_space<vmem>> -> memref<10000xi32, #tpu.memory_space<vmem>>
      %dma_start3A_483 = tpu.memref_slice %arg2[%multiple_of3A] : memref<320000xi32, #tpu.memory_space<hbm>> -> memref<10000xi32, #tpu.memory_space<hbm>>
      tpu.enqueue_dma source(%dma_start3A_483 : memref<10000xi32, #tpu.memory_space<hbm>>) target(%dma_start3A_482 : memref<10000xi32, #tpu.memory_space<vmem>>) target_semaphore(%run_scoped3A_478 : memref<!tpu.dma_semaphore, #tpu.memory_space<semaphore_mem>>)
      %dma_wait3A = arith.constant 0 : i32
      %dma_wait3A_484 = tpu.memref_slice %arg8[%dma_wait3A] : memref<10240xi32, #tpu.memory_space<vmem>> -> memref<10000xi32, #tpu.memory_space<vmem>>
      %dma_wait3A_485 = tpu.memref_slice %arg2[%multiple_of3A] : memref<320000xi32, #tpu.memory_space<hbm>> -> memref<10000xi32, #tpu.memory_space<hbm>>
      %dma_wait3A_486 = arith.constant 0 : i32
      %dma_wait3A_487 = tpu.memref_slice %arg8[%dma_wait3A_486] : memref<10240xi32, #tpu.memory_space<vmem>> -> memref<10000xi32, #tpu.memory_space<vmem>>
      %dma_wait3A_488 = tpu.memref_slice %arg2[%multiple_of3A] : memref<320000xi32, #tpu.memory_space<hbm>> -> memref<10000xi32, #tpu.memory_space<hbm>>
      tpu.wait_dma2 semaphore(%run_scoped3A_478 : memref<!tpu.dma_semaphore, #tpu.memory_space<semaphore_mem>>) src(%dma_wait3A_488 : memref<10000xi32, #tpu.memory_space<hbm>>) dst(%dma_wait3A_487 : memref<10000xi32, #tpu.memory_space<vmem>>)
      tpu.yield
    }) : () -> ()
    "tpu.region"() ({
      %run_scoped3A_478 = tpu.sem_alloc : memref<!tpu.dma_semaphore, #tpu.memory_space<semaphore_mem>>
      %dma_start3A = arith.constant 0 : i32
      %dma_start3A_479 = tpu.memref_slice %arg9[%dma_start3A] : memref<10240xi32, #tpu.memory_space<vmem>> -> memref<10000xi32, #tpu.memory_space<vmem>>
      %dma_start3A_480 = tpu.memref_slice %arg3[%multiple_of3A] : memref<320000xi32, #tpu.memory_space<hbm>> -> memref<10000xi32, #tpu.memory_space<hbm>>
      %dma_start3A_481 = arith.constant 0 : i32
      %dma_start3A_482 = tpu.memref_slice %arg9[%dma_start3A_481] : memref<10240xi32, #tpu.memory_space<vmem>> -> memref<10000xi32, #tpu.memory_space<vmem>>
      %dma_start3A_483 = tpu.memref_slice %arg3[%multiple_of3A] : memref<320000xi32, #tpu.memory_space<hbm>> -> memref<10000xi32, #tpu.memory_space<hbm>>
      tpu.enqueue_dma source(%dma_start3A_483 : memref<10000xi32, #tpu.memory_space<hbm>>) target(%dma_start3A_482 : memref<10000xi32, #tpu.memory_space<vmem>>) target_semaphore(%run_scoped3A_478 : memref<!tpu.dma_semaphore, #tpu.memory_space<semaphore_mem>>)
      %dma_wait3A = arith.constant 0 : i32
      %dma_wait3A_484 = tpu.memref_slice %arg9[%dma_wait3A] : memref<10240xi32, #tpu.memory_space<vmem>> -> memref<10000xi32, #tpu.memory_space<vmem>>
      %dma_wait3A_485 = tpu.memref_slice %arg3[%multiple_of3A] : memref<320000xi32, #tpu.memory_space<hbm>> -> memref<10000xi32, #tpu.memory_space<hbm>>
      %dma_wait3A_486 = arith.constant 0 : i32
      %dma_wait3A_487 = tpu.memref_slice %arg9[%dma_wait3A_486] : memref<10240xi32, #tpu.memory_space<vmem>> -> memref<10000xi32, #tpu.memory_space<vmem>>
      %dma_wait3A_488 = tpu.memref_slice %arg3[%multiple_of3A] : memref<320000xi32, #tpu.memory_space<hbm>> -> memref<10000xi32, #tpu.memory_space<hbm>>
      tpu.wait_dma2 semaphore(%run_scoped3A_478 : memref<!tpu.dma_semaphore, #tpu.memory_space<semaphore_mem>>) src(%dma_wait3A_488 : memref<10000xi32, #tpu.memory_space<hbm>>) dst(%dma_wait3A_487 : memref<10000xi32, #tpu.memory_space<vmem>>)
      tpu.yield
    }) : () -> ()
    %iota3A = tpu.iota {dimensions = array<i32: 0>} : vector<16xi32>
    %add3A_3 = arith.constant 10000 : i32
    %add3A_4 = vector.broadcast %add3A_3 : i32 to vector<16xi32>
    %add3A_5 = arith.addi %add3A_4, %iota3A : vector<16xi32>
    %add3A_6 = arith.constant 0 : i32
    %add3A_7 = vector.broadcast %add3A_6 : i32 to vector<16xi32>
    %add3A_8 = arith.addi %add3A_5, %add3A_7 : vector<16xi32>
    %swap3A = arith.constant 10000 : index
    %swap3A_9 = tpu.vector_load %arg8[%swap3A] {strides = array<i32>} : memref<10240xi32, #tpu.memory_space<vmem>>, vector<16xi32>,
    tpu.vector_store %arg8[%swap3A], %add3A_8 {strides = array<i32>} : memref<10240xi32, #tpu.memory_space<vmem>>, vector<16xi32>,
    %swap3A_10 = arith.constant 10000 : index
    %swap3A_11 = tpu.vector_load %arg9[%swap3A_10] {strides = array<i32>} : memref<10240xi32, #tpu.memory_space<vmem>>, vector<16xi32>,
    tpu.vector_store %arg9[%swap3A_10], %add3A_8 {strides = array<i32>} : memref<10240xi32, #tpu.memory_space<vmem>>, vector<16xi32>,
    %add3A_12 = arith.constant 10000 : i32
    %add3A_13 = vector.broadcast %add3A_12 : i32 to vector<16xi32>
    %add3A_14 = arith.addi %add3A_13, %iota3A : vector<16xi32>
    %add3A_15 = arith.constant 16 : i32
    %add3A_16 = vector.broadcast %add3A_15 : i32 to vector<16xi32>
    %add3A_17 = arith.addi %add3A_14, %add3A_16 : vector<16xi32>
    %swap3A_18 = arith.constant 10016 : index
    %swap3A_19 = tpu.vector_load %arg8[%swap3A_18] {strides = array<i32>} : memref<10240xi32, #tpu.memory_space<vmem>>, vector<16xi32>,
    tpu.vector_store %arg8[%swap3A_18], %add3A_17 {strides = array<i32>} : memref<10240xi32, #tpu.memory_space<vmem>>, vector<16xi32>,
    %swap3A_20 = arith.constant 10016 : index
    %swap3A_21 = tpu.vector_load %arg9[%swap3A_20] {strides = array<i32>} : memref<10240xi32, #tpu.memory_space<vmem>>, vector<16xi32>,
    tpu.vector_store %arg9[%swap3A_20], %add3A_17 {strides = array<i32>} : memref<10240xi32, #tpu.memory_space<vmem>>, vector<16xi32>,
    %add3A_22 = arith.constant 10000 : i32
    %add3A_23 = vector.broadcast %add3A_22 : i32 to vector<16xi32>
    %add3A_24 = arith.addi %add3A_23, %iota3A : vector<16xi32>
    %add3A_25 = arith.constant 32 : i32
    %add3A_26 = vector.broadcast %add3A_25 : i32 to vector<16xi32>
    %add3A_27 = arith.addi %add3A_24, %add3A_26 : vector<16xi32>
    %swap3A_28 = arith.constant 10032 : index
    %swap3A_29 = tpu.vector_load %arg8[%swap3A_28] {strides = array<i32>} : memref<10240xi32, #tpu.memory_space<vmem>>, vector<16xi32>,
    tpu.vector_store %arg8[%swap3A_28], %add3A_27 {strides = array<i32>} : memref<10240xi32, #tpu.memory_space<vmem>>, vector<16xi32>,
    %swap3A_30 = arith.constant 10032 : index
    %swap3A_31 = tpu.vector_load %arg9[%swap3A_30] {strides = array<i32>} : memref<10240xi32, #tpu.memory_space<vmem>>, vector<16xi32>,
    tpu.vector_store %arg9[%swap3A_30], %add3A_27 {strides = array<i32>} : memref<10240xi32, #tpu.memory_space<vmem>>, vector<16xi32>,
    %add3A_32 = arith.constant 10000 : i32
    %add3A_33 = vector.broadcast %add3A_32 : i32 to vector<16xi32>
    %add3A_34 = arith.addi %add3A_33, %iota3A : vector<16xi32>
    %add3A_35 = arith.constant 48 : i32
    %add3A_36 = vector.broadcast %add3A_35 : i32 to vector<16xi32>
    %add3A_37 = arith.addi %add3A_34, %add3A_36 : vector<16xi32>
    %swap3A_38 = arith.constant 10048 : index
    %swap3A_39 = tpu.vector_load %arg8[%swap3A_38] {strides = array<i32>} : memref<10240xi32, #tpu.memory_space<vmem>>, vector<16xi32>,
    tpu.vector_store %arg8[%swap3A_38], %add3A_37 {strides = array<i32>} : memref<10240xi32, #tpu.memory_space<vmem>>, vector<16xi32>,
    %swap3A_40 = arith.constant 10048 : index
    %swap3A_41 = tpu.vector_load %arg9[%swap3A_40] {strides = array<i32>} : memref<10240xi32, #tpu.memory_space<vmem>>, vector<16xi32>,
    tpu.vector_store %arg9[%swap3A_40], %add3A_37 {strides = array<i32>} : memref<10240xi32, #tpu.memory_space<vmem>>, vector<16xi32>,
    %add3A_42 = arith.constant 10000 : i32
    %add3A_43 = vector.broadcast %add3A_42 : i32 to vector<16xi32>
    %add3A_44 = arith.addi %add3A_43, %iota3A : vector<16xi32>
    %add3A_45 = arith.constant 64 : i32
    %add3A_46 = vector.broadcast %add3A_45 : i32 to vector<16xi32>
    %add3A_47 = arith.addi %add3A_44, %add3A_46 : vector<16xi32>
    %swap3A_48 = arith.constant 10064 : index
    %swap3A_49 = tpu.vector_load %arg8[%swap3A_48] {strides = array<i32>} : memref<10240xi32, #tpu.memory_space<vmem>>, vector<16xi32>,
    tpu.vector_store %arg8[%swap3A_48], %add3A_47 {strides = array<i32>} : memref<10240xi32, #tpu.memory_space<vmem>>, vector<16xi32>,
    %swap3A_50 = arith.constant 10064 : index
    %swap3A_51 = tpu.vector_load %arg9[%swap3A_50] {strides = array<i32>} : memref<10240xi32, #tpu.memory_space<vmem>>, vector<16xi32>,
    tpu.vector_store %arg9[%swap3A_50], %add3A_47 {strides = array<i32>} : memref<10240xi32, #tpu.memory_space<vmem>>, vector<16xi32>,
    %add3A_52 = arith.constant 10000 : i32
    %add3A_53 = vector.broadcast %add3A_52 : i32 to vector<16xi32>
    %add3A_54 = arith.addi %add3A_53, %iota3A : vector<16xi32>
    %add3A_55 = arith.constant 80 : i32
    %add3A_56 = vector.broadcast %add3A_55 : i32 to vector<16xi32>
    %add3A_57 = arith.addi %add3A_54, %add3A_56 : vector<16xi32>
    %swap3A_58 = arith.constant 10080 : index
    %swap3A_59 = tpu.vector_load %arg8[%swap3A_58] {strides = array<i32>} : memref<10240xi32, #tpu.memory_space<vmem>>, vector<16xi32>,
    tpu.vector_store %arg8[%swap3A_58], %add3A_57 {strides = array<i32>} : memref<10240xi32, #tpu.memory_space<vmem>>, vector<16xi32>,
    %swap3A_60 = arith.constant 10080 : index
    %swap3A_61 = tpu.vector_load %arg9[%swap3A_60] {strides = array<i32>} : memref<10240xi32, #tpu.memory_space<vmem>>, vector<16xi32>,
    tpu.vector_store %arg9[%swap3A_60], %add3A_57 {strides = array<i32>} : memref<10240xi32, #tpu.memory_space<vmem>>, vector<16xi32>,
    %add3A_62 = arith.constant 10000 : i32
    %add3A_63 = vector.broadcast %add3A_62 : i32 to vector<16xi32>
    %add3A_64 = arith.addi %add3A_63, %iota3A : vector<16xi32>
    %add3A_65 = arith.constant 96 : i32
    %add3A_66 = vector.broadcast %add3A_65 : i32 to vector<16xi32>
    %add3A_67 = arith.addi %add3A_64, %add3A_66 : vector<16xi32>
    %swap3A_68 = arith.constant 10096 : index
    %swap3A_69 = tpu.vector_load %arg8[%swap3A_68] {strides = array<i32>} : memref<10240xi32, #tpu.memory_space<vmem>>, vector<16xi32>,
    tpu.vector_store %arg8[%swap3A_68], %add3A_67 {strides = array<i32>} : memref<10240xi32, #tpu.memory_space<vmem>>, vector<16xi32>,
    %swap3A_70 = arith.constant 10096 : index
    %swap3A_71 = tpu.vector_load %arg9[%swap3A_70] {strides = array<i32>} : memref<10240xi32, #tpu.memory_space<vmem>>, vector<16xi32>,
    tpu.vector_store %arg9[%swap3A_70], %add3A_67 {strides = array<i32>} : memref<10240xi32, #tpu.memory_space<vmem>>, vector<16xi32>,
    %add3A_72 = arith.constant 10000 : i32
    %add3A_73 = vector.broadcast %add3A_72 : i32 to vector<16xi32>
    %add3A_74 = arith.addi %add3A_73, %iota3A : vector<16xi32>
    %add3A_75 = arith.constant 112 : i32
    %add3A_76 = vector.broadcast %add3A_75 : i32 to vector<16xi32>
    %add3A_77 = arith.addi %add3A_74, %add3A_76 : vector<16xi32>
    %swap3A_78 = arith.constant 10112 : index
    %swap3A_79 = tpu.vector_load %arg8[%swap3A_78] {strides = array<i32>} : memref<10240xi32, #tpu.memory_space<vmem>>, vector<16xi32>,
    tpu.vector_store %arg8[%swap3A_78], %add3A_77 {strides = array<i32>} : memref<10240xi32, #tpu.memory_space<vmem>>, vector<16xi32>,
    %swap3A_80 = arith.constant 10112 : index
    %swap3A_81 = tpu.vector_load %arg9[%swap3A_80] {strides = array<i32>} : memref<10240xi32, #tpu.memory_space<vmem>>, vector<16xi32>,
    tpu.vector_store %arg9[%swap3A_80], %add3A_77 {strides = array<i32>} : memref<10240xi32, #tpu.memory_space<vmem>>, vector<16xi32>,
    %add3A_82 = arith.constant 10000 : i32
    %add3A_83 = vector.broadcast %add3A_82 : i32 to vector<16xi32>
    %add3A_84 = arith.addi %add3A_83, %iota3A : vector<16xi32>
    %add3A_85 = arith.constant 128 : i32
    %add3A_86 = vector.broadcast %add3A_85 : i32 to vector<16xi32>
    %add3A_87 = arith.addi %add3A_84, %add3A_86 : vector<16xi32>
    %swap3A_88 = arith.constant 10128 : index
    %swap3A_89 = tpu.vector_load %arg8[%swap3A_88] {strides = array<i32>} : memref<10240xi32, #tpu.memory_space<vmem>>, vector<16xi32>,
    tpu.vector_store %arg8[%swap3A_88], %add3A_87 {strides = array<i32>} : memref<10240xi32, #tpu.memory_space<vmem>>, vector<16xi32>,
    %swap3A_90 = arith.constant 10128 : index
    %swap3A_91 = tpu.vector_load %arg9[%swap3A_90] {strides = array<i32>} : memref<10240xi32, #tpu.memory_space<vmem>>, vector<16xi32>,
    tpu.vector_store %arg9[%swap3A_90], %add3A_87 {strides = array<i32>} : memref<10240xi32, #tpu.memory_space<vmem>>, vector<16xi32>,
    %add3A_92 = arith.constant 10000 : i32
    %add3A_93 = vector.broadcast %add3A_92 : i32 to vector<16xi32>
    %add3A_94 = arith.addi %add3A_93, %iota3A : vector<16xi32>
    %add3A_95 = arith.constant 144 : i32
    %add3A_96 = vector.broadcast %add3A_95 : i32 to vector<16xi32>
    %add3A_97 = arith.addi %add3A_94, %add3A_96 : vector<16xi32>
    %swap3A_98 = arith.constant 10144 : index
    %swap3A_99 = tpu.vector_load %arg8[%swap3A_98] {strides = array<i32>} : memref<10240xi32, #tpu.memory_space<vmem>>, vector<16xi32>,
    tpu.vector_store %arg8[%swap3A_98], %add3A_97 {strides = array<i32>} : memref<10240xi32, #tpu.memory_space<vmem>>, vector<16xi32>,
    %swap3A_100 = arith.constant 10144 : index
    %swap3A_101 = tpu.vector_load %arg9[%swap3A_100] {strides = array<i32>} : memref<10240xi32, #tpu.memory_space<vmem>>, vector<16xi32>,
    tpu.vector_store %arg9[%swap3A_100], %add3A_97 {strides = array<i32>} : memref<10240xi32, #tpu.memory_space<vmem>>, vector<16xi32>,
    %add3A_102 = arith.constant 10000 : i32
    %add3A_103 = vector.broadcast %add3A_102 : i32 to vector<16xi32>
    %add3A_104 = arith.addi %add3A_103, %iota3A : vector<16xi32>
    %add3A_105 = arith.constant 160 : i32
    %add3A_106 = vector.broadcast %add3A_105 : i32 to vector<16xi32>
    %add3A_107 = arith.addi %add3A_104, %add3A_106 : vector<16xi32>
    %swap3A_108 = arith.constant 10160 : index
    %swap3A_109 = tpu.vector_load %arg8[%swap3A_108] {strides = array<i32>} : memref<10240xi32, #tpu.memory_space<vmem>>, vector<16xi32>,
    tpu.vector_store %arg8[%swap3A_108], %add3A_107 {strides = array<i32>} : memref<10240xi32, #tpu.memory_space<vmem>>, vector<16xi32>,
    %swap3A_110 = arith.constant 10160 : index
    %swap3A_111 = tpu.vector_load %arg9[%swap3A_110] {strides = array<i32>} : memref<10240xi32, #tpu.memory_space<vmem>>, vector<16xi32>,
    tpu.vector_store %arg9[%swap3A_110], %add3A_107 {strides = array<i32>} : memref<10240xi32, #tpu.memory_space<vmem>>, vector<16xi32>,
    %add3A_112 = arith.constant 10000 : i32
    %add3A_113 = vector.broadcast %add3A_112 : i32 to vector<16xi32>
    %add3A_114 = arith.addi %add3A_113, %iota3A : vector<16xi32>
    %add3A_115 = arith.constant 176 : i32
    %add3A_116 = vector.broadcast %add3A_115 : i32 to vector<16xi32>
    %add3A_117 = arith.addi %add3A_114, %add3A_116 : vector<16xi32>
    %swap3A_118 = arith.constant 10176 : index
    %swap3A_119 = tpu.vector_load %arg8[%swap3A_118] {strides = array<i32>} : memref<10240xi32, #tpu.memory_space<vmem>>, vector<16xi32>,
    tpu.vector_store %arg8[%swap3A_118], %add3A_117 {strides = array<i32>} : memref<10240xi32, #tpu.memory_space<vmem>>, vector<16xi32>,
    %swap3A_120 = arith.constant 10176 : index
    %swap3A_121 = tpu.vector_load %arg9[%swap3A_120] {strides = array<i32>} : memref<10240xi32, #tpu.memory_space<vmem>>, vector<16xi32>,
    tpu.vector_store %arg9[%swap3A_120], %add3A_117 {strides = array<i32>} : memref<10240xi32, #tpu.memory_space<vmem>>, vector<16xi32>,
    %add3A_122 = arith.constant 10000 : i32
    %add3A_123 = vector.broadcast %add3A_122 : i32 to vector<16xi32>
    %add3A_124 = arith.addi %add3A_123, %iota3A : vector<16xi32>
    %add3A_125 = arith.constant 192 : i32
    %add3A_126 = vector.broadcast %add3A_125 : i32 to vector<16xi32>
    %add3A_127 = arith.addi %add3A_124, %add3A_126 : vector<16xi32>
    %swap3A_128 = arith.constant 10192 : index
    %swap3A_129 = tpu.vector_load %arg8[%swap3A_128] {strides = array<i32>} : memref<10240xi32, #tpu.memory_space<vmem>>, vector<16xi32>,
    tpu.vector_store %arg8[%swap3A_128], %add3A_127 {strides = array<i32>} : memref<10240xi32, #tpu.memory_space<vmem>>, vector<16xi32>,
    %swap3A_130 = arith.constant 10192 : index
    %swap3A_131 = tpu.vector_load %arg9[%swap3A_130] {strides = array<i32>} : memref<10240xi32, #tpu.memory_space<vmem>>, vector<16xi32>,
    tpu.vector_store %arg9[%swap3A_130], %add3A_127 {strides = array<i32>} : memref<10240xi32, #tpu.memory_space<vmem>>, vector<16xi32>,
    %add3A_132 = arith.constant 10000 : i32
    %add3A_133 = vector.broadcast %add3A_132 : i32 to vector<16xi32>
    %add3A_134 = arith.addi %add3A_133, %iota3A : vector<16xi32>
    %add3A_135 = arith.constant 208 : i32
    %add3A_136 = vector.broadcast %add3A_135 : i32 to vector<16xi32>
    %add3A_137 = arith.addi %add3A_134, %add3A_136 : vector<16xi32>
    %swap3A_138 = arith.constant 10208 : index
    %swap3A_139 = tpu.vector_load %arg8[%swap3A_138] {strides = array<i32>} : memref<10240xi32, #tpu.memory_space<vmem>>, vector<16xi32>,
    tpu.vector_store %arg8[%swap3A_138], %add3A_137 {strides = array<i32>} : memref<10240xi32, #tpu.memory_space<vmem>>, vector<16xi32>,
    %swap3A_140 = arith.constant 10208 : index
    %swap3A_141 = tpu.vector_load %arg9[%swap3A_140] {strides = array<i32>} : memref<10240xi32, #tpu.memory_space<vmem>>, vector<16xi32>,
    tpu.vector_store %arg9[%swap3A_140], %add3A_137 {strides = array<i32>} : memref<10240xi32, #tpu.memory_space<vmem>>, vector<16xi32>,
    %add3A_142 = arith.constant 10000 : i32
    %add3A_143 = vector.broadcast %add3A_142 : i32 to vector<16xi32>
    %add3A_144 = arith.addi %add3A_143, %iota3A : vector<16xi32>
    %add3A_145 = arith.constant 224 : i32
    %add3A_146 = vector.broadcast %add3A_145 : i32 to vector<16xi32>
    %add3A_147 = arith.addi %add3A_144, %add3A_146 : vector<16xi32>
    %swap3A_148 = arith.constant 10224 : index
    %swap3A_149 = tpu.vector_load %arg8[%swap3A_148] {strides = array<i32>} : memref<10240xi32, #tpu.memory_space<vmem>>, vector<16xi32>,
    tpu.vector_store %arg8[%swap3A_148], %add3A_147 {strides = array<i32>} : memref<10240xi32, #tpu.memory_space<vmem>>, vector<16xi32>,
    %swap3A_150 = arith.constant 10224 : index
    %swap3A_151 = tpu.vector_load %arg9[%swap3A_150] {strides = array<i32>} : memref<10240xi32, #tpu.memory_space<vmem>>, vector<16xi32>,
    tpu.vector_store %arg9[%swap3A_150], %add3A_147 {strides = array<i32>} : memref<10240xi32, #tpu.memory_space<vmem>>, vector<16xi32>,
    %broadcast_in_dim3A = arith.constant 1.000000e+00 : f32
    %broadcast_in_dim3A_152 = vector.broadcast %broadcast_in_dim3A : f32 to vector<16xf32>
    %broadcast_in_dim3A_153 = arith.constant 0.000000e+00 : f32
    %broadcast_in_dim3A_154 = vector.broadcast %broadcast_in_dim3A_153 : f32 to vector<16xf32>
    %scan3A = arith.constant 0 : i32
    %scan3A_155 = arith.constant 0 : i32
    %scan3A_156 = arith.constant 640 : i32
    %scan3A_157 = arith.addi %scan3A_155, %scan3A_156 : i32
    %scan3A_158 = arith.constant 1 : i32
    scf.for %scan3A_478 = %scan3A_155 to %scan3A_157 step %scan3A_158  : i32 {
      %mul3A_479 = arith.constant 16 : i32
      %mul3A_480 = arith.muli %scan3A_478, %mul3A_479 : i32
      %swap3A_481 = arith.index_cast %mul3A_480 : i32 to index
      %swap3A_482 = tpu.vector_load %arg10[%swap3A_481] {strides = array<i32>} : memref<10240xf32, #tpu.memory_space<vmem>>, vector<16xf32>,
      tpu.vector_store %arg10[%swap3A_481], %broadcast_in_dim3A_154 {strides = array<i32>} : memref<10240xf32, #tpu.memory_space<vmem>>, vector<16xf32>,
    }
    %scan3A_159 = arith.constant 640 : i32
    %scan3A_160 = arith.constant 0 : i32
    %scan3A_161 = arith.constant 0 : i32
    %scan3A_162 = arith.constant 640 : i32
    %scan3A_163 = arith.addi %scan3A_161, %scan3A_162 : i32
    %scan3A_164 = arith.constant 1 : i32
    scf.for %scan3A_478 = %scan3A_161 to %scan3A_163 step %scan3A_164  : i32 {
      %mul3A_479 = arith.constant 16 : i32
      %mul3A_480 = arith.muli %scan3A_478, %mul3A_479 : i32
      %get3A = arith.index_cast %mul3A_480 : i32 to index
      %get3A_481 = tpu.vector_load %arg8[%get3A] {strides = array<i32>} : memref<10240xi32, #tpu.memory_space<vmem>>, vector<16xi32>,
      tpu.vector_store_idx %arg10[%get3A_481], %broadcast_in_dim3A_152 {add = true} : memref<10240xf32, #tpu.memory_space<vmem>>[vector<16xi32>], vector<16xf32>,
    }
    %scan3A_165 = arith.constant 640 : i32
    %run_scoped3A = arith.constant 0 : i32
    "tpu.region"() ({
      %run_scoped3A_478 = tpu.sem_alloc : memref<!tpu.dma_semaphore, #tpu.memory_space<semaphore_mem>>
      %dma_start3A = arith.constant 0 : i32
      %dma_start3A_479 = tpu.memref_slice %arg4[%run_scoped3A, %add3A, %dma_start3A] : memref<2x32x10240xf32, #tpu.memory_space<hbm>> -> memref<1x1x10240xf32, #tpu.memory_space<hbm>>
      %dma_start3A_480 = tpu.memref_squeeze %dma_start3A_479 : memref<1x1x10240xf32, #tpu.memory_space<hbm>> -> memref<10240xf32, #tpu.memory_space<hbm>>
      %dma_start3A_481 = arith.constant 0 : i32
      %dma_start3A_482 = tpu.memref_slice %arg4[%run_scoped3A, %add3A, %dma_start3A_481] : memref<2x32x10240xf32, #tpu.memory_space<hbm>> -> memref<1x1x10240xf32, #tpu.memory_space<hbm>>
      %dma_start3A_483 = tpu.memref_squeeze %dma_start3A_482 : memref<1x1x10240xf32, #tpu.memory_space<hbm>> -> memref<10240xf32, #tpu.memory_space<hbm>>
      tpu.enqueue_dma source(%arg10 : memref<10240xf32, #tpu.memory_space<vmem>>) target(%dma_start3A_483 : memref<10240xf32, #tpu.memory_space<hbm>>) target_semaphore(%run_scoped3A_478 : memref<!tpu.dma_semaphore, #tpu.memory_space<semaphore_mem>>)
      %dma_wait3A = arith.constant 0 : i32
      %dma_wait3A_484 = tpu.memref_slice %arg4[%run_scoped3A, %add3A, %dma_wait3A] : memref<2x32x10240xf32, #tpu.memory_space<hbm>> -> memref<1x1x10240xf32, #tpu.memory_space<hbm>>
      %dma_wait3A_485 = tpu.memref_squeeze %dma_wait3A_484 : memref<1x1x10240xf32, #tpu.memory_space<hbm>> -> memref<10240xf32, #tpu.memory_space<hbm>>
      %dma_wait3A_486 = arith.constant 0 : i32
      %dma_wait3A_487 = tpu.memref_slice %arg4[%run_scoped3A, %add3A, %dma_wait3A_486] : memref<2x32x10240xf32, #tpu.memory_space<hbm>> -> memref<1x1x10240xf32, #tpu.memory_space<hbm>>
      %dma_wait3A_488 = tpu.memref_squeeze %dma_wait3A_487 : memref<1x1x10240xf32, #tpu.memory_space<hbm>> -> memref<10240xf32, #tpu.memory_space<hbm>>
      tpu.wait_dma2 semaphore(%run_scoped3A_478 : memref<!tpu.dma_semaphore, #tpu.memory_space<semaphore_mem>>) src(%arg10 : memref<10240xf32, #tpu.memory_space<vmem>>) dst(%dma_wait3A_488 : memref<10240xf32, #tpu.memory_space<hbm>>)
      tpu.yield
    }) : () -> ()
    %scan3A_166 = arith.constant 0 : i32
    %scan3A_167 = arith.constant 0 : i32
    %scan3A_168 = arith.constant 640 : i32
    %scan3A_169 = arith.addi %scan3A_167, %scan3A_168 : i32
    %scan3A_170 = arith.constant 1 : i32
    scf.for %scan3A_478 = %scan3A_167 to %scan3A_169 step %scan3A_170  : i32 {
      %mul3A_479 = arith.constant 16 : i32
      %mul3A_480 = arith.muli %scan3A_478, %mul3A_479 : i32
      %swap3A_481 = arith.index_cast %mul3A_480 : i32 to index
      %swap3A_482 = tpu.vector_load %arg10[%swap3A_481] {strides = array<i32>} : memref<10240xf32, #tpu.memory_space<vmem>>, vector<16xf32>,
      tpu.vector_store %arg10[%swap3A_481], %broadcast_in_dim3A_154 {strides = array<i32>} : memref<10240xf32, #tpu.memory_space<vmem>>, vector<16xf32>,
    }
    %scan3A_171 = arith.constant 640 : i32
    %scan3A_172 = arith.constant 0 : i32
    %scan3A_173 = arith.constant 0 : i32
    %scan3A_174 = arith.constant 640 : i32
    %scan3A_175 = arith.addi %scan3A_173, %scan3A_174 : i32
    %scan3A_176 = arith.constant 1 : i32
    scf.for %scan3A_478 = %scan3A_173 to %scan3A_175 step %scan3A_176  : i32 {
      %mul3A_479 = arith.constant 16 : i32
      %mul3A_480 = arith.muli %scan3A_478, %mul3A_479 : i32
      %get3A = arith.index_cast %mul3A_480 : i32 to index
      %get3A_481 = tpu.vector_load %arg9[%get3A] {strides = array<i32>} : memref<10240xi32, #tpu.memory_space<vmem>>, vector<16xi32>,
      tpu.vector_store_idx %arg10[%get3A_481], %broadcast_in_dim3A_152 {add = true} : memref<10240xf32, #tpu.memory_space<vmem>>[vector<16xi32>], vector<16xf32>,
    }
    %scan3A_177 = arith.constant 640 : i32
    %run_scoped3A_178 = arith.constant 1 : i32
    "tpu.region"() ({
      %run_scoped3A_478 = tpu.sem_alloc : memref<!tpu.dma_semaphore, #tpu.memory_space<semaphore_mem>>
      %dma_start3A = arith.constant 0 : i32
      %dma_start3A_479 = tpu.memref_slice %arg4[%run_scoped3A_178, %add3A, %dma_start3A] : memref<2x32x10240xf32, #tpu.memory_space<hbm>> -> memref<1x1x10240xf32, #tpu.memory_space<hbm>>
      %dma_start3A_480 = tpu.memref_squeeze %dma_start3A_479 : memref<1x1x10240xf32, #tpu.memory_space<hbm>> -> memref<10240xf32, #tpu.memory_space<hbm>>
      %dma_start3A_481 = arith.constant 0 : i32
      %dma_start3A_482 = tpu.memref_slice %arg4[%run_scoped3A_178, %add3A, %dma_start3A_481] : memref<2x32x10240xf32, #tpu.memory_space<hbm>> -> memref<1x1x10240xf32, #tpu.memory_space<hbm>>
      %dma_start3A_483 = tpu.memref_squeeze %dma_start3A_482 : memref<1x1x10240xf32, #tpu.memory_space<hbm>> -> memref<10240xf32, #tpu.memory_space<hbm>>
      tpu.enqueue_dma source(%arg10 : memref<10240xf32, #tpu.memory_space<vmem>>) target(%dma_start3A_483 : memref<10240xf32, #tpu.memory_space<hbm>>) target_semaphore(%run_scoped3A_478 : memref<!tpu.dma_semaphore, #tpu.memory_space<semaphore_mem>>)
      %dma_wait3A = arith.constant 0 : i32
      %dma_wait3A_484 = tpu.memref_slice %arg4[%run_scoped3A_178, %add3A, %dma_wait3A] : memref<2x32x10240xf32, #tpu.memory_space<hbm>> -> memref<1x1x10240xf32, #tpu.memory_space<hbm>>
      %dma_wait3A_485 = tpu.memref_squeeze %dma_wait3A_484 : memref<1x1x10240xf32, #tpu.memory_space<hbm>> -> memref<10240xf32, #tpu.memory_space<hbm>>
      %dma_wait3A_486 = arith.constant 0 : i32
      %dma_wait3A_487 = tpu.memref_slice %arg4[%run_scoped3A_178, %add3A, %dma_wait3A_486] : memref<2x32x10240xf32, #tpu.memory_space<hbm>> -> memref<1x1x10240xf32, #tpu.memory_space<hbm>>
      %dma_wait3A_488 = tpu.memref_squeeze %dma_wait3A_487 : memref<1x1x10240xf32, #tpu.memory_space<hbm>> -> memref<10240xf32, #tpu.memory_space<hbm>>
      tpu.wait_dma2 semaphore(%run_scoped3A_478 : memref<!tpu.dma_semaphore, #tpu.memory_space<semaphore_mem>>) src(%arg10 : memref<10240xf32, #tpu.memory_space<vmem>>) dst(%dma_wait3A_488 : memref<10240xf32, #tpu.memory_space<hbm>>)
      tpu.yield
    }) : () -> ()
    %scan3A_179 = arith.constant 0 : i32
    %scan3A_180 = arith.constant 0 : i32
    %scan3A_181 = arith.constant 0 : i32
    %scan3A_182 = arith.constant 640 : i32
    %scan3A_183 = arith.addi %scan3A_181, %scan3A_182 : i32
    %scan3A_184 = arith.constant 1 : i32
    %scan3A_185:2 = scf.for %scan3A_478 = %scan3A_181 to %scan3A_183 step %scan3A_184 iter_args(%scan3A_479 = %scan3A_179, %scan3A_480 = %scan3A_180) -> (i32, i32)  : i32 {
      %mul3A_481 = arith.constant 16 : i32
      %mul3A_482 = arith.muli %scan3A_478, %mul3A_481 : i32
      %get3A = arith.index_cast %mul3A_482 : i32 to index
      %get3A_483 = tpu.vector_load %arg8[%get3A] {strides = array<i32>} : memref<10240xi32, #tpu.memory_space<vmem>>, vector<16xi32>,
      %mul3A_484 = arith.constant 16 : i32
      %mul3A_485 = arith.muli %scan3A_478, %mul3A_484 : i32
      %get3A_486 = arith.index_cast %mul3A_485 : i32 to index
      %get3A_487 = tpu.vector_load %arg9[%get3A_486] {strides = array<i32>} : memref<10240xi32, #tpu.memory_space<vmem>>, vector<16xi32>,
      %lt3A = arith.constant 5120 : i32
      %lt3A_488 = vector.broadcast %lt3A : i32 to vector<16xi32>
      %lt3A_489 = arith.cmpi slt, %get3A_487, %lt3A_488 : vector<16xi32>
      %swap3A_490 = arith.index_cast %scan3A_479 : i32 to index
      %swap3A_491 = tpu.vector_load %arg11[%swap3A_490] masked %lt3A_489 {strides = array<i32>} : memref<10368xi32, #tpu.memory_space<vmem>>, vector<16xi32>, vector<16xi1>
      tpu.vector_store %arg11[%swap3A_490], %get3A_483 masked %lt3A_489 {strides = array<i32>} : memref<10368xi32, #tpu.memory_space<vmem>>, vector<16xi32>, vector<16xi1>
      %swap3A_492 = arith.index_cast %scan3A_479 : i32 to index
      %swap3A_493 = tpu.vector_load %arg12[%swap3A_492] masked %lt3A_489 {strides = array<i32>} : memref<10368xi32, #tpu.memory_space<vmem>>, vector<16xi32>, vector<16xi1>
      tpu.vector_store %arg12[%swap3A_492], %get3A_487 masked %lt3A_489 {strides = array<i32>} : memref<10368xi32, #tpu.memory_space<vmem>>, vector<16xi32>, vector<16xi1>
      %not3A = arith.constant dense<true> : vector<16xi1>
      %not3A_494 = arith.xori %lt3A_489, %not3A : vector<16xi1>
      %swap3A_495 = arith.index_cast %scan3A_480 : i32 to index
      %swap3A_496 = tpu.vector_load %arg13[%swap3A_495] masked %not3A_494 {strides = array<i32>} : memref<10368xi32, #tpu.memory_space<vmem>>, vector<16xi32>, vector<16xi1>
      tpu.vector_store %arg13[%swap3A_495], %get3A_483 masked %not3A_494 {strides = array<i32>} : memref<10368xi32, #tpu.memory_space<vmem>>, vector<16xi32>, vector<16xi1>
      %swap3A_497 = arith.index_cast %scan3A_480 : i32 to index
      %swap3A_498 = tpu.vector_load %arg14[%swap3A_497] masked %not3A_494 {strides = array<i32>} : memref<10368xi32, #tpu.memory_space<vmem>>, vector<16xi32>, vector<16xi1>
      tpu.vector_store %arg14[%swap3A_497], %get3A_487 masked %not3A_494 {strides = array<i32>} : memref<10368xi32, #tpu.memory_space<vmem>>, vector<16xi32>, vector<16xi1>
      %convert_element_type3A = arith.extui %lt3A_489 : vector<16xi1> to vector<16xi32>
      %reduce_sum3A = arith.constant true
      %reduce_sum3A_499 = vector.broadcast %reduce_sum3A : i1 to vector<16xi1>
      %reduce_sum3A_500 = tpu.scan <sum>, %convert_element_type3A masked %reduce_sum3A_499 : vector<16xi32>, vector<16xi1> -> vector<16xi32>
      %reduce_sum3A_501 = vector.extract %reduce_sum3A_500[15] : i32 from vector<16xi32>
      %add3A_502 = arith.addi %scan3A_479, %reduce_sum3A_501 : i32
      %add3A_503 = arith.constant 16 : i32
      %add3A_504 = arith.addi %scan3A_480, %add3A_503 : i32
      %sub3A_505 = arith.subi %add3A_504, %reduce_sum3A_501 : i32
      scf.yield %add3A_502, %sub3A_505 : i32, i32
    }
    %scan3A_186 = arith.constant 640 : i32
    %iota3A_187 = tpu.iota {dimensions = array<i32: 0>} : vector<16xi32>
    %add3A_188 = arith.constant 0 : i32
    %add3A_189 = vector.broadcast %add3A_188 : i32 to vector<16xi32>
    %add3A_190 = arith.addi %iota3A_187, %add3A_189 : vector<16xi32>
    %add3A_191 = arith.constant 10000 : i32
    %add3A_192 = vector.broadcast %add3A_191 : i32 to vector<16xi32>
    %add3A_193 = arith.addi %add3A_192, %add3A_190 : vector<16xi32>
    %add3A_194 = arith.constant 0 : i32
    %add3A_195 = arith.addi %scan3A_185#0, %add3A_194 : i32
    %swap3A_196 = arith.index_cast %add3A_195 : i32 to index
    %swap3A_197 = tpu.vector_load %arg11[%swap3A_196] {strides = array<i32>} : memref<10368xi32, #tpu.memory_space<vmem>>, vector<16xi32>,
    tpu.vector_store %arg11[%swap3A_196], %add3A_193 {strides = array<i32>} : memref<10368xi32, #tpu.memory_space<vmem>>, vector<16xi32>,
    %add3A_198 = arith.constant 5120 : i32
    %add3A_199 = vector.broadcast %add3A_198 : i32 to vector<16xi32>
    %add3A_200 = arith.addi %add3A_199, %add3A_190 : vector<16xi32>
    %add3A_201 = arith.constant 0 : i32
    %add3A_202 = arith.addi %scan3A_185#0, %add3A_201 : i32
    %swap3A_203 = arith.index_cast %add3A_202 : i32 to index
    %swap3A_204 = tpu.vector_load %arg12[%swap3A_203] {strides = array<i32>} : memref<10368xi32, #tpu.memory_space<vmem>>, vector<16xi32>,
    tpu.vector_store %arg12[%swap3A_203], %add3A_200 {strides = array<i32>} : memref<10368xi32, #tpu.memory_space<vmem>>, vector<16xi32>,
    %add3A_205 = arith.constant 0 : i32
    %add3A_206 = arith.addi %scan3A_185#1, %add3A_205 : i32
    %swap3A_207 = arith.index_cast %add3A_206 : i32 to index
    %swap3A_208 = tpu.vector_load %arg13[%swap3A_207] {strides = array<i32>} : memref<10368xi32, #tpu.memory_space<vmem>>, vector<16xi32>,
    tpu.vector_store %arg13[%swap3A_207], %add3A_193 {strides = array<i32>} : memref<10368xi32, #tpu.memory_space<vmem>>, vector<16xi32>,
    %add3A_209 = arith.constant 10240 : i32
    %add3A_210 = vector.broadcast %add3A_209 : i32 to vector<16xi32>
    %add3A_211 = arith.addi %add3A_210, %add3A_190 : vector<16xi32>
    %add3A_212 = arith.constant 0 : i32
    %add3A_213 = arith.addi %scan3A_185#1, %add3A_212 : i32
    %swap3A_214 = arith.index_cast %add3A_213 : i32 to index
    %swap3A_215 = tpu.vector_load %arg14[%swap3A_214] {strides = array<i32>} : memref<10368xi32, #tpu.memory_space<vmem>>, vector<16xi32>,
    tpu.vector_store %arg14[%swap3A_214], %add3A_211 {strides = array<i32>} : memref<10368xi32, #tpu.memory_space<vmem>>, vector<16xi32>,
    %add3A_216 = arith.constant 16 : i32
    %add3A_217 = vector.broadcast %add3A_216 : i32 to vector<16xi32>
    %add3A_218 = arith.addi %iota3A_187, %add3A_217 : vector<16xi32>
    %add3A_219 = arith.constant 10000 : i32
    %add3A_220 = vector.broadcast %add3A_219 : i32 to vector<16xi32>
    %add3A_221 = arith.addi %add3A_220, %add3A_218 : vector<16xi32>
    %add3A_222 = arith.constant 16 : i32
    %add3A_223 = arith.addi %scan3A_185#0, %add3A_222 : i32
    %swap3A_224 = arith.index_cast %add3A_223 : i32 to index
    %swap3A_225 = tpu.vector_load %arg11[%swap3A_224] {strides = array<i32>} : memref<10368xi32, #tpu.memory_space<vmem>>, vector<16xi32>,
    tpu.vector_store %arg11[%swap3A_224], %add3A_221 {strides = array<i32>} : memref<10368xi32, #tpu.memory_space<vmem>>, vector<16xi32>,
    %add3A_226 = arith.constant 5120 : i32
    %add3A_227 = vector.broadcast %add3A_226 : i32 to vector<16xi32>
    %add3A_228 = arith.addi %add3A_227, %add3A_218 : vector<16xi32>
    %add3A_229 = arith.constant 16 : i32
    %add3A_230 = arith.addi %scan3A_185#0, %add3A_229 : i32
    %swap3A_231 = arith.index_cast %add3A_230 : i32 to index
    %swap3A_232 = tpu.vector_load %arg12[%swap3A_231] {strides = array<i32>} : memref<10368xi32, #tpu.memory_space<vmem>>, vector<16xi32>,
    tpu.vector_store %arg12[%swap3A_231], %add3A_228 {strides = array<i32>} : memref<10368xi32, #tpu.memory_space<vmem>>, vector<16xi32>,
    %add3A_233 = arith.constant 16 : i32
    %add3A_234 = arith.addi %scan3A_185#1, %add3A_233 : i32
    %swap3A_235 = arith.index_cast %add3A_234 : i32 to index
    %swap3A_236 = tpu.vector_load %arg13[%swap3A_235] {strides = array<i32>} : memref<10368xi32, #tpu.memory_space<vmem>>, vector<16xi32>,
    tpu.vector_store %arg13[%swap3A_235], %add3A_221 {strides = array<i32>} : memref<10368xi32, #tpu.memory_space<vmem>>, vector<16xi32>,
    %add3A_237 = arith.constant 10240 : i32
    %add3A_238 = vector.broadcast %add3A_237 : i32 to vector<16xi32>
    %add3A_239 = arith.addi %add3A_238, %add3A_218 : vector<16xi32>
    %add3A_240 = arith.constant 16 : i32
    %add3A_241 = arith.addi %scan3A_185#1, %add3A_240 : i32
    %swap3A_242 = arith.index_cast %add3A_241 : i32 to index
    %swap3A_243 = tpu.vector_load %arg14[%swap3A_242] {strides = array<i32>} : memref<10368xi32, #tpu.memory_space<vmem>>, vector<16xi32>,
    tpu.vector_store %arg14[%swap3A_242], %add3A_239 {strides = array<i32>} : memref<10368xi32, #tpu.memory_space<vmem>>, vector<16xi32>,
    %add3A_244 = arith.constant 32 : i32
    %add3A_245 = vector.broadcast %add3A_244 : i32 to vector<16xi32>
    %add3A_246 = arith.addi %iota3A_187, %add3A_245 : vector<16xi32>
    %add3A_247 = arith.constant 10000 : i32
    %add3A_248 = vector.broadcast %add3A_247 : i32 to vector<16xi32>
    %add3A_249 = arith.addi %add3A_248, %add3A_246 : vector<16xi32>
    %add3A_250 = arith.constant 32 : i32
    %add3A_251 = arith.addi %scan3A_185#0, %add3A_250 : i32
    %swap3A_252 = arith.index_cast %add3A_251 : i32 to index
    %swap3A_253 = tpu.vector_load %arg11[%swap3A_252] {strides = array<i32>} : memref<10368xi32, #tpu.memory_space<vmem>>, vector<16xi32>,
    tpu.vector_store %arg11[%swap3A_252], %add3A_249 {strides = array<i32>} : memref<10368xi32, #tpu.memory_space<vmem>>, vector<16xi32>,
    %add3A_254 = arith.constant 5120 : i32
    %add3A_255 = vector.broadcast %add3A_254 : i32 to vector<16xi32>
    %add3A_256 = arith.addi %add3A_255, %add3A_246 : vector<16xi32>
    %add3A_257 = arith.constant 32 : i32
    %add3A_258 = arith.addi %scan3A_185#0, %add3A_257 : i32
    %swap3A_259 = arith.index_cast %add3A_258 : i32 to index
    %swap3A_260 = tpu.vector_load %arg12[%swap3A_259] {strides = array<i32>} : memref<10368xi32, #tpu.memory_space<vmem>>, vector<16xi32>,
    tpu.vector_store %arg12[%swap3A_259], %add3A_256 {strides = array<i32>} : memref<10368xi32, #tpu.memory_space<vmem>>, vector<16xi32>,
    %add3A_261 = arith.constant 32 : i32
    %add3A_262 = arith.addi %scan3A_185#1, %add3A_261 : i32
    %swap3A_263 = arith.index_cast %add3A_262 : i32 to index
    %swap3A_264 = tpu.vector_load %arg13[%swap3A_263] {strides = array<i32>} : memref<10368xi32, #tpu.memory_space<vmem>>, vector<16xi32>,
    tpu.vector_store %arg13[%swap3A_263], %add3A_249 {strides = array<i32>} : memref<10368xi32, #tpu.memory_space<vmem>>, vector<16xi32>,
    %add3A_265 = arith.constant 10240 : i32
    %add3A_266 = vector.broadcast %add3A_265 : i32 to vector<16xi32>
    %add3A_267 = arith.addi %add3A_266, %add3A_246 : vector<16xi32>
    %add3A_268 = arith.constant 32 : i32
    %add3A_269 = arith.addi %scan3A_185#1, %add3A_268 : i32
    %swap3A_270 = arith.index_cast %add3A_269 : i32 to index
    %swap3A_271 = tpu.vector_load %arg14[%swap3A_270] {strides = array<i32>} : memref<10368xi32, #tpu.memory_space<vmem>>, vector<16xi32>,
    tpu.vector_store %arg14[%swap3A_270], %add3A_267 {strides = array<i32>} : memref<10368xi32, #tpu.memory_space<vmem>>, vector<16xi32>,
    %add3A_272 = arith.constant 48 : i32
    %add3A_273 = vector.broadcast %add3A_272 : i32 to vector<16xi32>
    %add3A_274 = arith.addi %iota3A_187, %add3A_273 : vector<16xi32>
    %add3A_275 = arith.constant 10000 : i32
    %add3A_276 = vector.broadcast %add3A_275 : i32 to vector<16xi32>
    %add3A_277 = arith.addi %add3A_276, %add3A_274 : vector<16xi32>
    %add3A_278 = arith.constant 48 : i32
    %add3A_279 = arith.addi %scan3A_185#0, %add3A_278 : i32
    %swap3A_280 = arith.index_cast %add3A_279 : i32 to index
    %swap3A_281 = tpu.vector_load %arg11[%swap3A_280] {strides = array<i32>} : memref<10368xi32, #tpu.memory_space<vmem>>, vector<16xi32>,
    tpu.vector_store %arg11[%swap3A_280], %add3A_277 {strides = array<i32>} : memref<10368xi32, #tpu.memory_space<vmem>>, vector<16xi32>,
    %add3A_282 = arith.constant 5120 : i32
    %add3A_283 = vector.broadcast %add3A_282 : i32 to vector<16xi32>
    %add3A_284 = arith.addi %add3A_283, %add3A_274 : vector<16xi32>
    %add3A_285 = arith.constant 48 : i32
    %add3A_286 = arith.addi %scan3A_185#0, %add3A_285 : i32
    %swap3A_287 = arith.index_cast %add3A_286 : i32 to index
    %swap3A_288 = tpu.vector_load %arg12[%swap3A_287] {strides = array<i32>} : memref<10368xi32, #tpu.memory_space<vmem>>, vector<16xi32>,
    tpu.vector_store %arg12[%swap3A_287], %add3A_284 {strides = array<i32>} : memref<10368xi32, #tpu.memory_space<vmem>>, vector<16xi32>,
    %add3A_289 = arith.constant 48 : i32
    %add3A_290 = arith.addi %scan3A_185#1, %add3A_289 : i32
    %swap3A_291 = arith.index_cast %add3A_290 : i32 to index
    %swap3A_292 = tpu.vector_load %arg13[%swap3A_291] {strides = array<i32>} : memref<10368xi32, #tpu.memory_space<vmem>>, vector<16xi32>,
    tpu.vector_store %arg13[%swap3A_291], %add3A_277 {strides = array<i32>} : memref<10368xi32, #tpu.memory_space<vmem>>, vector<16xi32>,
    %add3A_293 = arith.constant 10240 : i32
    %add3A_294 = vector.broadcast %add3A_293 : i32 to vector<16xi32>
    %add3A_295 = arith.addi %add3A_294, %add3A_274 : vector<16xi32>
    %add3A_296 = arith.constant 48 : i32
    %add3A_297 = arith.addi %scan3A_185#1, %add3A_296 : i32
    %swap3A_298 = arith.index_cast %add3A_297 : i32 to index
    %swap3A_299 = tpu.vector_load %arg14[%swap3A_298] {strides = array<i32>} : memref<10368xi32, #tpu.memory_space<vmem>>, vector<16xi32>,
    tpu.vector_store %arg14[%swap3A_298], %add3A_295 {strides = array<i32>} : memref<10368xi32, #tpu.memory_space<vmem>>, vector<16xi32>,
    %add3A_300 = arith.constant 64 : i32
    %add3A_301 = vector.broadcast %add3A_300 : i32 to vector<16xi32>
    %add3A_302 = arith.addi %iota3A_187, %add3A_301 : vector<16xi32>
    %add3A_303 = arith.constant 10000 : i32
    %add3A_304 = vector.broadcast %add3A_303 : i32 to vector<16xi32>
    %add3A_305 = arith.addi %add3A_304, %add3A_302 : vector<16xi32>
    %add3A_306 = arith.constant 64 : i32
    %add3A_307 = arith.addi %scan3A_185#0, %add3A_306 : i32
    %swap3A_308 = arith.index_cast %add3A_307 : i32 to index
    %swap3A_309 = tpu.vector_load %arg11[%swap3A_308] {strides = array<i32>} : memref<10368xi32, #tpu.memory_space<vmem>>, vector<16xi32>,
    tpu.vector_store %arg11[%swap3A_308], %add3A_305 {strides = array<i32>} : memref<10368xi32, #tpu.memory_space<vmem>>, vector<16xi32>,
    %add3A_310 = arith.constant 5120 : i32
    %add3A_311 = vector.broadcast %add3A_310 : i32 to vector<16xi32>
    %add3A_312 = arith.addi %add3A_311, %add3A_302 : vector<16xi32>
    %add3A_313 = arith.constant 64 : i32
    %add3A_314 = arith.addi %scan3A_185#0, %add3A_313 : i32
    %swap3A_315 = arith.index_cast %add3A_314 : i32 to index
    %swap3A_316 = tpu.vector_load %arg12[%swap3A_315] {strides = array<i32>} : memref<10368xi32, #tpu.memory_space<vmem>>, vector<16xi32>,
    tpu.vector_store %arg12[%swap3A_315], %add3A_312 {strides = array<i32>} : memref<10368xi32, #tpu.memory_space<vmem>>, vector<16xi32>,
    %add3A_317 = arith.constant 64 : i32
    %add3A_318 = arith.addi %scan3A_185#1, %add3A_317 : i32
    %swap3A_319 = arith.index_cast %add3A_318 : i32 to index
    %swap3A_320 = tpu.vector_load %arg13[%swap3A_319] {strides = array<i32>} : memref<10368xi32, #tpu.memory_space<vmem>>, vector<16xi32>,
    tpu.vector_store %arg13[%swap3A_319], %add3A_305 {strides = array<i32>} : memref<10368xi32, #tpu.memory_space<vmem>>, vector<16xi32>,
    %add3A_321 = arith.constant 10240 : i32
    %add3A_322 = vector.broadcast %add3A_321 : i32 to vector<16xi32>
    %add3A_323 = arith.addi %add3A_322, %add3A_302 : vector<16xi32>
    %add3A_324 = arith.constant 64 : i32
    %add3A_325 = arith.addi %scan3A_185#1, %add3A_324 : i32
    %swap3A_326 = arith.index_cast %add3A_325 : i32 to index
    %swap3A_327 = tpu.vector_load %arg14[%swap3A_326] {strides = array<i32>} : memref<10368xi32, #tpu.memory_space<vmem>>, vector<16xi32>,
    tpu.vector_store %arg14[%swap3A_326], %add3A_323 {strides = array<i32>} : memref<10368xi32, #tpu.memory_space<vmem>>, vector<16xi32>,
    %add3A_328 = arith.constant 80 : i32
    %add3A_329 = vector.broadcast %add3A_328 : i32 to vector<16xi32>
    %add3A_330 = arith.addi %iota3A_187, %add3A_329 : vector<16xi32>
    %add3A_331 = arith.constant 10000 : i32
    %add3A_332 = vector.broadcast %add3A_331 : i32 to vector<16xi32>
    %add3A_333 = arith.addi %add3A_332, %add3A_330 : vector<16xi32>
    %add3A_334 = arith.constant 80 : i32
    %add3A_335 = arith.addi %scan3A_185#0, %add3A_334 : i32
    %swap3A_336 = arith.index_cast %add3A_335 : i32 to index
    %swap3A_337 = tpu.vector_load %arg11[%swap3A_336] {strides = array<i32>} : memref<10368xi32, #tpu.memory_space<vmem>>, vector<16xi32>,
    tpu.vector_store %arg11[%swap3A_336], %add3A_333 {strides = array<i32>} : memref<10368xi32, #tpu.memory_space<vmem>>, vector<16xi32>,
    %add3A_338 = arith.constant 5120 : i32
    %add3A_339 = vector.broadcast %add3A_338 : i32 to vector<16xi32>
    %add3A_340 = arith.addi %add3A_339, %add3A_330 : vector<16xi32>
    %add3A_341 = arith.constant 80 : i32
    %add3A_342 = arith.addi %scan3A_185#0, %add3A_341 : i32
    %swap3A_343 = arith.index_cast %add3A_342 : i32 to index
    %swap3A_344 = tpu.vector_load %arg12[%swap3A_343] {strides = array<i32>} : memref<10368xi32, #tpu.memory_space<vmem>>, vector<16xi32>,
    tpu.vector_store %arg12[%swap3A_343], %add3A_340 {strides = array<i32>} : memref<10368xi32, #tpu.memory_space<vmem>>, vector<16xi32>,
    %add3A_345 = arith.constant 80 : i32
    %add3A_346 = arith.addi %scan3A_185#1, %add3A_345 : i32
    %swap3A_347 = arith.index_cast %add3A_346 : i32 to index
    %swap3A_348 = tpu.vector_load %arg13[%swap3A_347] {strides = array<i32>} : memref<10368xi32, #tpu.memory_space<vmem>>, vector<16xi32>,
    tpu.vector_store %arg13[%swap3A_347], %add3A_333 {strides = array<i32>} : memref<10368xi32, #tpu.memory_space<vmem>>, vector<16xi32>,
    %add3A_349 = arith.constant 10240 : i32
    %add3A_350 = vector.broadcast %add3A_349 : i32 to vector<16xi32>
    %add3A_351 = arith.addi %add3A_350, %add3A_330 : vector<16xi32>
    %add3A_352 = arith.constant 80 : i32
    %add3A_353 = arith.addi %scan3A_185#1, %add3A_352 : i32
    %swap3A_354 = arith.index_cast %add3A_353 : i32 to index
    %swap3A_355 = tpu.vector_load %arg14[%swap3A_354] {strides = array<i32>} : memref<10368xi32, #tpu.memory_space<vmem>>, vector<16xi32>,
    tpu.vector_store %arg14[%swap3A_354], %add3A_351 {strides = array<i32>} : memref<10368xi32, #tpu.memory_space<vmem>>, vector<16xi32>,
    %add3A_356 = arith.constant 96 : i32
    %add3A_357 = vector.broadcast %add3A_356 : i32 to vector<16xi32>
    %add3A_358 = arith.addi %iota3A_187, %add3A_357 : vector<16xi32>
    %add3A_359 = arith.constant 10000 : i32
    %add3A_360 = vector.broadcast %add3A_359 : i32 to vector<16xi32>
    %add3A_361 = arith.addi %add3A_360, %add3A_358 : vector<16xi32>
    %add3A_362 = arith.constant 96 : i32
    %add3A_363 = arith.addi %scan3A_185#0, %add3A_362 : i32
    %swap3A_364 = arith.index_cast %add3A_363 : i32 to index
    %swap3A_365 = tpu.vector_load %arg11[%swap3A_364] {strides = array<i32>} : memref<10368xi32, #tpu.memory_space<vmem>>, vector<16xi32>,
    tpu.vector_store %arg11[%swap3A_364], %add3A_361 {strides = array<i32>} : memref<10368xi32, #tpu.memory_space<vmem>>, vector<16xi32>,
    %add3A_366 = arith.constant 5120 : i32
    %add3A_367 = vector.broadcast %add3A_366 : i32 to vector<16xi32>
    %add3A_368 = arith.addi %add3A_367, %add3A_358 : vector<16xi32>
    %add3A_369 = arith.constant 96 : i32
    %add3A_370 = arith.addi %scan3A_185#0, %add3A_369 : i32
    %swap3A_371 = arith.index_cast %add3A_370 : i32 to index
    %swap3A_372 = tpu.vector_load %arg12[%swap3A_371] {strides = array<i32>} : memref<10368xi32, #tpu.memory_space<vmem>>, vector<16xi32>,
    tpu.vector_store %arg12[%swap3A_371], %add3A_368 {strides = array<i32>} : memref<10368xi32, #tpu.memory_space<vmem>>, vector<16xi32>,
    %add3A_373 = arith.constant 96 : i32
    %add3A_374 = arith.addi %scan3A_185#1, %add3A_373 : i32
    %swap3A_375 = arith.index_cast %add3A_374 : i32 to index
    %swap3A_376 = tpu.vector_load %arg13[%swap3A_375] {strides = array<i32>} : memref<10368xi32, #tpu.memory_space<vmem>>, vector<16xi32>,
    tpu.vector_store %arg13[%swap3A_375], %add3A_361 {strides = array<i32>} : memref<10368xi32, #tpu.memory_space<vmem>>, vector<16xi32>,
    %add3A_377 = arith.constant 10240 : i32
    %add3A_378 = vector.broadcast %add3A_377 : i32 to vector<16xi32>
    %add3A_379 = arith.addi %add3A_378, %add3A_358 : vector<16xi32>
    %add3A_380 = arith.constant 96 : i32
    %add3A_381 = arith.addi %scan3A_185#1, %add3A_380 : i32
    %swap3A_382 = arith.index_cast %add3A_381 : i32 to index
    %swap3A_383 = tpu.vector_load %arg14[%swap3A_382] {strides = array<i32>} : memref<10368xi32, #tpu.memory_space<vmem>>, vector<16xi32>,
    tpu.vector_store %arg14[%swap3A_382], %add3A_379 {strides = array<i32>} : memref<10368xi32, #tpu.memory_space<vmem>>, vector<16xi32>,
    %add3A_384 = arith.constant 112 : i32
    %add3A_385 = vector.broadcast %add3A_384 : i32 to vector<16xi32>
    %add3A_386 = arith.addi %iota3A_187, %add3A_385 : vector<16xi32>
    %add3A_387 = arith.constant 10000 : i32
    %add3A_388 = vector.broadcast %add3A_387 : i32 to vector<16xi32>
    %add3A_389 = arith.addi %add3A_388, %add3A_386 : vector<16xi32>
    %add3A_390 = arith.constant 112 : i32
    %add3A_391 = arith.addi %scan3A_185#0, %add3A_390 : i32
    %swap3A_392 = arith.index_cast %add3A_391 : i32 to index
    %swap3A_393 = tpu.vector_load %arg11[%swap3A_392] {strides = array<i32>} : memref<10368xi32, #tpu.memory_space<vmem>>, vector<16xi32>,
    tpu.vector_store %arg11[%swap3A_392], %add3A_389 {strides = array<i32>} : memref<10368xi32, #tpu.memory_space<vmem>>, vector<16xi32>,
    %add3A_394 = arith.constant 5120 : i32
    %add3A_395 = vector.broadcast %add3A_394 : i32 to vector<16xi32>
    %add3A_396 = arith.addi %add3A_395, %add3A_386 : vector<16xi32>
    %add3A_397 = arith.constant 112 : i32
    %add3A_398 = arith.addi %scan3A_185#0, %add3A_397 : i32
    %swap3A_399 = arith.index_cast %add3A_398 : i32 to index
    %swap3A_400 = tpu.vector_load %arg12[%swap3A_399] {strides = array<i32>} : memref<10368xi32, #tpu.memory_space<vmem>>, vector<16xi32>,
    tpu.vector_store %arg12[%swap3A_399], %add3A_396 {strides = array<i32>} : memref<10368xi32, #tpu.memory_space<vmem>>, vector<16xi32>,
    %add3A_401 = arith.constant 112 : i32
    %add3A_402 = arith.addi %scan3A_185#1, %add3A_401 : i32
    %swap3A_403 = arith.index_cast %add3A_402 : i32 to index
    %swap3A_404 = tpu.vector_load %arg13[%swap3A_403] {strides = array<i32>} : memref<10368xi32, #tpu.memory_space<vmem>>, vector<16xi32>,
    tpu.vector_store %arg13[%swap3A_403], %add3A_389 {strides = array<i32>} : memref<10368xi32, #tpu.memory_space<vmem>>, vector<16xi32>,
    %add3A_405 = arith.constant 10240 : i32
    %add3A_406 = vector.broadcast %add3A_405 : i32 to vector<16xi32>
    %add3A_407 = arith.addi %add3A_406, %add3A_386 : vector<16xi32>
    %add3A_408 = arith.constant 112 : i32
    %add3A_409 = arith.addi %scan3A_185#1, %add3A_408 : i32
    %swap3A_410 = arith.index_cast %add3A_409 : i32 to index
    %swap3A_411 = tpu.vector_load %arg14[%swap3A_410] {strides = array<i32>} : memref<10368xi32, #tpu.memory_space<vmem>>, vector<16xi32>,
    tpu.vector_store %arg14[%swap3A_410], %add3A_407 {strides = array<i32>} : memref<10368xi32, #tpu.memory_space<vmem>>, vector<16xi32>,
    %run_scoped3A_412 = arith.constant 0 : i32
    "tpu.region"() ({
      %run_scoped3A_478 = tpu.sem_alloc : memref<!tpu.dma_semaphore, #tpu.memory_space<semaphore_mem>>
      %dma_start3A = arith.constant 0 : i32
      %dma_start3A_479 = tpu.memref_slice %arg5[%run_scoped3A_412, %add3A, %dma_start3A] : memref<2x32x10368xi32, #tpu.memory_space<hbm>> -> memref<1x1x10368xi32, #tpu.memory_space<hbm>>
      %dma_start3A_480 = tpu.memref_squeeze %dma_start3A_479 : memref<1x1x10368xi32, #tpu.memory_space<hbm>> -> memref<10368xi32, #tpu.memory_space<hbm>>
      %dma_start3A_481 = arith.constant 0 : i32
      %dma_start3A_482 = tpu.memref_slice %arg5[%run_scoped3A_412, %add3A, %dma_start3A_481] : memref<2x32x10368xi32, #tpu.memory_space<hbm>> -> memref<1x1x10368xi32, #tpu.memory_space<hbm>>
      %dma_start3A_483 = tpu.memref_squeeze %dma_start3A_482 : memref<1x1x10368xi32, #tpu.memory_space<hbm>> -> memref<10368xi32, #tpu.memory_space<hbm>>
      tpu.enqueue_dma source(%arg11 : memref<10368xi32, #tpu.memory_space<vmem>>) target(%dma_start3A_483 : memref<10368xi32, #tpu.memory_space<hbm>>) target_semaphore(%run_scoped3A_478 : memref<!tpu.dma_semaphore, #tpu.memory_space<semaphore_mem>>)
      %dma_wait3A = arith.constant 0 : i32
      %dma_wait3A_484 = tpu.memref_slice %arg5[%run_scoped3A_412, %add3A, %dma_wait3A] : memref<2x32x10368xi32, #tpu.memory_space<hbm>> -> memref<1x1x10368xi32, #tpu.memory_space<hbm>>
      %dma_wait3A_485 = tpu.memref_squeeze %dma_wait3A_484 : memref<1x1x10368xi32, #tpu.memory_space<hbm>> -> memref<10368xi32, #tpu.memory_space<hbm>>
      %dma_wait3A_486 = arith.constant 0 : i32
      %dma_wait3A_487 = tpu.memref_slice %arg5[%run_scoped3A_412, %add3A, %dma_wait3A_486] : memref<2x32x10368xi32, #tpu.memory_space<hbm>> -> memref<1x1x10368xi32, #tpu.memory_space<hbm>>
      %dma_wait3A_488 = tpu.memref_squeeze %dma_wait3A_487 : memref<1x1x10368xi32, #tpu.memory_space<hbm>> -> memref<10368xi32, #tpu.memory_space<hbm>>
      tpu.wait_dma2 semaphore(%run_scoped3A_478 : memref<!tpu.dma_semaphore, #tpu.memory_space<semaphore_mem>>) src(%arg11 : memref<10368xi32, #tpu.memory_space<vmem>>) dst(%dma_wait3A_488 : memref<10368xi32, #tpu.memory_space<hbm>>)
      tpu.yield
    }) : () -> ()
    %run_scoped3A_413 = arith.constant 0 : i32
    "tpu.region"() ({
      %run_scoped3A_478 = tpu.sem_alloc : memref<!tpu.dma_semaphore, #tpu.memory_space<semaphore_mem>>
      %dma_start3A = arith.constant 0 : i32
      %dma_start3A_479 = tpu.memref_slice %arg6[%run_scoped3A_413, %add3A, %dma_start3A] : memref<2x32x10368xi32, #tpu.memory_space<hbm>> -> memref<1x1x10368xi32, #tpu.memory_space<hbm>>
      %dma_start3A_480 = tpu.memref_squeeze %dma_start3A_479 : memref<1x1x10368xi32, #tpu.memory_space<hbm>> -> memref<10368xi32, #tpu.memory_space<hbm>>
      %dma_start3A_481 = arith.constant 0 : i32
      %dma_start3A_482 = tpu.memref_slice %arg6[%run_scoped3A_413, %add3A, %dma_start3A_481] : memref<2x32x10368xi32, #tpu.memory_space<hbm>> -> memref<1x1x10368xi32, #tpu.memory_space<hbm>>
      %dma_start3A_483 = tpu.memref_squeeze %dma_start3A_482 : memref<1x1x10368xi32, #tpu.memory_space<hbm>> -> memref<10368xi32, #tpu.memory_space<hbm>>
      tpu.enqueue_dma source(%arg12 : memref<10368xi32, #tpu.memory_space<vmem>>) target(%dma_start3A_483 : memref<10368xi32, #tpu.memory_space<hbm>>) target_semaphore(%run_scoped3A_478 : memref<!tpu.dma_semaphore, #tpu.memory_space<semaphore_mem>>)
      %dma_wait3A = arith.constant 0 : i32
      %dma_wait3A_484 = tpu.memref_slice %arg6[%run_scoped3A_413, %add3A, %dma_wait3A] : memref<2x32x10368xi32, #tpu.memory_space<hbm>> -> memref<1x1x10368xi32, #tpu.memory_space<hbm>>
      %dma_wait3A_485 = tpu.memref_squeeze %dma_wait3A_484 : memref<1x1x10368xi32, #tpu.memory_space<hbm>> -> memref<10368xi32, #tpu.memory_space<hbm>>
      %dma_wait3A_486 = arith.constant 0 : i32
      %dma_wait3A_487 = tpu.memref_slice %arg6[%run_scoped3A_413, %add3A, %dma_wait3A_486] : memref<2x32x10368xi32, #tpu.memory_space<hbm>> -> memref<1x1x10368xi32, #tpu.memory_space<hbm>>
      %dma_wait3A_488 = tpu.memref_squeeze %dma_wait3A_487 : memref<1x1x10368xi32, #tpu.memory_space<hbm>> -> memref<10368xi32, #tpu.memory_space<hbm>>
      tpu.wait_dma2 semaphore(%run_scoped3A_478 : memref<!tpu.dma_semaphore, #tpu.memory_space<semaphore_mem>>) src(%arg12 : memref<10368xi32, #tpu.memory_space<vmem>>) dst(%dma_wait3A_488 : memref<10368xi32, #tpu.memory_space<hbm>>)
      tpu.yield
    }) : () -> ()
    %run_scoped3A_414 = arith.constant 1 : i32
    "tpu.region"() ({
      %run_scoped3A_478 = tpu.sem_alloc : memref<!tpu.dma_semaphore, #tpu.memory_space<semaphore_mem>>
      %dma_start3A = arith.constant 0 : i32
      %dma_start3A_479 = tpu.memref_slice %arg5[%run_scoped3A_414, %add3A, %dma_start3A] : memref<2x32x10368xi32, #tpu.memory_space<hbm>> -> memref<1x1x10368xi32, #tpu.memory_space<hbm>>
      %dma_start3A_480 = tpu.memref_squeeze %dma_start3A_479 : memref<1x1x10368xi32, #tpu.memory_space<hbm>> -> memref<10368xi32, #tpu.memory_space<hbm>>
      %dma_start3A_481 = arith.constant 0 : i32
      %dma_start3A_482 = tpu.memref_slice %arg5[%run_scoped3A_414, %add3A, %dma_start3A_481] : memref<2x32x10368xi32, #tpu.memory_space<hbm>> -> memref<1x1x10368xi32, #tpu.memory_space<hbm>>
      %dma_start3A_483 = tpu.memref_squeeze %dma_start3A_482 : memref<1x1x10368xi32, #tpu.memory_space<hbm>> -> memref<10368xi32, #tpu.memory_space<hbm>>
      tpu.enqueue_dma source(%arg13 : memref<10368xi32, #tpu.memory_space<vmem>>) target(%dma_start3A_483 : memref<10368xi32, #tpu.memory_space<hbm>>) target_semaphore(%run_scoped3A_478 : memref<!tpu.dma_semaphore, #tpu.memory_space<semaphore_mem>>)
      %dma_wait3A = arith.constant 0 : i32
      %dma_wait3A_484 = tpu.memref_slice %arg5[%run_scoped3A_414, %add3A, %dma_wait3A] : memref<2x32x10368xi32, #tpu.memory_space<hbm>> -> memref<1x1x10368xi32, #tpu.memory_space<hbm>>
      %dma_wait3A_485 = tpu.memref_squeeze %dma_wait3A_484 : memref<1x1x10368xi32, #tpu.memory_space<hbm>> -> memref<10368xi32, #tpu.memory_space<hbm>>
      %dma_wait3A_486 = arith.constant 0 : i32
      %dma_wait3A_487 = tpu.memref_slice %arg5[%run_scoped3A_414, %add3A, %dma_wait3A_486] : memref<2x32x10368xi32, #tpu.memory_space<hbm>> -> memref<1x1x10368xi32, #tpu.memory_space<hbm>>
      %dma_wait3A_488 = tpu.memref_squeeze %dma_wait3A_487 : memref<1x1x10368xi32, #tpu.memory_space<hbm>> -> memref<10368xi32, #tpu.memory_space<hbm>>
      tpu.wait_dma2 semaphore(%run_scoped3A_478 : memref<!tpu.dma_semaphore, #tpu.memory_space<semaphore_mem>>) src(%arg13 : memref<10368xi32, #tpu.memory_space<vmem>>) dst(%dma_wait3A_488 : memref<10368xi32, #tpu.memory_space<hbm>>)
      tpu.yield
    }) : () -> ()
    %run_scoped3A_415 = arith.constant 1 : i32
    "tpu.region"() ({
      %run_scoped3A_478 = tpu.sem_alloc : memref<!tpu.dma_semaphore, #tpu.memory_space<semaphore_mem>>
      %dma_start3A = arith.constant 0 : i32
      %dma_start3A_479 = tpu.memref_slice %arg6[%run_scoped3A_415, %add3A, %dma_start3A] : memref<2x32x10368xi32, #tpu.memory_space<hbm>> -> memref<1x1x10368xi32, #tpu.memory_space<hbm>>
      %dma_start3A_480 = tpu.memref_squeeze %dma_start3A_479 : memref<1x1x10368xi32, #tpu.memory_space<hbm>> -> memref<10368xi32, #tpu.memory_space<hbm>>
      %dma_start3A_481 = arith.constant 0 : i32
      %dma_start3A_482 = tpu.memref_slice %arg6[%run_scoped3A_415, %add3A, %dma_start3A_481] : memref<2x32x10368xi32, #tpu.memory_space<hbm>> -> memref<1x1x10368xi32, #tpu.memory_space<hbm>>
      %dma_start3A_483 = tpu.memref_squeeze %dma_start3A_482 : memref<1x1x10368xi32, #tpu.memory_space<hbm>> -> memref<10368xi32, #tpu.memory_space<hbm>>
      tpu.enqueue_dma source(%arg14 : memref<10368xi32, #tpu.memory_space<vmem>>) target(%dma_start3A_483 : memref<10368xi32, #tpu.memory_space<hbm>>) target_semaphore(%run_scoped3A_478 : memref<!tpu.dma_semaphore, #tpu.memory_space<semaphore_mem>>)
      %dma_wait3A = arith.constant 0 : i32
      %dma_wait3A_484 = tpu.memref_slice %arg6[%run_scoped3A_415, %add3A, %dma_wait3A] : memref<2x32x10368xi32, #tpu.memory_space<hbm>> -> memref<1x1x10368xi32, #tpu.memory_space<hbm>>
      %dma_wait3A_485 = tpu.memref_squeeze %dma_wait3A_484 : memref<1x1x10368xi32, #tpu.memory_space<hbm>> -> memref<10368xi32, #tpu.memory_space<hbm>>
      %dma_wait3A_486 = arith.constant 0 : i32
      %dma_wait3A_487 = tpu.memref_slice %arg6[%run_scoped3A_415, %add3A, %dma_wait3A_486] : memref<2x32x10368xi32, #tpu.memory_space<hbm>> -> memref<1x1x10368xi32, #tpu.memory_space<hbm>>
      %dma_wait3A_488 = tpu.memref_squeeze %dma_wait3A_487 : memref<1x1x10368xi32, #tpu.memory_space<hbm>> -> memref<10368xi32, #tpu.memory_space<hbm>>
      tpu.wait_dma2 semaphore(%run_scoped3A_478 : memref<!tpu.dma_semaphore, #tpu.memory_space<semaphore_mem>>) src(%arg14 : memref<10368xi32, #tpu.memory_space<vmem>>) dst(%dma_wait3A_488 : memref<10368xi32, #tpu.memory_space<hbm>>)
      tpu.yield
    }) : () -> ()
    %iota3A_416 = tpu.iota {dimensions = array<i32: 0>} : vector<16xi32>
    %add3A_417 = arith.constant 128 : i32
    %add3A_418 = arith.addi %scan3A_185#0, %add3A_417 : i32
    %sub3A = arith.constant 1 : i32
    %sub3A_419 = arith.subi %add3A_418, %sub3A : i32
    %jit3A = arith.constant 128 : i32
    %div3A = arith.divsi %sub3A_419, %jit3A : i32
    %sign3A = arith.constant 0 : i32
    %sign3A_420 = arith.cmpi sgt, %sub3A_419, %sign3A : i32
    %sign3A_421 = arith.extui %sign3A_420 : i1 to i32
    %sign3A_422 = arith.constant 0 : i32
    %sign3A_423 = arith.cmpi slt, %sub3A_419, %sign3A_422 : i32
    %sign3A_424 = arith.extui %sign3A_423 : i1 to i32
    %sign3A_425 = arith.subi %sign3A_421, %sign3A_424 : i32
    %sign3A_426 = arith.constant 0 : i32
    %sign3A_427 = arith.cmpi sgt, %jit3A, %sign3A_426 : i32
    %sign3A_428 = arith.extui %sign3A_427 : i1 to i32
    %sign3A_429 = arith.constant 0 : i32
    %sign3A_430 = arith.cmpi slt, %jit3A, %sign3A_429 : i32
    %sign3A_431 = arith.extui %sign3A_430 : i1 to i32
    %sign3A_432 = arith.subi %sign3A_428, %sign3A_431 : i32
    %ne3A = arith.cmpi ne, %sign3A_425, %sign3A_432 : i32
    %rem3A = arith.remsi %sub3A_419, %jit3A : i32
    %ne3A_433 = arith.constant 0 : i32
    %ne3A_434 = arith.cmpi ne, %rem3A, %ne3A_433 : i32
    %and3A = arith.andi %ne3A, %ne3A_434 : i1
    %sub3A_435 = arith.constant 1 : i32
    %sub3A_436 = arith.subi %div3A, %sub3A_435 : i32
    %select_n3A = arith.select %and3A, %sub3A_436, %div3A : i32
    %add3A_437 = arith.constant 128 : i32
    %add3A_438 = arith.addi %scan3A_185#1, %add3A_437 : i32
    %sub3A_439 = arith.constant 1 : i32
    %sub3A_440 = arith.subi %add3A_438, %sub3A_439 : i32
    %jit3A_441 = arith.constant 128 : i32
    %div3A_442 = arith.divsi %sub3A_440, %jit3A_441 : i32
    %sign3A_443 = arith.constant 0 : i32
    %sign3A_444 = arith.cmpi sgt, %sub3A_440, %sign3A_443 : i32
    %sign3A_445 = arith.extui %sign3A_444 : i1 to i32
    %sign3A_446 = arith.constant 0 : i32
    %sign3A_447 = arith.cmpi slt, %sub3A_440, %sign3A_446 : i32
    %sign3A_448 = arith.extui %sign3A_447 : i1 to i32
    %sign3A_449 = arith.subi %sign3A_445, %sign3A_448 : i32
    %sign3A_450 = arith.constant 0 : i32
    %sign3A_451 = arith.cmpi sgt, %jit3A_441, %sign3A_450 : i32
    %sign3A_452 = arith.extui %sign3A_451 : i1 to i32
    %sign3A_453 = arith.constant 0 : i32
    %sign3A_454 = arith.cmpi slt, %jit3A_441, %sign3A_453 : i32
    %sign3A_455 = arith.extui %sign3A_454 : i1 to i32
    %sign3A_456 = arith.subi %sign3A_452, %sign3A_455 : i32
    %ne3A_457 = arith.cmpi ne, %sign3A_449, %sign3A_456 : i32
    %rem3A_458 = arith.remsi %sub3A_440, %jit3A_441 : i32
    %ne3A_459 = arith.constant 0 : i32
    %ne3A_460 = arith.cmpi ne, %rem3A_458, %ne3A_459 : i32
    %and3A_461 = arith.andi %ne3A_457, %ne3A_460 : i1
    %sub3A_462 = arith.constant 1 : i32
    %sub3A_463 = arith.subi %div3A_442, %sub3A_462 : i32
    %select_n3A_464 = arith.select %and3A_461, %sub3A_463, %div3A_442 : i32
    %eq3A = arith.constant 0 : i32
    %eq3A_465 = vector.broadcast %eq3A : i32 to vector<16xi32>
    %eq3A_466 = arith.cmpi eq, %iota3A_416, %eq3A_465 : vector<16xi32>
    %eq3A_467 = arith.constant 1 : i32
    %eq3A_468 = vector.broadcast %eq3A_467 : i32 to vector<16xi32>
    %eq3A_469 = arith.cmpi eq, %iota3A_416, %eq3A_468 : vector<16xi32>
    %jit3A_470 = arith.constant 0 : i32
    %broadcast_in_dim3A_471 = vector.broadcast %select_n3A_464 : i32 to vector<16xi32>
    %broadcast_in_dim3A_472 = vector.broadcast %jit3A_470 : i32 to vector<16xi32>
    %select_n3A_473 = arith.select %eq3A_469, %broadcast_in_dim3A_471, %broadcast_in_dim3A_472 : vector<16xi1>, vector<16xi32>
    %broadcast_in_dim3A_474 = vector.broadcast %select_n3A : i32 to vector<16xi32>
    %select_n3A_475 = arith.select %eq3A_466, %broadcast_in_dim3A_474, %select_n3A_473 : vector<16xi1>, vector<16xi32>
    %swap3A_476 = arith.constant 0 : index
    %swap3A_477 = tpu.vector_load %arg15[%swap3A_476] {strides = array<i32>} : memref<16xi32, #tpu.memory_space<vmem>>, vector<16xi32>,
    tpu.vector_store %arg15[%swap3A_476], %select_n3A_475 {strides = array<i32>} : memref<16xi32, #tpu.memory_space<vmem>>, vector<16xi32>,
    "tpu.region"() ({
      %run_scoped3A_478 = tpu.sem_alloc : memref<!tpu.dma_semaphore, #tpu.memory_space<semaphore_mem>>
      %dma_start3A = arith.constant 0 : i32
      %dma_start3A_479 = tpu.memref_slice %arg7[%add3A, %dma_start3A] : memref<32x16xi32, #tpu.memory_space<hbm>> -> memref<1x16xi32, #tpu.memory_space<hbm>>
      %dma_start3A_480 = tpu.memref_squeeze %dma_start3A_479 : memref<1x16xi32, #tpu.memory_space<hbm>> -> memref<16xi32, #tpu.memory_space<hbm>>
      %dma_start3A_481 = arith.constant 0 : i32
      %dma_start3A_482 = tpu.memref_slice %arg7[%add3A, %dma_start3A_481] : memref<32x16xi32, #tpu.memory_space<hbm>> -> memref<1x16xi32, #tpu.memory_space<hbm>>
      %dma_start3A_483 = tpu.memref_squeeze %dma_start3A_482 : memref<1x16xi32, #tpu.memory_space<hbm>> -> memref<16xi32, #tpu.memory_space<hbm>>
      tpu.enqueue_dma source(%arg15 : memref<16xi32, #tpu.memory_space<vmem>>) target(%dma_start3A_483 : memref<16xi32, #tpu.memory_space<hbm>>) target_semaphore(%run_scoped3A_478 : memref<!tpu.dma_semaphore, #tpu.memory_space<semaphore_mem>>)
      %dma_wait3A = arith.constant 0 : i32
      %dma_wait3A_484 = tpu.memref_slice %arg7[%add3A, %dma_wait3A] : memref<32x16xi32, #tpu.memory_space<hbm>> -> memref<1x16xi32, #tpu.memory_space<hbm>>
      %dma_wait3A_485 = tpu.memref_squeeze %dma_wait3A_484 : memref<1x16xi32, #tpu.memory_space<hbm>> -> memref<16xi32, #tpu.memory_space<hbm>>
      %dma_wait3A_486 = arith.constant 0 : i32
      %dma_wait3A_487 = tpu.memref_slice %arg7[%add3A, %dma_wait3A_486] : memref<32x16xi32, #tpu.memory_space<hbm>> -> memref<1x16xi32, #tpu.memory_space<hbm>>
      %dma_wait3A_488 = tpu.memref_squeeze %dma_wait3A_487 : memref<1x16xi32, #tpu.memory_space<hbm>> -> memref<16xi32, #tpu.memory_space<hbm>>
      tpu.wait_dma2 semaphore(%run_scoped3A_478 : memref<!tpu.dma_semaphore, #tpu.memory_space<semaphore_mem>>) src(%arg15 : memref<16xi32, #tpu.memory_space<vmem>>) dst(%dma_wait3A_488 : memref<16xi32, #tpu.memory_space<hbm>>)
      tpu.yield
    }) : () -> ()
    return
  }
}

#map = affine_map<(d0, d1) -> (0, 0)>
#map1 = affine_map<(d0, d1) -> (0, 0, 0)>
module attributes {stable_mosaic.version = 14 : i64} {
  func.func @_agg_sc(%arg0: i32, %arg1: i32, %arg2: memref<10240x128xf32, #tpu.memory_space<hbm>>, %arg3: memref<2x32x10368xi32, #tpu.memory_space<hbm>>, %arg4: memref<2x32x10368xi32, #tpu.memory_space<hbm>>, %arg5: memref<32x16xi32, #tpu.memory_space<hbm>>, %arg6: memref<2x5120x128xf32, #tpu.memory_space<hbm>>, %arg7: memref<128xi32, #tpu.memory_space<vmem>>, %arg8: memref<128xi32, #tpu.memory_space<vmem>>, %arg9: memref<128xi32, #tpu.memory_space<vmem>>, %arg10: memref<128xi32, #tpu.memory_space<vmem>>, %arg11: memref<128xi32, #tpu.memory_space<vmem>>, %arg12: memref<128xi32, #tpu.memory_space<vmem>>, %arg13: memref<128x128xf32, #tpu.memory_space<vmem>>, %arg14: memref<128x128xf32, #tpu.memory_space<vmem>>, %arg15: memref<320x128xf32, #tpu.memory_space<vmem>>, %arg16: memref<16xi32, #tpu.memory_space<vmem>>, %arg17: memref<!tpu.dma_semaphore, #tpu.memory_space<semaphore_mem>>, %arg18: memref<!tpu.dma_semaphore, #tpu.memory_space<semaphore_mem>>, %arg19: memref<!tpu.dma_semaphore, #tpu.memory_space<semaphore_mem>>, %arg20: memref<!tpu.dma_semaphore, #tpu.memory_space<semaphore_mem>>, %arg21: memref<5248x128xf32, #tpu.memory_space<vmem_shared>>) attributes {dimension_semantics = [#tpu.dimension_semantics<core_parallel>, #tpu.dimension_semantics<subcore_parallel>], iteration_bounds = array<i64: 2, 16>, scalar_prefetch = 0 : i64, scratch_operands = 15 : i64, tpu.core_type = #tpu.core_type<sc_vector_subcore>, window_params = [{transform_indices = #map}, {transform_indices = #map1}, {transform_indices = #map1}, {transform_indices = #map}, {transform_indices = #map1}]} {
    %mul3A = arith.constant 320 : i32
    %mul3A_0 = arith.muli %arg1, %mul3A : i32
    %mul3A_1 = arith.constant 5120 : i32
    %mul3A_2 = arith.muli %arg0, %mul3A_1 : i32
    %broadcast_in_dim3A = arith.constant 0.000000e+00 : f32
    %broadcast_in_dim3A_3 = vector.broadcast %broadcast_in_dim3A : f32 to vector<16xf32>
    %scan3A = arith.constant 0 : i32
    %scan3A_4 = arith.constant 0 : i32
    %scan3A_5 = arith.constant 320 : i32
    %scan3A_6 = arith.addi %scan3A_4, %scan3A_5 : i32
    %scan3A_7 = arith.constant 1 : i32
    scf.for %scan3A_107 = %scan3A_4 to %scan3A_6 step %scan3A_7  : i32 {
      %swap3A = arith.index_cast %scan3A_107 : i32 to index
      %swap3A_108 = arith.constant 0 : index
      %swap3A_109 = tpu.vector_load %arg15[%swap3A, %swap3A_108] {strides = array<i32>} : memref<320x128xf32, #tpu.memory_space<vmem>>, vector<16xf32>,
      tpu.vector_store %arg15[%swap3A, %swap3A_108], %broadcast_in_dim3A_3 {strides = array<i32>} : memref<320x128xf32, #tpu.memory_space<vmem>>, vector<16xf32>,
      %swap3A_110 = arith.index_cast %scan3A_107 : i32 to index
      %swap3A_111 = arith.constant 16 : index
      %swap3A_112 = tpu.vector_load %arg15[%swap3A_110, %swap3A_111] {strides = array<i32>} : memref<320x128xf32, #tpu.memory_space<vmem>>, vector<16xf32>,
      tpu.vector_store %arg15[%swap3A_110, %swap3A_111], %broadcast_in_dim3A_3 {strides = array<i32>} : memref<320x128xf32, #tpu.memory_space<vmem>>, vector<16xf32>,
      %swap3A_113 = arith.index_cast %scan3A_107 : i32 to index
      %swap3A_114 = arith.constant 32 : index
      %swap3A_115 = tpu.vector_load %arg15[%swap3A_113, %swap3A_114] {strides = array<i32>} : memref<320x128xf32, #tpu.memory_space<vmem>>, vector<16xf32>,
      tpu.vector_store %arg15[%swap3A_113, %swap3A_114], %broadcast_in_dim3A_3 {strides = array<i32>} : memref<320x128xf32, #tpu.memory_space<vmem>>, vector<16xf32>,
      %swap3A_116 = arith.index_cast %scan3A_107 : i32 to index
      %swap3A_117 = arith.constant 48 : index
      %swap3A_118 = tpu.vector_load %arg15[%swap3A_116, %swap3A_117] {strides = array<i32>} : memref<320x128xf32, #tpu.memory_space<vmem>>, vector<16xf32>,
      tpu.vector_store %arg15[%swap3A_116, %swap3A_117], %broadcast_in_dim3A_3 {strides = array<i32>} : memref<320x128xf32, #tpu.memory_space<vmem>>, vector<16xf32>,
      %swap3A_119 = arith.index_cast %scan3A_107 : i32 to index
      %swap3A_120 = arith.constant 64 : index
      %swap3A_121 = tpu.vector_load %arg15[%swap3A_119, %swap3A_120] {strides = array<i32>} : memref<320x128xf32, #tpu.memory_space<vmem>>, vector<16xf32>,
      tpu.vector_store %arg15[%swap3A_119, %swap3A_120], %broadcast_in_dim3A_3 {strides = array<i32>} : memref<320x128xf32, #tpu.memory_space<vmem>>, vector<16xf32>,
      %swap3A_122 = arith.index_cast %scan3A_107 : i32 to index
      %swap3A_123 = arith.constant 80 : index
      %swap3A_124 = tpu.vector_load %arg15[%swap3A_122, %swap3A_123] {strides = array<i32>} : memref<320x128xf32, #tpu.memory_space<vmem>>, vector<16xf32>,
      tpu.vector_store %arg15[%swap3A_122, %swap3A_123], %broadcast_in_dim3A_3 {strides = array<i32>} : memref<320x128xf32, #tpu.memory_space<vmem>>, vector<16xf32>,
      %swap3A_125 = arith.index_cast %scan3A_107 : i32 to index
      %swap3A_126 = arith.constant 96 : index
      %swap3A_127 = tpu.vector_load %arg15[%swap3A_125, %swap3A_126] {strides = array<i32>} : memref<320x128xf32, #tpu.memory_space<vmem>>, vector<16xf32>,
      tpu.vector_store %arg15[%swap3A_125, %swap3A_126], %broadcast_in_dim3A_3 {strides = array<i32>} : memref<320x128xf32, #tpu.memory_space<vmem>>, vector<16xf32>,
      %swap3A_128 = arith.index_cast %scan3A_107 : i32 to index
      %swap3A_129 = arith.constant 112 : index
      %swap3A_130 = tpu.vector_load %arg15[%swap3A_128, %swap3A_129] {strides = array<i32>} : memref<320x128xf32, #tpu.memory_space<vmem>>, vector<16xf32>,
      tpu.vector_store %arg15[%swap3A_128, %swap3A_129], %broadcast_in_dim3A_3 {strides = array<i32>} : memref<320x128xf32, #tpu.memory_space<vmem>>, vector<16xf32>,
    }
    %scan3A_8 = arith.constant 320 : i32
    "tpu.region"() ({
      %run_scoped3A = tpu.sem_alloc : memref<!tpu.dma_semaphore, #tpu.memory_space<semaphore_mem>>
      %dma_start3A = arith.constant 0 : i32
      %dma_start3A_107 = tpu.memref_slice %arg21[%mul3A_0, %dma_start3A] : memref<5248x128xf32, #tpu.memory_space<vmem_shared>> -> memref<320x128xf32, #tpu.memory_space<vmem_shared>>
      %dma_start3A_108 = arith.constant 0 : i32
      %dma_start3A_109 = tpu.memref_slice %arg21[%mul3A_0, %dma_start3A_108] : memref<5248x128xf32, #tpu.memory_space<vmem_shared>> -> memref<320x128xf32, #tpu.memory_space<vmem_shared>>
      tpu.enqueue_dma source(%arg15 : memref<320x128xf32, #tpu.memory_space<vmem>>) target(%dma_start3A_109 : memref<320x128xf32, #tpu.memory_space<vmem_shared>>) target_semaphore(%run_scoped3A : memref<!tpu.dma_semaphore, #tpu.memory_space<semaphore_mem>>)
      %dma_wait3A = arith.constant 0 : i32
      %dma_wait3A_110 = tpu.memref_slice %arg21[%mul3A_0, %dma_wait3A] : memref<5248x128xf32, #tpu.memory_space<vmem_shared>> -> memref<320x128xf32, #tpu.memory_space<vmem_shared>>
      %dma_wait3A_111 = arith.constant 0 : i32
      %dma_wait3A_112 = tpu.memref_slice %arg21[%mul3A_0, %dma_wait3A_111] : memref<5248x128xf32, #tpu.memory_space<vmem_shared>> -> memref<320x128xf32, #tpu.memory_space<vmem_shared>>
      tpu.wait_dma2 semaphore(%run_scoped3A : memref<!tpu.dma_semaphore, #tpu.memory_space<semaphore_mem>>) src(%arg15 : memref<320x128xf32, #tpu.memory_space<vmem>>) dst(%dma_wait3A_112 : memref<320x128xf32, #tpu.memory_space<vmem_shared>>)
      tpu.yield
    }) : () -> ()
    %barrier3A = arith.constant 0 : index
    tpu.barrier barrier_id(%barrier3A)
    %mul3A_9 = arith.constant 2 : i32
    %mul3A_10 = arith.muli %mul3A_9, %arg1 : i32
    %add3A = arith.constant 0 : i32
    %add3A_11 = arith.addi %mul3A_10, %add3A : i32
    "tpu.region"() ({
      %run_scoped3A = tpu.sem_alloc : memref<!tpu.dma_semaphore, #tpu.memory_space<semaphore_mem>>
      %dma_start3A = arith.constant 0 : i32
      %dma_start3A_107 = tpu.memref_slice %arg5[%add3A_11, %dma_start3A] : memref<32x16xi32, #tpu.memory_space<hbm>> -> memref<1x16xi32, #tpu.memory_space<hbm>>
      %dma_start3A_108 = tpu.memref_squeeze %dma_start3A_107 : memref<1x16xi32, #tpu.memory_space<hbm>> -> memref<16xi32, #tpu.memory_space<hbm>>
      %dma_start3A_109 = arith.constant 0 : i32
      %dma_start3A_110 = tpu.memref_slice %arg5[%add3A_11, %dma_start3A_109] : memref<32x16xi32, #tpu.memory_space<hbm>> -> memref<1x16xi32, #tpu.memory_space<hbm>>
      %dma_start3A_111 = tpu.memref_squeeze %dma_start3A_110 : memref<1x16xi32, #tpu.memory_space<hbm>> -> memref<16xi32, #tpu.memory_space<hbm>>
      tpu.enqueue_dma source(%dma_start3A_111 : memref<16xi32, #tpu.memory_space<hbm>>) target(%arg16 : memref<16xi32, #tpu.memory_space<vmem>>) target_semaphore(%run_scoped3A : memref<!tpu.dma_semaphore, #tpu.memory_space<semaphore_mem>>)
      %dma_wait3A = arith.constant 0 : i32
      %dma_wait3A_112 = tpu.memref_slice %arg5[%add3A_11, %dma_wait3A] : memref<32x16xi32, #tpu.memory_space<hbm>> -> memref<1x16xi32, #tpu.memory_space<hbm>>
      %dma_wait3A_113 = tpu.memref_squeeze %dma_wait3A_112 : memref<1x16xi32, #tpu.memory_space<hbm>> -> memref<16xi32, #tpu.memory_space<hbm>>
      %dma_wait3A_114 = arith.constant 0 : i32
      %dma_wait3A_115 = tpu.memref_slice %arg5[%add3A_11, %dma_wait3A_114] : memref<32x16xi32, #tpu.memory_space<hbm>> -> memref<1x16xi32, #tpu.memory_space<hbm>>
      %dma_wait3A_116 = tpu.memref_squeeze %dma_wait3A_115 : memref<1x16xi32, #tpu.memory_space<hbm>> -> memref<16xi32, #tpu.memory_space<hbm>>
      tpu.wait_dma2 semaphore(%run_scoped3A : memref<!tpu.dma_semaphore, #tpu.memory_space<semaphore_mem>>) src(%dma_wait3A_116 : memref<16xi32, #tpu.memory_space<hbm>>) dst(%arg16 : memref<16xi32, #tpu.memory_space<vmem>>)
      tpu.yield
    }) : () -> ()
    %iota3A = tpu.iota {dimensions = array<i32: 0>} : vector<16xi32>
    %eq3A = vector.broadcast %arg0 : i32 to vector<16xi32>
    %eq3A_12 = arith.cmpi eq, %iota3A, %eq3A : vector<16xi32>
    %get3A = arith.constant 0 : index
    %get3A_13 = tpu.vector_load %arg16[%get3A] {strides = array<i32>} : memref<16xi32, #tpu.memory_space<vmem>>, vector<16xi32>,
    %jit3A = arith.constant 0 : i32
    %broadcast_in_dim3A_14 = vector.broadcast %jit3A : i32 to vector<16xi32>
    %select_n3A = arith.select %eq3A_12, %get3A_13, %broadcast_in_dim3A_14 : vector<16xi1>, vector<16xi32>
    %reduce_sum3A = arith.constant true
    %reduce_sum3A_15 = vector.broadcast %reduce_sum3A : i1 to vector<16xi1>
    %reduce_sum3A_16 = tpu.scan <sum>, %select_n3A masked %reduce_sum3A_15 : vector<16xi32>, vector<16xi1> -> vector<16xi32>
    %reduce_sum3A_17 = vector.extract %reduce_sum3A_16[15] : i32 from vector<16xi32>
    %gt3A = arith.constant 0 : i32
    %gt3A_18 = arith.cmpi sgt, %reduce_sum3A_17, %gt3A : i32
    %convert_element_type3A = arith.extui %gt3A_18 : i1 to i32
    %cond3A = arith.constant 0 : i32
    %cond3A_19 = arith.cmpi ne, %convert_element_type3A, %cond3A : i32
    scf.if %cond3A_19 {
      "tpu.region"() ({
        %run_scoped3A = tpu.sem_alloc : memref<!tpu.dma_semaphore, #tpu.memory_space<semaphore_mem>>
        %dma_start3A_122 = arith.constant 0 : i32
        %dma_start3A_123 = tpu.memref_slice %arg3[%arg0, %add3A_11, %dma_start3A_122] : memref<2x32x10368xi32, #tpu.memory_space<hbm>> -> memref<1x1x128xi32, #tpu.memory_space<hbm>>
        %dma_start3A_124 = tpu.memref_squeeze %dma_start3A_123 : memref<1x1x128xi32, #tpu.memory_space<hbm>> -> memref<128xi32, #tpu.memory_space<hbm>>
        %dma_start3A_125 = arith.constant 0 : i32
        %dma_start3A_126 = tpu.memref_slice %arg3[%arg0, %add3A_11, %dma_start3A_125] : memref<2x32x10368xi32, #tpu.memory_space<hbm>> -> memref<1x1x128xi32, #tpu.memory_space<hbm>>
        %dma_start3A_127 = tpu.memref_squeeze %dma_start3A_126 : memref<1x1x128xi32, #tpu.memory_space<hbm>> -> memref<128xi32, #tpu.memory_space<hbm>>
        tpu.enqueue_dma source(%dma_start3A_127 : memref<128xi32, #tpu.memory_space<hbm>>) target(%arg7 : memref<128xi32, #tpu.memory_space<vmem>>) target_semaphore(%run_scoped3A : memref<!tpu.dma_semaphore, #tpu.memory_space<semaphore_mem>>)
        %dma_wait3A = arith.constant 0 : i32
        %dma_wait3A_128 = tpu.memref_slice %arg3[%arg0, %add3A_11, %dma_wait3A] : memref<2x32x10368xi32, #tpu.memory_space<hbm>> -> memref<1x1x128xi32, #tpu.memory_space<hbm>>
        %dma_wait3A_129 = tpu.memref_squeeze %dma_wait3A_128 : memref<1x1x128xi32, #tpu.memory_space<hbm>> -> memref<128xi32, #tpu.memory_space<hbm>>
        %dma_wait3A_130 = arith.constant 0 : i32
        %dma_wait3A_131 = tpu.memref_slice %arg3[%arg0, %add3A_11, %dma_wait3A_130] : memref<2x32x10368xi32, #tpu.memory_space<hbm>> -> memref<1x1x128xi32, #tpu.memory_space<hbm>>
        %dma_wait3A_132 = tpu.memref_squeeze %dma_wait3A_131 : memref<1x1x128xi32, #tpu.memory_space<hbm>> -> memref<128xi32, #tpu.memory_space<hbm>>
        tpu.wait_dma2 semaphore(%run_scoped3A : memref<!tpu.dma_semaphore, #tpu.memory_space<semaphore_mem>>) src(%dma_wait3A_132 : memref<128xi32, #tpu.memory_space<hbm>>) dst(%arg7 : memref<128xi32, #tpu.memory_space<vmem>>)
        tpu.yield
      }) : () -> ()
      "tpu.region"() ({
        %run_scoped3A = tpu.sem_alloc : memref<!tpu.dma_semaphore, #tpu.memory_space<semaphore_mem>>
        %dma_start3A_122 = arith.constant 0 : i32
        %dma_start3A_123 = tpu.memref_slice %arg4[%arg0, %add3A_11, %dma_start3A_122] : memref<2x32x10368xi32, #tpu.memory_space<hbm>> -> memref<1x1x128xi32, #tpu.memory_space<hbm>>
        %dma_start3A_124 = tpu.memref_squeeze %dma_start3A_123 : memref<1x1x128xi32, #tpu.memory_space<hbm>> -> memref<128xi32, #tpu.memory_space<hbm>>
        %dma_start3A_125 = arith.constant 0 : i32
        %dma_start3A_126 = tpu.memref_slice %arg4[%arg0, %add3A_11, %dma_start3A_125] : memref<2x32x10368xi32, #tpu.memory_space<hbm>> -> memref<1x1x128xi32, #tpu.memory_space<hbm>>
        %dma_start3A_127 = tpu.memref_squeeze %dma_start3A_126 : memref<1x1x128xi32, #tpu.memory_space<hbm>> -> memref<128xi32, #tpu.memory_space<hbm>>
        tpu.enqueue_dma source(%dma_start3A_127 : memref<128xi32, #tpu.memory_space<hbm>>) target(%arg9 : memref<128xi32, #tpu.memory_space<vmem>>) target_semaphore(%run_scoped3A : memref<!tpu.dma_semaphore, #tpu.memory_space<semaphore_mem>>)
        %dma_wait3A = arith.constant 0 : i32
        %dma_wait3A_128 = tpu.memref_slice %arg4[%arg0, %add3A_11, %dma_wait3A] : memref<2x32x10368xi32, #tpu.memory_space<hbm>> -> memref<1x1x128xi32, #tpu.memory_space<hbm>>
        %dma_wait3A_129 = tpu.memref_squeeze %dma_wait3A_128 : memref<1x1x128xi32, #tpu.memory_space<hbm>> -> memref<128xi32, #tpu.memory_space<hbm>>
        %dma_wait3A_130 = arith.constant 0 : i32
        %dma_wait3A_131 = tpu.memref_slice %arg4[%arg0, %add3A_11, %dma_wait3A_130] : memref<2x32x10368xi32, #tpu.memory_space<hbm>> -> memref<1x1x128xi32, #tpu.memory_space<hbm>>
        %dma_wait3A_132 = tpu.memref_squeeze %dma_wait3A_131 : memref<1x1x128xi32, #tpu.memory_space<hbm>> -> memref<128xi32, #tpu.memory_space<hbm>>
        tpu.wait_dma2 semaphore(%run_scoped3A : memref<!tpu.dma_semaphore, #tpu.memory_space<semaphore_mem>>) src(%dma_wait3A_132 : memref<128xi32, #tpu.memory_space<hbm>>) dst(%arg9 : memref<128xi32, #tpu.memory_space<vmem>>)
        tpu.yield
      }) : () -> ()
      %dma_start3A = arith.constant 0 : i32
      %dma_start3A_107 = arith.constant 0 : i32
      %dma_start3A_108 = tpu.memref_slice %arg13[%dma_start3A, %dma_start3A_107] : memref<128x128xf32, #tpu.memory_space<vmem>> -> memref<64x128xf32, #tpu.memory_space<vmem>>
      %dma_start3A_109 = arith.constant 0 : i32
      %dma_start3A_110 = tpu.memref_slice %arg7[%dma_start3A_109] : memref<128xi32, #tpu.memory_space<vmem>> -> memref<64xi32, #tpu.memory_space<vmem>>
      %dma_start3A_111 = arith.constant 0 : i32
      %dma_start3A_112 = arith.constant 0 : i32
      %dma_start3A_113 = tpu.memref_slice %arg2[%dma_start3A_111, %dma_start3A_112] : memref<10240x128xf32, #tpu.memory_space<hbm>> -> memref<10240x128xf32, #tpu.memory_space<hbm>>
      tpu.enqueue_indirect_dma source(%dma_start3A_113 : memref<10240x128xf32, #tpu.memory_space<hbm>>) target(%dma_start3A_108 : memref<64x128xf32, #tpu.memory_space<vmem>>) offsets(%dma_start3A_110 : memref<64xi32, #tpu.memory_space<vmem>>) semaphore(%arg17 : memref<!tpu.dma_semaphore, #tpu.memory_space<semaphore_mem>>)
      %dma_start3A_114 = arith.constant 64 : i32
      %dma_start3A_115 = arith.constant 0 : i32
      %dma_start3A_116 = tpu.memref_slice %arg13[%dma_start3A_114, %dma_start3A_115] : memref<128x128xf32, #tpu.memory_space<vmem>> -> memref<64x128xf32, #tpu.memory_space<vmem>>
      %dma_start3A_117 = arith.constant 64 : i32
      %dma_start3A_118 = tpu.memref_slice %arg7[%dma_start3A_117] : memref<128xi32, #tpu.memory_space<vmem>> -> memref<64xi32, #tpu.memory_space<vmem>>
      %dma_start3A_119 = arith.constant 0 : i32
      %dma_start3A_120 = arith.constant 0 : i32
      %dma_start3A_121 = tpu.memref_slice %arg2[%dma_start3A_119, %dma_start3A_120] : memref<10240x128xf32, #tpu.memory_space<hbm>> -> memref<10240x128xf32, #tpu.memory_space<hbm>>
      tpu.enqueue_indirect_dma source(%dma_start3A_121 : memref<10240x128xf32, #tpu.memory_space<hbm>>) target(%dma_start3A_116 : memref<64x128xf32, #tpu.memory_space<vmem>>) offsets(%dma_start3A_118 : memref<64xi32, #tpu.memory_space<vmem>>) semaphore(%arg19 : memref<!tpu.dma_semaphore, #tpu.memory_space<semaphore_mem>>)
    } else {
    }
    %add3A_20 = arith.constant 1 : i32
    %add3A_21 = arith.addi %reduce_sum3A_17, %add3A_20 : i32
    %jit3A_22 = arith.constant 2 : i32
    %div3A = arith.divsi %add3A_21, %jit3A_22 : i32
    %sign3A = arith.constant 0 : i32
    %sign3A_23 = arith.cmpi sgt, %add3A_21, %sign3A : i32
    %sign3A_24 = arith.extui %sign3A_23 : i1 to i32
    %sign3A_25 = arith.constant 0 : i32
    %sign3A_26 = arith.cmpi slt, %add3A_21, %sign3A_25 : i32
    %sign3A_27 = arith.extui %sign3A_26 : i1 to i32
    %sign3A_28 = arith.subi %sign3A_24, %sign3A_27 : i32
    %sign3A_29 = arith.constant 0 : i32
    %sign3A_30 = arith.cmpi sgt, %jit3A_22, %sign3A_29 : i32
    %sign3A_31 = arith.extui %sign3A_30 : i1 to i32
    %sign3A_32 = arith.constant 0 : i32
    %sign3A_33 = arith.cmpi slt, %jit3A_22, %sign3A_32 : i32
    %sign3A_34 = arith.extui %sign3A_33 : i1 to i32
    %sign3A_35 = arith.subi %sign3A_31, %sign3A_34 : i32
    %ne3A = arith.cmpi ne, %sign3A_28, %sign3A_35 : i32
    %rem3A = arith.remsi %add3A_21, %jit3A_22 : i32
    %ne3A_36 = arith.constant 0 : i32
    %ne3A_37 = arith.cmpi ne, %rem3A, %ne3A_36 : i32
    %and3A = arith.andi %ne3A, %ne3A_37 : i1
    %sub3A = arith.constant 1 : i32
    %sub3A_38 = arith.subi %div3A, %sub3A : i32
    %select_n3A_39 = arith.select %and3A, %sub3A_38, %div3A : i32
    %while3A = arith.constant 0 : i32
    %while3A_40 = arith.constant 0 : i32
    %while3A_41 = arith.subi %select_n3A_39, %while3A_40 : i32
    %while3A_42 = arith.addi %while3A_40, %while3A_41 : i32
    %while3A_43 = arith.constant 1 : i32
    %while3A_44 = arith.divsi %while3A_41, %while3A_43 : i32
    %while3A_45 = arith.muli %while3A_44, %while3A_43 : i32
    %while3A_46 = arith.addi %while3A_40, %while3A_45 : i32
    %while3A_47 = arith.constant 1 : i32
    scf.for %while3A_107 = %while3A_40 to %while3A_46 step %while3A_47  : i32 {
      %mul3A_108 = arith.constant 2 : i32
      %mul3A_109 = arith.muli %mul3A_108, %while3A_107 : i32
      %add3A_110 = arith.constant 1 : i32
      %add3A_111 = arith.addi %mul3A_109, %add3A_110 : i32
      %add3A_112 = arith.constant 2 : i32
      %add3A_113 = arith.addi %mul3A_109, %add3A_112 : i32
      %lt3A = arith.cmpi slt, %mul3A_109, %reduce_sum3A_17 : i32
      %convert_element_type3A_114 = arith.extui %lt3A : i1 to i32
      %cond3A_115 = arith.constant 0 : i32
      %cond3A_116 = arith.cmpi ne, %convert_element_type3A_114, %cond3A_115 : i32
      scf.if %cond3A_116 {
        %dma_wait3A = arith.constant 0 : i32
        %dma_wait3A_121 = arith.constant 0 : i32
        %dma_wait3A_122 = tpu.memref_slice %arg13[%dma_wait3A, %dma_wait3A_121] : memref<128x128xf32, #tpu.memory_space<vmem>> -> memref<64x128xf32, #tpu.memory_space<vmem>>
        %dma_wait3A_123 = arith.constant 0 : i32
        %dma_wait3A_124 = tpu.memref_slice %arg7[%dma_wait3A_123] : memref<128xi32, #tpu.memory_space<vmem>> -> memref<64xi32, #tpu.memory_space<vmem>>
        %dma_wait3A_125 = arith.constant 0 : i32
        %dma_wait3A_126 = arith.constant 0 : i32
        %dma_wait3A_127 = tpu.memref_slice %arg2[%dma_wait3A_125, %dma_wait3A_126] : memref<10240x128xf32, #tpu.memory_space<hbm>> -> memref<10240x128xf32, #tpu.memory_space<hbm>>
        tpu.wait_indirect_dma semaphore(%arg17 : memref<!tpu.dma_semaphore, #tpu.memory_space<semaphore_mem>>) src(%dma_wait3A_127 : memref<10240x128xf32, #tpu.memory_space<hbm>>) dst(%dma_wait3A_122 : memref<64x128xf32, #tpu.memory_space<vmem>>)
        %dma_wait3A_128 = arith.constant 64 : i32
        %dma_wait3A_129 = arith.constant 0 : i32
        %dma_wait3A_130 = tpu.memref_slice %arg13[%dma_wait3A_128, %dma_wait3A_129] : memref<128x128xf32, #tpu.memory_space<vmem>> -> memref<64x128xf32, #tpu.memory_space<vmem>>
        %dma_wait3A_131 = arith.constant 64 : i32
        %dma_wait3A_132 = tpu.memref_slice %arg7[%dma_wait3A_131] : memref<128xi32, #tpu.memory_space<vmem>> -> memref<64xi32, #tpu.memory_space<vmem>>
        %dma_wait3A_133 = arith.constant 0 : i32
        %dma_wait3A_134 = arith.constant 0 : i32
        %dma_wait3A_135 = tpu.memref_slice %arg2[%dma_wait3A_133, %dma_wait3A_134] : memref<10240x128xf32, #tpu.memory_space<hbm>> -> memref<10240x128xf32, #tpu.memory_space<hbm>>
        tpu.wait_indirect_dma semaphore(%arg19 : memref<!tpu.dma_semaphore, #tpu.memory_space<semaphore_mem>>) src(%dma_wait3A_135 : memref<10240x128xf32, #tpu.memory_space<hbm>>) dst(%dma_wait3A_130 : memref<64x128xf32, #tpu.memory_space<vmem>>)
        %lt3A_136 = arith.cmpi slt, %add3A_111, %reduce_sum3A_17 : i32
        %convert_element_type3A_137 = arith.extui %lt3A_136 : i1 to i32
        %cond3A_138 = arith.constant 0 : i32
        %cond3A_139 = arith.cmpi ne, %convert_element_type3A_137, %cond3A_138 : i32
        scf.if %cond3A_139 {
          %mul3A_187 = arith.constant 128 : i32
          %mul3A_188 = arith.muli %add3A_111, %mul3A_187 : i32
          "tpu.region"() ({
            %run_scoped3A = tpu.sem_alloc : memref<!tpu.dma_semaphore, #tpu.memory_space<semaphore_mem>>
            %dma_start3A_204 = tpu.memref_slice %arg3[%arg0, %add3A_11, %mul3A_188] : memref<2x32x10368xi32, #tpu.memory_space<hbm>> -> memref<1x1x128xi32, #tpu.memory_space<hbm>>
            %dma_start3A_205 = tpu.memref_squeeze %dma_start3A_204 : memref<1x1x128xi32, #tpu.memory_space<hbm>> -> memref<128xi32, #tpu.memory_space<hbm>>
            %dma_start3A_206 = tpu.memref_slice %arg3[%arg0, %add3A_11, %mul3A_188] : memref<2x32x10368xi32, #tpu.memory_space<hbm>> -> memref<1x1x128xi32, #tpu.memory_space<hbm>>
            %dma_start3A_207 = tpu.memref_squeeze %dma_start3A_206 : memref<1x1x128xi32, #tpu.memory_space<hbm>> -> memref<128xi32, #tpu.memory_space<hbm>>
            tpu.enqueue_dma source(%dma_start3A_207 : memref<128xi32, #tpu.memory_space<hbm>>) target(%arg8 : memref<128xi32, #tpu.memory_space<vmem>>) target_semaphore(%run_scoped3A : memref<!tpu.dma_semaphore, #tpu.memory_space<semaphore_mem>>)
            %dma_wait3A_208 = tpu.memref_slice %arg3[%arg0, %add3A_11, %mul3A_188] : memref<2x32x10368xi32, #tpu.memory_space<hbm>> -> memref<1x1x128xi32, #tpu.memory_space<hbm>>
            %dma_wait3A_209 = tpu.memref_squeeze %dma_wait3A_208 : memref<1x1x128xi32, #tpu.memory_space<hbm>> -> memref<128xi32, #tpu.memory_space<hbm>>
            %dma_wait3A_210 = tpu.memref_slice %arg3[%arg0, %add3A_11, %mul3A_188] : memref<2x32x10368xi32, #tpu.memory_space<hbm>> -> memref<1x1x128xi32, #tpu.memory_space<hbm>>
            %dma_wait3A_211 = tpu.memref_squeeze %dma_wait3A_210 : memref<1x1x128xi32, #tpu.memory_space<hbm>> -> memref<128xi32, #tpu.memory_space<hbm>>
            tpu.wait_dma2 semaphore(%run_scoped3A : memref<!tpu.dma_semaphore, #tpu.memory_space<semaphore_mem>>) src(%dma_wait3A_211 : memref<128xi32, #tpu.memory_space<hbm>>) dst(%arg8 : memref<128xi32, #tpu.memory_space<vmem>>)
            tpu.yield
          }) : () -> ()
          "tpu.region"() ({
            %run_scoped3A = tpu.sem_alloc : memref<!tpu.dma_semaphore, #tpu.memory_space<semaphore_mem>>
            %dma_start3A_204 = tpu.memref_slice %arg4[%arg0, %add3A_11, %mul3A_188] : memref<2x32x10368xi32, #tpu.memory_space<hbm>> -> memref<1x1x128xi32, #tpu.memory_space<hbm>>
            %dma_start3A_205 = tpu.memref_squeeze %dma_start3A_204 : memref<1x1x128xi32, #tpu.memory_space<hbm>> -> memref<128xi32, #tpu.memory_space<hbm>>
            %dma_start3A_206 = tpu.memref_slice %arg4[%arg0, %add3A_11, %mul3A_188] : memref<2x32x10368xi32, #tpu.memory_space<hbm>> -> memref<1x1x128xi32, #tpu.memory_space<hbm>>
            %dma_start3A_207 = tpu.memref_squeeze %dma_start3A_206 : memref<1x1x128xi32, #tpu.memory_space<hbm>> -> memref<128xi32, #tpu.memory_space<hbm>>
            tpu.enqueue_dma source(%dma_start3A_207 : memref<128xi32, #tpu.memory_space<hbm>>) target(%arg10 : memref<128xi32, #tpu.memory_space<vmem>>) target_semaphore(%run_scoped3A : memref<!tpu.dma_semaphore, #tpu.memory_space<semaphore_mem>>)
            %dma_wait3A_208 = tpu.memref_slice %arg4[%arg0, %add3A_11, %mul3A_188] : memref<2x32x10368xi32, #tpu.memory_space<hbm>> -> memref<1x1x128xi32, #tpu.memory_space<hbm>>
            %dma_wait3A_209 = tpu.memref_squeeze %dma_wait3A_208 : memref<1x1x128xi32, #tpu.memory_space<hbm>> -> memref<128xi32, #tpu.memory_space<hbm>>
            %dma_wait3A_210 = tpu.memref_slice %arg4[%arg0, %add3A_11, %mul3A_188] : memref<2x32x10368xi32, #tpu.memory_space<hbm>> -> memref<1x1x128xi32, #tpu.memory_space<hbm>>
            %dma_wait3A_211 = tpu.memref_squeeze %dma_wait3A_210 : memref<1x1x128xi32, #tpu.memory_space<hbm>> -> memref<128xi32, #tpu.memory_space<hbm>>
            tpu.wait_dma2 semaphore(%run_scoped3A : memref<!tpu.dma_semaphore, #tpu.memory_space<semaphore_mem>>) src(%dma_wait3A_211 : memref<128xi32, #tpu.memory_space<hbm>>) dst(%arg10 : memref<128xi32, #tpu.memory_space<vmem>>)
            tpu.yield
          }) : () -> ()
          %dma_start3A = arith.constant 0 : i32
          %dma_start3A_189 = arith.constant 0 : i32
          %dma_start3A_190 = tpu.memref_slice %arg14[%dma_start3A, %dma_start3A_189] : memref<128x128xf32, #tpu.memory_space<vmem>> -> memref<64x128xf32, #tpu.memory_space<vmem>>
          %dma_start3A_191 = arith.constant 0 : i32
          %dma_start3A_192 = tpu.memref_slice %arg8[%dma_start3A_191] : memref<128xi32, #tpu.memory_space<vmem>> -> memref<64xi32, #tpu.memory_space<vmem>>
          %dma_start3A_193 = arith.constant 0 : i32
          %dma_start3A_194 = arith.constant 0 : i32
          %dma_start3A_195 = tpu.memref_slice %arg2[%dma_start3A_193, %dma_start3A_194] : memref<10240x128xf32, #tpu.memory_space<hbm>> -> memref<10240x128xf32, #tpu.memory_space<hbm>>
          tpu.enqueue_indirect_dma source(%dma_start3A_195 : memref<10240x128xf32, #tpu.memory_space<hbm>>) target(%dma_start3A_190 : memref<64x128xf32, #tpu.memory_space<vmem>>) offsets(%dma_start3A_192 : memref<64xi32, #tpu.memory_space<vmem>>) semaphore(%arg18 : memref<!tpu.dma_semaphore, #tpu.memory_space<semaphore_mem>>)
          %dma_start3A_196 = arith.constant 64 : i32
          %dma_start3A_197 = arith.constant 0 : i32
          %dma_start3A_198 = tpu.memref_slice %arg14[%dma_start3A_196, %dma_start3A_197] : memref<128x128xf32, #tpu.memory_space<vmem>> -> memref<64x128xf32, #tpu.memory_space<vmem>>
          %dma_start3A_199 = arith.constant 64 : i32
          %dma_start3A_200 = tpu.memref_slice %arg8[%dma_start3A_199] : memref<128xi32, #tpu.memory_space<vmem>> -> memref<64xi32, #tpu.memory_space<vmem>>
          %dma_start3A_201 = arith.constant 0 : i32
          %dma_start3A_202 = arith.constant 0 : i32
          %dma_start3A_203 = tpu.memref_slice %arg2[%dma_start3A_201, %dma_start3A_202] : memref<10240x128xf32, #tpu.memory_space<hbm>> -> memref<10240x128xf32, #tpu.memory_space<hbm>>
          tpu.enqueue_indirect_dma source(%dma_start3A_203 : memref<10240x128xf32, #tpu.memory_space<hbm>>) target(%dma_start3A_198 : memref<64x128xf32, #tpu.memory_space<vmem>>) offsets(%dma_start3A_200 : memref<64xi32, #tpu.memory_space<vmem>>) semaphore(%arg20 : memref<!tpu.dma_semaphore, #tpu.memory_space<semaphore_mem>>)
        } else {
        }
        %get3A_140 = arith.constant 0 : index
        %get3A_141 = tpu.vector_load %arg9[%get3A_140] {strides = array<i32>} : memref<128xi32, #tpu.memory_space<vmem>>, vector<16xi32>,
        %sub3A_142 = vector.broadcast %mul3A_2 : i32 to vector<16xi32>
        %sub3A_143 = arith.subi %get3A_141, %sub3A_142 : vector<16xi32>
        %swap3A = arith.constant 0 : index
        %swap3A_144 = tpu.vector_load %arg11[%swap3A] {strides = array<i32>} : memref<128xi32, #tpu.memory_space<vmem>>, vector<16xi32>,
        tpu.vector_store %arg11[%swap3A], %sub3A_143 {strides = array<i32>} : memref<128xi32, #tpu.memory_space<vmem>>, vector<16xi32>,
        %get3A_145 = arith.constant 16 : index
        %get3A_146 = tpu.vector_load %arg9[%get3A_145] {strides = array<i32>} : memref<128xi32, #tpu.memory_space<vmem>>, vector<16xi32>,
        %sub3A_147 = vector.broadcast %mul3A_2 : i32 to vector<16xi32>
        %sub3A_148 = arith.subi %get3A_146, %sub3A_147 : vector<16xi32>
        %swap3A_149 = arith.constant 16 : index
        %swap3A_150 = tpu.vector_load %arg11[%swap3A_149] {strides = array<i32>} : memref<128xi32, #tpu.memory_space<vmem>>, vector<16xi32>,
        tpu.vector_store %arg11[%swap3A_149], %sub3A_148 {strides = array<i32>} : memref<128xi32, #tpu.memory_space<vmem>>, vector<16xi32>,
        %get3A_151 = arith.constant 32 : index
        %get3A_152 = tpu.vector_load %arg9[%get3A_151] {strides = array<i32>} : memref<128xi32, #tpu.memory_space<vmem>>, vector<16xi32>,
        %sub3A_153 = vector.broadcast %mul3A_2 : i32 to vector<16xi32>
        %sub3A_154 = arith.subi %get3A_152, %sub3A_153 : vector<16xi32>
        %swap3A_155 = arith.constant 32 : index
        %swap3A_156 = tpu.vector_load %arg11[%swap3A_155] {strides = array<i32>} : memref<128xi32, #tpu.memory_space<vmem>>, vector<16xi32>,
        tpu.vector_store %arg11[%swap3A_155], %sub3A_154 {strides = array<i32>} : memref<128xi32, #tpu.memory_space<vmem>>, vector<16xi32>,
        %get3A_157 = arith.constant 48 : index
        %get3A_158 = tpu.vector_load %arg9[%get3A_157] {strides = array<i32>} : memref<128xi32, #tpu.memory_space<vmem>>, vector<16xi32>,
        %sub3A_159 = vector.broadcast %mul3A_2 : i32 to vector<16xi32>
        %sub3A_160 = arith.subi %get3A_158, %sub3A_159 : vector<16xi32>
        %swap3A_161 = arith.constant 48 : index
        %swap3A_162 = tpu.vector_load %arg11[%swap3A_161] {strides = array<i32>} : memref<128xi32, #tpu.memory_space<vmem>>, vector<16xi32>,
        tpu.vector_store %arg11[%swap3A_161], %sub3A_160 {strides = array<i32>} : memref<128xi32, #tpu.memory_space<vmem>>, vector<16xi32>,
        %get3A_163 = arith.constant 64 : index
        %get3A_164 = tpu.vector_load %arg9[%get3A_163] {strides = array<i32>} : memref<128xi32, #tpu.memory_space<vmem>>, vector<16xi32>,
        %sub3A_165 = vector.broadcast %mul3A_2 : i32 to vector<16xi32>
        %sub3A_166 = arith.subi %get3A_164, %sub3A_165 : vector<16xi32>
        %swap3A_167 = arith.constant 64 : index
        %swap3A_168 = tpu.vector_load %arg11[%swap3A_167] {strides = array<i32>} : memref<128xi32, #tpu.memory_space<vmem>>, vector<16xi32>,
        tpu.vector_store %arg11[%swap3A_167], %sub3A_166 {strides = array<i32>} : memref<128xi32, #tpu.memory_space<vmem>>, vector<16xi32>,
        %get3A_169 = arith.constant 80 : index
        %get3A_170 = tpu.vector_load %arg9[%get3A_169] {strides = array<i32>} : memref<128xi32, #tpu.memory_space<vmem>>, vector<16xi32>,
        %sub3A_171 = vector.broadcast %mul3A_2 : i32 to vector<16xi32>
        %sub3A_172 = arith.subi %get3A_170, %sub3A_171 : vector<16xi32>
        %swap3A_173 = arith.constant 80 : index
        %swap3A_174 = tpu.vector_load %arg11[%swap3A_173] {strides = array<i32>} : memref<128xi32, #tpu.memory_space<vmem>>, vector<16xi32>,
        tpu.vector_store %arg11[%swap3A_173], %sub3A_172 {strides = array<i32>} : memref<128xi32, #tpu.memory_space<vmem>>, vector<16xi32>,
        %get3A_175 = arith.constant 96 : index
        %get3A_176 = tpu.vector_load %arg9[%get3A_175] {strides = array<i32>} : memref<128xi32, #tpu.memory_space<vmem>>, vector<16xi32>,
        %sub3A_177 = vector.broadcast %mul3A_2 : i32 to vector<16xi32>
        %sub3A_178 = arith.subi %get3A_176, %sub3A_177 : vector<16xi32>
        %swap3A_179 = arith.constant 96 : index
        %swap3A_180 = tpu.vector_load %arg11[%swap3A_179] {strides = array<i32>} : memref<128xi32, #tpu.memory_space<vmem>>, vector<16xi32>,
        tpu.vector_store %arg11[%swap3A_179], %sub3A_178 {strides = array<i32>} : memref<128xi32, #tpu.memory_space<vmem>>, vector<16xi32>,
        %get3A_181 = arith.constant 112 : index
        %get3A_182 = tpu.vector_load %arg9[%get3A_181] {strides = array<i32>} : memref<128xi32, #tpu.memory_space<vmem>>, vector<16xi32>,
        %sub3A_183 = vector.broadcast %mul3A_2 : i32 to vector<16xi32>
        %sub3A_184 = arith.subi %get3A_182, %sub3A_183 : vector<16xi32>
        %swap3A_185 = arith.constant 112 : index
        %swap3A_186 = tpu.vector_load %arg11[%swap3A_185] {strides = array<i32>} : memref<128xi32, #tpu.memory_space<vmem>>, vector<16xi32>,
        tpu.vector_store %arg11[%swap3A_185], %sub3A_184 {strides = array<i32>} : memref<128xi32, #tpu.memory_space<vmem>>, vector<16xi32>,
        "tpu.region"() ({
          %run_scoped3A = tpu.sem_alloc : memref<!tpu.dma_semaphore, #tpu.memory_space<semaphore_mem>>
          %dma_start3A = arith.constant 0 : i32
          %dma_start3A_187 = arith.constant 0 : i32
          %dma_start3A_188 = tpu.memref_slice %arg21[%dma_start3A, %dma_start3A_187] : memref<5248x128xf32, #tpu.memory_space<vmem_shared>> -> memref<5248x128xf32, #tpu.memory_space<vmem_shared>>
          tpu.enqueue_indirect_dma source(%arg13 : memref<128x128xf32, #tpu.memory_space<vmem>>) target(%dma_start3A_188 : memref<5248x128xf32, #tpu.memory_space<vmem_shared>>) offsets(%arg11 : memref<128xi32, #tpu.memory_space<vmem>>) semaphore(%run_scoped3A : memref<!tpu.dma_semaphore, #tpu.memory_space<semaphore_mem>>) {add = true}
          %dma_wait3A_189 = arith.constant 0 : i32
          %dma_wait3A_190 = arith.constant 0 : i32
          %dma_wait3A_191 = tpu.memref_slice %arg21[%dma_wait3A_189, %dma_wait3A_190] : memref<5248x128xf32, #tpu.memory_space<vmem_shared>> -> memref<5248x128xf32, #tpu.memory_space<vmem_shared>>
          tpu.wait_indirect_dma semaphore(%run_scoped3A : memref<!tpu.dma_semaphore, #tpu.memory_space<semaphore_mem>>) src(%arg13 : memref<128x128xf32, #tpu.memory_space<vmem>>) dst(%dma_wait3A_191 : memref<5248x128xf32, #tpu.memory_space<vmem_shared>>)
          tpu.yield
        }) : () -> ()
      } else {
      }
      %lt3A_117 = arith.cmpi slt, %add3A_111, %reduce_sum3A_17 : i32
      %convert_element_type3A_118 = arith.extui %lt3A_117 : i1 to i32
      %cond3A_119 = arith.constant 0 : i32
      %cond3A_120 = arith.cmpi ne, %convert_element_type3A_118, %cond3A_119 : i32
      scf.if %cond3A_120 {
        %dma_wait3A = arith.constant 0 : i32
        %dma_wait3A_121 = arith.constant 0 : i32
        %dma_wait3A_122 = tpu.memref_slice %arg14[%dma_wait3A, %dma_wait3A_121] : memref<128x128xf32, #tpu.memory_space<vmem>> -> memref<64x128xf32, #tpu.memory_space<vmem>>
        %dma_wait3A_123 = arith.constant 0 : i32
        %dma_wait3A_124 = tpu.memref_slice %arg8[%dma_wait3A_123] : memref<128xi32, #tpu.memory_space<vmem>> -> memref<64xi32, #tpu.memory_space<vmem>>
        %dma_wait3A_125 = arith.constant 0 : i32
        %dma_wait3A_126 = arith.constant 0 : i32
        %dma_wait3A_127 = tpu.memref_slice %arg2[%dma_wait3A_125, %dma_wait3A_126] : memref<10240x128xf32, #tpu.memory_space<hbm>> -> memref<10240x128xf32, #tpu.memory_space<hbm>>
        tpu.wait_indirect_dma semaphore(%arg18 : memref<!tpu.dma_semaphore, #tpu.memory_space<semaphore_mem>>) src(%dma_wait3A_127 : memref<10240x128xf32, #tpu.memory_space<hbm>>) dst(%dma_wait3A_122 : memref<64x128xf32, #tpu.memory_space<vmem>>)
        %dma_wait3A_128 = arith.constant 64 : i32
        %dma_wait3A_129 = arith.constant 0 : i32
        %dma_wait3A_130 = tpu.memref_slice %arg14[%dma_wait3A_128, %dma_wait3A_129] : memref<128x128xf32, #tpu.memory_space<vmem>> -> memref<64x128xf32, #tpu.memory_space<vmem>>
        %dma_wait3A_131 = arith.constant 64 : i32
        %dma_wait3A_132 = tpu.memref_slice %arg8[%dma_wait3A_131] : memref<128xi32, #tpu.memory_space<vmem>> -> memref<64xi32, #tpu.memory_space<vmem>>
        %dma_wait3A_133 = arith.constant 0 : i32
        %dma_wait3A_134 = arith.constant 0 : i32
        %dma_wait3A_135 = tpu.memref_slice %arg2[%dma_wait3A_133, %dma_wait3A_134] : memref<10240x128xf32, #tpu.memory_space<hbm>> -> memref<10240x128xf32, #tpu.memory_space<hbm>>
        tpu.wait_indirect_dma semaphore(%arg20 : memref<!tpu.dma_semaphore, #tpu.memory_space<semaphore_mem>>) src(%dma_wait3A_135 : memref<10240x128xf32, #tpu.memory_space<hbm>>) dst(%dma_wait3A_130 : memref<64x128xf32, #tpu.memory_space<vmem>>)
        %lt3A_136 = arith.cmpi slt, %add3A_113, %reduce_sum3A_17 : i32
        %convert_element_type3A_137 = arith.extui %lt3A_136 : i1 to i32
        %cond3A_138 = arith.constant 0 : i32
        %cond3A_139 = arith.cmpi ne, %convert_element_type3A_137, %cond3A_138 : i32
        scf.if %cond3A_139 {
          %mul3A_187 = arith.constant 128 : i32
          %mul3A_188 = arith.muli %add3A_113, %mul3A_187 : i32
          "tpu.region"() ({
            %run_scoped3A = tpu.sem_alloc : memref<!tpu.dma_semaphore, #tpu.memory_space<semaphore_mem>>
            %dma_start3A_204 = tpu.memref_slice %arg3[%arg0, %add3A_11, %mul3A_188] : memref<2x32x10368xi32, #tpu.memory_space<hbm>> -> memref<1x1x128xi32, #tpu.memory_space<hbm>>
            %dma_start3A_205 = tpu.memref_squeeze %dma_start3A_204 : memref<1x1x128xi32, #tpu.memory_space<hbm>> -> memref<128xi32, #tpu.memory_space<hbm>>
            %dma_start3A_206 = tpu.memref_slice %arg3[%arg0, %add3A_11, %mul3A_188] : memref<2x32x10368xi32, #tpu.memory_space<hbm>> -> memref<1x1x128xi32, #tpu.memory_space<hbm>>
            %dma_start3A_207 = tpu.memref_squeeze %dma_start3A_206 : memref<1x1x128xi32, #tpu.memory_space<hbm>> -> memref<128xi32, #tpu.memory_space<hbm>>
            tpu.enqueue_dma source(%dma_start3A_207 : memref<128xi32, #tpu.memory_space<hbm>>) target(%arg7 : memref<128xi32, #tpu.memory_space<vmem>>) target_semaphore(%run_scoped3A : memref<!tpu.dma_semaphore, #tpu.memory_space<semaphore_mem>>)
            %dma_wait3A_208 = tpu.memref_slice %arg3[%arg0, %add3A_11, %mul3A_188] : memref<2x32x10368xi32, #tpu.memory_space<hbm>> -> memref<1x1x128xi32, #tpu.memory_space<hbm>>
            %dma_wait3A_209 = tpu.memref_squeeze %dma_wait3A_208 : memref<1x1x128xi32, #tpu.memory_space<hbm>> -> memref<128xi32, #tpu.memory_space<hbm>>
            %dma_wait3A_210 = tpu.memref_slice %arg3[%arg0, %add3A_11, %mul3A_188] : memref<2x32x10368xi32, #tpu.memory_space<hbm>> -> memref<1x1x128xi32, #tpu.memory_space<hbm>>
            %dma_wait3A_211 = tpu.memref_squeeze %dma_wait3A_210 : memref<1x1x128xi32, #tpu.memory_space<hbm>> -> memref<128xi32, #tpu.memory_space<hbm>>
            tpu.wait_dma2 semaphore(%run_scoped3A : memref<!tpu.dma_semaphore, #tpu.memory_space<semaphore_mem>>) src(%dma_wait3A_211 : memref<128xi32, #tpu.memory_space<hbm>>) dst(%arg7 : memref<128xi32, #tpu.memory_space<vmem>>)
            tpu.yield
          }) : () -> ()
          "tpu.region"() ({
            %run_scoped3A = tpu.sem_alloc : memref<!tpu.dma_semaphore, #tpu.memory_space<semaphore_mem>>
            %dma_start3A_204 = tpu.memref_slice %arg4[%arg0, %add3A_11, %mul3A_188] : memref<2x32x10368xi32, #tpu.memory_space<hbm>> -> memref<1x1x128xi32, #tpu.memory_space<hbm>>
            %dma_start3A_205 = tpu.memref_squeeze %dma_start3A_204 : memref<1x1x128xi32, #tpu.memory_space<hbm>> -> memref<128xi32, #tpu.memory_space<hbm>>
            %dma_start3A_206 = tpu.memref_slice %arg4[%arg0, %add3A_11, %mul3A_188] : memref<2x32x10368xi32, #tpu.memory_space<hbm>> -> memref<1x1x128xi32, #tpu.memory_space<hbm>>
            %dma_start3A_207 = tpu.memref_squeeze %dma_start3A_206 : memref<1x1x128xi32, #tpu.memory_space<hbm>> -> memref<128xi32, #tpu.memory_space<hbm>>
            tpu.enqueue_dma source(%dma_start3A_207 : memref<128xi32, #tpu.memory_space<hbm>>) target(%arg9 : memref<128xi32, #tpu.memory_space<vmem>>) target_semaphore(%run_scoped3A : memref<!tpu.dma_semaphore, #tpu.memory_space<semaphore_mem>>)
            %dma_wait3A_208 = tpu.memref_slice %arg4[%arg0, %add3A_11, %mul3A_188] : memref<2x32x10368xi32, #tpu.memory_space<hbm>> -> memref<1x1x128xi32, #tpu.memory_space<hbm>>
            %dma_wait3A_209 = tpu.memref_squeeze %dma_wait3A_208 : memref<1x1x128xi32, #tpu.memory_space<hbm>> -> memref<128xi32, #tpu.memory_space<hbm>>
            %dma_wait3A_210 = tpu.memref_slice %arg4[%arg0, %add3A_11, %mul3A_188] : memref<2x32x10368xi32, #tpu.memory_space<hbm>> -> memref<1x1x128xi32, #tpu.memory_space<hbm>>
            %dma_wait3A_211 = tpu.memref_squeeze %dma_wait3A_210 : memref<1x1x128xi32, #tpu.memory_space<hbm>> -> memref<128xi32, #tpu.memory_space<hbm>>
            tpu.wait_dma2 semaphore(%run_scoped3A : memref<!tpu.dma_semaphore, #tpu.memory_space<semaphore_mem>>) src(%dma_wait3A_211 : memref<128xi32, #tpu.memory_space<hbm>>) dst(%arg9 : memref<128xi32, #tpu.memory_space<vmem>>)
            tpu.yield
          }) : () -> ()
          %dma_start3A = arith.constant 0 : i32
          %dma_start3A_189 = arith.constant 0 : i32
          %dma_start3A_190 = tpu.memref_slice %arg13[%dma_start3A, %dma_start3A_189] : memref<128x128xf32, #tpu.memory_space<vmem>> -> memref<64x128xf32, #tpu.memory_space<vmem>>
          %dma_start3A_191 = arith.constant 0 : i32
          %dma_start3A_192 = tpu.memref_slice %arg7[%dma_start3A_191] : memref<128xi32, #tpu.memory_space<vmem>> -> memref<64xi32, #tpu.memory_space<vmem>>
          %dma_start3A_193 = arith.constant 0 : i32
          %dma_start3A_194 = arith.constant 0 : i32
          %dma_start3A_195 = tpu.memref_slice %arg2[%dma_start3A_193, %dma_start3A_194] : memref<10240x128xf32, #tpu.memory_space<hbm>> -> memref<10240x128xf32, #tpu.memory_space<hbm>>
          tpu.enqueue_indirect_dma source(%dma_start3A_195 : memref<10240x128xf32, #tpu.memory_space<hbm>>) target(%dma_start3A_190 : memref<64x128xf32, #tpu.memory_space<vmem>>) offsets(%dma_start3A_192 : memref<64xi32, #tpu.memory_space<vmem>>) semaphore(%arg17 : memref<!tpu.dma_semaphore, #tpu.memory_space<semaphore_mem>>)
          %dma_start3A_196 = arith.constant 64 : i32
          %dma_start3A_197 = arith.constant 0 : i32
          %dma_start3A_198 = tpu.memref_slice %arg13[%dma_start3A_196, %dma_start3A_197] : memref<128x128xf32, #tpu.memory_space<vmem>> -> memref<64x128xf32, #tpu.memory_space<vmem>>
          %dma_start3A_199 = arith.constant 64 : i32
          %dma_start3A_200 = tpu.memref_slice %arg7[%dma_start3A_199] : memref<128xi32, #tpu.memory_space<vmem>> -> memref<64xi32, #tpu.memory_space<vmem>>
          %dma_start3A_201 = arith.constant 0 : i32
          %dma_start3A_202 = arith.constant 0 : i32
          %dma_start3A_203 = tpu.memref_slice %arg2[%dma_start3A_201, %dma_start3A_202] : memref<10240x128xf32, #tpu.memory_space<hbm>> -> memref<10240x128xf32, #tpu.memory_space<hbm>>
          tpu.enqueue_indirect_dma source(%dma_start3A_203 : memref<10240x128xf32, #tpu.memory_space<hbm>>) target(%dma_start3A_198 : memref<64x128xf32, #tpu.memory_space<vmem>>) offsets(%dma_start3A_200 : memref<64xi32, #tpu.memory_space<vmem>>) semaphore(%arg19 : memref<!tpu.dma_semaphore, #tpu.memory_space<semaphore_mem>>)
        } else {
        }
        %get3A_140 = arith.constant 0 : index
        %get3A_141 = tpu.vector_load %arg10[%get3A_140] {strides = array<i32>} : memref<128xi32, #tpu.memory_space<vmem>>, vector<16xi32>,
        %sub3A_142 = vector.broadcast %mul3A_2 : i32 to vector<16xi32>
        %sub3A_143 = arith.subi %get3A_141, %sub3A_142 : vector<16xi32>
        %swap3A = arith.constant 0 : index
        %swap3A_144 = tpu.vector_load %arg12[%swap3A] {strides = array<i32>} : memref<128xi32, #tpu.memory_space<vmem>>, vector<16xi32>,
        tpu.vector_store %arg12[%swap3A], %sub3A_143 {strides = array<i32>} : memref<128xi32, #tpu.memory_space<vmem>>, vector<16xi32>,
        %get3A_145 = arith.constant 16 : index
        %get3A_146 = tpu.vector_load %arg10[%get3A_145] {strides = array<i32>} : memref<128xi32, #tpu.memory_space<vmem>>, vector<16xi32>,
        %sub3A_147 = vector.broadcast %mul3A_2 : i32 to vector<16xi32>
        %sub3A_148 = arith.subi %get3A_146, %sub3A_147 : vector<16xi32>
        %swap3A_149 = arith.constant 16 : index
        %swap3A_150 = tpu.vector_load %arg12[%swap3A_149] {strides = array<i32>} : memref<128xi32, #tpu.memory_space<vmem>>, vector<16xi32>,
        tpu.vector_store %arg12[%swap3A_149], %sub3A_148 {strides = array<i32>} : memref<128xi32, #tpu.memory_space<vmem>>, vector<16xi32>,
        %get3A_151 = arith.constant 32 : index
        %get3A_152 = tpu.vector_load %arg10[%get3A_151] {strides = array<i32>} : memref<128xi32, #tpu.memory_space<vmem>>, vector<16xi32>,
        %sub3A_153 = vector.broadcast %mul3A_2 : i32 to vector<16xi32>
        %sub3A_154 = arith.subi %get3A_152, %sub3A_153 : vector<16xi32>
        %swap3A_155 = arith.constant 32 : index
        %swap3A_156 = tpu.vector_load %arg12[%swap3A_155] {strides = array<i32>} : memref<128xi32, #tpu.memory_space<vmem>>, vector<16xi32>,
        tpu.vector_store %arg12[%swap3A_155], %sub3A_154 {strides = array<i32>} : memref<128xi32, #tpu.memory_space<vmem>>, vector<16xi32>,
        %get3A_157 = arith.constant 48 : index
        %get3A_158 = tpu.vector_load %arg10[%get3A_157] {strides = array<i32>} : memref<128xi32, #tpu.memory_space<vmem>>, vector<16xi32>,
        %sub3A_159 = vector.broadcast %mul3A_2 : i32 to vector<16xi32>
        %sub3A_160 = arith.subi %get3A_158, %sub3A_159 : vector<16xi32>
        %swap3A_161 = arith.constant 48 : index
        %swap3A_162 = tpu.vector_load %arg12[%swap3A_161] {strides = array<i32>} : memref<128xi32, #tpu.memory_space<vmem>>, vector<16xi32>,
        tpu.vector_store %arg12[%swap3A_161], %sub3A_160 {strides = array<i32>} : memref<128xi32, #tpu.memory_space<vmem>>, vector<16xi32>,
        %get3A_163 = arith.constant 64 : index
        %get3A_164 = tpu.vector_load %arg10[%get3A_163] {strides = array<i32>} : memref<128xi32, #tpu.memory_space<vmem>>, vector<16xi32>,
        %sub3A_165 = vector.broadcast %mul3A_2 : i32 to vector<16xi32>
        %sub3A_166 = arith.subi %get3A_164, %sub3A_165 : vector<16xi32>
        %swap3A_167 = arith.constant 64 : index
        %swap3A_168 = tpu.vector_load %arg12[%swap3A_167] {strides = array<i32>} : memref<128xi32, #tpu.memory_space<vmem>>, vector<16xi32>,
        tpu.vector_store %arg12[%swap3A_167], %sub3A_166 {strides = array<i32>} : memref<128xi32, #tpu.memory_space<vmem>>, vector<16xi32>,
        %get3A_169 = arith.constant 80 : index
        %get3A_170 = tpu.vector_load %arg10[%get3A_169] {strides = array<i32>} : memref<128xi32, #tpu.memory_space<vmem>>, vector<16xi32>,
        %sub3A_171 = vector.broadcast %mul3A_2 : i32 to vector<16xi32>
        %sub3A_172 = arith.subi %get3A_170, %sub3A_171 : vector<16xi32>
        %swap3A_173 = arith.constant 80 : index
        %swap3A_174 = tpu.vector_load %arg12[%swap3A_173] {strides = array<i32>} : memref<128xi32, #tpu.memory_space<vmem>>, vector<16xi32>,
        tpu.vector_store %arg12[%swap3A_173], %sub3A_172 {strides = array<i32>} : memref<128xi32, #tpu.memory_space<vmem>>, vector<16xi32>,
        %get3A_175 = arith.constant 96 : index
        %get3A_176 = tpu.vector_load %arg10[%get3A_175] {strides = array<i32>} : memref<128xi32, #tpu.memory_space<vmem>>, vector<16xi32>,
        %sub3A_177 = vector.broadcast %mul3A_2 : i32 to vector<16xi32>
        %sub3A_178 = arith.subi %get3A_176, %sub3A_177 : vector<16xi32>
        %swap3A_179 = arith.constant 96 : index
        %swap3A_180 = tpu.vector_load %arg12[%swap3A_179] {strides = array<i32>} : memref<128xi32, #tpu.memory_space<vmem>>, vector<16xi32>,
        tpu.vector_store %arg12[%swap3A_179], %sub3A_178 {strides = array<i32>} : memref<128xi32, #tpu.memory_space<vmem>>, vector<16xi32>,
        %get3A_181 = arith.constant 112 : index
        %get3A_182 = tpu.vector_load %arg10[%get3A_181] {strides = array<i32>} : memref<128xi32, #tpu.memory_space<vmem>>, vector<16xi32>,
        %sub3A_183 = vector.broadcast %mul3A_2 : i32 to vector<16xi32>
        %sub3A_184 = arith.subi %get3A_182, %sub3A_183 : vector<16xi32>
        %swap3A_185 = arith.constant 112 : index
        %swap3A_186 = tpu.vector_load %arg12[%swap3A_185] {strides = array<i32>} : memref<128xi32, #tpu.memory_space<vmem>>, vector<16xi32>,
        tpu.vector_store %arg12[%swap3A_185], %sub3A_184 {strides = array<i32>} : memref<128xi32, #tpu.memory_space<vmem>>, vector<16xi32>,
        "tpu.region"() ({
          %run_scoped3A = tpu.sem_alloc : memref<!tpu.dma_semaphore, #tpu.memory_space<semaphore_mem>>
          %dma_start3A = arith.constant 0 : i32
          %dma_start3A_187 = arith.constant 0 : i32
          %dma_start3A_188 = tpu.memref_slice %arg21[%dma_start3A, %dma_start3A_187] : memref<5248x128xf32, #tpu.memory_space<vmem_shared>> -> memref<5248x128xf32, #tpu.memory_space<vmem_shared>>
          tpu.enqueue_indirect_dma source(%arg14 : memref<128x128xf32, #tpu.memory_space<vmem>>) target(%dma_start3A_188 : memref<5248x128xf32, #tpu.memory_space<vmem_shared>>) offsets(%arg12 : memref<128xi32, #tpu.memory_space<vmem>>) semaphore(%run_scoped3A : memref<!tpu.dma_semaphore, #tpu.memory_space<semaphore_mem>>) {add = true}
          %dma_wait3A_189 = arith.constant 0 : i32
          %dma_wait3A_190 = arith.constant 0 : i32
          %dma_wait3A_191 = tpu.memref_slice %arg21[%dma_wait3A_189, %dma_wait3A_190] : memref<5248x128xf32, #tpu.memory_space<vmem_shared>> -> memref<5248x128xf32, #tpu.memory_space<vmem_shared>>
          tpu.wait_indirect_dma semaphore(%run_scoped3A : memref<!tpu.dma_semaphore, #tpu.memory_space<semaphore_mem>>) src(%arg14 : memref<128x128xf32, #tpu.memory_space<vmem>>) dst(%dma_wait3A_191 : memref<5248x128xf32, #tpu.memory_space<vmem_shared>>)
          tpu.yield
        }) : () -> ()
      } else {
      }
    }
    %while3A_48 = arith.constant 1 : i32
    scf.for %while3A_107 = %while3A_46 to %while3A_42 step %while3A_48  : i32 {
      %mul3A_108 = arith.constant 2 : i32
      %mul3A_109 = arith.muli %mul3A_108, %while3A_107 : i32
      %add3A_110 = arith.constant 1 : i32
      %add3A_111 = arith.addi %mul3A_109, %add3A_110 : i32
      %add3A_112 = arith.constant 2 : i32
      %add3A_113 = arith.addi %mul3A_109, %add3A_112 : i32
      %lt3A = arith.cmpi slt, %mul3A_109, %reduce_sum3A_17 : i32
      %convert_element_type3A_114 = arith.extui %lt3A : i1 to i32
      %cond3A_115 = arith.constant 0 : i32
      %cond3A_116 = arith.cmpi ne, %convert_element_type3A_114, %cond3A_115 : i32
      scf.if %cond3A_116 {
        %dma_wait3A = arith.constant 0 : i32
        %dma_wait3A_121 = arith.constant 0 : i32
        %dma_wait3A_122 = tpu.memref_slice %arg13[%dma_wait3A, %dma_wait3A_121] : memref<128x128xf32, #tpu.memory_space<vmem>> -> memref<64x128xf32, #tpu.memory_space<vmem>>
        %dma_wait3A_123 = arith.constant 0 : i32
        %dma_wait3A_124 = tpu.memref_slice %arg7[%dma_wait3A_123] : memref<128xi32, #tpu.memory_space<vmem>> -> memref<64xi32, #tpu.memory_space<vmem>>
        %dma_wait3A_125 = arith.constant 0 : i32
        %dma_wait3A_126 = arith.constant 0 : i32
        %dma_wait3A_127 = tpu.memref_slice %arg2[%dma_wait3A_125, %dma_wait3A_126] : memref<10240x128xf32, #tpu.memory_space<hbm>> -> memref<10240x128xf32, #tpu.memory_space<hbm>>
        tpu.wait_indirect_dma semaphore(%arg17 : memref<!tpu.dma_semaphore, #tpu.memory_space<semaphore_mem>>) src(%dma_wait3A_127 : memref<10240x128xf32, #tpu.memory_space<hbm>>) dst(%dma_wait3A_122 : memref<64x128xf32, #tpu.memory_space<vmem>>)
        %dma_wait3A_128 = arith.constant 64 : i32
        %dma_wait3A_129 = arith.constant 0 : i32
        %dma_wait3A_130 = tpu.memref_slice %arg13[%dma_wait3A_128, %dma_wait3A_129] : memref<128x128xf32, #tpu.memory_space<vmem>> -> memref<64x128xf32, #tpu.memory_space<vmem>>
        %dma_wait3A_131 = arith.constant 64 : i32
        %dma_wait3A_132 = tpu.memref_slice %arg7[%dma_wait3A_131] : memref<128xi32, #tpu.memory_space<vmem>> -> memref<64xi32, #tpu.memory_space<vmem>>
        %dma_wait3A_133 = arith.constant 0 : i32
        %dma_wait3A_134 = arith.constant 0 : i32
        %dma_wait3A_135 = tpu.memref_slice %arg2[%dma_wait3A_133, %dma_wait3A_134] : memref<10240x128xf32, #tpu.memory_space<hbm>> -> memref<10240x128xf32, #tpu.memory_space<hbm>>
        tpu.wait_indirect_dma semaphore(%arg19 : memref<!tpu.dma_semaphore, #tpu.memory_space<semaphore_mem>>) src(%dma_wait3A_135 : memref<10240x128xf32, #tpu.memory_space<hbm>>) dst(%dma_wait3A_130 : memref<64x128xf32, #tpu.memory_space<vmem>>)
        %lt3A_136 = arith.cmpi slt, %add3A_111, %reduce_sum3A_17 : i32
        %convert_element_type3A_137 = arith.extui %lt3A_136 : i1 to i32
        %cond3A_138 = arith.constant 0 : i32
        %cond3A_139 = arith.cmpi ne, %convert_element_type3A_137, %cond3A_138 : i32
        scf.if %cond3A_139 {
          %mul3A_187 = arith.constant 128 : i32
          %mul3A_188 = arith.muli %add3A_111, %mul3A_187 : i32
          "tpu.region"() ({
            %run_scoped3A = tpu.sem_alloc : memref<!tpu.dma_semaphore, #tpu.memory_space<semaphore_mem>>
            %dma_start3A_204 = tpu.memref_slice %arg3[%arg0, %add3A_11, %mul3A_188] : memref<2x32x10368xi32, #tpu.memory_space<hbm>> -> memref<1x1x128xi32, #tpu.memory_space<hbm>>
            %dma_start3A_205 = tpu.memref_squeeze %dma_start3A_204 : memref<1x1x128xi32, #tpu.memory_space<hbm>> -> memref<128xi32, #tpu.memory_space<hbm>>
            %dma_start3A_206 = tpu.memref_slice %arg3[%arg0, %add3A_11, %mul3A_188] : memref<2x32x10368xi32, #tpu.memory_space<hbm>> -> memref<1x1x128xi32, #tpu.memory_space<hbm>>
            %dma_start3A_207 = tpu.memref_squeeze %dma_start3A_206 : memref<1x1x128xi32, #tpu.memory_space<hbm>> -> memref<128xi32, #tpu.memory_space<hbm>>
            tpu.enqueue_dma source(%dma_start3A_207 : memref<128xi32, #tpu.memory_space<hbm>>) target(%arg8 : memref<128xi32, #tpu.memory_space<vmem>>) target_semaphore(%run_scoped3A : memref<!tpu.dma_semaphore, #tpu.memory_space<semaphore_mem>>)
            %dma_wait3A_208 = tpu.memref_slice %arg3[%arg0, %add3A_11, %mul3A_188] : memref<2x32x10368xi32, #tpu.memory_space<hbm>> -> memref<1x1x128xi32, #tpu.memory_space<hbm>>
            %dma_wait3A_209 = tpu.memref_squeeze %dma_wait3A_208 : memref<1x1x128xi32, #tpu.memory_space<hbm>> -> memref<128xi32, #tpu.memory_space<hbm>>
            %dma_wait3A_210 = tpu.memref_slice %arg3[%arg0, %add3A_11, %mul3A_188] : memref<2x32x10368xi32, #tpu.memory_space<hbm>> -> memref<1x1x128xi32, #tpu.memory_space<hbm>>
            %dma_wait3A_211 = tpu.memref_squeeze %dma_wait3A_210 : memref<1x1x128xi32, #tpu.memory_space<hbm>> -> memref<128xi32, #tpu.memory_space<hbm>>
            tpu.wait_dma2 semaphore(%run_scoped3A : memref<!tpu.dma_semaphore, #tpu.memory_space<semaphore_mem>>) src(%dma_wait3A_211 : memref<128xi32, #tpu.memory_space<hbm>>) dst(%arg8 : memref<128xi32, #tpu.memory_space<vmem>>)
            tpu.yield
          }) : () -> ()
          "tpu.region"() ({
            %run_scoped3A = tpu.sem_alloc : memref<!tpu.dma_semaphore, #tpu.memory_space<semaphore_mem>>
            %dma_start3A_204 = tpu.memref_slice %arg4[%arg0, %add3A_11, %mul3A_188] : memref<2x32x10368xi32, #tpu.memory_space<hbm>> -> memref<1x1x128xi32, #tpu.memory_space<hbm>>
            %dma_start3A_205 = tpu.memref_squeeze %dma_start3A_204 : memref<1x1x128xi32, #tpu.memory_space<hbm>> -> memref<128xi32, #tpu.memory_space<hbm>>
            %dma_start3A_206 = tpu.memref_slice %arg4[%arg0, %add3A_11, %mul3A_188] : memref<2x32x10368xi32, #tpu.memory_space<hbm>> -> memref<1x1x128xi32, #tpu.memory_space<hbm>>
            %dma_start3A_207 = tpu.memref_squeeze %dma_start3A_206 : memref<1x1x128xi32, #tpu.memory_space<hbm>> -> memref<128xi32, #tpu.memory_space<hbm>>
            tpu.enqueue_dma source(%dma_start3A_207 : memref<128xi32, #tpu.memory_space<hbm>>) target(%arg10 : memref<128xi32, #tpu.memory_space<vmem>>) target_semaphore(%run_scoped3A : memref<!tpu.dma_semaphore, #tpu.memory_space<semaphore_mem>>)
            %dma_wait3A_208 = tpu.memref_slice %arg4[%arg0, %add3A_11, %mul3A_188] : memref<2x32x10368xi32, #tpu.memory_space<hbm>> -> memref<1x1x128xi32, #tpu.memory_space<hbm>>
            %dma_wait3A_209 = tpu.memref_squeeze %dma_wait3A_208 : memref<1x1x128xi32, #tpu.memory_space<hbm>> -> memref<128xi32, #tpu.memory_space<hbm>>
            %dma_wait3A_210 = tpu.memref_slice %arg4[%arg0, %add3A_11, %mul3A_188] : memref<2x32x10368xi32, #tpu.memory_space<hbm>> -> memref<1x1x128xi32, #tpu.memory_space<hbm>>
            %dma_wait3A_211 = tpu.memref_squeeze %dma_wait3A_210 : memref<1x1x128xi32, #tpu.memory_space<hbm>> -> memref<128xi32, #tpu.memory_space<hbm>>
            tpu.wait_dma2 semaphore(%run_scoped3A : memref<!tpu.dma_semaphore, #tpu.memory_space<semaphore_mem>>) src(%dma_wait3A_211 : memref<128xi32, #tpu.memory_space<hbm>>) dst(%arg10 : memref<128xi32, #tpu.memory_space<vmem>>)
            tpu.yield
          }) : () -> ()
          %dma_start3A = arith.constant 0 : i32
          %dma_start3A_189 = arith.constant 0 : i32
          %dma_start3A_190 = tpu.memref_slice %arg14[%dma_start3A, %dma_start3A_189] : memref<128x128xf32, #tpu.memory_space<vmem>> -> memref<64x128xf32, #tpu.memory_space<vmem>>
          %dma_start3A_191 = arith.constant 0 : i32
          %dma_start3A_192 = tpu.memref_slice %arg8[%dma_start3A_191] : memref<128xi32, #tpu.memory_space<vmem>> -> memref<64xi32, #tpu.memory_space<vmem>>
          %dma_start3A_193 = arith.constant 0 : i32
          %dma_start3A_194 = arith.constant 0 : i32
          %dma_start3A_195 = tpu.memref_slice %arg2[%dma_start3A_193, %dma_start3A_194] : memref<10240x128xf32, #tpu.memory_space<hbm>> -> memref<10240x128xf32, #tpu.memory_space<hbm>>
          tpu.enqueue_indirect_dma source(%dma_start3A_195 : memref<10240x128xf32, #tpu.memory_space<hbm>>) target(%dma_start3A_190 : memref<64x128xf32, #tpu.memory_space<vmem>>) offsets(%dma_start3A_192 : memref<64xi32, #tpu.memory_space<vmem>>) semaphore(%arg18 : memref<!tpu.dma_semaphore, #tpu.memory_space<semaphore_mem>>)
          %dma_start3A_196 = arith.constant 64 : i32
          %dma_start3A_197 = arith.constant 0 : i32
          %dma_start3A_198 = tpu.memref_slice %arg14[%dma_start3A_196, %dma_start3A_197] : memref<128x128xf32, #tpu.memory_space<vmem>> -> memref<64x128xf32, #tpu.memory_space<vmem>>
          %dma_start3A_199 = arith.constant 64 : i32
          %dma_start3A_200 = tpu.memref_slice %arg8[%dma_start3A_199] : memref<128xi32, #tpu.memory_space<vmem>> -> memref<64xi32, #tpu.memory_space<vmem>>
          %dma_start3A_201 = arith.constant 0 : i32
          %dma_start3A_202 = arith.constant 0 : i32
          %dma_start3A_203 = tpu.memref_slice %arg2[%dma_start3A_201, %dma_start3A_202] : memref<10240x128xf32, #tpu.memory_space<hbm>> -> memref<10240x128xf32, #tpu.memory_space<hbm>>
          tpu.enqueue_indirect_dma source(%dma_start3A_203 : memref<10240x128xf32, #tpu.memory_space<hbm>>) target(%dma_start3A_198 : memref<64x128xf32, #tpu.memory_space<vmem>>) offsets(%dma_start3A_200 : memref<64xi32, #tpu.memory_space<vmem>>) semaphore(%arg20 : memref<!tpu.dma_semaphore, #tpu.memory_space<semaphore_mem>>)
        } else {
        }
        %get3A_140 = arith.constant 0 : index
        %get3A_141 = tpu.vector_load %arg9[%get3A_140] {strides = array<i32>} : memref<128xi32, #tpu.memory_space<vmem>>, vector<16xi32>,
        %sub3A_142 = vector.broadcast %mul3A_2 : i32 to vector<16xi32>
        %sub3A_143 = arith.subi %get3A_141, %sub3A_142 : vector<16xi32>
        %swap3A = arith.constant 0 : index
        %swap3A_144 = tpu.vector_load %arg11[%swap3A] {strides = array<i32>} : memref<128xi32, #tpu.memory_space<vmem>>, vector<16xi32>,
        tpu.vector_store %arg11[%swap3A], %sub3A_143 {strides = array<i32>} : memref<128xi32, #tpu.memory_space<vmem>>, vector<16xi32>,
        %get3A_145 = arith.constant 16 : index
        %get3A_146 = tpu.vector_load %arg9[%get3A_145] {strides = array<i32>} : memref<128xi32, #tpu.memory_space<vmem>>, vector<16xi32>,
        %sub3A_147 = vector.broadcast %mul3A_2 : i32 to vector<16xi32>
        %sub3A_148 = arith.subi %get3A_146, %sub3A_147 : vector<16xi32>
        %swap3A_149 = arith.constant 16 : index
        %swap3A_150 = tpu.vector_load %arg11[%swap3A_149] {strides = array<i32>} : memref<128xi32, #tpu.memory_space<vmem>>, vector<16xi32>,
        tpu.vector_store %arg11[%swap3A_149], %sub3A_148 {strides = array<i32>} : memref<128xi32, #tpu.memory_space<vmem>>, vector<16xi32>,
        %get3A_151 = arith.constant 32 : index
        %get3A_152 = tpu.vector_load %arg9[%get3A_151] {strides = array<i32>} : memref<128xi32, #tpu.memory_space<vmem>>, vector<16xi32>,
        %sub3A_153 = vector.broadcast %mul3A_2 : i32 to vector<16xi32>
        %sub3A_154 = arith.subi %get3A_152, %sub3A_153 : vector<16xi32>
        %swap3A_155 = arith.constant 32 : index
        %swap3A_156 = tpu.vector_load %arg11[%swap3A_155] {strides = array<i32>} : memref<128xi32, #tpu.memory_space<vmem>>, vector<16xi32>,
        tpu.vector_store %arg11[%swap3A_155], %sub3A_154 {strides = array<i32>} : memref<128xi32, #tpu.memory_space<vmem>>, vector<16xi32>,
        %get3A_157 = arith.constant 48 : index
        %get3A_158 = tpu.vector_load %arg9[%get3A_157] {strides = array<i32>} : memref<128xi32, #tpu.memory_space<vmem>>, vector<16xi32>,
        %sub3A_159 = vector.broadcast %mul3A_2 : i32 to vector<16xi32>
        %sub3A_160 = arith.subi %get3A_158, %sub3A_159 : vector<16xi32>
        %swap3A_161 = arith.constant 48 : index
        %swap3A_162 = tpu.vector_load %arg11[%swap3A_161] {strides = array<i32>} : memref<128xi32, #tpu.memory_space<vmem>>, vector<16xi32>,
        tpu.vector_store %arg11[%swap3A_161], %sub3A_160 {strides = array<i32>} : memref<128xi32, #tpu.memory_space<vmem>>, vector<16xi32>,
        %get3A_163 = arith.constant 64 : index
        %get3A_164 = tpu.vector_load %arg9[%get3A_163] {strides = array<i32>} : memref<128xi32, #tpu.memory_space<vmem>>, vector<16xi32>,
        %sub3A_165 = vector.broadcast %mul3A_2 : i32 to vector<16xi32>
        %sub3A_166 = arith.subi %get3A_164, %sub3A_165 : vector<16xi32>
        %swap3A_167 = arith.constant 64 : index
        %swap3A_168 = tpu.vector_load %arg11[%swap3A_167] {strides = array<i32>} : memref<128xi32, #tpu.memory_space<vmem>>, vector<16xi32>,
        tpu.vector_store %arg11[%swap3A_167], %sub3A_166 {strides = array<i32>} : memref<128xi32, #tpu.memory_space<vmem>>, vector<16xi32>,
        %get3A_169 = arith.constant 80 : index
        %get3A_170 = tpu.vector_load %arg9[%get3A_169] {strides = array<i32>} : memref<128xi32, #tpu.memory_space<vmem>>, vector<16xi32>,
        %sub3A_171 = vector.broadcast %mul3A_2 : i32 to vector<16xi32>
        %sub3A_172 = arith.subi %get3A_170, %sub3A_171 : vector<16xi32>
        %swap3A_173 = arith.constant 80 : index
        %swap3A_174 = tpu.vector_load %arg11[%swap3A_173] {strides = array<i32>} : memref<128xi32, #tpu.memory_space<vmem>>, vector<16xi32>,
        tpu.vector_store %arg11[%swap3A_173], %sub3A_172 {strides = array<i32>} : memref<128xi32, #tpu.memory_space<vmem>>, vector<16xi32>,
        %get3A_175 = arith.constant 96 : index
        %get3A_176 = tpu.vector_load %arg9[%get3A_175] {strides = array<i32>} : memref<128xi32, #tpu.memory_space<vmem>>, vector<16xi32>,
        %sub3A_177 = vector.broadcast %mul3A_2 : i32 to vector<16xi32>
        %sub3A_178 = arith.subi %get3A_176, %sub3A_177 : vector<16xi32>
        %swap3A_179 = arith.constant 96 : index
        %swap3A_180 = tpu.vector_load %arg11[%swap3A_179] {strides = array<i32>} : memref<128xi32, #tpu.memory_space<vmem>>, vector<16xi32>,
        tpu.vector_store %arg11[%swap3A_179], %sub3A_178 {strides = array<i32>} : memref<128xi32, #tpu.memory_space<vmem>>, vector<16xi32>,
        %get3A_181 = arith.constant 112 : index
        %get3A_182 = tpu.vector_load %arg9[%get3A_181] {strides = array<i32>} : memref<128xi32, #tpu.memory_space<vmem>>, vector<16xi32>,
        %sub3A_183 = vector.broadcast %mul3A_2 : i32 to vector<16xi32>
        %sub3A_184 = arith.subi %get3A_182, %sub3A_183 : vector<16xi32>
        %swap3A_185 = arith.constant 112 : index
        %swap3A_186 = tpu.vector_load %arg11[%swap3A_185] {strides = array<i32>} : memref<128xi32, #tpu.memory_space<vmem>>, vector<16xi32>,
        tpu.vector_store %arg11[%swap3A_185], %sub3A_184 {strides = array<i32>} : memref<128xi32, #tpu.memory_space<vmem>>, vector<16xi32>,
        "tpu.region"() ({
          %run_scoped3A = tpu.sem_alloc : memref<!tpu.dma_semaphore, #tpu.memory_space<semaphore_mem>>
          %dma_start3A = arith.constant 0 : i32
          %dma_start3A_187 = arith.constant 0 : i32
          %dma_start3A_188 = tpu.memref_slice %arg21[%dma_start3A, %dma_start3A_187] : memref<5248x128xf32, #tpu.memory_space<vmem_shared>> -> memref<5248x128xf32, #tpu.memory_space<vmem_shared>>
          tpu.enqueue_indirect_dma source(%arg13 : memref<128x128xf32, #tpu.memory_space<vmem>>) target(%dma_start3A_188 : memref<5248x128xf32, #tpu.memory_space<vmem_shared>>) offsets(%arg11 : memref<128xi32, #tpu.memory_space<vmem>>) semaphore(%run_scoped3A : memref<!tpu.dma_semaphore, #tpu.memory_space<semaphore_mem>>) {add = true}
          %dma_wait3A_189 = arith.constant 0 : i32
          %dma_wait3A_190 = arith.constant 0 : i32
          %dma_wait3A_191 = tpu.memref_slice %arg21[%dma_wait3A_189, %dma_wait3A_190] : memref<5248x128xf32, #tpu.memory_space<vmem_shared>> -> memref<5248x128xf32, #tpu.memory_space<vmem_shared>>
          tpu.wait_indirect_dma semaphore(%run_scoped3A : memref<!tpu.dma_semaphore, #tpu.memory_space<semaphore_mem>>) src(%arg13 : memref<128x128xf32, #tpu.memory_space<vmem>>) dst(%dma_wait3A_191 : memref<5248x128xf32, #tpu.memory_space<vmem_shared>>)
          tpu.yield
        }) : () -> ()
      } else {
      }
      %lt3A_117 = arith.cmpi slt, %add3A_111, %reduce_sum3A_17 : i32
      %convert_element_type3A_118 = arith.extui %lt3A_117 : i1 to i32
      %cond3A_119 = arith.constant 0 : i32
      %cond3A_120 = arith.cmpi ne, %convert_element_type3A_118, %cond3A_119 : i32
      scf.if %cond3A_120 {
        %dma_wait3A = arith.constant 0 : i32
        %dma_wait3A_121 = arith.constant 0 : i32
        %dma_wait3A_122 = tpu.memref_slice %arg14[%dma_wait3A, %dma_wait3A_121] : memref<128x128xf32, #tpu.memory_space<vmem>> -> memref<64x128xf32, #tpu.memory_space<vmem>>
        %dma_wait3A_123 = arith.constant 0 : i32
        %dma_wait3A_124 = tpu.memref_slice %arg8[%dma_wait3A_123] : memref<128xi32, #tpu.memory_space<vmem>> -> memref<64xi32, #tpu.memory_space<vmem>>
        %dma_wait3A_125 = arith.constant 0 : i32
        %dma_wait3A_126 = arith.constant 0 : i32
        %dma_wait3A_127 = tpu.memref_slice %arg2[%dma_wait3A_125, %dma_wait3A_126] : memref<10240x128xf32, #tpu.memory_space<hbm>> -> memref<10240x128xf32, #tpu.memory_space<hbm>>
        tpu.wait_indirect_dma semaphore(%arg18 : memref<!tpu.dma_semaphore, #tpu.memory_space<semaphore_mem>>) src(%dma_wait3A_127 : memref<10240x128xf32, #tpu.memory_space<hbm>>) dst(%dma_wait3A_122 : memref<64x128xf32, #tpu.memory_space<vmem>>)
        %dma_wait3A_128 = arith.constant 64 : i32
        %dma_wait3A_129 = arith.constant 0 : i32
        %dma_wait3A_130 = tpu.memref_slice %arg14[%dma_wait3A_128, %dma_wait3A_129] : memref<128x128xf32, #tpu.memory_space<vmem>> -> memref<64x128xf32, #tpu.memory_space<vmem>>
        %dma_wait3A_131 = arith.constant 64 : i32
        %dma_wait3A_132 = tpu.memref_slice %arg8[%dma_wait3A_131] : memref<128xi32, #tpu.memory_space<vmem>> -> memref<64xi32, #tpu.memory_space<vmem>>
        %dma_wait3A_133 = arith.constant 0 : i32
        %dma_wait3A_134 = arith.constant 0 : i32
        %dma_wait3A_135 = tpu.memref_slice %arg2[%dma_wait3A_133, %dma_wait3A_134] : memref<10240x128xf32, #tpu.memory_space<hbm>> -> memref<10240x128xf32, #tpu.memory_space<hbm>>
        tpu.wait_indirect_dma semaphore(%arg20 : memref<!tpu.dma_semaphore, #tpu.memory_space<semaphore_mem>>) src(%dma_wait3A_135 : memref<10240x128xf32, #tpu.memory_space<hbm>>) dst(%dma_wait3A_130 : memref<64x128xf32, #tpu.memory_space<vmem>>)
        %lt3A_136 = arith.cmpi slt, %add3A_113, %reduce_sum3A_17 : i32
        %convert_element_type3A_137 = arith.extui %lt3A_136 : i1 to i32
        %cond3A_138 = arith.constant 0 : i32
        %cond3A_139 = arith.cmpi ne, %convert_element_type3A_137, %cond3A_138 : i32
        scf.if %cond3A_139 {
          %mul3A_187 = arith.constant 128 : i32
          %mul3A_188 = arith.muli %add3A_113, %mul3A_187 : i32
          "tpu.region"() ({
            %run_scoped3A = tpu.sem_alloc : memref<!tpu.dma_semaphore, #tpu.memory_space<semaphore_mem>>
            %dma_start3A_204 = tpu.memref_slice %arg3[%arg0, %add3A_11, %mul3A_188] : memref<2x32x10368xi32, #tpu.memory_space<hbm>> -> memref<1x1x128xi32, #tpu.memory_space<hbm>>
            %dma_start3A_205 = tpu.memref_squeeze %dma_start3A_204 : memref<1x1x128xi32, #tpu.memory_space<hbm>> -> memref<128xi32, #tpu.memory_space<hbm>>
            %dma_start3A_206 = tpu.memref_slice %arg3[%arg0, %add3A_11, %mul3A_188] : memref<2x32x10368xi32, #tpu.memory_space<hbm>> -> memref<1x1x128xi32, #tpu.memory_space<hbm>>
            %dma_start3A_207 = tpu.memref_squeeze %dma_start3A_206 : memref<1x1x128xi32, #tpu.memory_space<hbm>> -> memref<128xi32, #tpu.memory_space<hbm>>
            tpu.enqueue_dma source(%dma_start3A_207 : memref<128xi32, #tpu.memory_space<hbm>>) target(%arg7 : memref<128xi32, #tpu.memory_space<vmem>>) target_semaphore(%run_scoped3A : memref<!tpu.dma_semaphore, #tpu.memory_space<semaphore_mem>>)
            %dma_wait3A_208 = tpu.memref_slice %arg3[%arg0, %add3A_11, %mul3A_188] : memref<2x32x10368xi32, #tpu.memory_space<hbm>> -> memref<1x1x128xi32, #tpu.memory_space<hbm>>
            %dma_wait3A_209 = tpu.memref_squeeze %dma_wait3A_208 : memref<1x1x128xi32, #tpu.memory_space<hbm>> -> memref<128xi32, #tpu.memory_space<hbm>>
            %dma_wait3A_210 = tpu.memref_slice %arg3[%arg0, %add3A_11, %mul3A_188] : memref<2x32x10368xi32, #tpu.memory_space<hbm>> -> memref<1x1x128xi32, #tpu.memory_space<hbm>>
            %dma_wait3A_211 = tpu.memref_squeeze %dma_wait3A_210 : memref<1x1x128xi32, #tpu.memory_space<hbm>> -> memref<128xi32, #tpu.memory_space<hbm>>
            tpu.wait_dma2 semaphore(%run_scoped3A : memref<!tpu.dma_semaphore, #tpu.memory_space<semaphore_mem>>) src(%dma_wait3A_211 : memref<128xi32, #tpu.memory_space<hbm>>) dst(%arg7 : memref<128xi32, #tpu.memory_space<vmem>>)
            tpu.yield
          }) : () -> ()
          "tpu.region"() ({
            %run_scoped3A = tpu.sem_alloc : memref<!tpu.dma_semaphore, #tpu.memory_space<semaphore_mem>>
            %dma_start3A_204 = tpu.memref_slice %arg4[%arg0, %add3A_11, %mul3A_188] : memref<2x32x10368xi32, #tpu.memory_space<hbm>> -> memref<1x1x128xi32, #tpu.memory_space<hbm>>
            %dma_start3A_205 = tpu.memref_squeeze %dma_start3A_204 : memref<1x1x128xi32, #tpu.memory_space<hbm>> -> memref<128xi32, #tpu.memory_space<hbm>>
            %dma_start3A_206 = tpu.memref_slice %arg4[%arg0, %add3A_11, %mul3A_188] : memref<2x32x10368xi32, #tpu.memory_space<hbm>> -> memref<1x1x128xi32, #tpu.memory_space<hbm>>
            %dma_start3A_207 = tpu.memref_squeeze %dma_start3A_206 : memref<1x1x128xi32, #tpu.memory_space<hbm>> -> memref<128xi32, #tpu.memory_space<hbm>>
            tpu.enqueue_dma source(%dma_start3A_207 : memref<128xi32, #tpu.memory_space<hbm>>) target(%arg9 : memref<128xi32, #tpu.memory_space<vmem>>) target_semaphore(%run_scoped3A : memref<!tpu.dma_semaphore, #tpu.memory_space<semaphore_mem>>)
            %dma_wait3A_208 = tpu.memref_slice %arg4[%arg0, %add3A_11, %mul3A_188] : memref<2x32x10368xi32, #tpu.memory_space<hbm>> -> memref<1x1x128xi32, #tpu.memory_space<hbm>>
            %dma_wait3A_209 = tpu.memref_squeeze %dma_wait3A_208 : memref<1x1x128xi32, #tpu.memory_space<hbm>> -> memref<128xi32, #tpu.memory_space<hbm>>
            %dma_wait3A_210 = tpu.memref_slice %arg4[%arg0, %add3A_11, %mul3A_188] : memref<2x32x10368xi32, #tpu.memory_space<hbm>> -> memref<1x1x128xi32, #tpu.memory_space<hbm>>
            %dma_wait3A_211 = tpu.memref_squeeze %dma_wait3A_210 : memref<1x1x128xi32, #tpu.memory_space<hbm>> -> memref<128xi32, #tpu.memory_space<hbm>>
            tpu.wait_dma2 semaphore(%run_scoped3A : memref<!tpu.dma_semaphore, #tpu.memory_space<semaphore_mem>>) src(%dma_wait3A_211 : memref<128xi32, #tpu.memory_space<hbm>>) dst(%arg9 : memref<128xi32, #tpu.memory_space<vmem>>)
            tpu.yield
          }) : () -> ()
          %dma_start3A = arith.constant 0 : i32
          %dma_start3A_189 = arith.constant 0 : i32
          %dma_start3A_190 = tpu.memref_slice %arg13[%dma_start3A, %dma_start3A_189] : memref<128x128xf32, #tpu.memory_space<vmem>> -> memref<64x128xf32, #tpu.memory_space<vmem>>
          %dma_start3A_191 = arith.constant 0 : i32
          %dma_start3A_192 = tpu.memref_slice %arg7[%dma_start3A_191] : memref<128xi32, #tpu.memory_space<vmem>> -> memref<64xi32, #tpu.memory_space<vmem>>
          %dma_start3A_193 = arith.constant 0 : i32
          %dma_start3A_194 = arith.constant 0 : i32
          %dma_start3A_195 = tpu.memref_slice %arg2[%dma_start3A_193, %dma_start3A_194] : memref<10240x128xf32, #tpu.memory_space<hbm>> -> memref<10240x128xf32, #tpu.memory_space<hbm>>
          tpu.enqueue_indirect_dma source(%dma_start3A_195 : memref<10240x128xf32, #tpu.memory_space<hbm>>) target(%dma_start3A_190 : memref<64x128xf32, #tpu.memory_space<vmem>>) offsets(%dma_start3A_192 : memref<64xi32, #tpu.memory_space<vmem>>) semaphore(%arg17 : memref<!tpu.dma_semaphore, #tpu.memory_space<semaphore_mem>>)
          %dma_start3A_196 = arith.constant 64 : i32
          %dma_start3A_197 = arith.constant 0 : i32
          %dma_start3A_198 = tpu.memref_slice %arg13[%dma_start3A_196, %dma_start3A_197] : memref<128x128xf32, #tpu.memory_space<vmem>> -> memref<64x128xf32, #tpu.memory_space<vmem>>
          %dma_start3A_199 = arith.constant 64 : i32
          %dma_start3A_200 = tpu.memref_slice %arg7[%dma_start3A_199] : memref<128xi32, #tpu.memory_space<vmem>> -> memref<64xi32, #tpu.memory_space<vmem>>
          %dma_start3A_201 = arith.constant 0 : i32
          %dma_start3A_202 = arith.constant 0 : i32
          %dma_start3A_203 = tpu.memref_slice %arg2[%dma_start3A_201, %dma_start3A_202] : memref<10240x128xf32, #tpu.memory_space<hbm>> -> memref<10240x128xf32, #tpu.memory_space<hbm>>
          tpu.enqueue_indirect_dma source(%dma_start3A_203 : memref<10240x128xf32, #tpu.memory_space<hbm>>) target(%dma_start3A_198 : memref<64x128xf32, #tpu.memory_space<vmem>>) offsets(%dma_start3A_200 : memref<64xi32, #tpu.memory_space<vmem>>) semaphore(%arg19 : memref<!tpu.dma_semaphore, #tpu.memory_space<semaphore_mem>>)
        } else {
        }
        %get3A_140 = arith.constant 0 : index
        %get3A_141 = tpu.vector_load %arg10[%get3A_140] {strides = array<i32>} : memref<128xi32, #tpu.memory_space<vmem>>, vector<16xi32>,
        %sub3A_142 = vector.broadcast %mul3A_2 : i32 to vector<16xi32>
        %sub3A_143 = arith.subi %get3A_141, %sub3A_142 : vector<16xi32>
        %swap3A = arith.constant 0 : index
        %swap3A_144 = tpu.vector_load %arg12[%swap3A] {strides = array<i32>} : memref<128xi32, #tpu.memory_space<vmem>>, vector<16xi32>,
        tpu.vector_store %arg12[%swap3A], %sub3A_143 {strides = array<i32>} : memref<128xi32, #tpu.memory_space<vmem>>, vector<16xi32>,
        %get3A_145 = arith.constant 16 : index
        %get3A_146 = tpu.vector_load %arg10[%get3A_145] {strides = array<i32>} : memref<128xi32, #tpu.memory_space<vmem>>, vector<16xi32>,
        %sub3A_147 = vector.broadcast %mul3A_2 : i32 to vector<16xi32>
        %sub3A_148 = arith.subi %get3A_146, %sub3A_147 : vector<16xi32>
        %swap3A_149 = arith.constant 16 : index
        %swap3A_150 = tpu.vector_load %arg12[%swap3A_149] {strides = array<i32>} : memref<128xi32, #tpu.memory_space<vmem>>, vector<16xi32>,
        tpu.vector_store %arg12[%swap3A_149], %sub3A_148 {strides = array<i32>} : memref<128xi32, #tpu.memory_space<vmem>>, vector<16xi32>,
        %get3A_151 = arith.constant 32 : index
        %get3A_152 = tpu.vector_load %arg10[%get3A_151] {strides = array<i32>} : memref<128xi32, #tpu.memory_space<vmem>>, vector<16xi32>,
        %sub3A_153 = vector.broadcast %mul3A_2 : i32 to vector<16xi32>
        %sub3A_154 = arith.subi %get3A_152, %sub3A_153 : vector<16xi32>
        %swap3A_155 = arith.constant 32 : index
        %swap3A_156 = tpu.vector_load %arg12[%swap3A_155] {strides = array<i32>} : memref<128xi32, #tpu.memory_space<vmem>>, vector<16xi32>,
        tpu.vector_store %arg12[%swap3A_155], %sub3A_154 {strides = array<i32>} : memref<128xi32, #tpu.memory_space<vmem>>, vector<16xi32>,
        %get3A_157 = arith.constant 48 : index
        %get3A_158 = tpu.vector_load %arg10[%get3A_157] {strides = array<i32>} : memref<128xi32, #tpu.memory_space<vmem>>, vector<16xi32>,
        %sub3A_159 = vector.broadcast %mul3A_2 : i32 to vector<16xi32>
        %sub3A_160 = arith.subi %get3A_158, %sub3A_159 : vector<16xi32>
        %swap3A_161 = arith.constant 48 : index
        %swap3A_162 = tpu.vector_load %arg12[%swap3A_161] {strides = array<i32>} : memref<128xi32, #tpu.memory_space<vmem>>, vector<16xi32>,
        tpu.vector_store %arg12[%swap3A_161], %sub3A_160 {strides = array<i32>} : memref<128xi32, #tpu.memory_space<vmem>>, vector<16xi32>,
        %get3A_163 = arith.constant 64 : index
        %get3A_164 = tpu.vector_load %arg10[%get3A_163] {strides = array<i32>} : memref<128xi32, #tpu.memory_space<vmem>>, vector<16xi32>,
        %sub3A_165 = vector.broadcast %mul3A_2 : i32 to vector<16xi32>
        %sub3A_166 = arith.subi %get3A_164, %sub3A_165 : vector<16xi32>
        %swap3A_167 = arith.constant 64 : index
        %swap3A_168 = tpu.vector_load %arg12[%swap3A_167] {strides = array<i32>} : memref<128xi32, #tpu.memory_space<vmem>>, vector<16xi32>,
        tpu.vector_store %arg12[%swap3A_167], %sub3A_166 {strides = array<i32>} : memref<128xi32, #tpu.memory_space<vmem>>, vector<16xi32>,
        %get3A_169 = arith.constant 80 : index
        %get3A_170 = tpu.vector_load %arg10[%get3A_169] {strides = array<i32>} : memref<128xi32, #tpu.memory_space<vmem>>, vector<16xi32>,
        %sub3A_171 = vector.broadcast %mul3A_2 : i32 to vector<16xi32>
        %sub3A_172 = arith.subi %get3A_170, %sub3A_171 : vector<16xi32>
        %swap3A_173 = arith.constant 80 : index
        %swap3A_174 = tpu.vector_load %arg12[%swap3A_173] {strides = array<i32>} : memref<128xi32, #tpu.memory_space<vmem>>, vector<16xi32>,
        tpu.vector_store %arg12[%swap3A_173], %sub3A_172 {strides = array<i32>} : memref<128xi32, #tpu.memory_space<vmem>>, vector<16xi32>,
        %get3A_175 = arith.constant 96 : index
        %get3A_176 = tpu.vector_load %arg10[%get3A_175] {strides = array<i32>} : memref<128xi32, #tpu.memory_space<vmem>>, vector<16xi32>,
        %sub3A_177 = vector.broadcast %mul3A_2 : i32 to vector<16xi32>
        %sub3A_178 = arith.subi %get3A_176, %sub3A_177 : vector<16xi32>
        %swap3A_179 = arith.constant 96 : index
        %swap3A_180 = tpu.vector_load %arg12[%swap3A_179] {strides = array<i32>} : memref<128xi32, #tpu.memory_space<vmem>>, vector<16xi32>,
        tpu.vector_store %arg12[%swap3A_179], %sub3A_178 {strides = array<i32>} : memref<128xi32, #tpu.memory_space<vmem>>, vector<16xi32>,
        %get3A_181 = arith.constant 112 : index
        %get3A_182 = tpu.vector_load %arg10[%get3A_181] {strides = array<i32>} : memref<128xi32, #tpu.memory_space<vmem>>, vector<16xi32>,
        %sub3A_183 = vector.broadcast %mul3A_2 : i32 to vector<16xi32>
        %sub3A_184 = arith.subi %get3A_182, %sub3A_183 : vector<16xi32>
        %swap3A_185 = arith.constant 112 : index
        %swap3A_186 = tpu.vector_load %arg12[%swap3A_185] {strides = array<i32>} : memref<128xi32, #tpu.memory_space<vmem>>, vector<16xi32>,
        tpu.vector_store %arg12[%swap3A_185], %sub3A_184 {strides = array<i32>} : memref<128xi32, #tpu.memory_space<vmem>>, vector<16xi32>,
        "tpu.region"() ({
          %run_scoped3A = tpu.sem_alloc : memref<!tpu.dma_semaphore, #tpu.memory_space<semaphore_mem>>
          %dma_start3A = arith.constant 0 : i32
          %dma_start3A_187 = arith.constant 0 : i32
          %dma_start3A_188 = tpu.memref_slice %arg21[%dma_start3A, %dma_start3A_187] : memref<5248x128xf32, #tpu.memory_space<vmem_shared>> -> memref<5248x128xf32, #tpu.memory_space<vmem_shared>>
          tpu.enqueue_indirect_dma source(%arg14 : memref<128x128xf32, #tpu.memory_space<vmem>>) target(%dma_start3A_188 : memref<5248x128xf32, #tpu.memory_space<vmem_shared>>) offsets(%arg12 : memref<128xi32, #tpu.memory_space<vmem>>) semaphore(%run_scoped3A : memref<!tpu.dma_semaphore, #tpu.memory_space<semaphore_mem>>) {add = true}
          %dma_wait3A_189 = arith.constant 0 : i32
          %dma_wait3A_190 = arith.constant 0 : i32
          %dma_wait3A_191 = tpu.memref_slice %arg21[%dma_wait3A_189, %dma_wait3A_190] : memref<5248x128xf32, #tpu.memory_space<vmem_shared>> -> memref<5248x128xf32, #tpu.memory_space<vmem_shared>>
          tpu.wait_indirect_dma semaphore(%run_scoped3A : memref<!tpu.dma_semaphore, #tpu.memory_space<semaphore_mem>>) src(%arg14 : memref<128x128xf32, #tpu.memory_space<vmem>>) dst(%dma_wait3A_191 : memref<5248x128xf32, #tpu.memory_space<vmem_shared>>)
          tpu.yield
        }) : () -> ()
      } else {
      }
    }
    %mul3A_49 = arith.constant 2 : i32
    %mul3A_50 = arith.muli %mul3A_49, %arg1 : i32
    %add3A_51 = arith.constant 1 : i32
    %add3A_52 = arith.addi %mul3A_50, %add3A_51 : i32
    "tpu.region"() ({
      %run_scoped3A = tpu.sem_alloc : memref<!tpu.dma_semaphore, #tpu.memory_space<semaphore_mem>>
      %dma_start3A = arith.constant 0 : i32
      %dma_start3A_107 = tpu.memref_slice %arg5[%add3A_52, %dma_start3A] : memref<32x16xi32, #tpu.memory_space<hbm>> -> memref<1x16xi32, #tpu.memory_space<hbm>>
      %dma_start3A_108 = tpu.memref_squeeze %dma_start3A_107 : memref<1x16xi32, #tpu.memory_space<hbm>> -> memref<16xi32, #tpu.memory_space<hbm>>
      %dma_start3A_109 = arith.constant 0 : i32
      %dma_start3A_110 = tpu.memref_slice %arg5[%add3A_52, %dma_start3A_109] : memref<32x16xi32, #tpu.memory_space<hbm>> -> memref<1x16xi32, #tpu.memory_space<hbm>>
      %dma_start3A_111 = tpu.memref_squeeze %dma_start3A_110 : memref<1x16xi32, #tpu.memory_space<hbm>> -> memref<16xi32, #tpu.memory_space<hbm>>
      tpu.enqueue_dma source(%dma_start3A_111 : memref<16xi32, #tpu.memory_space<hbm>>) target(%arg16 : memref<16xi32, #tpu.memory_space<vmem>>) target_semaphore(%run_scoped3A : memref<!tpu.dma_semaphore, #tpu.memory_space<semaphore_mem>>)
      %dma_wait3A = arith.constant 0 : i32
      %dma_wait3A_112 = tpu.memref_slice %arg5[%add3A_52, %dma_wait3A] : memref<32x16xi32, #tpu.memory_space<hbm>> -> memref<1x16xi32, #tpu.memory_space<hbm>>
      %dma_wait3A_113 = tpu.memref_squeeze %dma_wait3A_112 : memref<1x16xi32, #tpu.memory_space<hbm>> -> memref<16xi32, #tpu.memory_space<hbm>>
      %dma_wait3A_114 = arith.constant 0 : i32
      %dma_wait3A_115 = tpu.memref_slice %arg5[%add3A_52, %dma_wait3A_114] : memref<32x16xi32, #tpu.memory_space<hbm>> -> memref<1x16xi32, #tpu.memory_space<hbm>>
      %dma_wait3A_116 = tpu.memref_squeeze %dma_wait3A_115 : memref<1x16xi32, #tpu.memory_space<hbm>> -> memref<16xi32, #tpu.memory_space<hbm>>
      tpu.wait_dma2 semaphore(%run_scoped3A : memref<!tpu.dma_semaphore, #tpu.memory_space<semaphore_mem>>) src(%dma_wait3A_116 : memref<16xi32, #tpu.memory_space<hbm>>) dst(%arg16 : memref<16xi32, #tpu.memory_space<vmem>>)
      tpu.yield
    }) : () -> ()
    %iota3A_53 = tpu.iota {dimensions = array<i32: 0>} : vector<16xi32>
    %eq3A_54 = vector.broadcast %arg0 : i32 to vector<16xi32>
    %eq3A_55 = arith.cmpi eq, %iota3A_53, %eq3A_54 : vector<16xi32>
    %get3A_56 = arith.constant 0 : index
    %get3A_57 = tpu.vector_load %arg16[%get3A_56] {strides = array<i32>} : memref<16xi32, #tpu.memory_space<vmem>>, vector<16xi32>,
    %jit3A_58 = arith.constant 0 : i32
    %broadcast_in_dim3A_59 = vector.broadcast %jit3A_58 : i32 to vector<16xi32>
    %select_n3A_60 = arith.select %eq3A_55, %get3A_57, %broadcast_in_dim3A_59 : vector<16xi1>, vector<16xi32>
    %reduce_sum3A_61 = arith.constant true
    %reduce_sum3A_62 = vector.broadcast %reduce_sum3A_61 : i1 to vector<16xi1>
    %reduce_sum3A_63 = tpu.scan <sum>, %select_n3A_60 masked %reduce_sum3A_62 : vector<16xi32>, vector<16xi1> -> vector<16xi32>
    %reduce_sum3A_64 = vector.extract %reduce_sum3A_63[15] : i32 from vector<16xi32>
    %gt3A_65 = arith.constant 0 : i32
    %gt3A_66 = arith.cmpi sgt, %reduce_sum3A_64, %gt3A_65 : i32
    %convert_element_type3A_67 = arith.extui %gt3A_66 : i1 to i32
    %cond3A_68 = arith.constant 0 : i32
    %cond3A_69 = arith.cmpi ne, %convert_element_type3A_67, %cond3A_68 : i32
    scf.if %cond3A_69 {
      "tpu.region"() ({
        %run_scoped3A = tpu.sem_alloc : memref<!tpu.dma_semaphore, #tpu.memory_space<semaphore_mem>>
        %dma_start3A_122 = arith.constant 0 : i32
        %dma_start3A_123 = tpu.memref_slice %arg3[%arg0, %add3A_52, %dma_start3A_122] : memref<2x32x10368xi32, #tpu.memory_space<hbm>> -> memref<1x1x128xi32, #tpu.memory_space<hbm>>
        %dma_start3A_124 = tpu.memref_squeeze %dma_start3A_123 : memref<1x1x128xi32, #tpu.memory_space<hbm>> -> memref<128xi32, #tpu.memory_space<hbm>>
        %dma_start3A_125 = arith.constant 0 : i32
        %dma_start3A_126 = tpu.memref_slice %arg3[%arg0, %add3A_52, %dma_start3A_125] : memref<2x32x10368xi32, #tpu.memory_space<hbm>> -> memref<1x1x128xi32, #tpu.memory_space<hbm>>
        %dma_start3A_127 = tpu.memref_squeeze %dma_start3A_126 : memref<1x1x128xi32, #tpu.memory_space<hbm>> -> memref<128xi32, #tpu.memory_space<hbm>>
        tpu.enqueue_dma source(%dma_start3A_127 : memref<128xi32, #tpu.memory_space<hbm>>) target(%arg7 : memref<128xi32, #tpu.memory_space<vmem>>) target_semaphore(%run_scoped3A : memref<!tpu.dma_semaphore, #tpu.memory_space<semaphore_mem>>)
        %dma_wait3A = arith.constant 0 : i32
        %dma_wait3A_128 = tpu.memref_slice %arg3[%arg0, %add3A_52, %dma_wait3A] : memref<2x32x10368xi32, #tpu.memory_space<hbm>> -> memref<1x1x128xi32, #tpu.memory_space<hbm>>
        %dma_wait3A_129 = tpu.memref_squeeze %dma_wait3A_128 : memref<1x1x128xi32, #tpu.memory_space<hbm>> -> memref<128xi32, #tpu.memory_space<hbm>>
        %dma_wait3A_130 = arith.constant 0 : i32
        %dma_wait3A_131 = tpu.memref_slice %arg3[%arg0, %add3A_52, %dma_wait3A_130] : memref<2x32x10368xi32, #tpu.memory_space<hbm>> -> memref<1x1x128xi32, #tpu.memory_space<hbm>>
        %dma_wait3A_132 = tpu.memref_squeeze %dma_wait3A_131 : memref<1x1x128xi32, #tpu.memory_space<hbm>> -> memref<128xi32, #tpu.memory_space<hbm>>
        tpu.wait_dma2 semaphore(%run_scoped3A : memref<!tpu.dma_semaphore, #tpu.memory_space<semaphore_mem>>) src(%dma_wait3A_132 : memref<128xi32, #tpu.memory_space<hbm>>) dst(%arg7 : memref<128xi32, #tpu.memory_space<vmem>>)
        tpu.yield
      }) : () -> ()
      "tpu.region"() ({
        %run_scoped3A = tpu.sem_alloc : memref<!tpu.dma_semaphore, #tpu.memory_space<semaphore_mem>>
        %dma_start3A_122 = arith.constant 0 : i32
        %dma_start3A_123 = tpu.memref_slice %arg4[%arg0, %add3A_52, %dma_start3A_122] : memref<2x32x10368xi32, #tpu.memory_space<hbm>> -> memref<1x1x128xi32, #tpu.memory_space<hbm>>
        %dma_start3A_124 = tpu.memref_squeeze %dma_start3A_123 : memref<1x1x128xi32, #tpu.memory_space<hbm>> -> memref<128xi32, #tpu.memory_space<hbm>>
        %dma_start3A_125 = arith.constant 0 : i32
        %dma_start3A_126 = tpu.memref_slice %arg4[%arg0, %add3A_52, %dma_start3A_125] : memref<2x32x10368xi32, #tpu.memory_space<hbm>> -> memref<1x1x128xi32, #tpu.memory_space<hbm>>
        %dma_start3A_127 = tpu.memref_squeeze %dma_start3A_126 : memref<1x1x128xi32, #tpu.memory_space<hbm>> -> memref<128xi32, #tpu.memory_space<hbm>>
        tpu.enqueue_dma source(%dma_start3A_127 : memref<128xi32, #tpu.memory_space<hbm>>) target(%arg9 : memref<128xi32, #tpu.memory_space<vmem>>) target_semaphore(%run_scoped3A : memref<!tpu.dma_semaphore, #tpu.memory_space<semaphore_mem>>)
        %dma_wait3A = arith.constant 0 : i32
        %dma_wait3A_128 = tpu.memref_slice %arg4[%arg0, %add3A_52, %dma_wait3A] : memref<2x32x10368xi32, #tpu.memory_space<hbm>> -> memref<1x1x128xi32, #tpu.memory_space<hbm>>
        %dma_wait3A_129 = tpu.memref_squeeze %dma_wait3A_128 : memref<1x1x128xi32, #tpu.memory_space<hbm>> -> memref<128xi32, #tpu.memory_space<hbm>>
        %dma_wait3A_130 = arith.constant 0 : i32
        %dma_wait3A_131 = tpu.memref_slice %arg4[%arg0, %add3A_52, %dma_wait3A_130] : memref<2x32x10368xi32, #tpu.memory_space<hbm>> -> memref<1x1x128xi32, #tpu.memory_space<hbm>>
        %dma_wait3A_132 = tpu.memref_squeeze %dma_wait3A_131 : memref<1x1x128xi32, #tpu.memory_space<hbm>> -> memref<128xi32, #tpu.memory_space<hbm>>
        tpu.wait_dma2 semaphore(%run_scoped3A : memref<!tpu.dma_semaphore, #tpu.memory_space<semaphore_mem>>) src(%dma_wait3A_132 : memref<128xi32, #tpu.memory_space<hbm>>) dst(%arg9 : memref<128xi32, #tpu.memory_space<vmem>>)
        tpu.yield
      }) : () -> ()
      %dma_start3A = arith.constant 0 : i32
      %dma_start3A_107 = arith.constant 0 : i32
      %dma_start3A_108 = tpu.memref_slice %arg13[%dma_start3A, %dma_start3A_107] : memref<128x128xf32, #tpu.memory_space<vmem>> -> memref<64x128xf32, #tpu.memory_space<vmem>>
      %dma_start3A_109 = arith.constant 0 : i32
      %dma_start3A_110 = tpu.memref_slice %arg7[%dma_start3A_109] : memref<128xi32, #tpu.memory_space<vmem>> -> memref<64xi32, #tpu.memory_space<vmem>>
      %dma_start3A_111 = arith.constant 0 : i32
      %dma_start3A_112 = arith.constant 0 : i32
      %dma_start3A_113 = tpu.memref_slice %arg2[%dma_start3A_111, %dma_start3A_112] : memref<10240x128xf32, #tpu.memory_space<hbm>> -> memref<10240x128xf32, #tpu.memory_space<hbm>>
      tpu.enqueue_indirect_dma source(%dma_start3A_113 : memref<10240x128xf32, #tpu.memory_space<hbm>>) target(%dma_start3A_108 : memref<64x128xf32, #tpu.memory_space<vmem>>) offsets(%dma_start3A_110 : memref<64xi32, #tpu.memory_space<vmem>>) semaphore(%arg17 : memref<!tpu.dma_semaphore, #tpu.memory_space<semaphore_mem>>)
      %dma_start3A_114 = arith.constant 64 : i32
      %dma_start3A_115 = arith.constant 0 : i32
      %dma_start3A_116 = tpu.memref_slice %arg13[%dma_start3A_114, %dma_start3A_115] : memref<128x128xf32, #tpu.memory_space<vmem>> -> memref<64x128xf32, #tpu.memory_space<vmem>>
      %dma_start3A_117 = arith.constant 64 : i32
      %dma_start3A_118 = tpu.memref_slice %arg7[%dma_start3A_117] : memref<128xi32, #tpu.memory_space<vmem>> -> memref<64xi32, #tpu.memory_space<vmem>>
      %dma_start3A_119 = arith.constant 0 : i32
      %dma_start3A_120 = arith.constant 0 : i32
      %dma_start3A_121 = tpu.memref_slice %arg2[%dma_start3A_119, %dma_start3A_120] : memref<10240x128xf32, #tpu.memory_space<hbm>> -> memref<10240x128xf32, #tpu.memory_space<hbm>>
      tpu.enqueue_indirect_dma source(%dma_start3A_121 : memref<10240x128xf32, #tpu.memory_space<hbm>>) target(%dma_start3A_116 : memref<64x128xf32, #tpu.memory_space<vmem>>) offsets(%dma_start3A_118 : memref<64xi32, #tpu.memory_space<vmem>>) semaphore(%arg19 : memref<!tpu.dma_semaphore, #tpu.memory_space<semaphore_mem>>)
    } else {
    }
    %add3A_70 = arith.constant 1 : i32
    %add3A_71 = arith.addi %reduce_sum3A_64, %add3A_70 : i32
    %jit3A_72 = arith.constant 2 : i32
    %div3A_73 = arith.divsi %add3A_71, %jit3A_72 : i32
    %sign3A_74 = arith.constant 0 : i32
    %sign3A_75 = arith.cmpi sgt, %add3A_71, %sign3A_74 : i32
    %sign3A_76 = arith.extui %sign3A_75 : i1 to i32
    %sign3A_77 = arith.constant 0 : i32
    %sign3A_78 = arith.cmpi slt, %add3A_71, %sign3A_77 : i32
    %sign3A_79 = arith.extui %sign3A_78 : i1 to i32
    %sign3A_80 = arith.subi %sign3A_76, %sign3A_79 : i32
    %sign3A_81 = arith.constant 0 : i32
    %sign3A_82 = arith.cmpi sgt, %jit3A_72, %sign3A_81 : i32
    %sign3A_83 = arith.extui %sign3A_82 : i1 to i32
    %sign3A_84 = arith.constant 0 : i32
    %sign3A_85 = arith.cmpi slt, %jit3A_72, %sign3A_84 : i32
    %sign3A_86 = arith.extui %sign3A_85 : i1 to i32
    %sign3A_87 = arith.subi %sign3A_83, %sign3A_86 : i32
    %ne3A_88 = arith.cmpi ne, %sign3A_80, %sign3A_87 : i32
    %rem3A_89 = arith.remsi %add3A_71, %jit3A_72 : i32
    %ne3A_90 = arith.constant 0 : i32
    %ne3A_91 = arith.cmpi ne, %rem3A_89, %ne3A_90 : i32
    %and3A_92 = arith.andi %ne3A_88, %ne3A_91 : i1
    %sub3A_93 = arith.constant 1 : i32
    %sub3A_94 = arith.subi %div3A_73, %sub3A_93 : i32
    %select_n3A_95 = arith.select %and3A_92, %sub3A_94, %div3A_73 : i32
    %while3A_96 = arith.constant 0 : i32
    %while3A_97 = arith.constant 0 : i32
    %while3A_98 = arith.subi %select_n3A_95, %while3A_97 : i32
    %while3A_99 = arith.addi %while3A_97, %while3A_98 : i32
    %while3A_100 = arith.constant 1 : i32
    %while3A_101 = arith.divsi %while3A_98, %while3A_100 : i32
    %while3A_102 = arith.muli %while3A_101, %while3A_100 : i32
    %while3A_103 = arith.addi %while3A_97, %while3A_102 : i32
    %while3A_104 = arith.constant 1 : i32
    scf.for %while3A_107 = %while3A_97 to %while3A_103 step %while3A_104  : i32 {
      %mul3A_108 = arith.constant 2 : i32
      %mul3A_109 = arith.muli %mul3A_108, %while3A_107 : i32
      %add3A_110 = arith.constant 1 : i32
      %add3A_111 = arith.addi %mul3A_109, %add3A_110 : i32
      %add3A_112 = arith.constant 2 : i32
      %add3A_113 = arith.addi %mul3A_109, %add3A_112 : i32
      %lt3A = arith.cmpi slt, %mul3A_109, %reduce_sum3A_64 : i32
      %convert_element_type3A_114 = arith.extui %lt3A : i1 to i32
      %cond3A_115 = arith.constant 0 : i32
      %cond3A_116 = arith.cmpi ne, %convert_element_type3A_114, %cond3A_115 : i32
      scf.if %cond3A_116 {
        %dma_wait3A = arith.constant 0 : i32
        %dma_wait3A_121 = arith.constant 0 : i32
        %dma_wait3A_122 = tpu.memref_slice %arg13[%dma_wait3A, %dma_wait3A_121] : memref<128x128xf32, #tpu.memory_space<vmem>> -> memref<64x128xf32, #tpu.memory_space<vmem>>
        %dma_wait3A_123 = arith.constant 0 : i32
        %dma_wait3A_124 = tpu.memref_slice %arg7[%dma_wait3A_123] : memref<128xi32, #tpu.memory_space<vmem>> -> memref<64xi32, #tpu.memory_space<vmem>>
        %dma_wait3A_125 = arith.constant 0 : i32
        %dma_wait3A_126 = arith.constant 0 : i32
        %dma_wait3A_127 = tpu.memref_slice %arg2[%dma_wait3A_125, %dma_wait3A_126] : memref<10240x128xf32, #tpu.memory_space<hbm>> -> memref<10240x128xf32, #tpu.memory_space<hbm>>
        tpu.wait_indirect_dma semaphore(%arg17 : memref<!tpu.dma_semaphore, #tpu.memory_space<semaphore_mem>>) src(%dma_wait3A_127 : memref<10240x128xf32, #tpu.memory_space<hbm>>) dst(%dma_wait3A_122 : memref<64x128xf32, #tpu.memory_space<vmem>>)
        %dma_wait3A_128 = arith.constant 64 : i32
        %dma_wait3A_129 = arith.constant 0 : i32
        %dma_wait3A_130 = tpu.memref_slice %arg13[%dma_wait3A_128, %dma_wait3A_129] : memref<128x128xf32, #tpu.memory_space<vmem>> -> memref<64x128xf32, #tpu.memory_space<vmem>>
        %dma_wait3A_131 = arith.constant 64 : i32
        %dma_wait3A_132 = tpu.memref_slice %arg7[%dma_wait3A_131] : memref<128xi32, #tpu.memory_space<vmem>> -> memref<64xi32, #tpu.memory_space<vmem>>
        %dma_wait3A_133 = arith.constant 0 : i32
        %dma_wait3A_134 = arith.constant 0 : i32
        %dma_wait3A_135 = tpu.memref_slice %arg2[%dma_wait3A_133, %dma_wait3A_134] : memref<10240x128xf32, #tpu.memory_space<hbm>> -> memref<10240x128xf32, #tpu.memory_space<hbm>>
        tpu.wait_indirect_dma semaphore(%arg19 : memref<!tpu.dma_semaphore, #tpu.memory_space<semaphore_mem>>) src(%dma_wait3A_135 : memref<10240x128xf32, #tpu.memory_space<hbm>>) dst(%dma_wait3A_130 : memref<64x128xf32, #tpu.memory_space<vmem>>)
        %lt3A_136 = arith.cmpi slt, %add3A_111, %reduce_sum3A_64 : i32
        %convert_element_type3A_137 = arith.extui %lt3A_136 : i1 to i32
        %cond3A_138 = arith.constant 0 : i32
        %cond3A_139 = arith.cmpi ne, %convert_element_type3A_137, %cond3A_138 : i32
        scf.if %cond3A_139 {
          %mul3A_187 = arith.constant 128 : i32
          %mul3A_188 = arith.muli %add3A_111, %mul3A_187 : i32
          "tpu.region"() ({
            %run_scoped3A = tpu.sem_alloc : memref<!tpu.dma_semaphore, #tpu.memory_space<semaphore_mem>>
            %dma_start3A_204 = tpu.memref_slice %arg3[%arg0, %add3A_52, %mul3A_188] : memref<2x32x10368xi32, #tpu.memory_space<hbm>> -> memref<1x1x128xi32, #tpu.memory_space<hbm>>
            %dma_start3A_205 = tpu.memref_squeeze %dma_start3A_204 : memref<1x1x128xi32, #tpu.memory_space<hbm>> -> memref<128xi32, #tpu.memory_space<hbm>>
            %dma_start3A_206 = tpu.memref_slice %arg3[%arg0, %add3A_52, %mul3A_188] : memref<2x32x10368xi32, #tpu.memory_space<hbm>> -> memref<1x1x128xi32, #tpu.memory_space<hbm>>
            %dma_start3A_207 = tpu.memref_squeeze %dma_start3A_206 : memref<1x1x128xi32, #tpu.memory_space<hbm>> -> memref<128xi32, #tpu.memory_space<hbm>>
            tpu.enqueue_dma source(%dma_start3A_207 : memref<128xi32, #tpu.memory_space<hbm>>) target(%arg8 : memref<128xi32, #tpu.memory_space<vmem>>) target_semaphore(%run_scoped3A : memref<!tpu.dma_semaphore, #tpu.memory_space<semaphore_mem>>)
            %dma_wait3A_208 = tpu.memref_slice %arg3[%arg0, %add3A_52, %mul3A_188] : memref<2x32x10368xi32, #tpu.memory_space<hbm>> -> memref<1x1x128xi32, #tpu.memory_space<hbm>>
            %dma_wait3A_209 = tpu.memref_squeeze %dma_wait3A_208 : memref<1x1x128xi32, #tpu.memory_space<hbm>> -> memref<128xi32, #tpu.memory_space<hbm>>
            %dma_wait3A_210 = tpu.memref_slice %arg3[%arg0, %add3A_52, %mul3A_188] : memref<2x32x10368xi32, #tpu.memory_space<hbm>> -> memref<1x1x128xi32, #tpu.memory_space<hbm>>
            %dma_wait3A_211 = tpu.memref_squeeze %dma_wait3A_210 : memref<1x1x128xi32, #tpu.memory_space<hbm>> -> memref<128xi32, #tpu.memory_space<hbm>>
            tpu.wait_dma2 semaphore(%run_scoped3A : memref<!tpu.dma_semaphore, #tpu.memory_space<semaphore_mem>>) src(%dma_wait3A_211 : memref<128xi32, #tpu.memory_space<hbm>>) dst(%arg8 : memref<128xi32, #tpu.memory_space<vmem>>)
            tpu.yield
          }) : () -> ()
          "tpu.region"() ({
            %run_scoped3A = tpu.sem_alloc : memref<!tpu.dma_semaphore, #tpu.memory_space<semaphore_mem>>
            %dma_start3A_204 = tpu.memref_slice %arg4[%arg0, %add3A_52, %mul3A_188] : memref<2x32x10368xi32, #tpu.memory_space<hbm>> -> memref<1x1x128xi32, #tpu.memory_space<hbm>>
            %dma_start3A_205 = tpu.memref_squeeze %dma_start3A_204 : memref<1x1x128xi32, #tpu.memory_space<hbm>> -> memref<128xi32, #tpu.memory_space<hbm>>
            %dma_start3A_206 = tpu.memref_slice %arg4[%arg0, %add3A_52, %mul3A_188] : memref<2x32x10368xi32, #tpu.memory_space<hbm>> -> memref<1x1x128xi32, #tpu.memory_space<hbm>>
            %dma_start3A_207 = tpu.memref_squeeze %dma_start3A_206 : memref<1x1x128xi32, #tpu.memory_space<hbm>> -> memref<128xi32, #tpu.memory_space<hbm>>
            tpu.enqueue_dma source(%dma_start3A_207 : memref<128xi32, #tpu.memory_space<hbm>>) target(%arg10 : memref<128xi32, #tpu.memory_space<vmem>>) target_semaphore(%run_scoped3A : memref<!tpu.dma_semaphore, #tpu.memory_space<semaphore_mem>>)
            %dma_wait3A_208 = tpu.memref_slice %arg4[%arg0, %add3A_52, %mul3A_188] : memref<2x32x10368xi32, #tpu.memory_space<hbm>> -> memref<1x1x128xi32, #tpu.memory_space<hbm>>
            %dma_wait3A_209 = tpu.memref_squeeze %dma_wait3A_208 : memref<1x1x128xi32, #tpu.memory_space<hbm>> -> memref<128xi32, #tpu.memory_space<hbm>>
            %dma_wait3A_210 = tpu.memref_slice %arg4[%arg0, %add3A_52, %mul3A_188] : memref<2x32x10368xi32, #tpu.memory_space<hbm>> -> memref<1x1x128xi32, #tpu.memory_space<hbm>>
            %dma_wait3A_211 = tpu.memref_squeeze %dma_wait3A_210 : memref<1x1x128xi32, #tpu.memory_space<hbm>> -> memref<128xi32, #tpu.memory_space<hbm>>
            tpu.wait_dma2 semaphore(%run_scoped3A : memref<!tpu.dma_semaphore, #tpu.memory_space<semaphore_mem>>) src(%dma_wait3A_211 : memref<128xi32, #tpu.memory_space<hbm>>) dst(%arg10 : memref<128xi32, #tpu.memory_space<vmem>>)
            tpu.yield
          }) : () -> ()
          %dma_start3A = arith.constant 0 : i32
          %dma_start3A_189 = arith.constant 0 : i32
          %dma_start3A_190 = tpu.memref_slice %arg14[%dma_start3A, %dma_start3A_189] : memref<128x128xf32, #tpu.memory_space<vmem>> -> memref<64x128xf32, #tpu.memory_space<vmem>>
          %dma_start3A_191 = arith.constant 0 : i32
          %dma_start3A_192 = tpu.memref_slice %arg8[%dma_start3A_191] : memref<128xi32, #tpu.memory_space<vmem>> -> memref<64xi32, #tpu.memory_space<vmem>>
          %dma_start3A_193 = arith.constant 0 : i32
          %dma_start3A_194 = arith.constant 0 : i32
          %dma_start3A_195 = tpu.memref_slice %arg2[%dma_start3A_193, %dma_start3A_194] : memref<10240x128xf32, #tpu.memory_space<hbm>> -> memref<10240x128xf32, #tpu.memory_space<hbm>>
          tpu.enqueue_indirect_dma source(%dma_start3A_195 : memref<10240x128xf32, #tpu.memory_space<hbm>>) target(%dma_start3A_190 : memref<64x128xf32, #tpu.memory_space<vmem>>) offsets(%dma_start3A_192 : memref<64xi32, #tpu.memory_space<vmem>>) semaphore(%arg18 : memref<!tpu.dma_semaphore, #tpu.memory_space<semaphore_mem>>)
          %dma_start3A_196 = arith.constant 64 : i32
          %dma_start3A_197 = arith.constant 0 : i32
          %dma_start3A_198 = tpu.memref_slice %arg14[%dma_start3A_196, %dma_start3A_197] : memref<128x128xf32, #tpu.memory_space<vmem>> -> memref<64x128xf32, #tpu.memory_space<vmem>>
          %dma_start3A_199 = arith.constant 64 : i32
          %dma_start3A_200 = tpu.memref_slice %arg8[%dma_start3A_199] : memref<128xi32, #tpu.memory_space<vmem>> -> memref<64xi32, #tpu.memory_space<vmem>>
          %dma_start3A_201 = arith.constant 0 : i32
          %dma_start3A_202 = arith.constant 0 : i32
          %dma_start3A_203 = tpu.memref_slice %arg2[%dma_start3A_201, %dma_start3A_202] : memref<10240x128xf32, #tpu.memory_space<hbm>> -> memref<10240x128xf32, #tpu.memory_space<hbm>>
          tpu.enqueue_indirect_dma source(%dma_start3A_203 : memref<10240x128xf32, #tpu.memory_space<hbm>>) target(%dma_start3A_198 : memref<64x128xf32, #tpu.memory_space<vmem>>) offsets(%dma_start3A_200 : memref<64xi32, #tpu.memory_space<vmem>>) semaphore(%arg20 : memref<!tpu.dma_semaphore, #tpu.memory_space<semaphore_mem>>)
        } else {
        }
        %get3A_140 = arith.constant 0 : index
        %get3A_141 = tpu.vector_load %arg9[%get3A_140] {strides = array<i32>} : memref<128xi32, #tpu.memory_space<vmem>>, vector<16xi32>,
        %sub3A_142 = vector.broadcast %mul3A_2 : i32 to vector<16xi32>
        %sub3A_143 = arith.subi %get3A_141, %sub3A_142 : vector<16xi32>
        %swap3A = arith.constant 0 : index
        %swap3A_144 = tpu.vector_load %arg11[%swap3A] {strides = array<i32>} : memref<128xi32, #tpu.memory_space<vmem>>, vector<16xi32>,
        tpu.vector_store %arg11[%swap3A], %sub3A_143 {strides = array<i32>} : memref<128xi32, #tpu.memory_space<vmem>>, vector<16xi32>,
        %get3A_145 = arith.constant 16 : index
        %get3A_146 = tpu.vector_load %arg9[%get3A_145] {strides = array<i32>} : memref<128xi32, #tpu.memory_space<vmem>>, vector<16xi32>,
        %sub3A_147 = vector.broadcast %mul3A_2 : i32 to vector<16xi32>
        %sub3A_148 = arith.subi %get3A_146, %sub3A_147 : vector<16xi32>
        %swap3A_149 = arith.constant 16 : index
        %swap3A_150 = tpu.vector_load %arg11[%swap3A_149] {strides = array<i32>} : memref<128xi32, #tpu.memory_space<vmem>>, vector<16xi32>,
        tpu.vector_store %arg11[%swap3A_149], %sub3A_148 {strides = array<i32>} : memref<128xi32, #tpu.memory_space<vmem>>, vector<16xi32>,
        %get3A_151 = arith.constant 32 : index
        %get3A_152 = tpu.vector_load %arg9[%get3A_151] {strides = array<i32>} : memref<128xi32, #tpu.memory_space<vmem>>, vector<16xi32>,
        %sub3A_153 = vector.broadcast %mul3A_2 : i32 to vector<16xi32>
        %sub3A_154 = arith.subi %get3A_152, %sub3A_153 : vector<16xi32>
        %swap3A_155 = arith.constant 32 : index
        %swap3A_156 = tpu.vector_load %arg11[%swap3A_155] {strides = array<i32>} : memref<128xi32, #tpu.memory_space<vmem>>, vector<16xi32>,
        tpu.vector_store %arg11[%swap3A_155], %sub3A_154 {strides = array<i32>} : memref<128xi32, #tpu.memory_space<vmem>>, vector<16xi32>,
        %get3A_157 = arith.constant 48 : index
        %get3A_158 = tpu.vector_load %arg9[%get3A_157] {strides = array<i32>} : memref<128xi32, #tpu.memory_space<vmem>>, vector<16xi32>,
        %sub3A_159 = vector.broadcast %mul3A_2 : i32 to vector<16xi32>
        %sub3A_160 = arith.subi %get3A_158, %sub3A_159 : vector<16xi32>
        %swap3A_161 = arith.constant 48 : index
        %swap3A_162 = tpu.vector_load %arg11[%swap3A_161] {strides = array<i32>} : memref<128xi32, #tpu.memory_space<vmem>>, vector<16xi32>,
        tpu.vector_store %arg11[%swap3A_161], %sub3A_160 {strides = array<i32>} : memref<128xi32, #tpu.memory_space<vmem>>, vector<16xi32>,
        %get3A_163 = arith.constant 64 : index
        %get3A_164 = tpu.vector_load %arg9[%get3A_163] {strides = array<i32>} : memref<128xi32, #tpu.memory_space<vmem>>, vector<16xi32>,
        %sub3A_165 = vector.broadcast %mul3A_2 : i32 to vector<16xi32>
        %sub3A_166 = arith.subi %get3A_164, %sub3A_165 : vector<16xi32>
        %swap3A_167 = arith.constant 64 : index
        %swap3A_168 = tpu.vector_load %arg11[%swap3A_167] {strides = array<i32>} : memref<128xi32, #tpu.memory_space<vmem>>, vector<16xi32>,
        tpu.vector_store %arg11[%swap3A_167], %sub3A_166 {strides = array<i32>} : memref<128xi32, #tpu.memory_space<vmem>>, vector<16xi32>,
        %get3A_169 = arith.constant 80 : index
        %get3A_170 = tpu.vector_load %arg9[%get3A_169] {strides = array<i32>} : memref<128xi32, #tpu.memory_space<vmem>>, vector<16xi32>,
        %sub3A_171 = vector.broadcast %mul3A_2 : i32 to vector<16xi32>
        %sub3A_172 = arith.subi %get3A_170, %sub3A_171 : vector<16xi32>
        %swap3A_173 = arith.constant 80 : index
        %swap3A_174 = tpu.vector_load %arg11[%swap3A_173] {strides = array<i32>} : memref<128xi32, #tpu.memory_space<vmem>>, vector<16xi32>,
        tpu.vector_store %arg11[%swap3A_173], %sub3A_172 {strides = array<i32>} : memref<128xi32, #tpu.memory_space<vmem>>, vector<16xi32>,
        %get3A_175 = arith.constant 96 : index
        %get3A_176 = tpu.vector_load %arg9[%get3A_175] {strides = array<i32>} : memref<128xi32, #tpu.memory_space<vmem>>, vector<16xi32>,
        %sub3A_177 = vector.broadcast %mul3A_2 : i32 to vector<16xi32>
        %sub3A_178 = arith.subi %get3A_176, %sub3A_177 : vector<16xi32>
        %swap3A_179 = arith.constant 96 : index
        %swap3A_180 = tpu.vector_load %arg11[%swap3A_179] {strides = array<i32>} : memref<128xi32, #tpu.memory_space<vmem>>, vector<16xi32>,
        tpu.vector_store %arg11[%swap3A_179], %sub3A_178 {strides = array<i32>} : memref<128xi32, #tpu.memory_space<vmem>>, vector<16xi32>,
        %get3A_181 = arith.constant 112 : index
        %get3A_182 = tpu.vector_load %arg9[%get3A_181] {strides = array<i32>} : memref<128xi32, #tpu.memory_space<vmem>>, vector<16xi32>,
        %sub3A_183 = vector.broadcast %mul3A_2 : i32 to vector<16xi32>
        %sub3A_184 = arith.subi %get3A_182, %sub3A_183 : vector<16xi32>
        %swap3A_185 = arith.constant 112 : index
        %swap3A_186 = tpu.vector_load %arg11[%swap3A_185] {strides = array<i32>} : memref<128xi32, #tpu.memory_space<vmem>>, vector<16xi32>,
        tpu.vector_store %arg11[%swap3A_185], %sub3A_184 {strides = array<i32>} : memref<128xi32, #tpu.memory_space<vmem>>, vector<16xi32>,
        "tpu.region"() ({
          %run_scoped3A = tpu.sem_alloc : memref<!tpu.dma_semaphore, #tpu.memory_space<semaphore_mem>>
          %dma_start3A = arith.constant 0 : i32
          %dma_start3A_187 = arith.constant 0 : i32
          %dma_start3A_188 = tpu.memref_slice %arg21[%dma_start3A, %dma_start3A_187] : memref<5248x128xf32, #tpu.memory_space<vmem_shared>> -> memref<5248x128xf32, #tpu.memory_space<vmem_shared>>
          tpu.enqueue_indirect_dma source(%arg13 : memref<128x128xf32, #tpu.memory_space<vmem>>) target(%dma_start3A_188 : memref<5248x128xf32, #tpu.memory_space<vmem_shared>>) offsets(%arg11 : memref<128xi32, #tpu.memory_space<vmem>>) semaphore(%run_scoped3A : memref<!tpu.dma_semaphore, #tpu.memory_space<semaphore_mem>>) {add = true}
          %dma_wait3A_189 = arith.constant 0 : i32
          %dma_wait3A_190 = arith.constant 0 : i32
          %dma_wait3A_191 = tpu.memref_slice %arg21[%dma_wait3A_189, %dma_wait3A_190] : memref<5248x128xf32, #tpu.memory_space<vmem_shared>> -> memref<5248x128xf32, #tpu.memory_space<vmem_shared>>
          tpu.wait_indirect_dma semaphore(%run_scoped3A : memref<!tpu.dma_semaphore, #tpu.memory_space<semaphore_mem>>) src(%arg13 : memref<128x128xf32, #tpu.memory_space<vmem>>) dst(%dma_wait3A_191 : memref<5248x128xf32, #tpu.memory_space<vmem_shared>>)
          tpu.yield
        }) : () -> ()
      } else {
      }
      %lt3A_117 = arith.cmpi slt, %add3A_111, %reduce_sum3A_64 : i32
      %convert_element_type3A_118 = arith.extui %lt3A_117 : i1 to i32
      %cond3A_119 = arith.constant 0 : i32
      %cond3A_120 = arith.cmpi ne, %convert_element_type3A_118, %cond3A_119 : i32
      scf.if %cond3A_120 {
        %dma_wait3A = arith.constant 0 : i32
        %dma_wait3A_121 = arith.constant 0 : i32
        %dma_wait3A_122 = tpu.memref_slice %arg14[%dma_wait3A, %dma_wait3A_121] : memref<128x128xf32, #tpu.memory_space<vmem>> -> memref<64x128xf32, #tpu.memory_space<vmem>>
        %dma_wait3A_123 = arith.constant 0 : i32
        %dma_wait3A_124 = tpu.memref_slice %arg8[%dma_wait3A_123] : memref<128xi32, #tpu.memory_space<vmem>> -> memref<64xi32, #tpu.memory_space<vmem>>
        %dma_wait3A_125 = arith.constant 0 : i32
        %dma_wait3A_126 = arith.constant 0 : i32
        %dma_wait3A_127 = tpu.memref_slice %arg2[%dma_wait3A_125, %dma_wait3A_126] : memref<10240x128xf32, #tpu.memory_space<hbm>> -> memref<10240x128xf32, #tpu.memory_space<hbm>>
        tpu.wait_indirect_dma semaphore(%arg18 : memref<!tpu.dma_semaphore, #tpu.memory_space<semaphore_mem>>) src(%dma_wait3A_127 : memref<10240x128xf32, #tpu.memory_space<hbm>>) dst(%dma_wait3A_122 : memref<64x128xf32, #tpu.memory_space<vmem>>)
        %dma_wait3A_128 = arith.constant 64 : i32
        %dma_wait3A_129 = arith.constant 0 : i32
        %dma_wait3A_130 = tpu.memref_slice %arg14[%dma_wait3A_128, %dma_wait3A_129] : memref<128x128xf32, #tpu.memory_space<vmem>> -> memref<64x128xf32, #tpu.memory_space<vmem>>
        %dma_wait3A_131 = arith.constant 64 : i32
        %dma_wait3A_132 = tpu.memref_slice %arg8[%dma_wait3A_131] : memref<128xi32, #tpu.memory_space<vmem>> -> memref<64xi32, #tpu.memory_space<vmem>>
        %dma_wait3A_133 = arith.constant 0 : i32
        %dma_wait3A_134 = arith.constant 0 : i32
        %dma_wait3A_135 = tpu.memref_slice %arg2[%dma_wait3A_133, %dma_wait3A_134] : memref<10240x128xf32, #tpu.memory_space<hbm>> -> memref<10240x128xf32, #tpu.memory_space<hbm>>
        tpu.wait_indirect_dma semaphore(%arg20 : memref<!tpu.dma_semaphore, #tpu.memory_space<semaphore_mem>>) src(%dma_wait3A_135 : memref<10240x128xf32, #tpu.memory_space<hbm>>) dst(%dma_wait3A_130 : memref<64x128xf32, #tpu.memory_space<vmem>>)
        %lt3A_136 = arith.cmpi slt, %add3A_113, %reduce_sum3A_64 : i32
        %convert_element_type3A_137 = arith.extui %lt3A_136 : i1 to i32
        %cond3A_138 = arith.constant 0 : i32
        %cond3A_139 = arith.cmpi ne, %convert_element_type3A_137, %cond3A_138 : i32
        scf.if %cond3A_139 {
          %mul3A_187 = arith.constant 128 : i32
          %mul3A_188 = arith.muli %add3A_113, %mul3A_187 : i32
          "tpu.region"() ({
            %run_scoped3A = tpu.sem_alloc : memref<!tpu.dma_semaphore, #tpu.memory_space<semaphore_mem>>
            %dma_start3A_204 = tpu.memref_slice %arg3[%arg0, %add3A_52, %mul3A_188] : memref<2x32x10368xi32, #tpu.memory_space<hbm>> -> memref<1x1x128xi32, #tpu.memory_space<hbm>>
            %dma_start3A_205 = tpu.memref_squeeze %dma_start3A_204 : memref<1x1x128xi32, #tpu.memory_space<hbm>> -> memref<128xi32, #tpu.memory_space<hbm>>
            %dma_start3A_206 = tpu.memref_slice %arg3[%arg0, %add3A_52, %mul3A_188] : memref<2x32x10368xi32, #tpu.memory_space<hbm>> -> memref<1x1x128xi32, #tpu.memory_space<hbm>>
            %dma_start3A_207 = tpu.memref_squeeze %dma_start3A_206 : memref<1x1x128xi32, #tpu.memory_space<hbm>> -> memref<128xi32, #tpu.memory_space<hbm>>
            tpu.enqueue_dma source(%dma_start3A_207 : memref<128xi32, #tpu.memory_space<hbm>>) target(%arg7 : memref<128xi32, #tpu.memory_space<vmem>>) target_semaphore(%run_scoped3A : memref<!tpu.dma_semaphore, #tpu.memory_space<semaphore_mem>>)
            %dma_wait3A_208 = tpu.memref_slice %arg3[%arg0, %add3A_52, %mul3A_188] : memref<2x32x10368xi32, #tpu.memory_space<hbm>> -> memref<1x1x128xi32, #tpu.memory_space<hbm>>
            %dma_wait3A_209 = tpu.memref_squeeze %dma_wait3A_208 : memref<1x1x128xi32, #tpu.memory_space<hbm>> -> memref<128xi32, #tpu.memory_space<hbm>>
            %dma_wait3A_210 = tpu.memref_slice %arg3[%arg0, %add3A_52, %mul3A_188] : memref<2x32x10368xi32, #tpu.memory_space<hbm>> -> memref<1x1x128xi32, #tpu.memory_space<hbm>>
            %dma_wait3A_211 = tpu.memref_squeeze %dma_wait3A_210 : memref<1x1x128xi32, #tpu.memory_space<hbm>> -> memref<128xi32, #tpu.memory_space<hbm>>
            tpu.wait_dma2 semaphore(%run_scoped3A : memref<!tpu.dma_semaphore, #tpu.memory_space<semaphore_mem>>) src(%dma_wait3A_211 : memref<128xi32, #tpu.memory_space<hbm>>) dst(%arg7 : memref<128xi32, #tpu.memory_space<vmem>>)
            tpu.yield
          }) : () -> ()
          "tpu.region"() ({
            %run_scoped3A = tpu.sem_alloc : memref<!tpu.dma_semaphore, #tpu.memory_space<semaphore_mem>>
            %dma_start3A_204 = tpu.memref_slice %arg4[%arg0, %add3A_52, %mul3A_188] : memref<2x32x10368xi32, #tpu.memory_space<hbm>> -> memref<1x1x128xi32, #tpu.memory_space<hbm>>
            %dma_start3A_205 = tpu.memref_squeeze %dma_start3A_204 : memref<1x1x128xi32, #tpu.memory_space<hbm>> -> memref<128xi32, #tpu.memory_space<hbm>>
            %dma_start3A_206 = tpu.memref_slice %arg4[%arg0, %add3A_52, %mul3A_188] : memref<2x32x10368xi32, #tpu.memory_space<hbm>> -> memref<1x1x128xi32, #tpu.memory_space<hbm>>
            %dma_start3A_207 = tpu.memref_squeeze %dma_start3A_206 : memref<1x1x128xi32, #tpu.memory_space<hbm>> -> memref<128xi32, #tpu.memory_space<hbm>>
            tpu.enqueue_dma source(%dma_start3A_207 : memref<128xi32, #tpu.memory_space<hbm>>) target(%arg9 : memref<128xi32, #tpu.memory_space<vmem>>) target_semaphore(%run_scoped3A : memref<!tpu.dma_semaphore, #tpu.memory_space<semaphore_mem>>)
            %dma_wait3A_208 = tpu.memref_slice %arg4[%arg0, %add3A_52, %mul3A_188] : memref<2x32x10368xi32, #tpu.memory_space<hbm>> -> memref<1x1x128xi32, #tpu.memory_space<hbm>>
            %dma_wait3A_209 = tpu.memref_squeeze %dma_wait3A_208 : memref<1x1x128xi32, #tpu.memory_space<hbm>> -> memref<128xi32, #tpu.memory_space<hbm>>
            %dma_wait3A_210 = tpu.memref_slice %arg4[%arg0, %add3A_52, %mul3A_188] : memref<2x32x10368xi32, #tpu.memory_space<hbm>> -> memref<1x1x128xi32, #tpu.memory_space<hbm>>
            %dma_wait3A_211 = tpu.memref_squeeze %dma_wait3A_210 : memref<1x1x128xi32, #tpu.memory_space<hbm>> -> memref<128xi32, #tpu.memory_space<hbm>>
            tpu.wait_dma2 semaphore(%run_scoped3A : memref<!tpu.dma_semaphore, #tpu.memory_space<semaphore_mem>>) src(%dma_wait3A_211 : memref<128xi32, #tpu.memory_space<hbm>>) dst(%arg9 : memref<128xi32, #tpu.memory_space<vmem>>)
            tpu.yield
          }) : () -> ()
          %dma_start3A = arith.constant 0 : i32
          %dma_start3A_189 = arith.constant 0 : i32
          %dma_start3A_190 = tpu.memref_slice %arg13[%dma_start3A, %dma_start3A_189] : memref<128x128xf32, #tpu.memory_space<vmem>> -> memref<64x128xf32, #tpu.memory_space<vmem>>
          %dma_start3A_191 = arith.constant 0 : i32
          %dma_start3A_192 = tpu.memref_slice %arg7[%dma_start3A_191] : memref<128xi32, #tpu.memory_space<vmem>> -> memref<64xi32, #tpu.memory_space<vmem>>
          %dma_start3A_193 = arith.constant 0 : i32
          %dma_start3A_194 = arith.constant 0 : i32
          %dma_start3A_195 = tpu.memref_slice %arg2[%dma_start3A_193, %dma_start3A_194] : memref<10240x128xf32, #tpu.memory_space<hbm>> -> memref<10240x128xf32, #tpu.memory_space<hbm>>
          tpu.enqueue_indirect_dma source(%dma_start3A_195 : memref<10240x128xf32, #tpu.memory_space<hbm>>) target(%dma_start3A_190 : memref<64x128xf32, #tpu.memory_space<vmem>>) offsets(%dma_start3A_192 : memref<64xi32, #tpu.memory_space<vmem>>) semaphore(%arg17 : memref<!tpu.dma_semaphore, #tpu.memory_space<semaphore_mem>>)
          %dma_start3A_196 = arith.constant 64 : i32
          %dma_start3A_197 = arith.constant 0 : i32
          %dma_start3A_198 = tpu.memref_slice %arg13[%dma_start3A_196, %dma_start3A_197] : memref<128x128xf32, #tpu.memory_space<vmem>> -> memref<64x128xf32, #tpu.memory_space<vmem>>
          %dma_start3A_199 = arith.constant 64 : i32
          %dma_start3A_200 = tpu.memref_slice %arg7[%dma_start3A_199] : memref<128xi32, #tpu.memory_space<vmem>> -> memref<64xi32, #tpu.memory_space<vmem>>
          %dma_start3A_201 = arith.constant 0 : i32
          %dma_start3A_202 = arith.constant 0 : i32
          %dma_start3A_203 = tpu.memref_slice %arg2[%dma_start3A_201, %dma_start3A_202] : memref<10240x128xf32, #tpu.memory_space<hbm>> -> memref<10240x128xf32, #tpu.memory_space<hbm>>
          tpu.enqueue_indirect_dma source(%dma_start3A_203 : memref<10240x128xf32, #tpu.memory_space<hbm>>) target(%dma_start3A_198 : memref<64x128xf32, #tpu.memory_space<vmem>>) offsets(%dma_start3A_200 : memref<64xi32, #tpu.memory_space<vmem>>) semaphore(%arg19 : memref<!tpu.dma_semaphore, #tpu.memory_space<semaphore_mem>>)
        } else {
        }
        %get3A_140 = arith.constant 0 : index
        %get3A_141 = tpu.vector_load %arg10[%get3A_140] {strides = array<i32>} : memref<128xi32, #tpu.memory_space<vmem>>, vector<16xi32>,
        %sub3A_142 = vector.broadcast %mul3A_2 : i32 to vector<16xi32>
        %sub3A_143 = arith.subi %get3A_141, %sub3A_142 : vector<16xi32>
        %swap3A = arith.constant 0 : index
        %swap3A_144 = tpu.vector_load %arg12[%swap3A] {strides = array<i32>} : memref<128xi32, #tpu.memory_space<vmem>>, vector<16xi32>,
        tpu.vector_store %arg12[%swap3A], %sub3A_143 {strides = array<i32>} : memref<128xi32, #tpu.memory_space<vmem>>, vector<16xi32>,
        %get3A_145 = arith.constant 16 : index
        %get3A_146 = tpu.vector_load %arg10[%get3A_145] {strides = array<i32>} : memref<128xi32, #tpu.memory_space<vmem>>, vector<16xi32>,
        %sub3A_147 = vector.broadcast %mul3A_2 : i32 to vector<16xi32>
        %sub3A_148 = arith.subi %get3A_146, %sub3A_147 : vector<16xi32>
        %swap3A_149 = arith.constant 16 : index
        %swap3A_150 = tpu.vector_load %arg12[%swap3A_149] {strides = array<i32>} : memref<128xi32, #tpu.memory_space<vmem>>, vector<16xi32>,
        tpu.vector_store %arg12[%swap3A_149], %sub3A_148 {strides = array<i32>} : memref<128xi32, #tpu.memory_space<vmem>>, vector<16xi32>,
        %get3A_151 = arith.constant 32 : index
        %get3A_152 = tpu.vector_load %arg10[%get3A_151] {strides = array<i32>} : memref<128xi32, #tpu.memory_space<vmem>>, vector<16xi32>,
        %sub3A_153 = vector.broadcast %mul3A_2 : i32 to vector<16xi32>
        %sub3A_154 = arith.subi %get3A_152, %sub3A_153 : vector<16xi32>
        %swap3A_155 = arith.constant 32 : index
        %swap3A_156 = tpu.vector_load %arg12[%swap3A_155] {strides = array<i32>} : memref<128xi32, #tpu.memory_space<vmem>>, vector<16xi32>,
        tpu.vector_store %arg12[%swap3A_155], %sub3A_154 {strides = array<i32>} : memref<128xi32, #tpu.memory_space<vmem>>, vector<16xi32>,
        %get3A_157 = arith.constant 48 : index
        %get3A_158 = tpu.vector_load %arg10[%get3A_157] {strides = array<i32>} : memref<128xi32, #tpu.memory_space<vmem>>, vector<16xi32>,
        %sub3A_159 = vector.broadcast %mul3A_2 : i32 to vector<16xi32>
        %sub3A_160 = arith.subi %get3A_158, %sub3A_159 : vector<16xi32>
        %swap3A_161 = arith.constant 48 : index
        %swap3A_162 = tpu.vector_load %arg12[%swap3A_161] {strides = array<i32>} : memref<128xi32, #tpu.memory_space<vmem>>, vector<16xi32>,
        tpu.vector_store %arg12[%swap3A_161], %sub3A_160 {strides = array<i32>} : memref<128xi32, #tpu.memory_space<vmem>>, vector<16xi32>,
        %get3A_163 = arith.constant 64 : index
        %get3A_164 = tpu.vector_load %arg10[%get3A_163] {strides = array<i32>} : memref<128xi32, #tpu.memory_space<vmem>>, vector<16xi32>,
        %sub3A_165 = vector.broadcast %mul3A_2 : i32 to vector<16xi32>
        %sub3A_166 = arith.subi %get3A_164, %sub3A_165 : vector<16xi32>
        %swap3A_167 = arith.constant 64 : index
        %swap3A_168 = tpu.vector_load %arg12[%swap3A_167] {strides = array<i32>} : memref<128xi32, #tpu.memory_space<vmem>>, vector<16xi32>,
        tpu.vector_store %arg12[%swap3A_167], %sub3A_166 {strides = array<i32>} : memref<128xi32, #tpu.memory_space<vmem>>, vector<16xi32>,
        %get3A_169 = arith.constant 80 : index
        %get3A_170 = tpu.vector_load %arg10[%get3A_169] {strides = array<i32>} : memref<128xi32, #tpu.memory_space<vmem>>, vector<16xi32>,
        %sub3A_171 = vector.broadcast %mul3A_2 : i32 to vector<16xi32>
        %sub3A_172 = arith.subi %get3A_170, %sub3A_171 : vector<16xi32>
        %swap3A_173 = arith.constant 80 : index
        %swap3A_174 = tpu.vector_load %arg12[%swap3A_173] {strides = array<i32>} : memref<128xi32, #tpu.memory_space<vmem>>, vector<16xi32>,
        tpu.vector_store %arg12[%swap3A_173], %sub3A_172 {strides = array<i32>} : memref<128xi32, #tpu.memory_space<vmem>>, vector<16xi32>,
        %get3A_175 = arith.constant 96 : index
        %get3A_176 = tpu.vector_load %arg10[%get3A_175] {strides = array<i32>} : memref<128xi32, #tpu.memory_space<vmem>>, vector<16xi32>,
        %sub3A_177 = vector.broadcast %mul3A_2 : i32 to vector<16xi32>
        %sub3A_178 = arith.subi %get3A_176, %sub3A_177 : vector<16xi32>
        %swap3A_179 = arith.constant 96 : index
        %swap3A_180 = tpu.vector_load %arg12[%swap3A_179] {strides = array<i32>} : memref<128xi32, #tpu.memory_space<vmem>>, vector<16xi32>,
        tpu.vector_store %arg12[%swap3A_179], %sub3A_178 {strides = array<i32>} : memref<128xi32, #tpu.memory_space<vmem>>, vector<16xi32>,
        %get3A_181 = arith.constant 112 : index
        %get3A_182 = tpu.vector_load %arg10[%get3A_181] {strides = array<i32>} : memref<128xi32, #tpu.memory_space<vmem>>, vector<16xi32>,
        %sub3A_183 = vector.broadcast %mul3A_2 : i32 to vector<16xi32>
        %sub3A_184 = arith.subi %get3A_182, %sub3A_183 : vector<16xi32>
        %swap3A_185 = arith.constant 112 : index
        %swap3A_186 = tpu.vector_load %arg12[%swap3A_185] {strides = array<i32>} : memref<128xi32, #tpu.memory_space<vmem>>, vector<16xi32>,
        tpu.vector_store %arg12[%swap3A_185], %sub3A_184 {strides = array<i32>} : memref<128xi32, #tpu.memory_space<vmem>>, vector<16xi32>,
        "tpu.region"() ({
          %run_scoped3A = tpu.sem_alloc : memref<!tpu.dma_semaphore, #tpu.memory_space<semaphore_mem>>
          %dma_start3A = arith.constant 0 : i32
          %dma_start3A_187 = arith.constant 0 : i32
          %dma_start3A_188 = tpu.memref_slice %arg21[%dma_start3A, %dma_start3A_187] : memref<5248x128xf32, #tpu.memory_space<vmem_shared>> -> memref<5248x128xf32, #tpu.memory_space<vmem_shared>>
          tpu.enqueue_indirect_dma source(%arg14 : memref<128x128xf32, #tpu.memory_space<vmem>>) target(%dma_start3A_188 : memref<5248x128xf32, #tpu.memory_space<vmem_shared>>) offsets(%arg12 : memref<128xi32, #tpu.memory_space<vmem>>) semaphore(%run_scoped3A : memref<!tpu.dma_semaphore, #tpu.memory_space<semaphore_mem>>) {add = true}
          %dma_wait3A_189 = arith.constant 0 : i32
          %dma_wait3A_190 = arith.constant 0 : i32
          %dma_wait3A_191 = tpu.memref_slice %arg21[%dma_wait3A_189, %dma_wait3A_190] : memref<5248x128xf32, #tpu.memory_space<vmem_shared>> -> memref<5248x128xf32, #tpu.memory_space<vmem_shared>>
          tpu.wait_indirect_dma semaphore(%run_scoped3A : memref<!tpu.dma_semaphore, #tpu.memory_space<semaphore_mem>>) src(%arg14 : memref<128x128xf32, #tpu.memory_space<vmem>>) dst(%dma_wait3A_191 : memref<5248x128xf32, #tpu.memory_space<vmem_shared>>)
          tpu.yield
        }) : () -> ()
      } else {
      }
    }
    %while3A_105 = arith.constant 1 : i32
    scf.for %while3A_107 = %while3A_103 to %while3A_99 step %while3A_105  : i32 {
      %mul3A_108 = arith.constant 2 : i32
      %mul3A_109 = arith.muli %mul3A_108, %while3A_107 : i32
      %add3A_110 = arith.constant 1 : i32
      %add3A_111 = arith.addi %mul3A_109, %add3A_110 : i32
      %add3A_112 = arith.constant 2 : i32
      %add3A_113 = arith.addi %mul3A_109, %add3A_112 : i32
      %lt3A = arith.cmpi slt, %mul3A_109, %reduce_sum3A_64 : i32
      %convert_element_type3A_114 = arith.extui %lt3A : i1 to i32
      %cond3A_115 = arith.constant 0 : i32
      %cond3A_116 = arith.cmpi ne, %convert_element_type3A_114, %cond3A_115 : i32
      scf.if %cond3A_116 {
        %dma_wait3A = arith.constant 0 : i32
        %dma_wait3A_121 = arith.constant 0 : i32
        %dma_wait3A_122 = tpu.memref_slice %arg13[%dma_wait3A, %dma_wait3A_121] : memref<128x128xf32, #tpu.memory_space<vmem>> -> memref<64x128xf32, #tpu.memory_space<vmem>>
        %dma_wait3A_123 = arith.constant 0 : i32
        %dma_wait3A_124 = tpu.memref_slice %arg7[%dma_wait3A_123] : memref<128xi32, #tpu.memory_space<vmem>> -> memref<64xi32, #tpu.memory_space<vmem>>
        %dma_wait3A_125 = arith.constant 0 : i32
        %dma_wait3A_126 = arith.constant 0 : i32
        %dma_wait3A_127 = tpu.memref_slice %arg2[%dma_wait3A_125, %dma_wait3A_126] : memref<10240x128xf32, #tpu.memory_space<hbm>> -> memref<10240x128xf32, #tpu.memory_space<hbm>>
        tpu.wait_indirect_dma semaphore(%arg17 : memref<!tpu.dma_semaphore, #tpu.memory_space<semaphore_mem>>) src(%dma_wait3A_127 : memref<10240x128xf32, #tpu.memory_space<hbm>>) dst(%dma_wait3A_122 : memref<64x128xf32, #tpu.memory_space<vmem>>)
        %dma_wait3A_128 = arith.constant 64 : i32
        %dma_wait3A_129 = arith.constant 0 : i32
        %dma_wait3A_130 = tpu.memref_slice %arg13[%dma_wait3A_128, %dma_wait3A_129] : memref<128x128xf32, #tpu.memory_space<vmem>> -> memref<64x128xf32, #tpu.memory_space<vmem>>
        %dma_wait3A_131 = arith.constant 64 : i32
        %dma_wait3A_132 = tpu.memref_slice %arg7[%dma_wait3A_131] : memref<128xi32, #tpu.memory_space<vmem>> -> memref<64xi32, #tpu.memory_space<vmem>>
        %dma_wait3A_133 = arith.constant 0 : i32
        %dma_wait3A_134 = arith.constant 0 : i32
        %dma_wait3A_135 = tpu.memref_slice %arg2[%dma_wait3A_133, %dma_wait3A_134] : memref<10240x128xf32, #tpu.memory_space<hbm>> -> memref<10240x128xf32, #tpu.memory_space<hbm>>
        tpu.wait_indirect_dma semaphore(%arg19 : memref<!tpu.dma_semaphore, #tpu.memory_space<semaphore_mem>>) src(%dma_wait3A_135 : memref<10240x128xf32, #tpu.memory_space<hbm>>) dst(%dma_wait3A_130 : memref<64x128xf32, #tpu.memory_space<vmem>>)
        %lt3A_136 = arith.cmpi slt, %add3A_111, %reduce_sum3A_64 : i32
        %convert_element_type3A_137 = arith.extui %lt3A_136 : i1 to i32
        %cond3A_138 = arith.constant 0 : i32
        %cond3A_139 = arith.cmpi ne, %convert_element_type3A_137, %cond3A_138 : i32
        scf.if %cond3A_139 {
          %mul3A_187 = arith.constant 128 : i32
          %mul3A_188 = arith.muli %add3A_111, %mul3A_187 : i32
          "tpu.region"() ({
            %run_scoped3A = tpu.sem_alloc : memref<!tpu.dma_semaphore, #tpu.memory_space<semaphore_mem>>
            %dma_start3A_204 = tpu.memref_slice %arg3[%arg0, %add3A_52, %mul3A_188] : memref<2x32x10368xi32, #tpu.memory_space<hbm>> -> memref<1x1x128xi32, #tpu.memory_space<hbm>>
            %dma_start3A_205 = tpu.memref_squeeze %dma_start3A_204 : memref<1x1x128xi32, #tpu.memory_space<hbm>> -> memref<128xi32, #tpu.memory_space<hbm>>
            %dma_start3A_206 = tpu.memref_slice %arg3[%arg0, %add3A_52, %mul3A_188] : memref<2x32x10368xi32, #tpu.memory_space<hbm>> -> memref<1x1x128xi32, #tpu.memory_space<hbm>>
            %dma_start3A_207 = tpu.memref_squeeze %dma_start3A_206 : memref<1x1x128xi32, #tpu.memory_space<hbm>> -> memref<128xi32, #tpu.memory_space<hbm>>
            tpu.enqueue_dma source(%dma_start3A_207 : memref<128xi32, #tpu.memory_space<hbm>>) target(%arg8 : memref<128xi32, #tpu.memory_space<vmem>>) target_semaphore(%run_scoped3A : memref<!tpu.dma_semaphore, #tpu.memory_space<semaphore_mem>>)
            %dma_wait3A_208 = tpu.memref_slice %arg3[%arg0, %add3A_52, %mul3A_188] : memref<2x32x10368xi32, #tpu.memory_space<hbm>> -> memref<1x1x128xi32, #tpu.memory_space<hbm>>
            %dma_wait3A_209 = tpu.memref_squeeze %dma_wait3A_208 : memref<1x1x128xi32, #tpu.memory_space<hbm>> -> memref<128xi32, #tpu.memory_space<hbm>>
            %dma_wait3A_210 = tpu.memref_slice %arg3[%arg0, %add3A_52, %mul3A_188] : memref<2x32x10368xi32, #tpu.memory_space<hbm>> -> memref<1x1x128xi32, #tpu.memory_space<hbm>>
            %dma_wait3A_211 = tpu.memref_squeeze %dma_wait3A_210 : memref<1x1x128xi32, #tpu.memory_space<hbm>> -> memref<128xi32, #tpu.memory_space<hbm>>
            tpu.wait_dma2 semaphore(%run_scoped3A : memref<!tpu.dma_semaphore, #tpu.memory_space<semaphore_mem>>) src(%dma_wait3A_211 : memref<128xi32, #tpu.memory_space<hbm>>) dst(%arg8 : memref<128xi32, #tpu.memory_space<vmem>>)
            tpu.yield
          }) : () -> ()
          "tpu.region"() ({
            %run_scoped3A = tpu.sem_alloc : memref<!tpu.dma_semaphore, #tpu.memory_space<semaphore_mem>>
            %dma_start3A_204 = tpu.memref_slice %arg4[%arg0, %add3A_52, %mul3A_188] : memref<2x32x10368xi32, #tpu.memory_space<hbm>> -> memref<1x1x128xi32, #tpu.memory_space<hbm>>
            %dma_start3A_205 = tpu.memref_squeeze %dma_start3A_204 : memref<1x1x128xi32, #tpu.memory_space<hbm>> -> memref<128xi32, #tpu.memory_space<hbm>>
            %dma_start3A_206 = tpu.memref_slice %arg4[%arg0, %add3A_52, %mul3A_188] : memref<2x32x10368xi32, #tpu.memory_space<hbm>> -> memref<1x1x128xi32, #tpu.memory_space<hbm>>
            %dma_start3A_207 = tpu.memref_squeeze %dma_start3A_206 : memref<1x1x128xi32, #tpu.memory_space<hbm>> -> memref<128xi32, #tpu.memory_space<hbm>>
            tpu.enqueue_dma source(%dma_start3A_207 : memref<128xi32, #tpu.memory_space<hbm>>) target(%arg10 : memref<128xi32, #tpu.memory_space<vmem>>) target_semaphore(%run_scoped3A : memref<!tpu.dma_semaphore, #tpu.memory_space<semaphore_mem>>)
            %dma_wait3A_208 = tpu.memref_slice %arg4[%arg0, %add3A_52, %mul3A_188] : memref<2x32x10368xi32, #tpu.memory_space<hbm>> -> memref<1x1x128xi32, #tpu.memory_space<hbm>>
            %dma_wait3A_209 = tpu.memref_squeeze %dma_wait3A_208 : memref<1x1x128xi32, #tpu.memory_space<hbm>> -> memref<128xi32, #tpu.memory_space<hbm>>
            %dma_wait3A_210 = tpu.memref_slice %arg4[%arg0, %add3A_52, %mul3A_188] : memref<2x32x10368xi32, #tpu.memory_space<hbm>> -> memref<1x1x128xi32, #tpu.memory_space<hbm>>
            %dma_wait3A_211 = tpu.memref_squeeze %dma_wait3A_210 : memref<1x1x128xi32, #tpu.memory_space<hbm>> -> memref<128xi32, #tpu.memory_space<hbm>>
            tpu.wait_dma2 semaphore(%run_scoped3A : memref<!tpu.dma_semaphore, #tpu.memory_space<semaphore_mem>>) src(%dma_wait3A_211 : memref<128xi32, #tpu.memory_space<hbm>>) dst(%arg10 : memref<128xi32, #tpu.memory_space<vmem>>)
            tpu.yield
          }) : () -> ()
          %dma_start3A = arith.constant 0 : i32
          %dma_start3A_189 = arith.constant 0 : i32
          %dma_start3A_190 = tpu.memref_slice %arg14[%dma_start3A, %dma_start3A_189] : memref<128x128xf32, #tpu.memory_space<vmem>> -> memref<64x128xf32, #tpu.memory_space<vmem>>
          %dma_start3A_191 = arith.constant 0 : i32
          %dma_start3A_192 = tpu.memref_slice %arg8[%dma_start3A_191] : memref<128xi32, #tpu.memory_space<vmem>> -> memref<64xi32, #tpu.memory_space<vmem>>
          %dma_start3A_193 = arith.constant 0 : i32
          %dma_start3A_194 = arith.constant 0 : i32
          %dma_start3A_195 = tpu.memref_slice %arg2[%dma_start3A_193, %dma_start3A_194] : memref<10240x128xf32, #tpu.memory_space<hbm>> -> memref<10240x128xf32, #tpu.memory_space<hbm>>
          tpu.enqueue_indirect_dma source(%dma_start3A_195 : memref<10240x128xf32, #tpu.memory_space<hbm>>) target(%dma_start3A_190 : memref<64x128xf32, #tpu.memory_space<vmem>>) offsets(%dma_start3A_192 : memref<64xi32, #tpu.memory_space<vmem>>) semaphore(%arg18 : memref<!tpu.dma_semaphore, #tpu.memory_space<semaphore_mem>>)
          %dma_start3A_196 = arith.constant 64 : i32
          %dma_start3A_197 = arith.constant 0 : i32
          %dma_start3A_198 = tpu.memref_slice %arg14[%dma_start3A_196, %dma_start3A_197] : memref<128x128xf32, #tpu.memory_space<vmem>> -> memref<64x128xf32, #tpu.memory_space<vmem>>
          %dma_start3A_199 = arith.constant 64 : i32
          %dma_start3A_200 = tpu.memref_slice %arg8[%dma_start3A_199] : memref<128xi32, #tpu.memory_space<vmem>> -> memref<64xi32, #tpu.memory_space<vmem>>
          %dma_start3A_201 = arith.constant 0 : i32
          %dma_start3A_202 = arith.constant 0 : i32
          %dma_start3A_203 = tpu.memref_slice %arg2[%dma_start3A_201, %dma_start3A_202] : memref<10240x128xf32, #tpu.memory_space<hbm>> -> memref<10240x128xf32, #tpu.memory_space<hbm>>
          tpu.enqueue_indirect_dma source(%dma_start3A_203 : memref<10240x128xf32, #tpu.memory_space<hbm>>) target(%dma_start3A_198 : memref<64x128xf32, #tpu.memory_space<vmem>>) offsets(%dma_start3A_200 : memref<64xi32, #tpu.memory_space<vmem>>) semaphore(%arg20 : memref<!tpu.dma_semaphore, #tpu.memory_space<semaphore_mem>>)
        } else {
        }
        %get3A_140 = arith.constant 0 : index
        %get3A_141 = tpu.vector_load %arg9[%get3A_140] {strides = array<i32>} : memref<128xi32, #tpu.memory_space<vmem>>, vector<16xi32>,
        %sub3A_142 = vector.broadcast %mul3A_2 : i32 to vector<16xi32>
        %sub3A_143 = arith.subi %get3A_141, %sub3A_142 : vector<16xi32>
        %swap3A = arith.constant 0 : index
        %swap3A_144 = tpu.vector_load %arg11[%swap3A] {strides = array<i32>} : memref<128xi32, #tpu.memory_space<vmem>>, vector<16xi32>,
        tpu.vector_store %arg11[%swap3A], %sub3A_143 {strides = array<i32>} : memref<128xi32, #tpu.memory_space<vmem>>, vector<16xi32>,
        %get3A_145 = arith.constant 16 : index
        %get3A_146 = tpu.vector_load %arg9[%get3A_145] {strides = array<i32>} : memref<128xi32, #tpu.memory_space<vmem>>, vector<16xi32>,
        %sub3A_147 = vector.broadcast %mul3A_2 : i32 to vector<16xi32>
        %sub3A_148 = arith.subi %get3A_146, %sub3A_147 : vector<16xi32>
        %swap3A_149 = arith.constant 16 : index
        %swap3A_150 = tpu.vector_load %arg11[%swap3A_149] {strides = array<i32>} : memref<128xi32, #tpu.memory_space<vmem>>, vector<16xi32>,
        tpu.vector_store %arg11[%swap3A_149], %sub3A_148 {strides = array<i32>} : memref<128xi32, #tpu.memory_space<vmem>>, vector<16xi32>,
        %get3A_151 = arith.constant 32 : index
        %get3A_152 = tpu.vector_load %arg9[%get3A_151] {strides = array<i32>} : memref<128xi32, #tpu.memory_space<vmem>>, vector<16xi32>,
        %sub3A_153 = vector.broadcast %mul3A_2 : i32 to vector<16xi32>
        %sub3A_154 = arith.subi %get3A_152, %sub3A_153 : vector<16xi32>
        %swap3A_155 = arith.constant 32 : index
        %swap3A_156 = tpu.vector_load %arg11[%swap3A_155] {strides = array<i32>} : memref<128xi32, #tpu.memory_space<vmem>>, vector<16xi32>,
        tpu.vector_store %arg11[%swap3A_155], %sub3A_154 {strides = array<i32>} : memref<128xi32, #tpu.memory_space<vmem>>, vector<16xi32>,
        %get3A_157 = arith.constant 48 : index
        %get3A_158 = tpu.vector_load %arg9[%get3A_157] {strides = array<i32>} : memref<128xi32, #tpu.memory_space<vmem>>, vector<16xi32>,
        %sub3A_159 = vector.broadcast %mul3A_2 : i32 to vector<16xi32>
        %sub3A_160 = arith.subi %get3A_158, %sub3A_159 : vector<16xi32>
        %swap3A_161 = arith.constant 48 : index
        %swap3A_162 = tpu.vector_load %arg11[%swap3A_161] {strides = array<i32>} : memref<128xi32, #tpu.memory_space<vmem>>, vector<16xi32>,
        tpu.vector_store %arg11[%swap3A_161], %sub3A_160 {strides = array<i32>} : memref<128xi32, #tpu.memory_space<vmem>>, vector<16xi32>,
        %get3A_163 = arith.constant 64 : index
        %get3A_164 = tpu.vector_load %arg9[%get3A_163] {strides = array<i32>} : memref<128xi32, #tpu.memory_space<vmem>>, vector<16xi32>,
        %sub3A_165 = vector.broadcast %mul3A_2 : i32 to vector<16xi32>
        %sub3A_166 = arith.subi %get3A_164, %sub3A_165 : vector<16xi32>
        %swap3A_167 = arith.constant 64 : index
        %swap3A_168 = tpu.vector_load %arg11[%swap3A_167] {strides = array<i32>} : memref<128xi32, #tpu.memory_space<vmem>>, vector<16xi32>,
        tpu.vector_store %arg11[%swap3A_167], %sub3A_166 {strides = array<i32>} : memref<128xi32, #tpu.memory_space<vmem>>, vector<16xi32>,
        %get3A_169 = arith.constant 80 : index
        %get3A_170 = tpu.vector_load %arg9[%get3A_169] {strides = array<i32>} : memref<128xi32, #tpu.memory_space<vmem>>, vector<16xi32>,
        %sub3A_171 = vector.broadcast %mul3A_2 : i32 to vector<16xi32>
        %sub3A_172 = arith.subi %get3A_170, %sub3A_171 : vector<16xi32>
        %swap3A_173 = arith.constant 80 : index
        %swap3A_174 = tpu.vector_load %arg11[%swap3A_173] {strides = array<i32>} : memref<128xi32, #tpu.memory_space<vmem>>, vector<16xi32>,
        tpu.vector_store %arg11[%swap3A_173], %sub3A_172 {strides = array<i32>} : memref<128xi32, #tpu.memory_space<vmem>>, vector<16xi32>,
        %get3A_175 = arith.constant 96 : index
        %get3A_176 = tpu.vector_load %arg9[%get3A_175] {strides = array<i32>} : memref<128xi32, #tpu.memory_space<vmem>>, vector<16xi32>,
        %sub3A_177 = vector.broadcast %mul3A_2 : i32 to vector<16xi32>
        %sub3A_178 = arith.subi %get3A_176, %sub3A_177 : vector<16xi32>
        %swap3A_179 = arith.constant 96 : index
        %swap3A_180 = tpu.vector_load %arg11[%swap3A_179] {strides = array<i32>} : memref<128xi32, #tpu.memory_space<vmem>>, vector<16xi32>,
        tpu.vector_store %arg11[%swap3A_179], %sub3A_178 {strides = array<i32>} : memref<128xi32, #tpu.memory_space<vmem>>, vector<16xi32>,
        %get3A_181 = arith.constant 112 : index
        %get3A_182 = tpu.vector_load %arg9[%get3A_181] {strides = array<i32>} : memref<128xi32, #tpu.memory_space<vmem>>, vector<16xi32>,
        %sub3A_183 = vector.broadcast %mul3A_2 : i32 to vector<16xi32>
        %sub3A_184 = arith.subi %get3A_182, %sub3A_183 : vector<16xi32>
        %swap3A_185 = arith.constant 112 : index
        %swap3A_186 = tpu.vector_load %arg11[%swap3A_185] {strides = array<i32>} : memref<128xi32, #tpu.memory_space<vmem>>, vector<16xi32>,
        tpu.vector_store %arg11[%swap3A_185], %sub3A_184 {strides = array<i32>} : memref<128xi32, #tpu.memory_space<vmem>>, vector<16xi32>,
        "tpu.region"() ({
          %run_scoped3A = tpu.sem_alloc : memref<!tpu.dma_semaphore, #tpu.memory_space<semaphore_mem>>
          %dma_start3A = arith.constant 0 : i32
          %dma_start3A_187 = arith.constant 0 : i32
          %dma_start3A_188 = tpu.memref_slice %arg21[%dma_start3A, %dma_start3A_187] : memref<5248x128xf32, #tpu.memory_space<vmem_shared>> -> memref<5248x128xf32, #tpu.memory_space<vmem_shared>>
          tpu.enqueue_indirect_dma source(%arg13 : memref<128x128xf32, #tpu.memory_space<vmem>>) target(%dma_start3A_188 : memref<5248x128xf32, #tpu.memory_space<vmem_shared>>) offsets(%arg11 : memref<128xi32, #tpu.memory_space<vmem>>) semaphore(%run_scoped3A : memref<!tpu.dma_semaphore, #tpu.memory_space<semaphore_mem>>) {add = true}
          %dma_wait3A_189 = arith.constant 0 : i32
          %dma_wait3A_190 = arith.constant 0 : i32
          %dma_wait3A_191 = tpu.memref_slice %arg21[%dma_wait3A_189, %dma_wait3A_190] : memref<5248x128xf32, #tpu.memory_space<vmem_shared>> -> memref<5248x128xf32, #tpu.memory_space<vmem_shared>>
          tpu.wait_indirect_dma semaphore(%run_scoped3A : memref<!tpu.dma_semaphore, #tpu.memory_space<semaphore_mem>>) src(%arg13 : memref<128x128xf32, #tpu.memory_space<vmem>>) dst(%dma_wait3A_191 : memref<5248x128xf32, #tpu.memory_space<vmem_shared>>)
          tpu.yield
        }) : () -> ()
      } else {
      }
      %lt3A_117 = arith.cmpi slt, %add3A_111, %reduce_sum3A_64 : i32
      %convert_element_type3A_118 = arith.extui %lt3A_117 : i1 to i32
      %cond3A_119 = arith.constant 0 : i32
      %cond3A_120 = arith.cmpi ne, %convert_element_type3A_118, %cond3A_119 : i32
      scf.if %cond3A_120 {
        %dma_wait3A = arith.constant 0 : i32
        %dma_wait3A_121 = arith.constant 0 : i32
        %dma_wait3A_122 = tpu.memref_slice %arg14[%dma_wait3A, %dma_wait3A_121] : memref<128x128xf32, #tpu.memory_space<vmem>> -> memref<64x128xf32, #tpu.memory_space<vmem>>
        %dma_wait3A_123 = arith.constant 0 : i32
        %dma_wait3A_124 = tpu.memref_slice %arg8[%dma_wait3A_123] : memref<128xi32, #tpu.memory_space<vmem>> -> memref<64xi32, #tpu.memory_space<vmem>>
        %dma_wait3A_125 = arith.constant 0 : i32
        %dma_wait3A_126 = arith.constant 0 : i32
        %dma_wait3A_127 = tpu.memref_slice %arg2[%dma_wait3A_125, %dma_wait3A_126] : memref<10240x128xf32, #tpu.memory_space<hbm>> -> memref<10240x128xf32, #tpu.memory_space<hbm>>
        tpu.wait_indirect_dma semaphore(%arg18 : memref<!tpu.dma_semaphore, #tpu.memory_space<semaphore_mem>>) src(%dma_wait3A_127 : memref<10240x128xf32, #tpu.memory_space<hbm>>) dst(%dma_wait3A_122 : memref<64x128xf32, #tpu.memory_space<vmem>>)
        %dma_wait3A_128 = arith.constant 64 : i32
        %dma_wait3A_129 = arith.constant 0 : i32
        %dma_wait3A_130 = tpu.memref_slice %arg14[%dma_wait3A_128, %dma_wait3A_129] : memref<128x128xf32, #tpu.memory_space<vmem>> -> memref<64x128xf32, #tpu.memory_space<vmem>>
        %dma_wait3A_131 = arith.constant 64 : i32
        %dma_wait3A_132 = tpu.memref_slice %arg8[%dma_wait3A_131] : memref<128xi32, #tpu.memory_space<vmem>> -> memref<64xi32, #tpu.memory_space<vmem>>
        %dma_wait3A_133 = arith.constant 0 : i32
        %dma_wait3A_134 = arith.constant 0 : i32
        %dma_wait3A_135 = tpu.memref_slice %arg2[%dma_wait3A_133, %dma_wait3A_134] : memref<10240x128xf32, #tpu.memory_space<hbm>> -> memref<10240x128xf32, #tpu.memory_space<hbm>>
        tpu.wait_indirect_dma semaphore(%arg20 : memref<!tpu.dma_semaphore, #tpu.memory_space<semaphore_mem>>) src(%dma_wait3A_135 : memref<10240x128xf32, #tpu.memory_space<hbm>>) dst(%dma_wait3A_130 : memref<64x128xf32, #tpu.memory_space<vmem>>)
        %lt3A_136 = arith.cmpi slt, %add3A_113, %reduce_sum3A_64 : i32
        %convert_element_type3A_137 = arith.extui %lt3A_136 : i1 to i32
        %cond3A_138 = arith.constant 0 : i32
        %cond3A_139 = arith.cmpi ne, %convert_element_type3A_137, %cond3A_138 : i32
        scf.if %cond3A_139 {
          %mul3A_187 = arith.constant 128 : i32
          %mul3A_188 = arith.muli %add3A_113, %mul3A_187 : i32
          "tpu.region"() ({
            %run_scoped3A = tpu.sem_alloc : memref<!tpu.dma_semaphore, #tpu.memory_space<semaphore_mem>>
            %dma_start3A_204 = tpu.memref_slice %arg3[%arg0, %add3A_52, %mul3A_188] : memref<2x32x10368xi32, #tpu.memory_space<hbm>> -> memref<1x1x128xi32, #tpu.memory_space<hbm>>
            %dma_start3A_205 = tpu.memref_squeeze %dma_start3A_204 : memref<1x1x128xi32, #tpu.memory_space<hbm>> -> memref<128xi32, #tpu.memory_space<hbm>>
            %dma_start3A_206 = tpu.memref_slice %arg3[%arg0, %add3A_52, %mul3A_188] : memref<2x32x10368xi32, #tpu.memory_space<hbm>> -> memref<1x1x128xi32, #tpu.memory_space<hbm>>
            %dma_start3A_207 = tpu.memref_squeeze %dma_start3A_206 : memref<1x1x128xi32, #tpu.memory_space<hbm>> -> memref<128xi32, #tpu.memory_space<hbm>>
            tpu.enqueue_dma source(%dma_start3A_207 : memref<128xi32, #tpu.memory_space<hbm>>) target(%arg7 : memref<128xi32, #tpu.memory_space<vmem>>) target_semaphore(%run_scoped3A : memref<!tpu.dma_semaphore, #tpu.memory_space<semaphore_mem>>)
            %dma_wait3A_208 = tpu.memref_slice %arg3[%arg0, %add3A_52, %mul3A_188] : memref<2x32x10368xi32, #tpu.memory_space<hbm>> -> memref<1x1x128xi32, #tpu.memory_space<hbm>>
            %dma_wait3A_209 = tpu.memref_squeeze %dma_wait3A_208 : memref<1x1x128xi32, #tpu.memory_space<hbm>> -> memref<128xi32, #tpu.memory_space<hbm>>
            %dma_wait3A_210 = tpu.memref_slice %arg3[%arg0, %add3A_52, %mul3A_188] : memref<2x32x10368xi32, #tpu.memory_space<hbm>> -> memref<1x1x128xi32, #tpu.memory_space<hbm>>
            %dma_wait3A_211 = tpu.memref_squeeze %dma_wait3A_210 : memref<1x1x128xi32, #tpu.memory_space<hbm>> -> memref<128xi32, #tpu.memory_space<hbm>>
            tpu.wait_dma2 semaphore(%run_scoped3A : memref<!tpu.dma_semaphore, #tpu.memory_space<semaphore_mem>>) src(%dma_wait3A_211 : memref<128xi32, #tpu.memory_space<hbm>>) dst(%arg7 : memref<128xi32, #tpu.memory_space<vmem>>)
            tpu.yield
          }) : () -> ()
          "tpu.region"() ({
            %run_scoped3A = tpu.sem_alloc : memref<!tpu.dma_semaphore, #tpu.memory_space<semaphore_mem>>
            %dma_start3A_204 = tpu.memref_slice %arg4[%arg0, %add3A_52, %mul3A_188] : memref<2x32x10368xi32, #tpu.memory_space<hbm>> -> memref<1x1x128xi32, #tpu.memory_space<hbm>>
            %dma_start3A_205 = tpu.memref_squeeze %dma_start3A_204 : memref<1x1x128xi32, #tpu.memory_space<hbm>> -> memref<128xi32, #tpu.memory_space<hbm>>
            %dma_start3A_206 = tpu.memref_slice %arg4[%arg0, %add3A_52, %mul3A_188] : memref<2x32x10368xi32, #tpu.memory_space<hbm>> -> memref<1x1x128xi32, #tpu.memory_space<hbm>>
            %dma_start3A_207 = tpu.memref_squeeze %dma_start3A_206 : memref<1x1x128xi32, #tpu.memory_space<hbm>> -> memref<128xi32, #tpu.memory_space<hbm>>
            tpu.enqueue_dma source(%dma_start3A_207 : memref<128xi32, #tpu.memory_space<hbm>>) target(%arg9 : memref<128xi32, #tpu.memory_space<vmem>>) target_semaphore(%run_scoped3A : memref<!tpu.dma_semaphore, #tpu.memory_space<semaphore_mem>>)
            %dma_wait3A_208 = tpu.memref_slice %arg4[%arg0, %add3A_52, %mul3A_188] : memref<2x32x10368xi32, #tpu.memory_space<hbm>> -> memref<1x1x128xi32, #tpu.memory_space<hbm>>
            %dma_wait3A_209 = tpu.memref_squeeze %dma_wait3A_208 : memref<1x1x128xi32, #tpu.memory_space<hbm>> -> memref<128xi32, #tpu.memory_space<hbm>>
            %dma_wait3A_210 = tpu.memref_slice %arg4[%arg0, %add3A_52, %mul3A_188] : memref<2x32x10368xi32, #tpu.memory_space<hbm>> -> memref<1x1x128xi32, #tpu.memory_space<hbm>>
            %dma_wait3A_211 = tpu.memref_squeeze %dma_wait3A_210 : memref<1x1x128xi32, #tpu.memory_space<hbm>> -> memref<128xi32, #tpu.memory_space<hbm>>
            tpu.wait_dma2 semaphore(%run_scoped3A : memref<!tpu.dma_semaphore, #tpu.memory_space<semaphore_mem>>) src(%dma_wait3A_211 : memref<128xi32, #tpu.memory_space<hbm>>) dst(%arg9 : memref<128xi32, #tpu.memory_space<vmem>>)
            tpu.yield
          }) : () -> ()
          %dma_start3A = arith.constant 0 : i32
          %dma_start3A_189 = arith.constant 0 : i32
          %dma_start3A_190 = tpu.memref_slice %arg13[%dma_start3A, %dma_start3A_189] : memref<128x128xf32, #tpu.memory_space<vmem>> -> memref<64x128xf32, #tpu.memory_space<vmem>>
          %dma_start3A_191 = arith.constant 0 : i32
          %dma_start3A_192 = tpu.memref_slice %arg7[%dma_start3A_191] : memref<128xi32, #tpu.memory_space<vmem>> -> memref<64xi32, #tpu.memory_space<vmem>>
          %dma_start3A_193 = arith.constant 0 : i32
          %dma_start3A_194 = arith.constant 0 : i32
          %dma_start3A_195 = tpu.memref_slice %arg2[%dma_start3A_193, %dma_start3A_194] : memref<10240x128xf32, #tpu.memory_space<hbm>> -> memref<10240x128xf32, #tpu.memory_space<hbm>>
          tpu.enqueue_indirect_dma source(%dma_start3A_195 : memref<10240x128xf32, #tpu.memory_space<hbm>>) target(%dma_start3A_190 : memref<64x128xf32, #tpu.memory_space<vmem>>) offsets(%dma_start3A_192 : memref<64xi32, #tpu.memory_space<vmem>>) semaphore(%arg17 : memref<!tpu.dma_semaphore, #tpu.memory_space<semaphore_mem>>)
          %dma_start3A_196 = arith.constant 64 : i32
          %dma_start3A_197 = arith.constant 0 : i32
          %dma_start3A_198 = tpu.memref_slice %arg13[%dma_start3A_196, %dma_start3A_197] : memref<128x128xf32, #tpu.memory_space<vmem>> -> memref<64x128xf32, #tpu.memory_space<vmem>>
          %dma_start3A_199 = arith.constant 64 : i32
          %dma_start3A_200 = tpu.memref_slice %arg7[%dma_start3A_199] : memref<128xi32, #tpu.memory_space<vmem>> -> memref<64xi32, #tpu.memory_space<vmem>>
          %dma_start3A_201 = arith.constant 0 : i32
          %dma_start3A_202 = arith.constant 0 : i32
          %dma_start3A_203 = tpu.memref_slice %arg2[%dma_start3A_201, %dma_start3A_202] : memref<10240x128xf32, #tpu.memory_space<hbm>> -> memref<10240x128xf32, #tpu.memory_space<hbm>>
          tpu.enqueue_indirect_dma source(%dma_start3A_203 : memref<10240x128xf32, #tpu.memory_space<hbm>>) target(%dma_start3A_198 : memref<64x128xf32, #tpu.memory_space<vmem>>) offsets(%dma_start3A_200 : memref<64xi32, #tpu.memory_space<vmem>>) semaphore(%arg19 : memref<!tpu.dma_semaphore, #tpu.memory_space<semaphore_mem>>)
        } else {
        }
        %get3A_140 = arith.constant 0 : index
        %get3A_141 = tpu.vector_load %arg10[%get3A_140] {strides = array<i32>} : memref<128xi32, #tpu.memory_space<vmem>>, vector<16xi32>,
        %sub3A_142 = vector.broadcast %mul3A_2 : i32 to vector<16xi32>
        %sub3A_143 = arith.subi %get3A_141, %sub3A_142 : vector<16xi32>
        %swap3A = arith.constant 0 : index
        %swap3A_144 = tpu.vector_load %arg12[%swap3A] {strides = array<i32>} : memref<128xi32, #tpu.memory_space<vmem>>, vector<16xi32>,
        tpu.vector_store %arg12[%swap3A], %sub3A_143 {strides = array<i32>} : memref<128xi32, #tpu.memory_space<vmem>>, vector<16xi32>,
        %get3A_145 = arith.constant 16 : index
        %get3A_146 = tpu.vector_load %arg10[%get3A_145] {strides = array<i32>} : memref<128xi32, #tpu.memory_space<vmem>>, vector<16xi32>,
        %sub3A_147 = vector.broadcast %mul3A_2 : i32 to vector<16xi32>
        %sub3A_148 = arith.subi %get3A_146, %sub3A_147 : vector<16xi32>
        %swap3A_149 = arith.constant 16 : index
        %swap3A_150 = tpu.vector_load %arg12[%swap3A_149] {strides = array<i32>} : memref<128xi32, #tpu.memory_space<vmem>>, vector<16xi32>,
        tpu.vector_store %arg12[%swap3A_149], %sub3A_148 {strides = array<i32>} : memref<128xi32, #tpu.memory_space<vmem>>, vector<16xi32>,
        %get3A_151 = arith.constant 32 : index
        %get3A_152 = tpu.vector_load %arg10[%get3A_151] {strides = array<i32>} : memref<128xi32, #tpu.memory_space<vmem>>, vector<16xi32>,
        %sub3A_153 = vector.broadcast %mul3A_2 : i32 to vector<16xi32>
        %sub3A_154 = arith.subi %get3A_152, %sub3A_153 : vector<16xi32>
        %swap3A_155 = arith.constant 32 : index
        %swap3A_156 = tpu.vector_load %arg12[%swap3A_155] {strides = array<i32>} : memref<128xi32, #tpu.memory_space<vmem>>, vector<16xi32>,
        tpu.vector_store %arg12[%swap3A_155], %sub3A_154 {strides = array<i32>} : memref<128xi32, #tpu.memory_space<vmem>>, vector<16xi32>,
        %get3A_157 = arith.constant 48 : index
        %get3A_158 = tpu.vector_load %arg10[%get3A_157] {strides = array<i32>} : memref<128xi32, #tpu.memory_space<vmem>>, vector<16xi32>,
        %sub3A_159 = vector.broadcast %mul3A_2 : i32 to vector<16xi32>
        %sub3A_160 = arith.subi %get3A_158, %sub3A_159 : vector<16xi32>
        %swap3A_161 = arith.constant 48 : index
        %swap3A_162 = tpu.vector_load %arg12[%swap3A_161] {strides = array<i32>} : memref<128xi32, #tpu.memory_space<vmem>>, vector<16xi32>,
        tpu.vector_store %arg12[%swap3A_161], %sub3A_160 {strides = array<i32>} : memref<128xi32, #tpu.memory_space<vmem>>, vector<16xi32>,
        %get3A_163 = arith.constant 64 : index
        %get3A_164 = tpu.vector_load %arg10[%get3A_163] {strides = array<i32>} : memref<128xi32, #tpu.memory_space<vmem>>, vector<16xi32>,
        %sub3A_165 = vector.broadcast %mul3A_2 : i32 to vector<16xi32>
        %sub3A_166 = arith.subi %get3A_164, %sub3A_165 : vector<16xi32>
        %swap3A_167 = arith.constant 64 : index
        %swap3A_168 = tpu.vector_load %arg12[%swap3A_167] {strides = array<i32>} : memref<128xi32, #tpu.memory_space<vmem>>, vector<16xi32>,
        tpu.vector_store %arg12[%swap3A_167], %sub3A_166 {strides = array<i32>} : memref<128xi32, #tpu.memory_space<vmem>>, vector<16xi32>,
        %get3A_169 = arith.constant 80 : index
        %get3A_170 = tpu.vector_load %arg10[%get3A_169] {strides = array<i32>} : memref<128xi32, #tpu.memory_space<vmem>>, vector<16xi32>,
        %sub3A_171 = vector.broadcast %mul3A_2 : i32 to vector<16xi32>
        %sub3A_172 = arith.subi %get3A_170, %sub3A_171 : vector<16xi32>
        %swap3A_173 = arith.constant 80 : index
        %swap3A_174 = tpu.vector_load %arg12[%swap3A_173] {strides = array<i32>} : memref<128xi32, #tpu.memory_space<vmem>>, vector<16xi32>,
        tpu.vector_store %arg12[%swap3A_173], %sub3A_172 {strides = array<i32>} : memref<128xi32, #tpu.memory_space<vmem>>, vector<16xi32>,
        %get3A_175 = arith.constant 96 : index
        %get3A_176 = tpu.vector_load %arg10[%get3A_175] {strides = array<i32>} : memref<128xi32, #tpu.memory_space<vmem>>, vector<16xi32>,
        %sub3A_177 = vector.broadcast %mul3A_2 : i32 to vector<16xi32>
        %sub3A_178 = arith.subi %get3A_176, %sub3A_177 : vector<16xi32>
        %swap3A_179 = arith.constant 96 : index
        %swap3A_180 = tpu.vector_load %arg12[%swap3A_179] {strides = array<i32>} : memref<128xi32, #tpu.memory_space<vmem>>, vector<16xi32>,
        tpu.vector_store %arg12[%swap3A_179], %sub3A_178 {strides = array<i32>} : memref<128xi32, #tpu.memory_space<vmem>>, vector<16xi32>,
        %get3A_181 = arith.constant 112 : index
        %get3A_182 = tpu.vector_load %arg10[%get3A_181] {strides = array<i32>} : memref<128xi32, #tpu.memory_space<vmem>>, vector<16xi32>,
        %sub3A_183 = vector.broadcast %mul3A_2 : i32 to vector<16xi32>
        %sub3A_184 = arith.subi %get3A_182, %sub3A_183 : vector<16xi32>
        %swap3A_185 = arith.constant 112 : index
        %swap3A_186 = tpu.vector_load %arg12[%swap3A_185] {strides = array<i32>} : memref<128xi32, #tpu.memory_space<vmem>>, vector<16xi32>,
        tpu.vector_store %arg12[%swap3A_185], %sub3A_184 {strides = array<i32>} : memref<128xi32, #tpu.memory_space<vmem>>, vector<16xi32>,
        "tpu.region"() ({
          %run_scoped3A = tpu.sem_alloc : memref<!tpu.dma_semaphore, #tpu.memory_space<semaphore_mem>>
          %dma_start3A = arith.constant 0 : i32
          %dma_start3A_187 = arith.constant 0 : i32
          %dma_start3A_188 = tpu.memref_slice %arg21[%dma_start3A, %dma_start3A_187] : memref<5248x128xf32, #tpu.memory_space<vmem_shared>> -> memref<5248x128xf32, #tpu.memory_space<vmem_shared>>
          tpu.enqueue_indirect_dma source(%arg14 : memref<128x128xf32, #tpu.memory_space<vmem>>) target(%dma_start3A_188 : memref<5248x128xf32, #tpu.memory_space<vmem_shared>>) offsets(%arg12 : memref<128xi32, #tpu.memory_space<vmem>>) semaphore(%run_scoped3A : memref<!tpu.dma_semaphore, #tpu.memory_space<semaphore_mem>>) {add = true}
          %dma_wait3A_189 = arith.constant 0 : i32
          %dma_wait3A_190 = arith.constant 0 : i32
          %dma_wait3A_191 = tpu.memref_slice %arg21[%dma_wait3A_189, %dma_wait3A_190] : memref<5248x128xf32, #tpu.memory_space<vmem_shared>> -> memref<5248x128xf32, #tpu.memory_space<vmem_shared>>
          tpu.wait_indirect_dma semaphore(%run_scoped3A : memref<!tpu.dma_semaphore, #tpu.memory_space<semaphore_mem>>) src(%arg14 : memref<128x128xf32, #tpu.memory_space<vmem>>) dst(%dma_wait3A_191 : memref<5248x128xf32, #tpu.memory_space<vmem_shared>>)
          tpu.yield
        }) : () -> ()
      } else {
      }
    }
    %barrier3A_106 = arith.constant 0 : index
    tpu.barrier barrier_id(%barrier3A_106)
    "tpu.region"() ({
      %run_scoped3A = tpu.sem_alloc : memref<!tpu.dma_semaphore, #tpu.memory_space<semaphore_mem>>
      %dma_start3A = arith.constant 0 : i32
      %dma_start3A_107 = tpu.memref_slice %arg21[%mul3A_0, %dma_start3A] : memref<5248x128xf32, #tpu.memory_space<vmem_shared>> -> memref<320x128xf32, #tpu.memory_space<vmem_shared>>
      %dma_start3A_108 = arith.constant 0 : i32
      %dma_start3A_109 = tpu.memref_slice %arg21[%mul3A_0, %dma_start3A_108] : memref<5248x128xf32, #tpu.memory_space<vmem_shared>> -> memref<320x128xf32, #tpu.memory_space<vmem_shared>>
      tpu.enqueue_dma source(%dma_start3A_109 : memref<320x128xf32, #tpu.memory_space<vmem_shared>>) target(%arg15 : memref<320x128xf32, #tpu.memory_space<vmem>>) target_semaphore(%run_scoped3A : memref<!tpu.dma_semaphore, #tpu.memory_space<semaphore_mem>>)
      %dma_wait3A = arith.constant 0 : i32
      %dma_wait3A_110 = tpu.memref_slice %arg21[%mul3A_0, %dma_wait3A] : memref<5248x128xf32, #tpu.memory_space<vmem_shared>> -> memref<320x128xf32, #tpu.memory_space<vmem_shared>>
      %dma_wait3A_111 = arith.constant 0 : i32
      %dma_wait3A_112 = tpu.memref_slice %arg21[%mul3A_0, %dma_wait3A_111] : memref<5248x128xf32, #tpu.memory_space<vmem_shared>> -> memref<320x128xf32, #tpu.memory_space<vmem_shared>>
      tpu.wait_dma2 semaphore(%run_scoped3A : memref<!tpu.dma_semaphore, #tpu.memory_space<semaphore_mem>>) src(%dma_wait3A_112 : memref<320x128xf32, #tpu.memory_space<vmem_shared>>) dst(%arg15 : memref<320x128xf32, #tpu.memory_space<vmem>>)
      tpu.yield
    }) : () -> ()
    "tpu.region"() ({
      %run_scoped3A = tpu.sem_alloc : memref<!tpu.dma_semaphore, #tpu.memory_space<semaphore_mem>>
      %dma_start3A = arith.constant 0 : i32
      %dma_start3A_107 = tpu.memref_slice %arg6[%arg0, %mul3A_0, %dma_start3A] : memref<2x5120x128xf32, #tpu.memory_space<hbm>> -> memref<1x320x128xf32, #tpu.memory_space<hbm>>
      %dma_start3A_108 = tpu.memref_squeeze %dma_start3A_107 : memref<1x320x128xf32, #tpu.memory_space<hbm>> -> memref<320x128xf32, #tpu.memory_space<hbm>>
      %dma_start3A_109 = arith.constant 0 : i32
      %dma_start3A_110 = tpu.memref_slice %arg6[%arg0, %mul3A_0, %dma_start3A_109] : memref<2x5120x128xf32, #tpu.memory_space<hbm>> -> memref<1x320x128xf32, #tpu.memory_space<hbm>>
      %dma_start3A_111 = tpu.memref_squeeze %dma_start3A_110 : memref<1x320x128xf32, #tpu.memory_space<hbm>> -> memref<320x128xf32, #tpu.memory_space<hbm>>
      tpu.enqueue_dma source(%arg15 : memref<320x128xf32, #tpu.memory_space<vmem>>) target(%dma_start3A_111 : memref<320x128xf32, #tpu.memory_space<hbm>>) target_semaphore(%run_scoped3A : memref<!tpu.dma_semaphore, #tpu.memory_space<semaphore_mem>>)
      %dma_wait3A = arith.constant 0 : i32
      %dma_wait3A_112 = tpu.memref_slice %arg6[%arg0, %mul3A_0, %dma_wait3A] : memref<2x5120x128xf32, #tpu.memory_space<hbm>> -> memref<1x320x128xf32, #tpu.memory_space<hbm>>
      %dma_wait3A_113 = tpu.memref_squeeze %dma_wait3A_112 : memref<1x320x128xf32, #tpu.memory_space<hbm>> -> memref<320x128xf32, #tpu.memory_space<hbm>>
      %dma_wait3A_114 = arith.constant 0 : i32
      %dma_wait3A_115 = tpu.memref_slice %arg6[%arg0, %mul3A_0, %dma_wait3A_114] : memref<2x5120x128xf32, #tpu.memory_space<hbm>> -> memref<1x320x128xf32, #tpu.memory_space<hbm>>
      %dma_wait3A_116 = tpu.memref_squeeze %dma_wait3A_115 : memref<1x320x128xf32, #tpu.memory_space<hbm>> -> memref<320x128xf32, #tpu.memory_space<hbm>>
      tpu.wait_dma2 semaphore(%run_scoped3A : memref<!tpu.dma_semaphore, #tpu.memory_space<semaphore_mem>>) src(%arg15 : memref<320x128xf32, #tpu.memory_space<vmem>>) dst(%dma_wait3A_116 : memref<320x128xf32, #tpu.memory_space<hbm>>)
      tpu.yield
    }) : () -> ()
    return
  }
}

#map = affine_map<(d0, d1) -> (0, 0)>
#map1 = affine_map<(d0, d1) -> (0, 0, 0)>
module attributes {stable_mosaic.version = 14 : i64} {
  func.func @_agg_sc(%arg0: i32, %arg1: i32, %arg2: memref<10240x128xf32, #tpu.memory_space<hbm>>, %arg3: memref<2x32x10368xi32, #tpu.memory_space<hbm>>, %arg4: memref<2x32x10368xi32, #tpu.memory_space<hbm>>, %arg5: memref<32x16xi32, #tpu.memory_space<hbm>>, %arg6: memref<2x5120x128xf32, #tpu.memory_space<hbm>>, %arg7: memref<128xi32, #tpu.memory_space<vmem>>, %arg8: memref<128xi32, #tpu.memory_space<vmem>>, %arg9: memref<128xi32, #tpu.memory_space<vmem>>, %arg10: memref<128xi32, #tpu.memory_space<vmem>>, %arg11: memref<128xi32, #tpu.memory_space<vmem>>, %arg12: memref<128xi32, #tpu.memory_space<vmem>>, %arg13: memref<128x128xf32, #tpu.memory_space<vmem>>, %arg14: memref<128x128xf32, #tpu.memory_space<vmem>>, %arg15: memref<320x128xf32, #tpu.memory_space<vmem>>, %arg16: memref<16xi32, #tpu.memory_space<vmem>>, %arg17: memref<!tpu.dma_semaphore, #tpu.memory_space<semaphore_mem>>, %arg18: memref<!tpu.dma_semaphore, #tpu.memory_space<semaphore_mem>>, %arg19: memref<!tpu.dma_semaphore, #tpu.memory_space<semaphore_mem>>, %arg20: memref<!tpu.dma_semaphore, #tpu.memory_space<semaphore_mem>>, %arg21: memref<5248x128xf32, #tpu.memory_space<vmem_shared>>) attributes {dimension_semantics = [#tpu.dimension_semantics<core_parallel>, #tpu.dimension_semantics<subcore_parallel>], iteration_bounds = array<i64: 2, 16>, scalar_prefetch = 0 : i64, scratch_operands = 15 : i64, tpu.core_type = #tpu.core_type<sc_vector_subcore>, window_params = [{transform_indices = #map}, {transform_indices = #map1}, {transform_indices = #map1}, {transform_indices = #map}, {transform_indices = #map1}]} {
    %mul3A = arith.constant 320 : i32
    %mul3A_0 = arith.muli %arg1, %mul3A : i32
    %mul3A_1 = arith.constant 5120 : i32
    %mul3A_2 = arith.muli %arg0, %mul3A_1 : i32
    %broadcast_in_dim3A = arith.constant 0.000000e+00 : f32
    %broadcast_in_dim3A_3 = vector.broadcast %broadcast_in_dim3A : f32 to vector<16xf32>
    %scan3A = arith.constant 0 : i32
    %scan3A_4 = arith.constant 0 : i32
    %scan3A_5 = arith.constant 320 : i32
    %scan3A_6 = arith.addi %scan3A_4, %scan3A_5 : i32
    %scan3A_7 = arith.constant 1 : i32
    scf.for %scan3A_107 = %scan3A_4 to %scan3A_6 step %scan3A_7  : i32 {
      %swap3A = arith.index_cast %scan3A_107 : i32 to index
      %swap3A_108 = arith.constant 0 : index
      %swap3A_109 = tpu.vector_load %arg15[%swap3A, %swap3A_108] {strides = array<i32>} : memref<320x128xf32, #tpu.memory_space<vmem>>, vector<16xf32>,
      tpu.vector_store %arg15[%swap3A, %swap3A_108], %broadcast_in_dim3A_3 {strides = array<i32>} : memref<320x128xf32, #tpu.memory_space<vmem>>, vector<16xf32>,
      %swap3A_110 = arith.index_cast %scan3A_107 : i32 to index
      %swap3A_111 = arith.constant 16 : index
      %swap3A_112 = tpu.vector_load %arg15[%swap3A_110, %swap3A_111] {strides = array<i32>} : memref<320x128xf32, #tpu.memory_space<vmem>>, vector<16xf32>,
      tpu.vector_store %arg15[%swap3A_110, %swap3A_111], %broadcast_in_dim3A_3 {strides = array<i32>} : memref<320x128xf32, #tpu.memory_space<vmem>>, vector<16xf32>,
      %swap3A_113 = arith.index_cast %scan3A_107 : i32 to index
      %swap3A_114 = arith.constant 32 : index
      %swap3A_115 = tpu.vector_load %arg15[%swap3A_113, %swap3A_114] {strides = array<i32>} : memref<320x128xf32, #tpu.memory_space<vmem>>, vector<16xf32>,
      tpu.vector_store %arg15[%swap3A_113, %swap3A_114], %broadcast_in_dim3A_3 {strides = array<i32>} : memref<320x128xf32, #tpu.memory_space<vmem>>, vector<16xf32>,
      %swap3A_116 = arith.index_cast %scan3A_107 : i32 to index
      %swap3A_117 = arith.constant 48 : index
      %swap3A_118 = tpu.vector_load %arg15[%swap3A_116, %swap3A_117] {strides = array<i32>} : memref<320x128xf32, #tpu.memory_space<vmem>>, vector<16xf32>,
      tpu.vector_store %arg15[%swap3A_116, %swap3A_117], %broadcast_in_dim3A_3 {strides = array<i32>} : memref<320x128xf32, #tpu.memory_space<vmem>>, vector<16xf32>,
      %swap3A_119 = arith.index_cast %scan3A_107 : i32 to index
      %swap3A_120 = arith.constant 64 : index
      %swap3A_121 = tpu.vector_load %arg15[%swap3A_119, %swap3A_120] {strides = array<i32>} : memref<320x128xf32, #tpu.memory_space<vmem>>, vector<16xf32>,
      tpu.vector_store %arg15[%swap3A_119, %swap3A_120], %broadcast_in_dim3A_3 {strides = array<i32>} : memref<320x128xf32, #tpu.memory_space<vmem>>, vector<16xf32>,
      %swap3A_122 = arith.index_cast %scan3A_107 : i32 to index
      %swap3A_123 = arith.constant 80 : index
      %swap3A_124 = tpu.vector_load %arg15[%swap3A_122, %swap3A_123] {strides = array<i32>} : memref<320x128xf32, #tpu.memory_space<vmem>>, vector<16xf32>,
      tpu.vector_store %arg15[%swap3A_122, %swap3A_123], %broadcast_in_dim3A_3 {strides = array<i32>} : memref<320x128xf32, #tpu.memory_space<vmem>>, vector<16xf32>,
      %swap3A_125 = arith.index_cast %scan3A_107 : i32 to index
      %swap3A_126 = arith.constant 96 : index
      %swap3A_127 = tpu.vector_load %arg15[%swap3A_125, %swap3A_126] {strides = array<i32>} : memref<320x128xf32, #tpu.memory_space<vmem>>, vector<16xf32>,
      tpu.vector_store %arg15[%swap3A_125, %swap3A_126], %broadcast_in_dim3A_3 {strides = array<i32>} : memref<320x128xf32, #tpu.memory_space<vmem>>, vector<16xf32>,
      %swap3A_128 = arith.index_cast %scan3A_107 : i32 to index
      %swap3A_129 = arith.constant 112 : index
      %swap3A_130 = tpu.vector_load %arg15[%swap3A_128, %swap3A_129] {strides = array<i32>} : memref<320x128xf32, #tpu.memory_space<vmem>>, vector<16xf32>,
      tpu.vector_store %arg15[%swap3A_128, %swap3A_129], %broadcast_in_dim3A_3 {strides = array<i32>} : memref<320x128xf32, #tpu.memory_space<vmem>>, vector<16xf32>,
    }
    %scan3A_8 = arith.constant 320 : i32
    "tpu.region"() ({
      %run_scoped3A = tpu.sem_alloc : memref<!tpu.dma_semaphore, #tpu.memory_space<semaphore_mem>>
      %dma_start3A = arith.constant 0 : i32
      %dma_start3A_107 = tpu.memref_slice %arg21[%mul3A_0, %dma_start3A] : memref<5248x128xf32, #tpu.memory_space<vmem_shared>> -> memref<320x128xf32, #tpu.memory_space<vmem_shared>>
      %dma_start3A_108 = arith.constant 0 : i32
      %dma_start3A_109 = tpu.memref_slice %arg21[%mul3A_0, %dma_start3A_108] : memref<5248x128xf32, #tpu.memory_space<vmem_shared>> -> memref<320x128xf32, #tpu.memory_space<vmem_shared>>
      tpu.enqueue_dma source(%arg15 : memref<320x128xf32, #tpu.memory_space<vmem>>) target(%dma_start3A_109 : memref<320x128xf32, #tpu.memory_space<vmem_shared>>) target_semaphore(%run_scoped3A : memref<!tpu.dma_semaphore, #tpu.memory_space<semaphore_mem>>)
      %dma_wait3A = arith.constant 0 : i32
      %dma_wait3A_110 = tpu.memref_slice %arg21[%mul3A_0, %dma_wait3A] : memref<5248x128xf32, #tpu.memory_space<vmem_shared>> -> memref<320x128xf32, #tpu.memory_space<vmem_shared>>
      %dma_wait3A_111 = arith.constant 0 : i32
      %dma_wait3A_112 = tpu.memref_slice %arg21[%mul3A_0, %dma_wait3A_111] : memref<5248x128xf32, #tpu.memory_space<vmem_shared>> -> memref<320x128xf32, #tpu.memory_space<vmem_shared>>
      tpu.wait_dma2 semaphore(%run_scoped3A : memref<!tpu.dma_semaphore, #tpu.memory_space<semaphore_mem>>) src(%arg15 : memref<320x128xf32, #tpu.memory_space<vmem>>) dst(%dma_wait3A_112 : memref<320x128xf32, #tpu.memory_space<vmem_shared>>)
      tpu.yield
    }) : () -> ()
    %barrier3A = arith.constant 0 : index
    tpu.barrier barrier_id(%barrier3A)
    %mul3A_9 = arith.constant 2 : i32
    %mul3A_10 = arith.muli %mul3A_9, %arg1 : i32
    %add3A = arith.constant 0 : i32
    %add3A_11 = arith.addi %mul3A_10, %add3A : i32
    "tpu.region"() ({
      %run_scoped3A = tpu.sem_alloc : memref<!tpu.dma_semaphore, #tpu.memory_space<semaphore_mem>>
      %dma_start3A = arith.constant 0 : i32
      %dma_start3A_107 = tpu.memref_slice %arg5[%add3A_11, %dma_start3A] : memref<32x16xi32, #tpu.memory_space<hbm>> -> memref<1x16xi32, #tpu.memory_space<hbm>>
      %dma_start3A_108 = tpu.memref_squeeze %dma_start3A_107 : memref<1x16xi32, #tpu.memory_space<hbm>> -> memref<16xi32, #tpu.memory_space<hbm>>
      %dma_start3A_109 = arith.constant 0 : i32
      %dma_start3A_110 = tpu.memref_slice %arg5[%add3A_11, %dma_start3A_109] : memref<32x16xi32, #tpu.memory_space<hbm>> -> memref<1x16xi32, #tpu.memory_space<hbm>>
      %dma_start3A_111 = tpu.memref_squeeze %dma_start3A_110 : memref<1x16xi32, #tpu.memory_space<hbm>> -> memref<16xi32, #tpu.memory_space<hbm>>
      tpu.enqueue_dma source(%dma_start3A_111 : memref<16xi32, #tpu.memory_space<hbm>>) target(%arg16 : memref<16xi32, #tpu.memory_space<vmem>>) target_semaphore(%run_scoped3A : memref<!tpu.dma_semaphore, #tpu.memory_space<semaphore_mem>>)
      %dma_wait3A = arith.constant 0 : i32
      %dma_wait3A_112 = tpu.memref_slice %arg5[%add3A_11, %dma_wait3A] : memref<32x16xi32, #tpu.memory_space<hbm>> -> memref<1x16xi32, #tpu.memory_space<hbm>>
      %dma_wait3A_113 = tpu.memref_squeeze %dma_wait3A_112 : memref<1x16xi32, #tpu.memory_space<hbm>> -> memref<16xi32, #tpu.memory_space<hbm>>
      %dma_wait3A_114 = arith.constant 0 : i32
      %dma_wait3A_115 = tpu.memref_slice %arg5[%add3A_11, %dma_wait3A_114] : memref<32x16xi32, #tpu.memory_space<hbm>> -> memref<1x16xi32, #tpu.memory_space<hbm>>
      %dma_wait3A_116 = tpu.memref_squeeze %dma_wait3A_115 : memref<1x16xi32, #tpu.memory_space<hbm>> -> memref<16xi32, #tpu.memory_space<hbm>>
      tpu.wait_dma2 semaphore(%run_scoped3A : memref<!tpu.dma_semaphore, #tpu.memory_space<semaphore_mem>>) src(%dma_wait3A_116 : memref<16xi32, #tpu.memory_space<hbm>>) dst(%arg16 : memref<16xi32, #tpu.memory_space<vmem>>)
      tpu.yield
    }) : () -> ()
    %iota3A = tpu.iota {dimensions = array<i32: 0>} : vector<16xi32>
    %eq3A = vector.broadcast %arg0 : i32 to vector<16xi32>
    %eq3A_12 = arith.cmpi eq, %iota3A, %eq3A : vector<16xi32>
    %get3A = arith.constant 0 : index
    %get3A_13 = tpu.vector_load %arg16[%get3A] {strides = array<i32>} : memref<16xi32, #tpu.memory_space<vmem>>, vector<16xi32>,
    %jit3A = arith.constant 0 : i32
    %broadcast_in_dim3A_14 = vector.broadcast %jit3A : i32 to vector<16xi32>
    %select_n3A = arith.select %eq3A_12, %get3A_13, %broadcast_in_dim3A_14 : vector<16xi1>, vector<16xi32>
    %reduce_sum3A = arith.constant true
    %reduce_sum3A_15 = vector.broadcast %reduce_sum3A : i1 to vector<16xi1>
    %reduce_sum3A_16 = tpu.scan <sum>, %select_n3A masked %reduce_sum3A_15 : vector<16xi32>, vector<16xi1> -> vector<16xi32>
    %reduce_sum3A_17 = vector.extract %reduce_sum3A_16[15] : i32 from vector<16xi32>
    %gt3A = arith.constant 0 : i32
    %gt3A_18 = arith.cmpi sgt, %reduce_sum3A_17, %gt3A : i32
    %convert_element_type3A = arith.extui %gt3A_18 : i1 to i32
    %cond3A = arith.constant 0 : i32
    %cond3A_19 = arith.cmpi ne, %convert_element_type3A, %cond3A : i32
    scf.if %cond3A_19 {
      "tpu.region"() ({
        %run_scoped3A = tpu.sem_alloc : memref<!tpu.dma_semaphore, #tpu.memory_space<semaphore_mem>>
        %dma_start3A_122 = arith.constant 0 : i32
        %dma_start3A_123 = tpu.memref_slice %arg3[%arg0, %add3A_11, %dma_start3A_122] : memref<2x32x10368xi32, #tpu.memory_space<hbm>> -> memref<1x1x128xi32, #tpu.memory_space<hbm>>
        %dma_start3A_124 = tpu.memref_squeeze %dma_start3A_123 : memref<1x1x128xi32, #tpu.memory_space<hbm>> -> memref<128xi32, #tpu.memory_space<hbm>>
        %dma_start3A_125 = arith.constant 0 : i32
        %dma_start3A_126 = tpu.memref_slice %arg3[%arg0, %add3A_11, %dma_start3A_125] : memref<2x32x10368xi32, #tpu.memory_space<hbm>> -> memref<1x1x128xi32, #tpu.memory_space<hbm>>
        %dma_start3A_127 = tpu.memref_squeeze %dma_start3A_126 : memref<1x1x128xi32, #tpu.memory_space<hbm>> -> memref<128xi32, #tpu.memory_space<hbm>>
        tpu.enqueue_dma source(%dma_start3A_127 : memref<128xi32, #tpu.memory_space<hbm>>) target(%arg7 : memref<128xi32, #tpu.memory_space<vmem>>) target_semaphore(%run_scoped3A : memref<!tpu.dma_semaphore, #tpu.memory_space<semaphore_mem>>)
        %dma_wait3A = arith.constant 0 : i32
        %dma_wait3A_128 = tpu.memref_slice %arg3[%arg0, %add3A_11, %dma_wait3A] : memref<2x32x10368xi32, #tpu.memory_space<hbm>> -> memref<1x1x128xi32, #tpu.memory_space<hbm>>
        %dma_wait3A_129 = tpu.memref_squeeze %dma_wait3A_128 : memref<1x1x128xi32, #tpu.memory_space<hbm>> -> memref<128xi32, #tpu.memory_space<hbm>>
        %dma_wait3A_130 = arith.constant 0 : i32
        %dma_wait3A_131 = tpu.memref_slice %arg3[%arg0, %add3A_11, %dma_wait3A_130] : memref<2x32x10368xi32, #tpu.memory_space<hbm>> -> memref<1x1x128xi32, #tpu.memory_space<hbm>>
        %dma_wait3A_132 = tpu.memref_squeeze %dma_wait3A_131 : memref<1x1x128xi32, #tpu.memory_space<hbm>> -> memref<128xi32, #tpu.memory_space<hbm>>
        tpu.wait_dma2 semaphore(%run_scoped3A : memref<!tpu.dma_semaphore, #tpu.memory_space<semaphore_mem>>) src(%dma_wait3A_132 : memref<128xi32, #tpu.memory_space<hbm>>) dst(%arg7 : memref<128xi32, #tpu.memory_space<vmem>>)
        tpu.yield
      }) : () -> ()
      "tpu.region"() ({
        %run_scoped3A = tpu.sem_alloc : memref<!tpu.dma_semaphore, #tpu.memory_space<semaphore_mem>>
        %dma_start3A_122 = arith.constant 0 : i32
        %dma_start3A_123 = tpu.memref_slice %arg4[%arg0, %add3A_11, %dma_start3A_122] : memref<2x32x10368xi32, #tpu.memory_space<hbm>> -> memref<1x1x128xi32, #tpu.memory_space<hbm>>
        %dma_start3A_124 = tpu.memref_squeeze %dma_start3A_123 : memref<1x1x128xi32, #tpu.memory_space<hbm>> -> memref<128xi32, #tpu.memory_space<hbm>>
        %dma_start3A_125 = arith.constant 0 : i32
        %dma_start3A_126 = tpu.memref_slice %arg4[%arg0, %add3A_11, %dma_start3A_125] : memref<2x32x10368xi32, #tpu.memory_space<hbm>> -> memref<1x1x128xi32, #tpu.memory_space<hbm>>
        %dma_start3A_127 = tpu.memref_squeeze %dma_start3A_126 : memref<1x1x128xi32, #tpu.memory_space<hbm>> -> memref<128xi32, #tpu.memory_space<hbm>>
        tpu.enqueue_dma source(%dma_start3A_127 : memref<128xi32, #tpu.memory_space<hbm>>) target(%arg9 : memref<128xi32, #tpu.memory_space<vmem>>) target_semaphore(%run_scoped3A : memref<!tpu.dma_semaphore, #tpu.memory_space<semaphore_mem>>)
        %dma_wait3A = arith.constant 0 : i32
        %dma_wait3A_128 = tpu.memref_slice %arg4[%arg0, %add3A_11, %dma_wait3A] : memref<2x32x10368xi32, #tpu.memory_space<hbm>> -> memref<1x1x128xi32, #tpu.memory_space<hbm>>
        %dma_wait3A_129 = tpu.memref_squeeze %dma_wait3A_128 : memref<1x1x128xi32, #tpu.memory_space<hbm>> -> memref<128xi32, #tpu.memory_space<hbm>>
        %dma_wait3A_130 = arith.constant 0 : i32
        %dma_wait3A_131 = tpu.memref_slice %arg4[%arg0, %add3A_11, %dma_wait3A_130] : memref<2x32x10368xi32, #tpu.memory_space<hbm>> -> memref<1x1x128xi32, #tpu.memory_space<hbm>>
        %dma_wait3A_132 = tpu.memref_squeeze %dma_wait3A_131 : memref<1x1x128xi32, #tpu.memory_space<hbm>> -> memref<128xi32, #tpu.memory_space<hbm>>
        tpu.wait_dma2 semaphore(%run_scoped3A : memref<!tpu.dma_semaphore, #tpu.memory_space<semaphore_mem>>) src(%dma_wait3A_132 : memref<128xi32, #tpu.memory_space<hbm>>) dst(%arg9 : memref<128xi32, #tpu.memory_space<vmem>>)
        tpu.yield
      }) : () -> ()
      %dma_start3A = arith.constant 0 : i32
      %dma_start3A_107 = arith.constant 0 : i32
      %dma_start3A_108 = tpu.memref_slice %arg13[%dma_start3A, %dma_start3A_107] : memref<128x128xf32, #tpu.memory_space<vmem>> -> memref<64x128xf32, #tpu.memory_space<vmem>>
      %dma_start3A_109 = arith.constant 0 : i32
      %dma_start3A_110 = tpu.memref_slice %arg7[%dma_start3A_109] : memref<128xi32, #tpu.memory_space<vmem>> -> memref<64xi32, #tpu.memory_space<vmem>>
      %dma_start3A_111 = arith.constant 0 : i32
      %dma_start3A_112 = arith.constant 0 : i32
      %dma_start3A_113 = tpu.memref_slice %arg2[%dma_start3A_111, %dma_start3A_112] : memref<10240x128xf32, #tpu.memory_space<hbm>> -> memref<10240x128xf32, #tpu.memory_space<hbm>>
      tpu.enqueue_indirect_dma source(%dma_start3A_113 : memref<10240x128xf32, #tpu.memory_space<hbm>>) target(%dma_start3A_108 : memref<64x128xf32, #tpu.memory_space<vmem>>) offsets(%dma_start3A_110 : memref<64xi32, #tpu.memory_space<vmem>>) semaphore(%arg17 : memref<!tpu.dma_semaphore, #tpu.memory_space<semaphore_mem>>)
      %dma_start3A_114 = arith.constant 64 : i32
      %dma_start3A_115 = arith.constant 0 : i32
      %dma_start3A_116 = tpu.memref_slice %arg13[%dma_start3A_114, %dma_start3A_115] : memref<128x128xf32, #tpu.memory_space<vmem>> -> memref<64x128xf32, #tpu.memory_space<vmem>>
      %dma_start3A_117 = arith.constant 64 : i32
      %dma_start3A_118 = tpu.memref_slice %arg7[%dma_start3A_117] : memref<128xi32, #tpu.memory_space<vmem>> -> memref<64xi32, #tpu.memory_space<vmem>>
      %dma_start3A_119 = arith.constant 0 : i32
      %dma_start3A_120 = arith.constant 0 : i32
      %dma_start3A_121 = tpu.memref_slice %arg2[%dma_start3A_119, %dma_start3A_120] : memref<10240x128xf32, #tpu.memory_space<hbm>> -> memref<10240x128xf32, #tpu.memory_space<hbm>>
      tpu.enqueue_indirect_dma source(%dma_start3A_121 : memref<10240x128xf32, #tpu.memory_space<hbm>>) target(%dma_start3A_116 : memref<64x128xf32, #tpu.memory_space<vmem>>) offsets(%dma_start3A_118 : memref<64xi32, #tpu.memory_space<vmem>>) semaphore(%arg19 : memref<!tpu.dma_semaphore, #tpu.memory_space<semaphore_mem>>)
    } else {
    }
    %add3A_20 = arith.constant 1 : i32
    %add3A_21 = arith.addi %reduce_sum3A_17, %add3A_20 : i32
    %jit3A_22 = arith.constant 2 : i32
    %div3A = arith.divsi %add3A_21, %jit3A_22 : i32
    %sign3A = arith.constant 0 : i32
    %sign3A_23 = arith.cmpi sgt, %add3A_21, %sign3A : i32
    %sign3A_24 = arith.extui %sign3A_23 : i1 to i32
    %sign3A_25 = arith.constant 0 : i32
    %sign3A_26 = arith.cmpi slt, %add3A_21, %sign3A_25 : i32
    %sign3A_27 = arith.extui %sign3A_26 : i1 to i32
    %sign3A_28 = arith.subi %sign3A_24, %sign3A_27 : i32
    %sign3A_29 = arith.constant 0 : i32
    %sign3A_30 = arith.cmpi sgt, %jit3A_22, %sign3A_29 : i32
    %sign3A_31 = arith.extui %sign3A_30 : i1 to i32
    %sign3A_32 = arith.constant 0 : i32
    %sign3A_33 = arith.cmpi slt, %jit3A_22, %sign3A_32 : i32
    %sign3A_34 = arith.extui %sign3A_33 : i1 to i32
    %sign3A_35 = arith.subi %sign3A_31, %sign3A_34 : i32
    %ne3A = arith.cmpi ne, %sign3A_28, %sign3A_35 : i32
    %rem3A = arith.remsi %add3A_21, %jit3A_22 : i32
    %ne3A_36 = arith.constant 0 : i32
    %ne3A_37 = arith.cmpi ne, %rem3A, %ne3A_36 : i32
    %and3A = arith.andi %ne3A, %ne3A_37 : i1
    %sub3A = arith.constant 1 : i32
    %sub3A_38 = arith.subi %div3A, %sub3A : i32
    %select_n3A_39 = arith.select %and3A, %sub3A_38, %div3A : i32
    %while3A = arith.constant 0 : i32
    %while3A_40 = arith.constant 0 : i32
    %while3A_41 = arith.subi %select_n3A_39, %while3A_40 : i32
    %while3A_42 = arith.addi %while3A_40, %while3A_41 : i32
    %while3A_43 = arith.constant 1 : i32
    %while3A_44 = arith.divsi %while3A_41, %while3A_43 : i32
    %while3A_45 = arith.muli %while3A_44, %while3A_43 : i32
    %while3A_46 = arith.addi %while3A_40, %while3A_45 : i32
    %while3A_47 = arith.constant 1 : i32
    scf.for %while3A_107 = %while3A_40 to %while3A_46 step %while3A_47  : i32 {
      %mul3A_108 = arith.constant 2 : i32
      %mul3A_109 = arith.muli %mul3A_108, %while3A_107 : i32
      %add3A_110 = arith.constant 1 : i32
      %add3A_111 = arith.addi %mul3A_109, %add3A_110 : i32
      %add3A_112 = arith.constant 2 : i32
      %add3A_113 = arith.addi %mul3A_109, %add3A_112 : i32
      %lt3A = arith.cmpi slt, %mul3A_109, %reduce_sum3A_17 : i32
      %convert_element_type3A_114 = arith.extui %lt3A : i1 to i32
      %cond3A_115 = arith.constant 0 : i32
      %cond3A_116 = arith.cmpi ne, %convert_element_type3A_114, %cond3A_115 : i32
      scf.if %cond3A_116 {
        %dma_wait3A = arith.constant 0 : i32
        %dma_wait3A_121 = arith.constant 0 : i32
        %dma_wait3A_122 = tpu.memref_slice %arg13[%dma_wait3A, %dma_wait3A_121] : memref<128x128xf32, #tpu.memory_space<vmem>> -> memref<64x128xf32, #tpu.memory_space<vmem>>
        %dma_wait3A_123 = arith.constant 0 : i32
        %dma_wait3A_124 = tpu.memref_slice %arg7[%dma_wait3A_123] : memref<128xi32, #tpu.memory_space<vmem>> -> memref<64xi32, #tpu.memory_space<vmem>>
        %dma_wait3A_125 = arith.constant 0 : i32
        %dma_wait3A_126 = arith.constant 0 : i32
        %dma_wait3A_127 = tpu.memref_slice %arg2[%dma_wait3A_125, %dma_wait3A_126] : memref<10240x128xf32, #tpu.memory_space<hbm>> -> memref<10240x128xf32, #tpu.memory_space<hbm>>
        tpu.wait_indirect_dma semaphore(%arg17 : memref<!tpu.dma_semaphore, #tpu.memory_space<semaphore_mem>>) src(%dma_wait3A_127 : memref<10240x128xf32, #tpu.memory_space<hbm>>) dst(%dma_wait3A_122 : memref<64x128xf32, #tpu.memory_space<vmem>>)
        %dma_wait3A_128 = arith.constant 64 : i32
        %dma_wait3A_129 = arith.constant 0 : i32
        %dma_wait3A_130 = tpu.memref_slice %arg13[%dma_wait3A_128, %dma_wait3A_129] : memref<128x128xf32, #tpu.memory_space<vmem>> -> memref<64x128xf32, #tpu.memory_space<vmem>>
        %dma_wait3A_131 = arith.constant 64 : i32
        %dma_wait3A_132 = tpu.memref_slice %arg7[%dma_wait3A_131] : memref<128xi32, #tpu.memory_space<vmem>> -> memref<64xi32, #tpu.memory_space<vmem>>
        %dma_wait3A_133 = arith.constant 0 : i32
        %dma_wait3A_134 = arith.constant 0 : i32
        %dma_wait3A_135 = tpu.memref_slice %arg2[%dma_wait3A_133, %dma_wait3A_134] : memref<10240x128xf32, #tpu.memory_space<hbm>> -> memref<10240x128xf32, #tpu.memory_space<hbm>>
        tpu.wait_indirect_dma semaphore(%arg19 : memref<!tpu.dma_semaphore, #tpu.memory_space<semaphore_mem>>) src(%dma_wait3A_135 : memref<10240x128xf32, #tpu.memory_space<hbm>>) dst(%dma_wait3A_130 : memref<64x128xf32, #tpu.memory_space<vmem>>)
        %lt3A_136 = arith.cmpi slt, %add3A_111, %reduce_sum3A_17 : i32
        %convert_element_type3A_137 = arith.extui %lt3A_136 : i1 to i32
        %cond3A_138 = arith.constant 0 : i32
        %cond3A_139 = arith.cmpi ne, %convert_element_type3A_137, %cond3A_138 : i32
        scf.if %cond3A_139 {
          %mul3A_187 = arith.constant 128 : i32
          %mul3A_188 = arith.muli %add3A_111, %mul3A_187 : i32
          "tpu.region"() ({
            %run_scoped3A = tpu.sem_alloc : memref<!tpu.dma_semaphore, #tpu.memory_space<semaphore_mem>>
            %dma_start3A_204 = tpu.memref_slice %arg3[%arg0, %add3A_11, %mul3A_188] : memref<2x32x10368xi32, #tpu.memory_space<hbm>> -> memref<1x1x128xi32, #tpu.memory_space<hbm>>
            %dma_start3A_205 = tpu.memref_squeeze %dma_start3A_204 : memref<1x1x128xi32, #tpu.memory_space<hbm>> -> memref<128xi32, #tpu.memory_space<hbm>>
            %dma_start3A_206 = tpu.memref_slice %arg3[%arg0, %add3A_11, %mul3A_188] : memref<2x32x10368xi32, #tpu.memory_space<hbm>> -> memref<1x1x128xi32, #tpu.memory_space<hbm>>
            %dma_start3A_207 = tpu.memref_squeeze %dma_start3A_206 : memref<1x1x128xi32, #tpu.memory_space<hbm>> -> memref<128xi32, #tpu.memory_space<hbm>>
            tpu.enqueue_dma source(%dma_start3A_207 : memref<128xi32, #tpu.memory_space<hbm>>) target(%arg8 : memref<128xi32, #tpu.memory_space<vmem>>) target_semaphore(%run_scoped3A : memref<!tpu.dma_semaphore, #tpu.memory_space<semaphore_mem>>)
            %dma_wait3A_208 = tpu.memref_slice %arg3[%arg0, %add3A_11, %mul3A_188] : memref<2x32x10368xi32, #tpu.memory_space<hbm>> -> memref<1x1x128xi32, #tpu.memory_space<hbm>>
            %dma_wait3A_209 = tpu.memref_squeeze %dma_wait3A_208 : memref<1x1x128xi32, #tpu.memory_space<hbm>> -> memref<128xi32, #tpu.memory_space<hbm>>
            %dma_wait3A_210 = tpu.memref_slice %arg3[%arg0, %add3A_11, %mul3A_188] : memref<2x32x10368xi32, #tpu.memory_space<hbm>> -> memref<1x1x128xi32, #tpu.memory_space<hbm>>
            %dma_wait3A_211 = tpu.memref_squeeze %dma_wait3A_210 : memref<1x1x128xi32, #tpu.memory_space<hbm>> -> memref<128xi32, #tpu.memory_space<hbm>>
            tpu.wait_dma2 semaphore(%run_scoped3A : memref<!tpu.dma_semaphore, #tpu.memory_space<semaphore_mem>>) src(%dma_wait3A_211 : memref<128xi32, #tpu.memory_space<hbm>>) dst(%arg8 : memref<128xi32, #tpu.memory_space<vmem>>)
            tpu.yield
          }) : () -> ()
          "tpu.region"() ({
            %run_scoped3A = tpu.sem_alloc : memref<!tpu.dma_semaphore, #tpu.memory_space<semaphore_mem>>
            %dma_start3A_204 = tpu.memref_slice %arg4[%arg0, %add3A_11, %mul3A_188] : memref<2x32x10368xi32, #tpu.memory_space<hbm>> -> memref<1x1x128xi32, #tpu.memory_space<hbm>>
            %dma_start3A_205 = tpu.memref_squeeze %dma_start3A_204 : memref<1x1x128xi32, #tpu.memory_space<hbm>> -> memref<128xi32, #tpu.memory_space<hbm>>
            %dma_start3A_206 = tpu.memref_slice %arg4[%arg0, %add3A_11, %mul3A_188] : memref<2x32x10368xi32, #tpu.memory_space<hbm>> -> memref<1x1x128xi32, #tpu.memory_space<hbm>>
            %dma_start3A_207 = tpu.memref_squeeze %dma_start3A_206 : memref<1x1x128xi32, #tpu.memory_space<hbm>> -> memref<128xi32, #tpu.memory_space<hbm>>
            tpu.enqueue_dma source(%dma_start3A_207 : memref<128xi32, #tpu.memory_space<hbm>>) target(%arg10 : memref<128xi32, #tpu.memory_space<vmem>>) target_semaphore(%run_scoped3A : memref<!tpu.dma_semaphore, #tpu.memory_space<semaphore_mem>>)
            %dma_wait3A_208 = tpu.memref_slice %arg4[%arg0, %add3A_11, %mul3A_188] : memref<2x32x10368xi32, #tpu.memory_space<hbm>> -> memref<1x1x128xi32, #tpu.memory_space<hbm>>
            %dma_wait3A_209 = tpu.memref_squeeze %dma_wait3A_208 : memref<1x1x128xi32, #tpu.memory_space<hbm>> -> memref<128xi32, #tpu.memory_space<hbm>>
            %dma_wait3A_210 = tpu.memref_slice %arg4[%arg0, %add3A_11, %mul3A_188] : memref<2x32x10368xi32, #tpu.memory_space<hbm>> -> memref<1x1x128xi32, #tpu.memory_space<hbm>>
            %dma_wait3A_211 = tpu.memref_squeeze %dma_wait3A_210 : memref<1x1x128xi32, #tpu.memory_space<hbm>> -> memref<128xi32, #tpu.memory_space<hbm>>
            tpu.wait_dma2 semaphore(%run_scoped3A : memref<!tpu.dma_semaphore, #tpu.memory_space<semaphore_mem>>) src(%dma_wait3A_211 : memref<128xi32, #tpu.memory_space<hbm>>) dst(%arg10 : memref<128xi32, #tpu.memory_space<vmem>>)
            tpu.yield
          }) : () -> ()
          %dma_start3A = arith.constant 0 : i32
          %dma_start3A_189 = arith.constant 0 : i32
          %dma_start3A_190 = tpu.memref_slice %arg14[%dma_start3A, %dma_start3A_189] : memref<128x128xf32, #tpu.memory_space<vmem>> -> memref<64x128xf32, #tpu.memory_space<vmem>>
          %dma_start3A_191 = arith.constant 0 : i32
          %dma_start3A_192 = tpu.memref_slice %arg8[%dma_start3A_191] : memref<128xi32, #tpu.memory_space<vmem>> -> memref<64xi32, #tpu.memory_space<vmem>>
          %dma_start3A_193 = arith.constant 0 : i32
          %dma_start3A_194 = arith.constant 0 : i32
          %dma_start3A_195 = tpu.memref_slice %arg2[%dma_start3A_193, %dma_start3A_194] : memref<10240x128xf32, #tpu.memory_space<hbm>> -> memref<10240x128xf32, #tpu.memory_space<hbm>>
          tpu.enqueue_indirect_dma source(%dma_start3A_195 : memref<10240x128xf32, #tpu.memory_space<hbm>>) target(%dma_start3A_190 : memref<64x128xf32, #tpu.memory_space<vmem>>) offsets(%dma_start3A_192 : memref<64xi32, #tpu.memory_space<vmem>>) semaphore(%arg18 : memref<!tpu.dma_semaphore, #tpu.memory_space<semaphore_mem>>)
          %dma_start3A_196 = arith.constant 64 : i32
          %dma_start3A_197 = arith.constant 0 : i32
          %dma_start3A_198 = tpu.memref_slice %arg14[%dma_start3A_196, %dma_start3A_197] : memref<128x128xf32, #tpu.memory_space<vmem>> -> memref<64x128xf32, #tpu.memory_space<vmem>>
          %dma_start3A_199 = arith.constant 64 : i32
          %dma_start3A_200 = tpu.memref_slice %arg8[%dma_start3A_199] : memref<128xi32, #tpu.memory_space<vmem>> -> memref<64xi32, #tpu.memory_space<vmem>>
          %dma_start3A_201 = arith.constant 0 : i32
          %dma_start3A_202 = arith.constant 0 : i32
          %dma_start3A_203 = tpu.memref_slice %arg2[%dma_start3A_201, %dma_start3A_202] : memref<10240x128xf32, #tpu.memory_space<hbm>> -> memref<10240x128xf32, #tpu.memory_space<hbm>>
          tpu.enqueue_indirect_dma source(%dma_start3A_203 : memref<10240x128xf32, #tpu.memory_space<hbm>>) target(%dma_start3A_198 : memref<64x128xf32, #tpu.memory_space<vmem>>) offsets(%dma_start3A_200 : memref<64xi32, #tpu.memory_space<vmem>>) semaphore(%arg20 : memref<!tpu.dma_semaphore, #tpu.memory_space<semaphore_mem>>)
        } else {
        }
        %get3A_140 = arith.constant 0 : index
        %get3A_141 = tpu.vector_load %arg9[%get3A_140] {strides = array<i32>} : memref<128xi32, #tpu.memory_space<vmem>>, vector<16xi32>,
        %sub3A_142 = vector.broadcast %mul3A_2 : i32 to vector<16xi32>
        %sub3A_143 = arith.subi %get3A_141, %sub3A_142 : vector<16xi32>
        %swap3A = arith.constant 0 : index
        %swap3A_144 = tpu.vector_load %arg11[%swap3A] {strides = array<i32>} : memref<128xi32, #tpu.memory_space<vmem>>, vector<16xi32>,
        tpu.vector_store %arg11[%swap3A], %sub3A_143 {strides = array<i32>} : memref<128xi32, #tpu.memory_space<vmem>>, vector<16xi32>,
        %get3A_145 = arith.constant 16 : index
        %get3A_146 = tpu.vector_load %arg9[%get3A_145] {strides = array<i32>} : memref<128xi32, #tpu.memory_space<vmem>>, vector<16xi32>,
        %sub3A_147 = vector.broadcast %mul3A_2 : i32 to vector<16xi32>
        %sub3A_148 = arith.subi %get3A_146, %sub3A_147 : vector<16xi32>
        %swap3A_149 = arith.constant 16 : index
        %swap3A_150 = tpu.vector_load %arg11[%swap3A_149] {strides = array<i32>} : memref<128xi32, #tpu.memory_space<vmem>>, vector<16xi32>,
        tpu.vector_store %arg11[%swap3A_149], %sub3A_148 {strides = array<i32>} : memref<128xi32, #tpu.memory_space<vmem>>, vector<16xi32>,
        %get3A_151 = arith.constant 32 : index
        %get3A_152 = tpu.vector_load %arg9[%get3A_151] {strides = array<i32>} : memref<128xi32, #tpu.memory_space<vmem>>, vector<16xi32>,
        %sub3A_153 = vector.broadcast %mul3A_2 : i32 to vector<16xi32>
        %sub3A_154 = arith.subi %get3A_152, %sub3A_153 : vector<16xi32>
        %swap3A_155 = arith.constant 32 : index
        %swap3A_156 = tpu.vector_load %arg11[%swap3A_155] {strides = array<i32>} : memref<128xi32, #tpu.memory_space<vmem>>, vector<16xi32>,
        tpu.vector_store %arg11[%swap3A_155], %sub3A_154 {strides = array<i32>} : memref<128xi32, #tpu.memory_space<vmem>>, vector<16xi32>,
        %get3A_157 = arith.constant 48 : index
        %get3A_158 = tpu.vector_load %arg9[%get3A_157] {strides = array<i32>} : memref<128xi32, #tpu.memory_space<vmem>>, vector<16xi32>,
        %sub3A_159 = vector.broadcast %mul3A_2 : i32 to vector<16xi32>
        %sub3A_160 = arith.subi %get3A_158, %sub3A_159 : vector<16xi32>
        %swap3A_161 = arith.constant 48 : index
        %swap3A_162 = tpu.vector_load %arg11[%swap3A_161] {strides = array<i32>} : memref<128xi32, #tpu.memory_space<vmem>>, vector<16xi32>,
        tpu.vector_store %arg11[%swap3A_161], %sub3A_160 {strides = array<i32>} : memref<128xi32, #tpu.memory_space<vmem>>, vector<16xi32>,
        %get3A_163 = arith.constant 64 : index
        %get3A_164 = tpu.vector_load %arg9[%get3A_163] {strides = array<i32>} : memref<128xi32, #tpu.memory_space<vmem>>, vector<16xi32>,
        %sub3A_165 = vector.broadcast %mul3A_2 : i32 to vector<16xi32>
        %sub3A_166 = arith.subi %get3A_164, %sub3A_165 : vector<16xi32>
        %swap3A_167 = arith.constant 64 : index
        %swap3A_168 = tpu.vector_load %arg11[%swap3A_167] {strides = array<i32>} : memref<128xi32, #tpu.memory_space<vmem>>, vector<16xi32>,
        tpu.vector_store %arg11[%swap3A_167], %sub3A_166 {strides = array<i32>} : memref<128xi32, #tpu.memory_space<vmem>>, vector<16xi32>,
        %get3A_169 = arith.constant 80 : index
        %get3A_170 = tpu.vector_load %arg9[%get3A_169] {strides = array<i32>} : memref<128xi32, #tpu.memory_space<vmem>>, vector<16xi32>,
        %sub3A_171 = vector.broadcast %mul3A_2 : i32 to vector<16xi32>
        %sub3A_172 = arith.subi %get3A_170, %sub3A_171 : vector<16xi32>
        %swap3A_173 = arith.constant 80 : index
        %swap3A_174 = tpu.vector_load %arg11[%swap3A_173] {strides = array<i32>} : memref<128xi32, #tpu.memory_space<vmem>>, vector<16xi32>,
        tpu.vector_store %arg11[%swap3A_173], %sub3A_172 {strides = array<i32>} : memref<128xi32, #tpu.memory_space<vmem>>, vector<16xi32>,
        %get3A_175 = arith.constant 96 : index
        %get3A_176 = tpu.vector_load %arg9[%get3A_175] {strides = array<i32>} : memref<128xi32, #tpu.memory_space<vmem>>, vector<16xi32>,
        %sub3A_177 = vector.broadcast %mul3A_2 : i32 to vector<16xi32>
        %sub3A_178 = arith.subi %get3A_176, %sub3A_177 : vector<16xi32>
        %swap3A_179 = arith.constant 96 : index
        %swap3A_180 = tpu.vector_load %arg11[%swap3A_179] {strides = array<i32>} : memref<128xi32, #tpu.memory_space<vmem>>, vector<16xi32>,
        tpu.vector_store %arg11[%swap3A_179], %sub3A_178 {strides = array<i32>} : memref<128xi32, #tpu.memory_space<vmem>>, vector<16xi32>,
        %get3A_181 = arith.constant 112 : index
        %get3A_182 = tpu.vector_load %arg9[%get3A_181] {strides = array<i32>} : memref<128xi32, #tpu.memory_space<vmem>>, vector<16xi32>,
        %sub3A_183 = vector.broadcast %mul3A_2 : i32 to vector<16xi32>
        %sub3A_184 = arith.subi %get3A_182, %sub3A_183 : vector<16xi32>
        %swap3A_185 = arith.constant 112 : index
        %swap3A_186 = tpu.vector_load %arg11[%swap3A_185] {strides = array<i32>} : memref<128xi32, #tpu.memory_space<vmem>>, vector<16xi32>,
        tpu.vector_store %arg11[%swap3A_185], %sub3A_184 {strides = array<i32>} : memref<128xi32, #tpu.memory_space<vmem>>, vector<16xi32>,
        "tpu.region"() ({
          %run_scoped3A = tpu.sem_alloc : memref<!tpu.dma_semaphore, #tpu.memory_space<semaphore_mem>>
          %dma_start3A = arith.constant 0 : i32
          %dma_start3A_187 = arith.constant 0 : i32
          %dma_start3A_188 = tpu.memref_slice %arg21[%dma_start3A, %dma_start3A_187] : memref<5248x128xf32, #tpu.memory_space<vmem_shared>> -> memref<5248x128xf32, #tpu.memory_space<vmem_shared>>
          tpu.enqueue_indirect_dma source(%arg13 : memref<128x128xf32, #tpu.memory_space<vmem>>) target(%dma_start3A_188 : memref<5248x128xf32, #tpu.memory_space<vmem_shared>>) offsets(%arg11 : memref<128xi32, #tpu.memory_space<vmem>>) semaphore(%run_scoped3A : memref<!tpu.dma_semaphore, #tpu.memory_space<semaphore_mem>>) {add = true}
          %dma_wait3A_189 = arith.constant 0 : i32
          %dma_wait3A_190 = arith.constant 0 : i32
          %dma_wait3A_191 = tpu.memref_slice %arg21[%dma_wait3A_189, %dma_wait3A_190] : memref<5248x128xf32, #tpu.memory_space<vmem_shared>> -> memref<5248x128xf32, #tpu.memory_space<vmem_shared>>
          tpu.wait_indirect_dma semaphore(%run_scoped3A : memref<!tpu.dma_semaphore, #tpu.memory_space<semaphore_mem>>) src(%arg13 : memref<128x128xf32, #tpu.memory_space<vmem>>) dst(%dma_wait3A_191 : memref<5248x128xf32, #tpu.memory_space<vmem_shared>>)
          tpu.yield
        }) : () -> ()
      } else {
      }
      %lt3A_117 = arith.cmpi slt, %add3A_111, %reduce_sum3A_17 : i32
      %convert_element_type3A_118 = arith.extui %lt3A_117 : i1 to i32
      %cond3A_119 = arith.constant 0 : i32
      %cond3A_120 = arith.cmpi ne, %convert_element_type3A_118, %cond3A_119 : i32
      scf.if %cond3A_120 {
        %dma_wait3A = arith.constant 0 : i32
        %dma_wait3A_121 = arith.constant 0 : i32
        %dma_wait3A_122 = tpu.memref_slice %arg14[%dma_wait3A, %dma_wait3A_121] : memref<128x128xf32, #tpu.memory_space<vmem>> -> memref<64x128xf32, #tpu.memory_space<vmem>>
        %dma_wait3A_123 = arith.constant 0 : i32
        %dma_wait3A_124 = tpu.memref_slice %arg8[%dma_wait3A_123] : memref<128xi32, #tpu.memory_space<vmem>> -> memref<64xi32, #tpu.memory_space<vmem>>
        %dma_wait3A_125 = arith.constant 0 : i32
        %dma_wait3A_126 = arith.constant 0 : i32
        %dma_wait3A_127 = tpu.memref_slice %arg2[%dma_wait3A_125, %dma_wait3A_126] : memref<10240x128xf32, #tpu.memory_space<hbm>> -> memref<10240x128xf32, #tpu.memory_space<hbm>>
        tpu.wait_indirect_dma semaphore(%arg18 : memref<!tpu.dma_semaphore, #tpu.memory_space<semaphore_mem>>) src(%dma_wait3A_127 : memref<10240x128xf32, #tpu.memory_space<hbm>>) dst(%dma_wait3A_122 : memref<64x128xf32, #tpu.memory_space<vmem>>)
        %dma_wait3A_128 = arith.constant 64 : i32
        %dma_wait3A_129 = arith.constant 0 : i32
        %dma_wait3A_130 = tpu.memref_slice %arg14[%dma_wait3A_128, %dma_wait3A_129] : memref<128x128xf32, #tpu.memory_space<vmem>> -> memref<64x128xf32, #tpu.memory_space<vmem>>
        %dma_wait3A_131 = arith.constant 64 : i32
        %dma_wait3A_132 = tpu.memref_slice %arg8[%dma_wait3A_131] : memref<128xi32, #tpu.memory_space<vmem>> -> memref<64xi32, #tpu.memory_space<vmem>>
        %dma_wait3A_133 = arith.constant 0 : i32
        %dma_wait3A_134 = arith.constant 0 : i32
        %dma_wait3A_135 = tpu.memref_slice %arg2[%dma_wait3A_133, %dma_wait3A_134] : memref<10240x128xf32, #tpu.memory_space<hbm>> -> memref<10240x128xf32, #tpu.memory_space<hbm>>
        tpu.wait_indirect_dma semaphore(%arg20 : memref<!tpu.dma_semaphore, #tpu.memory_space<semaphore_mem>>) src(%dma_wait3A_135 : memref<10240x128xf32, #tpu.memory_space<hbm>>) dst(%dma_wait3A_130 : memref<64x128xf32, #tpu.memory_space<vmem>>)
        %lt3A_136 = arith.cmpi slt, %add3A_113, %reduce_sum3A_17 : i32
        %convert_element_type3A_137 = arith.extui %lt3A_136 : i1 to i32
        %cond3A_138 = arith.constant 0 : i32
        %cond3A_139 = arith.cmpi ne, %convert_element_type3A_137, %cond3A_138 : i32
        scf.if %cond3A_139 {
          %mul3A_187 = arith.constant 128 : i32
          %mul3A_188 = arith.muli %add3A_113, %mul3A_187 : i32
          "tpu.region"() ({
            %run_scoped3A = tpu.sem_alloc : memref<!tpu.dma_semaphore, #tpu.memory_space<semaphore_mem>>
            %dma_start3A_204 = tpu.memref_slice %arg3[%arg0, %add3A_11, %mul3A_188] : memref<2x32x10368xi32, #tpu.memory_space<hbm>> -> memref<1x1x128xi32, #tpu.memory_space<hbm>>
            %dma_start3A_205 = tpu.memref_squeeze %dma_start3A_204 : memref<1x1x128xi32, #tpu.memory_space<hbm>> -> memref<128xi32, #tpu.memory_space<hbm>>
            %dma_start3A_206 = tpu.memref_slice %arg3[%arg0, %add3A_11, %mul3A_188] : memref<2x32x10368xi32, #tpu.memory_space<hbm>> -> memref<1x1x128xi32, #tpu.memory_space<hbm>>
            %dma_start3A_207 = tpu.memref_squeeze %dma_start3A_206 : memref<1x1x128xi32, #tpu.memory_space<hbm>> -> memref<128xi32, #tpu.memory_space<hbm>>
            tpu.enqueue_dma source(%dma_start3A_207 : memref<128xi32, #tpu.memory_space<hbm>>) target(%arg7 : memref<128xi32, #tpu.memory_space<vmem>>) target_semaphore(%run_scoped3A : memref<!tpu.dma_semaphore, #tpu.memory_space<semaphore_mem>>)
            %dma_wait3A_208 = tpu.memref_slice %arg3[%arg0, %add3A_11, %mul3A_188] : memref<2x32x10368xi32, #tpu.memory_space<hbm>> -> memref<1x1x128xi32, #tpu.memory_space<hbm>>
            %dma_wait3A_209 = tpu.memref_squeeze %dma_wait3A_208 : memref<1x1x128xi32, #tpu.memory_space<hbm>> -> memref<128xi32, #tpu.memory_space<hbm>>
            %dma_wait3A_210 = tpu.memref_slice %arg3[%arg0, %add3A_11, %mul3A_188] : memref<2x32x10368xi32, #tpu.memory_space<hbm>> -> memref<1x1x128xi32, #tpu.memory_space<hbm>>
            %dma_wait3A_211 = tpu.memref_squeeze %dma_wait3A_210 : memref<1x1x128xi32, #tpu.memory_space<hbm>> -> memref<128xi32, #tpu.memory_space<hbm>>
            tpu.wait_dma2 semaphore(%run_scoped3A : memref<!tpu.dma_semaphore, #tpu.memory_space<semaphore_mem>>) src(%dma_wait3A_211 : memref<128xi32, #tpu.memory_space<hbm>>) dst(%arg7 : memref<128xi32, #tpu.memory_space<vmem>>)
            tpu.yield
          }) : () -> ()
          "tpu.region"() ({
            %run_scoped3A = tpu.sem_alloc : memref<!tpu.dma_semaphore, #tpu.memory_space<semaphore_mem>>
            %dma_start3A_204 = tpu.memref_slice %arg4[%arg0, %add3A_11, %mul3A_188] : memref<2x32x10368xi32, #tpu.memory_space<hbm>> -> memref<1x1x128xi32, #tpu.memory_space<hbm>>
            %dma_start3A_205 = tpu.memref_squeeze %dma_start3A_204 : memref<1x1x128xi32, #tpu.memory_space<hbm>> -> memref<128xi32, #tpu.memory_space<hbm>>
            %dma_start3A_206 = tpu.memref_slice %arg4[%arg0, %add3A_11, %mul3A_188] : memref<2x32x10368xi32, #tpu.memory_space<hbm>> -> memref<1x1x128xi32, #tpu.memory_space<hbm>>
            %dma_start3A_207 = tpu.memref_squeeze %dma_start3A_206 : memref<1x1x128xi32, #tpu.memory_space<hbm>> -> memref<128xi32, #tpu.memory_space<hbm>>
            tpu.enqueue_dma source(%dma_start3A_207 : memref<128xi32, #tpu.memory_space<hbm>>) target(%arg9 : memref<128xi32, #tpu.memory_space<vmem>>) target_semaphore(%run_scoped3A : memref<!tpu.dma_semaphore, #tpu.memory_space<semaphore_mem>>)
            %dma_wait3A_208 = tpu.memref_slice %arg4[%arg0, %add3A_11, %mul3A_188] : memref<2x32x10368xi32, #tpu.memory_space<hbm>> -> memref<1x1x128xi32, #tpu.memory_space<hbm>>
            %dma_wait3A_209 = tpu.memref_squeeze %dma_wait3A_208 : memref<1x1x128xi32, #tpu.memory_space<hbm>> -> memref<128xi32, #tpu.memory_space<hbm>>
            %dma_wait3A_210 = tpu.memref_slice %arg4[%arg0, %add3A_11, %mul3A_188] : memref<2x32x10368xi32, #tpu.memory_space<hbm>> -> memref<1x1x128xi32, #tpu.memory_space<hbm>>
            %dma_wait3A_211 = tpu.memref_squeeze %dma_wait3A_210 : memref<1x1x128xi32, #tpu.memory_space<hbm>> -> memref<128xi32, #tpu.memory_space<hbm>>
            tpu.wait_dma2 semaphore(%run_scoped3A : memref<!tpu.dma_semaphore, #tpu.memory_space<semaphore_mem>>) src(%dma_wait3A_211 : memref<128xi32, #tpu.memory_space<hbm>>) dst(%arg9 : memref<128xi32, #tpu.memory_space<vmem>>)
            tpu.yield
          }) : () -> ()
          %dma_start3A = arith.constant 0 : i32
          %dma_start3A_189 = arith.constant 0 : i32
          %dma_start3A_190 = tpu.memref_slice %arg13[%dma_start3A, %dma_start3A_189] : memref<128x128xf32, #tpu.memory_space<vmem>> -> memref<64x128xf32, #tpu.memory_space<vmem>>
          %dma_start3A_191 = arith.constant 0 : i32
          %dma_start3A_192 = tpu.memref_slice %arg7[%dma_start3A_191] : memref<128xi32, #tpu.memory_space<vmem>> -> memref<64xi32, #tpu.memory_space<vmem>>
          %dma_start3A_193 = arith.constant 0 : i32
          %dma_start3A_194 = arith.constant 0 : i32
          %dma_start3A_195 = tpu.memref_slice %arg2[%dma_start3A_193, %dma_start3A_194] : memref<10240x128xf32, #tpu.memory_space<hbm>> -> memref<10240x128xf32, #tpu.memory_space<hbm>>
          tpu.enqueue_indirect_dma source(%dma_start3A_195 : memref<10240x128xf32, #tpu.memory_space<hbm>>) target(%dma_start3A_190 : memref<64x128xf32, #tpu.memory_space<vmem>>) offsets(%dma_start3A_192 : memref<64xi32, #tpu.memory_space<vmem>>) semaphore(%arg17 : memref<!tpu.dma_semaphore, #tpu.memory_space<semaphore_mem>>)
          %dma_start3A_196 = arith.constant 64 : i32
          %dma_start3A_197 = arith.constant 0 : i32
          %dma_start3A_198 = tpu.memref_slice %arg13[%dma_start3A_196, %dma_start3A_197] : memref<128x128xf32, #tpu.memory_space<vmem>> -> memref<64x128xf32, #tpu.memory_space<vmem>>
          %dma_start3A_199 = arith.constant 64 : i32
          %dma_start3A_200 = tpu.memref_slice %arg7[%dma_start3A_199] : memref<128xi32, #tpu.memory_space<vmem>> -> memref<64xi32, #tpu.memory_space<vmem>>
          %dma_start3A_201 = arith.constant 0 : i32
          %dma_start3A_202 = arith.constant 0 : i32
          %dma_start3A_203 = tpu.memref_slice %arg2[%dma_start3A_201, %dma_start3A_202] : memref<10240x128xf32, #tpu.memory_space<hbm>> -> memref<10240x128xf32, #tpu.memory_space<hbm>>
          tpu.enqueue_indirect_dma source(%dma_start3A_203 : memref<10240x128xf32, #tpu.memory_space<hbm>>) target(%dma_start3A_198 : memref<64x128xf32, #tpu.memory_space<vmem>>) offsets(%dma_start3A_200 : memref<64xi32, #tpu.memory_space<vmem>>) semaphore(%arg19 : memref<!tpu.dma_semaphore, #tpu.memory_space<semaphore_mem>>)
        } else {
        }
        %get3A_140 = arith.constant 0 : index
        %get3A_141 = tpu.vector_load %arg10[%get3A_140] {strides = array<i32>} : memref<128xi32, #tpu.memory_space<vmem>>, vector<16xi32>,
        %sub3A_142 = vector.broadcast %mul3A_2 : i32 to vector<16xi32>
        %sub3A_143 = arith.subi %get3A_141, %sub3A_142 : vector<16xi32>
        %swap3A = arith.constant 0 : index
        %swap3A_144 = tpu.vector_load %arg12[%swap3A] {strides = array<i32>} : memref<128xi32, #tpu.memory_space<vmem>>, vector<16xi32>,
        tpu.vector_store %arg12[%swap3A], %sub3A_143 {strides = array<i32>} : memref<128xi32, #tpu.memory_space<vmem>>, vector<16xi32>,
        %get3A_145 = arith.constant 16 : index
        %get3A_146 = tpu.vector_load %arg10[%get3A_145] {strides = array<i32>} : memref<128xi32, #tpu.memory_space<vmem>>, vector<16xi32>,
        %sub3A_147 = vector.broadcast %mul3A_2 : i32 to vector<16xi32>
        %sub3A_148 = arith.subi %get3A_146, %sub3A_147 : vector<16xi32>
        %swap3A_149 = arith.constant 16 : index
        %swap3A_150 = tpu.vector_load %arg12[%swap3A_149] {strides = array<i32>} : memref<128xi32, #tpu.memory_space<vmem>>, vector<16xi32>,
        tpu.vector_store %arg12[%swap3A_149], %sub3A_148 {strides = array<i32>} : memref<128xi32, #tpu.memory_space<vmem>>, vector<16xi32>,
        %get3A_151 = arith.constant 32 : index
        %get3A_152 = tpu.vector_load %arg10[%get3A_151] {strides = array<i32>} : memref<128xi32, #tpu.memory_space<vmem>>, vector<16xi32>,
        %sub3A_153 = vector.broadcast %mul3A_2 : i32 to vector<16xi32>
        %sub3A_154 = arith.subi %get3A_152, %sub3A_153 : vector<16xi32>
        %swap3A_155 = arith.constant 32 : index
        %swap3A_156 = tpu.vector_load %arg12[%swap3A_155] {strides = array<i32>} : memref<128xi32, #tpu.memory_space<vmem>>, vector<16xi32>,
        tpu.vector_store %arg12[%swap3A_155], %sub3A_154 {strides = array<i32>} : memref<128xi32, #tpu.memory_space<vmem>>, vector<16xi32>,
        %get3A_157 = arith.constant 48 : index
        %get3A_158 = tpu.vector_load %arg10[%get3A_157] {strides = array<i32>} : memref<128xi32, #tpu.memory_space<vmem>>, vector<16xi32>,
        %sub3A_159 = vector.broadcast %mul3A_2 : i32 to vector<16xi32>
        %sub3A_160 = arith.subi %get3A_158, %sub3A_159 : vector<16xi32>
        %swap3A_161 = arith.constant 48 : index
        %swap3A_162 = tpu.vector_load %arg12[%swap3A_161] {strides = array<i32>} : memref<128xi32, #tpu.memory_space<vmem>>, vector<16xi32>,
        tpu.vector_store %arg12[%swap3A_161], %sub3A_160 {strides = array<i32>} : memref<128xi32, #tpu.memory_space<vmem>>, vector<16xi32>,
        %get3A_163 = arith.constant 64 : index
        %get3A_164 = tpu.vector_load %arg10[%get3A_163] {strides = array<i32>} : memref<128xi32, #tpu.memory_space<vmem>>, vector<16xi32>,
        %sub3A_165 = vector.broadcast %mul3A_2 : i32 to vector<16xi32>
        %sub3A_166 = arith.subi %get3A_164, %sub3A_165 : vector<16xi32>
        %swap3A_167 = arith.constant 64 : index
        %swap3A_168 = tpu.vector_load %arg12[%swap3A_167] {strides = array<i32>} : memref<128xi32, #tpu.memory_space<vmem>>, vector<16xi32>,
        tpu.vector_store %arg12[%swap3A_167], %sub3A_166 {strides = array<i32>} : memref<128xi32, #tpu.memory_space<vmem>>, vector<16xi32>,
        %get3A_169 = arith.constant 80 : index
        %get3A_170 = tpu.vector_load %arg10[%get3A_169] {strides = array<i32>} : memref<128xi32, #tpu.memory_space<vmem>>, vector<16xi32>,
        %sub3A_171 = vector.broadcast %mul3A_2 : i32 to vector<16xi32>
        %sub3A_172 = arith.subi %get3A_170, %sub3A_171 : vector<16xi32>
        %swap3A_173 = arith.constant 80 : index
        %swap3A_174 = tpu.vector_load %arg12[%swap3A_173] {strides = array<i32>} : memref<128xi32, #tpu.memory_space<vmem>>, vector<16xi32>,
        tpu.vector_store %arg12[%swap3A_173], %sub3A_172 {strides = array<i32>} : memref<128xi32, #tpu.memory_space<vmem>>, vector<16xi32>,
        %get3A_175 = arith.constant 96 : index
        %get3A_176 = tpu.vector_load %arg10[%get3A_175] {strides = array<i32>} : memref<128xi32, #tpu.memory_space<vmem>>, vector<16xi32>,
        %sub3A_177 = vector.broadcast %mul3A_2 : i32 to vector<16xi32>
        %sub3A_178 = arith.subi %get3A_176, %sub3A_177 : vector<16xi32>
        %swap3A_179 = arith.constant 96 : index
        %swap3A_180 = tpu.vector_load %arg12[%swap3A_179] {strides = array<i32>} : memref<128xi32, #tpu.memory_space<vmem>>, vector<16xi32>,
        tpu.vector_store %arg12[%swap3A_179], %sub3A_178 {strides = array<i32>} : memref<128xi32, #tpu.memory_space<vmem>>, vector<16xi32>,
        %get3A_181 = arith.constant 112 : index
        %get3A_182 = tpu.vector_load %arg10[%get3A_181] {strides = array<i32>} : memref<128xi32, #tpu.memory_space<vmem>>, vector<16xi32>,
        %sub3A_183 = vector.broadcast %mul3A_2 : i32 to vector<16xi32>
        %sub3A_184 = arith.subi %get3A_182, %sub3A_183 : vector<16xi32>
        %swap3A_185 = arith.constant 112 : index
        %swap3A_186 = tpu.vector_load %arg12[%swap3A_185] {strides = array<i32>} : memref<128xi32, #tpu.memory_space<vmem>>, vector<16xi32>,
        tpu.vector_store %arg12[%swap3A_185], %sub3A_184 {strides = array<i32>} : memref<128xi32, #tpu.memory_space<vmem>>, vector<16xi32>,
        "tpu.region"() ({
          %run_scoped3A = tpu.sem_alloc : memref<!tpu.dma_semaphore, #tpu.memory_space<semaphore_mem>>
          %dma_start3A = arith.constant 0 : i32
          %dma_start3A_187 = arith.constant 0 : i32
          %dma_start3A_188 = tpu.memref_slice %arg21[%dma_start3A, %dma_start3A_187] : memref<5248x128xf32, #tpu.memory_space<vmem_shared>> -> memref<5248x128xf32, #tpu.memory_space<vmem_shared>>
          tpu.enqueue_indirect_dma source(%arg14 : memref<128x128xf32, #tpu.memory_space<vmem>>) target(%dma_start3A_188 : memref<5248x128xf32, #tpu.memory_space<vmem_shared>>) offsets(%arg12 : memref<128xi32, #tpu.memory_space<vmem>>) semaphore(%run_scoped3A : memref<!tpu.dma_semaphore, #tpu.memory_space<semaphore_mem>>) {add = true}
          %dma_wait3A_189 = arith.constant 0 : i32
          %dma_wait3A_190 = arith.constant 0 : i32
          %dma_wait3A_191 = tpu.memref_slice %arg21[%dma_wait3A_189, %dma_wait3A_190] : memref<5248x128xf32, #tpu.memory_space<vmem_shared>> -> memref<5248x128xf32, #tpu.memory_space<vmem_shared>>
          tpu.wait_indirect_dma semaphore(%run_scoped3A : memref<!tpu.dma_semaphore, #tpu.memory_space<semaphore_mem>>) src(%arg14 : memref<128x128xf32, #tpu.memory_space<vmem>>) dst(%dma_wait3A_191 : memref<5248x128xf32, #tpu.memory_space<vmem_shared>>)
          tpu.yield
        }) : () -> ()
      } else {
      }
    }
    %while3A_48 = arith.constant 1 : i32
    scf.for %while3A_107 = %while3A_46 to %while3A_42 step %while3A_48  : i32 {
      %mul3A_108 = arith.constant 2 : i32
      %mul3A_109 = arith.muli %mul3A_108, %while3A_107 : i32
      %add3A_110 = arith.constant 1 : i32
      %add3A_111 = arith.addi %mul3A_109, %add3A_110 : i32
      %add3A_112 = arith.constant 2 : i32
      %add3A_113 = arith.addi %mul3A_109, %add3A_112 : i32
      %lt3A = arith.cmpi slt, %mul3A_109, %reduce_sum3A_17 : i32
      %convert_element_type3A_114 = arith.extui %lt3A : i1 to i32
      %cond3A_115 = arith.constant 0 : i32
      %cond3A_116 = arith.cmpi ne, %convert_element_type3A_114, %cond3A_115 : i32
      scf.if %cond3A_116 {
        %dma_wait3A = arith.constant 0 : i32
        %dma_wait3A_121 = arith.constant 0 : i32
        %dma_wait3A_122 = tpu.memref_slice %arg13[%dma_wait3A, %dma_wait3A_121] : memref<128x128xf32, #tpu.memory_space<vmem>> -> memref<64x128xf32, #tpu.memory_space<vmem>>
        %dma_wait3A_123 = arith.constant 0 : i32
        %dma_wait3A_124 = tpu.memref_slice %arg7[%dma_wait3A_123] : memref<128xi32, #tpu.memory_space<vmem>> -> memref<64xi32, #tpu.memory_space<vmem>>
        %dma_wait3A_125 = arith.constant 0 : i32
        %dma_wait3A_126 = arith.constant 0 : i32
        %dma_wait3A_127 = tpu.memref_slice %arg2[%dma_wait3A_125, %dma_wait3A_126] : memref<10240x128xf32, #tpu.memory_space<hbm>> -> memref<10240x128xf32, #tpu.memory_space<hbm>>
        tpu.wait_indirect_dma semaphore(%arg17 : memref<!tpu.dma_semaphore, #tpu.memory_space<semaphore_mem>>) src(%dma_wait3A_127 : memref<10240x128xf32, #tpu.memory_space<hbm>>) dst(%dma_wait3A_122 : memref<64x128xf32, #tpu.memory_space<vmem>>)
        %dma_wait3A_128 = arith.constant 64 : i32
        %dma_wait3A_129 = arith.constant 0 : i32
        %dma_wait3A_130 = tpu.memref_slice %arg13[%dma_wait3A_128, %dma_wait3A_129] : memref<128x128xf32, #tpu.memory_space<vmem>> -> memref<64x128xf32, #tpu.memory_space<vmem>>
        %dma_wait3A_131 = arith.constant 64 : i32
        %dma_wait3A_132 = tpu.memref_slice %arg7[%dma_wait3A_131] : memref<128xi32, #tpu.memory_space<vmem>> -> memref<64xi32, #tpu.memory_space<vmem>>
        %dma_wait3A_133 = arith.constant 0 : i32
        %dma_wait3A_134 = arith.constant 0 : i32
        %dma_wait3A_135 = tpu.memref_slice %arg2[%dma_wait3A_133, %dma_wait3A_134] : memref<10240x128xf32, #tpu.memory_space<hbm>> -> memref<10240x128xf32, #tpu.memory_space<hbm>>
        tpu.wait_indirect_dma semaphore(%arg19 : memref<!tpu.dma_semaphore, #tpu.memory_space<semaphore_mem>>) src(%dma_wait3A_135 : memref<10240x128xf32, #tpu.memory_space<hbm>>) dst(%dma_wait3A_130 : memref<64x128xf32, #tpu.memory_space<vmem>>)
        %lt3A_136 = arith.cmpi slt, %add3A_111, %reduce_sum3A_17 : i32
        %convert_element_type3A_137 = arith.extui %lt3A_136 : i1 to i32
        %cond3A_138 = arith.constant 0 : i32
        %cond3A_139 = arith.cmpi ne, %convert_element_type3A_137, %cond3A_138 : i32
        scf.if %cond3A_139 {
          %mul3A_187 = arith.constant 128 : i32
          %mul3A_188 = arith.muli %add3A_111, %mul3A_187 : i32
          "tpu.region"() ({
            %run_scoped3A = tpu.sem_alloc : memref<!tpu.dma_semaphore, #tpu.memory_space<semaphore_mem>>
            %dma_start3A_204 = tpu.memref_slice %arg3[%arg0, %add3A_11, %mul3A_188] : memref<2x32x10368xi32, #tpu.memory_space<hbm>> -> memref<1x1x128xi32, #tpu.memory_space<hbm>>
            %dma_start3A_205 = tpu.memref_squeeze %dma_start3A_204 : memref<1x1x128xi32, #tpu.memory_space<hbm>> -> memref<128xi32, #tpu.memory_space<hbm>>
            %dma_start3A_206 = tpu.memref_slice %arg3[%arg0, %add3A_11, %mul3A_188] : memref<2x32x10368xi32, #tpu.memory_space<hbm>> -> memref<1x1x128xi32, #tpu.memory_space<hbm>>
            %dma_start3A_207 = tpu.memref_squeeze %dma_start3A_206 : memref<1x1x128xi32, #tpu.memory_space<hbm>> -> memref<128xi32, #tpu.memory_space<hbm>>
            tpu.enqueue_dma source(%dma_start3A_207 : memref<128xi32, #tpu.memory_space<hbm>>) target(%arg8 : memref<128xi32, #tpu.memory_space<vmem>>) target_semaphore(%run_scoped3A : memref<!tpu.dma_semaphore, #tpu.memory_space<semaphore_mem>>)
            %dma_wait3A_208 = tpu.memref_slice %arg3[%arg0, %add3A_11, %mul3A_188] : memref<2x32x10368xi32, #tpu.memory_space<hbm>> -> memref<1x1x128xi32, #tpu.memory_space<hbm>>
            %dma_wait3A_209 = tpu.memref_squeeze %dma_wait3A_208 : memref<1x1x128xi32, #tpu.memory_space<hbm>> -> memref<128xi32, #tpu.memory_space<hbm>>
            %dma_wait3A_210 = tpu.memref_slice %arg3[%arg0, %add3A_11, %mul3A_188] : memref<2x32x10368xi32, #tpu.memory_space<hbm>> -> memref<1x1x128xi32, #tpu.memory_space<hbm>>
            %dma_wait3A_211 = tpu.memref_squeeze %dma_wait3A_210 : memref<1x1x128xi32, #tpu.memory_space<hbm>> -> memref<128xi32, #tpu.memory_space<hbm>>
            tpu.wait_dma2 semaphore(%run_scoped3A : memref<!tpu.dma_semaphore, #tpu.memory_space<semaphore_mem>>) src(%dma_wait3A_211 : memref<128xi32, #tpu.memory_space<hbm>>) dst(%arg8 : memref<128xi32, #tpu.memory_space<vmem>>)
            tpu.yield
          }) : () -> ()
          "tpu.region"() ({
            %run_scoped3A = tpu.sem_alloc : memref<!tpu.dma_semaphore, #tpu.memory_space<semaphore_mem>>
            %dma_start3A_204 = tpu.memref_slice %arg4[%arg0, %add3A_11, %mul3A_188] : memref<2x32x10368xi32, #tpu.memory_space<hbm>> -> memref<1x1x128xi32, #tpu.memory_space<hbm>>
            %dma_start3A_205 = tpu.memref_squeeze %dma_start3A_204 : memref<1x1x128xi32, #tpu.memory_space<hbm>> -> memref<128xi32, #tpu.memory_space<hbm>>
            %dma_start3A_206 = tpu.memref_slice %arg4[%arg0, %add3A_11, %mul3A_188] : memref<2x32x10368xi32, #tpu.memory_space<hbm>> -> memref<1x1x128xi32, #tpu.memory_space<hbm>>
            %dma_start3A_207 = tpu.memref_squeeze %dma_start3A_206 : memref<1x1x128xi32, #tpu.memory_space<hbm>> -> memref<128xi32, #tpu.memory_space<hbm>>
            tpu.enqueue_dma source(%dma_start3A_207 : memref<128xi32, #tpu.memory_space<hbm>>) target(%arg10 : memref<128xi32, #tpu.memory_space<vmem>>) target_semaphore(%run_scoped3A : memref<!tpu.dma_semaphore, #tpu.memory_space<semaphore_mem>>)
            %dma_wait3A_208 = tpu.memref_slice %arg4[%arg0, %add3A_11, %mul3A_188] : memref<2x32x10368xi32, #tpu.memory_space<hbm>> -> memref<1x1x128xi32, #tpu.memory_space<hbm>>
            %dma_wait3A_209 = tpu.memref_squeeze %dma_wait3A_208 : memref<1x1x128xi32, #tpu.memory_space<hbm>> -> memref<128xi32, #tpu.memory_space<hbm>>
            %dma_wait3A_210 = tpu.memref_slice %arg4[%arg0, %add3A_11, %mul3A_188] : memref<2x32x10368xi32, #tpu.memory_space<hbm>> -> memref<1x1x128xi32, #tpu.memory_space<hbm>>
            %dma_wait3A_211 = tpu.memref_squeeze %dma_wait3A_210 : memref<1x1x128xi32, #tpu.memory_space<hbm>> -> memref<128xi32, #tpu.memory_space<hbm>>
            tpu.wait_dma2 semaphore(%run_scoped3A : memref<!tpu.dma_semaphore, #tpu.memory_space<semaphore_mem>>) src(%dma_wait3A_211 : memref<128xi32, #tpu.memory_space<hbm>>) dst(%arg10 : memref<128xi32, #tpu.memory_space<vmem>>)
            tpu.yield
          }) : () -> ()
          %dma_start3A = arith.constant 0 : i32
          %dma_start3A_189 = arith.constant 0 : i32
          %dma_start3A_190 = tpu.memref_slice %arg14[%dma_start3A, %dma_start3A_189] : memref<128x128xf32, #tpu.memory_space<vmem>> -> memref<64x128xf32, #tpu.memory_space<vmem>>
          %dma_start3A_191 = arith.constant 0 : i32
          %dma_start3A_192 = tpu.memref_slice %arg8[%dma_start3A_191] : memref<128xi32, #tpu.memory_space<vmem>> -> memref<64xi32, #tpu.memory_space<vmem>>
          %dma_start3A_193 = arith.constant 0 : i32
          %dma_start3A_194 = arith.constant 0 : i32
          %dma_start3A_195 = tpu.memref_slice %arg2[%dma_start3A_193, %dma_start3A_194] : memref<10240x128xf32, #tpu.memory_space<hbm>> -> memref<10240x128xf32, #tpu.memory_space<hbm>>
          tpu.enqueue_indirect_dma source(%dma_start3A_195 : memref<10240x128xf32, #tpu.memory_space<hbm>>) target(%dma_start3A_190 : memref<64x128xf32, #tpu.memory_space<vmem>>) offsets(%dma_start3A_192 : memref<64xi32, #tpu.memory_space<vmem>>) semaphore(%arg18 : memref<!tpu.dma_semaphore, #tpu.memory_space<semaphore_mem>>)
          %dma_start3A_196 = arith.constant 64 : i32
          %dma_start3A_197 = arith.constant 0 : i32
          %dma_start3A_198 = tpu.memref_slice %arg14[%dma_start3A_196, %dma_start3A_197] : memref<128x128xf32, #tpu.memory_space<vmem>> -> memref<64x128xf32, #tpu.memory_space<vmem>>
          %dma_start3A_199 = arith.constant 64 : i32
          %dma_start3A_200 = tpu.memref_slice %arg8[%dma_start3A_199] : memref<128xi32, #tpu.memory_space<vmem>> -> memref<64xi32, #tpu.memory_space<vmem>>
          %dma_start3A_201 = arith.constant 0 : i32
          %dma_start3A_202 = arith.constant 0 : i32
          %dma_start3A_203 = tpu.memref_slice %arg2[%dma_start3A_201, %dma_start3A_202] : memref<10240x128xf32, #tpu.memory_space<hbm>> -> memref<10240x128xf32, #tpu.memory_space<hbm>>
          tpu.enqueue_indirect_dma source(%dma_start3A_203 : memref<10240x128xf32, #tpu.memory_space<hbm>>) target(%dma_start3A_198 : memref<64x128xf32, #tpu.memory_space<vmem>>) offsets(%dma_start3A_200 : memref<64xi32, #tpu.memory_space<vmem>>) semaphore(%arg20 : memref<!tpu.dma_semaphore, #tpu.memory_space<semaphore_mem>>)
        } else {
        }
        %get3A_140 = arith.constant 0 : index
        %get3A_141 = tpu.vector_load %arg9[%get3A_140] {strides = array<i32>} : memref<128xi32, #tpu.memory_space<vmem>>, vector<16xi32>,
        %sub3A_142 = vector.broadcast %mul3A_2 : i32 to vector<16xi32>
        %sub3A_143 = arith.subi %get3A_141, %sub3A_142 : vector<16xi32>
        %swap3A = arith.constant 0 : index
        %swap3A_144 = tpu.vector_load %arg11[%swap3A] {strides = array<i32>} : memref<128xi32, #tpu.memory_space<vmem>>, vector<16xi32>,
        tpu.vector_store %arg11[%swap3A], %sub3A_143 {strides = array<i32>} : memref<128xi32, #tpu.memory_space<vmem>>, vector<16xi32>,
        %get3A_145 = arith.constant 16 : index
        %get3A_146 = tpu.vector_load %arg9[%get3A_145] {strides = array<i32>} : memref<128xi32, #tpu.memory_space<vmem>>, vector<16xi32>,
        %sub3A_147 = vector.broadcast %mul3A_2 : i32 to vector<16xi32>
        %sub3A_148 = arith.subi %get3A_146, %sub3A_147 : vector<16xi32>
        %swap3A_149 = arith.constant 16 : index
        %swap3A_150 = tpu.vector_load %arg11[%swap3A_149] {strides = array<i32>} : memref<128xi32, #tpu.memory_space<vmem>>, vector<16xi32>,
        tpu.vector_store %arg11[%swap3A_149], %sub3A_148 {strides = array<i32>} : memref<128xi32, #tpu.memory_space<vmem>>, vector<16xi32>,
        %get3A_151 = arith.constant 32 : index
        %get3A_152 = tpu.vector_load %arg9[%get3A_151] {strides = array<i32>} : memref<128xi32, #tpu.memory_space<vmem>>, vector<16xi32>,
        %sub3A_153 = vector.broadcast %mul3A_2 : i32 to vector<16xi32>
        %sub3A_154 = arith.subi %get3A_152, %sub3A_153 : vector<16xi32>
        %swap3A_155 = arith.constant 32 : index
        %swap3A_156 = tpu.vector_load %arg11[%swap3A_155] {strides = array<i32>} : memref<128xi32, #tpu.memory_space<vmem>>, vector<16xi32>,
        tpu.vector_store %arg11[%swap3A_155], %sub3A_154 {strides = array<i32>} : memref<128xi32, #tpu.memory_space<vmem>>, vector<16xi32>,
        %get3A_157 = arith.constant 48 : index
        %get3A_158 = tpu.vector_load %arg9[%get3A_157] {strides = array<i32>} : memref<128xi32, #tpu.memory_space<vmem>>, vector<16xi32>,
        %sub3A_159 = vector.broadcast %mul3A_2 : i32 to vector<16xi32>
        %sub3A_160 = arith.subi %get3A_158, %sub3A_159 : vector<16xi32>
        %swap3A_161 = arith.constant 48 : index
        %swap3A_162 = tpu.vector_load %arg11[%swap3A_161] {strides = array<i32>} : memref<128xi32, #tpu.memory_space<vmem>>, vector<16xi32>,
        tpu.vector_store %arg11[%swap3A_161], %sub3A_160 {strides = array<i32>} : memref<128xi32, #tpu.memory_space<vmem>>, vector<16xi32>,
        %get3A_163 = arith.constant 64 : index
        %get3A_164 = tpu.vector_load %arg9[%get3A_163] {strides = array<i32>} : memref<128xi32, #tpu.memory_space<vmem>>, vector<16xi32>,
        %sub3A_165 = vector.broadcast %mul3A_2 : i32 to vector<16xi32>
        %sub3A_166 = arith.subi %get3A_164, %sub3A_165 : vector<16xi32>
        %swap3A_167 = arith.constant 64 : index
        %swap3A_168 = tpu.vector_load %arg11[%swap3A_167] {strides = array<i32>} : memref<128xi32, #tpu.memory_space<vmem>>, vector<16xi32>,
        tpu.vector_store %arg11[%swap3A_167], %sub3A_166 {strides = array<i32>} : memref<128xi32, #tpu.memory_space<vmem>>, vector<16xi32>,
        %get3A_169 = arith.constant 80 : index
        %get3A_170 = tpu.vector_load %arg9[%get3A_169] {strides = array<i32>} : memref<128xi32, #tpu.memory_space<vmem>>, vector<16xi32>,
        %sub3A_171 = vector.broadcast %mul3A_2 : i32 to vector<16xi32>
        %sub3A_172 = arith.subi %get3A_170, %sub3A_171 : vector<16xi32>
        %swap3A_173 = arith.constant 80 : index
        %swap3A_174 = tpu.vector_load %arg11[%swap3A_173] {strides = array<i32>} : memref<128xi32, #tpu.memory_space<vmem>>, vector<16xi32>,
        tpu.vector_store %arg11[%swap3A_173], %sub3A_172 {strides = array<i32>} : memref<128xi32, #tpu.memory_space<vmem>>, vector<16xi32>,
        %get3A_175 = arith.constant 96 : index
        %get3A_176 = tpu.vector_load %arg9[%get3A_175] {strides = array<i32>} : memref<128xi32, #tpu.memory_space<vmem>>, vector<16xi32>,
        %sub3A_177 = vector.broadcast %mul3A_2 : i32 to vector<16xi32>
        %sub3A_178 = arith.subi %get3A_176, %sub3A_177 : vector<16xi32>
        %swap3A_179 = arith.constant 96 : index
        %swap3A_180 = tpu.vector_load %arg11[%swap3A_179] {strides = array<i32>} : memref<128xi32, #tpu.memory_space<vmem>>, vector<16xi32>,
        tpu.vector_store %arg11[%swap3A_179], %sub3A_178 {strides = array<i32>} : memref<128xi32, #tpu.memory_space<vmem>>, vector<16xi32>,
        %get3A_181 = arith.constant 112 : index
        %get3A_182 = tpu.vector_load %arg9[%get3A_181] {strides = array<i32>} : memref<128xi32, #tpu.memory_space<vmem>>, vector<16xi32>,
        %sub3A_183 = vector.broadcast %mul3A_2 : i32 to vector<16xi32>
        %sub3A_184 = arith.subi %get3A_182, %sub3A_183 : vector<16xi32>
        %swap3A_185 = arith.constant 112 : index
        %swap3A_186 = tpu.vector_load %arg11[%swap3A_185] {strides = array<i32>} : memref<128xi32, #tpu.memory_space<vmem>>, vector<16xi32>,
        tpu.vector_store %arg11[%swap3A_185], %sub3A_184 {strides = array<i32>} : memref<128xi32, #tpu.memory_space<vmem>>, vector<16xi32>,
        "tpu.region"() ({
          %run_scoped3A = tpu.sem_alloc : memref<!tpu.dma_semaphore, #tpu.memory_space<semaphore_mem>>
          %dma_start3A = arith.constant 0 : i32
          %dma_start3A_187 = arith.constant 0 : i32
          %dma_start3A_188 = tpu.memref_slice %arg21[%dma_start3A, %dma_start3A_187] : memref<5248x128xf32, #tpu.memory_space<vmem_shared>> -> memref<5248x128xf32, #tpu.memory_space<vmem_shared>>
          tpu.enqueue_indirect_dma source(%arg13 : memref<128x128xf32, #tpu.memory_space<vmem>>) target(%dma_start3A_188 : memref<5248x128xf32, #tpu.memory_space<vmem_shared>>) offsets(%arg11 : memref<128xi32, #tpu.memory_space<vmem>>) semaphore(%run_scoped3A : memref<!tpu.dma_semaphore, #tpu.memory_space<semaphore_mem>>) {add = true}
          %dma_wait3A_189 = arith.constant 0 : i32
          %dma_wait3A_190 = arith.constant 0 : i32
          %dma_wait3A_191 = tpu.memref_slice %arg21[%dma_wait3A_189, %dma_wait3A_190] : memref<5248x128xf32, #tpu.memory_space<vmem_shared>> -> memref<5248x128xf32, #tpu.memory_space<vmem_shared>>
          tpu.wait_indirect_dma semaphore(%run_scoped3A : memref<!tpu.dma_semaphore, #tpu.memory_space<semaphore_mem>>) src(%arg13 : memref<128x128xf32, #tpu.memory_space<vmem>>) dst(%dma_wait3A_191 : memref<5248x128xf32, #tpu.memory_space<vmem_shared>>)
          tpu.yield
        }) : () -> ()
      } else {
      }
      %lt3A_117 = arith.cmpi slt, %add3A_111, %reduce_sum3A_17 : i32
      %convert_element_type3A_118 = arith.extui %lt3A_117 : i1 to i32
      %cond3A_119 = arith.constant 0 : i32
      %cond3A_120 = arith.cmpi ne, %convert_element_type3A_118, %cond3A_119 : i32
      scf.if %cond3A_120 {
        %dma_wait3A = arith.constant 0 : i32
        %dma_wait3A_121 = arith.constant 0 : i32
        %dma_wait3A_122 = tpu.memref_slice %arg14[%dma_wait3A, %dma_wait3A_121] : memref<128x128xf32, #tpu.memory_space<vmem>> -> memref<64x128xf32, #tpu.memory_space<vmem>>
        %dma_wait3A_123 = arith.constant 0 : i32
        %dma_wait3A_124 = tpu.memref_slice %arg8[%dma_wait3A_123] : memref<128xi32, #tpu.memory_space<vmem>> -> memref<64xi32, #tpu.memory_space<vmem>>
        %dma_wait3A_125 = arith.constant 0 : i32
        %dma_wait3A_126 = arith.constant 0 : i32
        %dma_wait3A_127 = tpu.memref_slice %arg2[%dma_wait3A_125, %dma_wait3A_126] : memref<10240x128xf32, #tpu.memory_space<hbm>> -> memref<10240x128xf32, #tpu.memory_space<hbm>>
        tpu.wait_indirect_dma semaphore(%arg18 : memref<!tpu.dma_semaphore, #tpu.memory_space<semaphore_mem>>) src(%dma_wait3A_127 : memref<10240x128xf32, #tpu.memory_space<hbm>>) dst(%dma_wait3A_122 : memref<64x128xf32, #tpu.memory_space<vmem>>)
        %dma_wait3A_128 = arith.constant 64 : i32
        %dma_wait3A_129 = arith.constant 0 : i32
        %dma_wait3A_130 = tpu.memref_slice %arg14[%dma_wait3A_128, %dma_wait3A_129] : memref<128x128xf32, #tpu.memory_space<vmem>> -> memref<64x128xf32, #tpu.memory_space<vmem>>
        %dma_wait3A_131 = arith.constant 64 : i32
        %dma_wait3A_132 = tpu.memref_slice %arg8[%dma_wait3A_131] : memref<128xi32, #tpu.memory_space<vmem>> -> memref<64xi32, #tpu.memory_space<vmem>>
        %dma_wait3A_133 = arith.constant 0 : i32
        %dma_wait3A_134 = arith.constant 0 : i32
        %dma_wait3A_135 = tpu.memref_slice %arg2[%dma_wait3A_133, %dma_wait3A_134] : memref<10240x128xf32, #tpu.memory_space<hbm>> -> memref<10240x128xf32, #tpu.memory_space<hbm>>
        tpu.wait_indirect_dma semaphore(%arg20 : memref<!tpu.dma_semaphore, #tpu.memory_space<semaphore_mem>>) src(%dma_wait3A_135 : memref<10240x128xf32, #tpu.memory_space<hbm>>) dst(%dma_wait3A_130 : memref<64x128xf32, #tpu.memory_space<vmem>>)
        %lt3A_136 = arith.cmpi slt, %add3A_113, %reduce_sum3A_17 : i32
        %convert_element_type3A_137 = arith.extui %lt3A_136 : i1 to i32
        %cond3A_138 = arith.constant 0 : i32
        %cond3A_139 = arith.cmpi ne, %convert_element_type3A_137, %cond3A_138 : i32
        scf.if %cond3A_139 {
          %mul3A_187 = arith.constant 128 : i32
          %mul3A_188 = arith.muli %add3A_113, %mul3A_187 : i32
          "tpu.region"() ({
            %run_scoped3A = tpu.sem_alloc : memref<!tpu.dma_semaphore, #tpu.memory_space<semaphore_mem>>
            %dma_start3A_204 = tpu.memref_slice %arg3[%arg0, %add3A_11, %mul3A_188] : memref<2x32x10368xi32, #tpu.memory_space<hbm>> -> memref<1x1x128xi32, #tpu.memory_space<hbm>>
            %dma_start3A_205 = tpu.memref_squeeze %dma_start3A_204 : memref<1x1x128xi32, #tpu.memory_space<hbm>> -> memref<128xi32, #tpu.memory_space<hbm>>
            %dma_start3A_206 = tpu.memref_slice %arg3[%arg0, %add3A_11, %mul3A_188] : memref<2x32x10368xi32, #tpu.memory_space<hbm>> -> memref<1x1x128xi32, #tpu.memory_space<hbm>>
            %dma_start3A_207 = tpu.memref_squeeze %dma_start3A_206 : memref<1x1x128xi32, #tpu.memory_space<hbm>> -> memref<128xi32, #tpu.memory_space<hbm>>
            tpu.enqueue_dma source(%dma_start3A_207 : memref<128xi32, #tpu.memory_space<hbm>>) target(%arg7 : memref<128xi32, #tpu.memory_space<vmem>>) target_semaphore(%run_scoped3A : memref<!tpu.dma_semaphore, #tpu.memory_space<semaphore_mem>>)
            %dma_wait3A_208 = tpu.memref_slice %arg3[%arg0, %add3A_11, %mul3A_188] : memref<2x32x10368xi32, #tpu.memory_space<hbm>> -> memref<1x1x128xi32, #tpu.memory_space<hbm>>
            %dma_wait3A_209 = tpu.memref_squeeze %dma_wait3A_208 : memref<1x1x128xi32, #tpu.memory_space<hbm>> -> memref<128xi32, #tpu.memory_space<hbm>>
            %dma_wait3A_210 = tpu.memref_slice %arg3[%arg0, %add3A_11, %mul3A_188] : memref<2x32x10368xi32, #tpu.memory_space<hbm>> -> memref<1x1x128xi32, #tpu.memory_space<hbm>>
            %dma_wait3A_211 = tpu.memref_squeeze %dma_wait3A_210 : memref<1x1x128xi32, #tpu.memory_space<hbm>> -> memref<128xi32, #tpu.memory_space<hbm>>
            tpu.wait_dma2 semaphore(%run_scoped3A : memref<!tpu.dma_semaphore, #tpu.memory_space<semaphore_mem>>) src(%dma_wait3A_211 : memref<128xi32, #tpu.memory_space<hbm>>) dst(%arg7 : memref<128xi32, #tpu.memory_space<vmem>>)
            tpu.yield
          }) : () -> ()
          "tpu.region"() ({
            %run_scoped3A = tpu.sem_alloc : memref<!tpu.dma_semaphore, #tpu.memory_space<semaphore_mem>>
            %dma_start3A_204 = tpu.memref_slice %arg4[%arg0, %add3A_11, %mul3A_188] : memref<2x32x10368xi32, #tpu.memory_space<hbm>> -> memref<1x1x128xi32, #tpu.memory_space<hbm>>
            %dma_start3A_205 = tpu.memref_squeeze %dma_start3A_204 : memref<1x1x128xi32, #tpu.memory_space<hbm>> -> memref<128xi32, #tpu.memory_space<hbm>>
            %dma_start3A_206 = tpu.memref_slice %arg4[%arg0, %add3A_11, %mul3A_188] : memref<2x32x10368xi32, #tpu.memory_space<hbm>> -> memref<1x1x128xi32, #tpu.memory_space<hbm>>
            %dma_start3A_207 = tpu.memref_squeeze %dma_start3A_206 : memref<1x1x128xi32, #tpu.memory_space<hbm>> -> memref<128xi32, #tpu.memory_space<hbm>>
            tpu.enqueue_dma source(%dma_start3A_207 : memref<128xi32, #tpu.memory_space<hbm>>) target(%arg9 : memref<128xi32, #tpu.memory_space<vmem>>) target_semaphore(%run_scoped3A : memref<!tpu.dma_semaphore, #tpu.memory_space<semaphore_mem>>)
            %dma_wait3A_208 = tpu.memref_slice %arg4[%arg0, %add3A_11, %mul3A_188] : memref<2x32x10368xi32, #tpu.memory_space<hbm>> -> memref<1x1x128xi32, #tpu.memory_space<hbm>>
            %dma_wait3A_209 = tpu.memref_squeeze %dma_wait3A_208 : memref<1x1x128xi32, #tpu.memory_space<hbm>> -> memref<128xi32, #tpu.memory_space<hbm>>
            %dma_wait3A_210 = tpu.memref_slice %arg4[%arg0, %add3A_11, %mul3A_188] : memref<2x32x10368xi32, #tpu.memory_space<hbm>> -> memref<1x1x128xi32, #tpu.memory_space<hbm>>
            %dma_wait3A_211 = tpu.memref_squeeze %dma_wait3A_210 : memref<1x1x128xi32, #tpu.memory_space<hbm>> -> memref<128xi32, #tpu.memory_space<hbm>>
            tpu.wait_dma2 semaphore(%run_scoped3A : memref<!tpu.dma_semaphore, #tpu.memory_space<semaphore_mem>>) src(%dma_wait3A_211 : memref<128xi32, #tpu.memory_space<hbm>>) dst(%arg9 : memref<128xi32, #tpu.memory_space<vmem>>)
            tpu.yield
          }) : () -> ()
          %dma_start3A = arith.constant 0 : i32
          %dma_start3A_189 = arith.constant 0 : i32
          %dma_start3A_190 = tpu.memref_slice %arg13[%dma_start3A, %dma_start3A_189] : memref<128x128xf32, #tpu.memory_space<vmem>> -> memref<64x128xf32, #tpu.memory_space<vmem>>
          %dma_start3A_191 = arith.constant 0 : i32
          %dma_start3A_192 = tpu.memref_slice %arg7[%dma_start3A_191] : memref<128xi32, #tpu.memory_space<vmem>> -> memref<64xi32, #tpu.memory_space<vmem>>
          %dma_start3A_193 = arith.constant 0 : i32
          %dma_start3A_194 = arith.constant 0 : i32
          %dma_start3A_195 = tpu.memref_slice %arg2[%dma_start3A_193, %dma_start3A_194] : memref<10240x128xf32, #tpu.memory_space<hbm>> -> memref<10240x128xf32, #tpu.memory_space<hbm>>
          tpu.enqueue_indirect_dma source(%dma_start3A_195 : memref<10240x128xf32, #tpu.memory_space<hbm>>) target(%dma_start3A_190 : memref<64x128xf32, #tpu.memory_space<vmem>>) offsets(%dma_start3A_192 : memref<64xi32, #tpu.memory_space<vmem>>) semaphore(%arg17 : memref<!tpu.dma_semaphore, #tpu.memory_space<semaphore_mem>>)
          %dma_start3A_196 = arith.constant 64 : i32
          %dma_start3A_197 = arith.constant 0 : i32
          %dma_start3A_198 = tpu.memref_slice %arg13[%dma_start3A_196, %dma_start3A_197] : memref<128x128xf32, #tpu.memory_space<vmem>> -> memref<64x128xf32, #tpu.memory_space<vmem>>
          %dma_start3A_199 = arith.constant 64 : i32
          %dma_start3A_200 = tpu.memref_slice %arg7[%dma_start3A_199] : memref<128xi32, #tpu.memory_space<vmem>> -> memref<64xi32, #tpu.memory_space<vmem>>
          %dma_start3A_201 = arith.constant 0 : i32
          %dma_start3A_202 = arith.constant 0 : i32
          %dma_start3A_203 = tpu.memref_slice %arg2[%dma_start3A_201, %dma_start3A_202] : memref<10240x128xf32, #tpu.memory_space<hbm>> -> memref<10240x128xf32, #tpu.memory_space<hbm>>
          tpu.enqueue_indirect_dma source(%dma_start3A_203 : memref<10240x128xf32, #tpu.memory_space<hbm>>) target(%dma_start3A_198 : memref<64x128xf32, #tpu.memory_space<vmem>>) offsets(%dma_start3A_200 : memref<64xi32, #tpu.memory_space<vmem>>) semaphore(%arg19 : memref<!tpu.dma_semaphore, #tpu.memory_space<semaphore_mem>>)
        } else {
        }
        %get3A_140 = arith.constant 0 : index
        %get3A_141 = tpu.vector_load %arg10[%get3A_140] {strides = array<i32>} : memref<128xi32, #tpu.memory_space<vmem>>, vector<16xi32>,
        %sub3A_142 = vector.broadcast %mul3A_2 : i32 to vector<16xi32>
        %sub3A_143 = arith.subi %get3A_141, %sub3A_142 : vector<16xi32>
        %swap3A = arith.constant 0 : index
        %swap3A_144 = tpu.vector_load %arg12[%swap3A] {strides = array<i32>} : memref<128xi32, #tpu.memory_space<vmem>>, vector<16xi32>,
        tpu.vector_store %arg12[%swap3A], %sub3A_143 {strides = array<i32>} : memref<128xi32, #tpu.memory_space<vmem>>, vector<16xi32>,
        %get3A_145 = arith.constant 16 : index
        %get3A_146 = tpu.vector_load %arg10[%get3A_145] {strides = array<i32>} : memref<128xi32, #tpu.memory_space<vmem>>, vector<16xi32>,
        %sub3A_147 = vector.broadcast %mul3A_2 : i32 to vector<16xi32>
        %sub3A_148 = arith.subi %get3A_146, %sub3A_147 : vector<16xi32>
        %swap3A_149 = arith.constant 16 : index
        %swap3A_150 = tpu.vector_load %arg12[%swap3A_149] {strides = array<i32>} : memref<128xi32, #tpu.memory_space<vmem>>, vector<16xi32>,
        tpu.vector_store %arg12[%swap3A_149], %sub3A_148 {strides = array<i32>} : memref<128xi32, #tpu.memory_space<vmem>>, vector<16xi32>,
        %get3A_151 = arith.constant 32 : index
        %get3A_152 = tpu.vector_load %arg10[%get3A_151] {strides = array<i32>} : memref<128xi32, #tpu.memory_space<vmem>>, vector<16xi32>,
        %sub3A_153 = vector.broadcast %mul3A_2 : i32 to vector<16xi32>
        %sub3A_154 = arith.subi %get3A_152, %sub3A_153 : vector<16xi32>
        %swap3A_155 = arith.constant 32 : index
        %swap3A_156 = tpu.vector_load %arg12[%swap3A_155] {strides = array<i32>} : memref<128xi32, #tpu.memory_space<vmem>>, vector<16xi32>,
        tpu.vector_store %arg12[%swap3A_155], %sub3A_154 {strides = array<i32>} : memref<128xi32, #tpu.memory_space<vmem>>, vector<16xi32>,
        %get3A_157 = arith.constant 48 : index
        %get3A_158 = tpu.vector_load %arg10[%get3A_157] {strides = array<i32>} : memref<128xi32, #tpu.memory_space<vmem>>, vector<16xi32>,
        %sub3A_159 = vector.broadcast %mul3A_2 : i32 to vector<16xi32>
        %sub3A_160 = arith.subi %get3A_158, %sub3A_159 : vector<16xi32>
        %swap3A_161 = arith.constant 48 : index
        %swap3A_162 = tpu.vector_load %arg12[%swap3A_161] {strides = array<i32>} : memref<128xi32, #tpu.memory_space<vmem>>, vector<16xi32>,
        tpu.vector_store %arg12[%swap3A_161], %sub3A_160 {strides = array<i32>} : memref<128xi32, #tpu.memory_space<vmem>>, vector<16xi32>,
        %get3A_163 = arith.constant 64 : index
        %get3A_164 = tpu.vector_load %arg10[%get3A_163] {strides = array<i32>} : memref<128xi32, #tpu.memory_space<vmem>>, vector<16xi32>,
        %sub3A_165 = vector.broadcast %mul3A_2 : i32 to vector<16xi32>
        %sub3A_166 = arith.subi %get3A_164, %sub3A_165 : vector<16xi32>
        %swap3A_167 = arith.constant 64 : index
        %swap3A_168 = tpu.vector_load %arg12[%swap3A_167] {strides = array<i32>} : memref<128xi32, #tpu.memory_space<vmem>>, vector<16xi32>,
        tpu.vector_store %arg12[%swap3A_167], %sub3A_166 {strides = array<i32>} : memref<128xi32, #tpu.memory_space<vmem>>, vector<16xi32>,
        %get3A_169 = arith.constant 80 : index
        %get3A_170 = tpu.vector_load %arg10[%get3A_169] {strides = array<i32>} : memref<128xi32, #tpu.memory_space<vmem>>, vector<16xi32>,
        %sub3A_171 = vector.broadcast %mul3A_2 : i32 to vector<16xi32>
        %sub3A_172 = arith.subi %get3A_170, %sub3A_171 : vector<16xi32>
        %swap3A_173 = arith.constant 80 : index
        %swap3A_174 = tpu.vector_load %arg12[%swap3A_173] {strides = array<i32>} : memref<128xi32, #tpu.memory_space<vmem>>, vector<16xi32>,
        tpu.vector_store %arg12[%swap3A_173], %sub3A_172 {strides = array<i32>} : memref<128xi32, #tpu.memory_space<vmem>>, vector<16xi32>,
        %get3A_175 = arith.constant 96 : index
        %get3A_176 = tpu.vector_load %arg10[%get3A_175] {strides = array<i32>} : memref<128xi32, #tpu.memory_space<vmem>>, vector<16xi32>,
        %sub3A_177 = vector.broadcast %mul3A_2 : i32 to vector<16xi32>
        %sub3A_178 = arith.subi %get3A_176, %sub3A_177 : vector<16xi32>
        %swap3A_179 = arith.constant 96 : index
        %swap3A_180 = tpu.vector_load %arg12[%swap3A_179] {strides = array<i32>} : memref<128xi32, #tpu.memory_space<vmem>>, vector<16xi32>,
        tpu.vector_store %arg12[%swap3A_179], %sub3A_178 {strides = array<i32>} : memref<128xi32, #tpu.memory_space<vmem>>, vector<16xi32>,
        %get3A_181 = arith.constant 112 : index
        %get3A_182 = tpu.vector_load %arg10[%get3A_181] {strides = array<i32>} : memref<128xi32, #tpu.memory_space<vmem>>, vector<16xi32>,
        %sub3A_183 = vector.broadcast %mul3A_2 : i32 to vector<16xi32>
        %sub3A_184 = arith.subi %get3A_182, %sub3A_183 : vector<16xi32>
        %swap3A_185 = arith.constant 112 : index
        %swap3A_186 = tpu.vector_load %arg12[%swap3A_185] {strides = array<i32>} : memref<128xi32, #tpu.memory_space<vmem>>, vector<16xi32>,
        tpu.vector_store %arg12[%swap3A_185], %sub3A_184 {strides = array<i32>} : memref<128xi32, #tpu.memory_space<vmem>>, vector<16xi32>,
        "tpu.region"() ({
          %run_scoped3A = tpu.sem_alloc : memref<!tpu.dma_semaphore, #tpu.memory_space<semaphore_mem>>
          %dma_start3A = arith.constant 0 : i32
          %dma_start3A_187 = arith.constant 0 : i32
          %dma_start3A_188 = tpu.memref_slice %arg21[%dma_start3A, %dma_start3A_187] : memref<5248x128xf32, #tpu.memory_space<vmem_shared>> -> memref<5248x128xf32, #tpu.memory_space<vmem_shared>>
          tpu.enqueue_indirect_dma source(%arg14 : memref<128x128xf32, #tpu.memory_space<vmem>>) target(%dma_start3A_188 : memref<5248x128xf32, #tpu.memory_space<vmem_shared>>) offsets(%arg12 : memref<128xi32, #tpu.memory_space<vmem>>) semaphore(%run_scoped3A : memref<!tpu.dma_semaphore, #tpu.memory_space<semaphore_mem>>) {add = true}
          %dma_wait3A_189 = arith.constant 0 : i32
          %dma_wait3A_190 = arith.constant 0 : i32
          %dma_wait3A_191 = tpu.memref_slice %arg21[%dma_wait3A_189, %dma_wait3A_190] : memref<5248x128xf32, #tpu.memory_space<vmem_shared>> -> memref<5248x128xf32, #tpu.memory_space<vmem_shared>>
          tpu.wait_indirect_dma semaphore(%run_scoped3A : memref<!tpu.dma_semaphore, #tpu.memory_space<semaphore_mem>>) src(%arg14 : memref<128x128xf32, #tpu.memory_space<vmem>>) dst(%dma_wait3A_191 : memref<5248x128xf32, #tpu.memory_space<vmem_shared>>)
          tpu.yield
        }) : () -> ()
      } else {
      }
    }
    %mul3A_49 = arith.constant 2 : i32
    %mul3A_50 = arith.muli %mul3A_49, %arg1 : i32
    %add3A_51 = arith.constant 1 : i32
    %add3A_52 = arith.addi %mul3A_50, %add3A_51 : i32
    "tpu.region"() ({
      %run_scoped3A = tpu.sem_alloc : memref<!tpu.dma_semaphore, #tpu.memory_space<semaphore_mem>>
      %dma_start3A = arith.constant 0 : i32
      %dma_start3A_107 = tpu.memref_slice %arg5[%add3A_52, %dma_start3A] : memref<32x16xi32, #tpu.memory_space<hbm>> -> memref<1x16xi32, #tpu.memory_space<hbm>>
      %dma_start3A_108 = tpu.memref_squeeze %dma_start3A_107 : memref<1x16xi32, #tpu.memory_space<hbm>> -> memref<16xi32, #tpu.memory_space<hbm>>
      %dma_start3A_109 = arith.constant 0 : i32
      %dma_start3A_110 = tpu.memref_slice %arg5[%add3A_52, %dma_start3A_109] : memref<32x16xi32, #tpu.memory_space<hbm>> -> memref<1x16xi32, #tpu.memory_space<hbm>>
      %dma_start3A_111 = tpu.memref_squeeze %dma_start3A_110 : memref<1x16xi32, #tpu.memory_space<hbm>> -> memref<16xi32, #tpu.memory_space<hbm>>
      tpu.enqueue_dma source(%dma_start3A_111 : memref<16xi32, #tpu.memory_space<hbm>>) target(%arg16 : memref<16xi32, #tpu.memory_space<vmem>>) target_semaphore(%run_scoped3A : memref<!tpu.dma_semaphore, #tpu.memory_space<semaphore_mem>>)
      %dma_wait3A = arith.constant 0 : i32
      %dma_wait3A_112 = tpu.memref_slice %arg5[%add3A_52, %dma_wait3A] : memref<32x16xi32, #tpu.memory_space<hbm>> -> memref<1x16xi32, #tpu.memory_space<hbm>>
      %dma_wait3A_113 = tpu.memref_squeeze %dma_wait3A_112 : memref<1x16xi32, #tpu.memory_space<hbm>> -> memref<16xi32, #tpu.memory_space<hbm>>
      %dma_wait3A_114 = arith.constant 0 : i32
      %dma_wait3A_115 = tpu.memref_slice %arg5[%add3A_52, %dma_wait3A_114] : memref<32x16xi32, #tpu.memory_space<hbm>> -> memref<1x16xi32, #tpu.memory_space<hbm>>
      %dma_wait3A_116 = tpu.memref_squeeze %dma_wait3A_115 : memref<1x16xi32, #tpu.memory_space<hbm>> -> memref<16xi32, #tpu.memory_space<hbm>>
      tpu.wait_dma2 semaphore(%run_scoped3A : memref<!tpu.dma_semaphore, #tpu.memory_space<semaphore_mem>>) src(%dma_wait3A_116 : memref<16xi32, #tpu.memory_space<hbm>>) dst(%arg16 : memref<16xi32, #tpu.memory_space<vmem>>)
      tpu.yield
    }) : () -> ()
    %iota3A_53 = tpu.iota {dimensions = array<i32: 0>} : vector<16xi32>
    %eq3A_54 = vector.broadcast %arg0 : i32 to vector<16xi32>
    %eq3A_55 = arith.cmpi eq, %iota3A_53, %eq3A_54 : vector<16xi32>
    %get3A_56 = arith.constant 0 : index
    %get3A_57 = tpu.vector_load %arg16[%get3A_56] {strides = array<i32>} : memref<16xi32, #tpu.memory_space<vmem>>, vector<16xi32>,
    %jit3A_58 = arith.constant 0 : i32
    %broadcast_in_dim3A_59 = vector.broadcast %jit3A_58 : i32 to vector<16xi32>
    %select_n3A_60 = arith.select %eq3A_55, %get3A_57, %broadcast_in_dim3A_59 : vector<16xi1>, vector<16xi32>
    %reduce_sum3A_61 = arith.constant true
    %reduce_sum3A_62 = vector.broadcast %reduce_sum3A_61 : i1 to vector<16xi1>
    %reduce_sum3A_63 = tpu.scan <sum>, %select_n3A_60 masked %reduce_sum3A_62 : vector<16xi32>, vector<16xi1> -> vector<16xi32>
    %reduce_sum3A_64 = vector.extract %reduce_sum3A_63[15] : i32 from vector<16xi32>
    %gt3A_65 = arith.constant 0 : i32
    %gt3A_66 = arith.cmpi sgt, %reduce_sum3A_64, %gt3A_65 : i32
    %convert_element_type3A_67 = arith.extui %gt3A_66 : i1 to i32
    %cond3A_68 = arith.constant 0 : i32
    %cond3A_69 = arith.cmpi ne, %convert_element_type3A_67, %cond3A_68 : i32
    scf.if %cond3A_69 {
      "tpu.region"() ({
        %run_scoped3A = tpu.sem_alloc : memref<!tpu.dma_semaphore, #tpu.memory_space<semaphore_mem>>
        %dma_start3A_122 = arith.constant 0 : i32
        %dma_start3A_123 = tpu.memref_slice %arg3[%arg0, %add3A_52, %dma_start3A_122] : memref<2x32x10368xi32, #tpu.memory_space<hbm>> -> memref<1x1x128xi32, #tpu.memory_space<hbm>>
        %dma_start3A_124 = tpu.memref_squeeze %dma_start3A_123 : memref<1x1x128xi32, #tpu.memory_space<hbm>> -> memref<128xi32, #tpu.memory_space<hbm>>
        %dma_start3A_125 = arith.constant 0 : i32
        %dma_start3A_126 = tpu.memref_slice %arg3[%arg0, %add3A_52, %dma_start3A_125] : memref<2x32x10368xi32, #tpu.memory_space<hbm>> -> memref<1x1x128xi32, #tpu.memory_space<hbm>>
        %dma_start3A_127 = tpu.memref_squeeze %dma_start3A_126 : memref<1x1x128xi32, #tpu.memory_space<hbm>> -> memref<128xi32, #tpu.memory_space<hbm>>
        tpu.enqueue_dma source(%dma_start3A_127 : memref<128xi32, #tpu.memory_space<hbm>>) target(%arg7 : memref<128xi32, #tpu.memory_space<vmem>>) target_semaphore(%run_scoped3A : memref<!tpu.dma_semaphore, #tpu.memory_space<semaphore_mem>>)
        %dma_wait3A = arith.constant 0 : i32
        %dma_wait3A_128 = tpu.memref_slice %arg3[%arg0, %add3A_52, %dma_wait3A] : memref<2x32x10368xi32, #tpu.memory_space<hbm>> -> memref<1x1x128xi32, #tpu.memory_space<hbm>>
        %dma_wait3A_129 = tpu.memref_squeeze %dma_wait3A_128 : memref<1x1x128xi32, #tpu.memory_space<hbm>> -> memref<128xi32, #tpu.memory_space<hbm>>
        %dma_wait3A_130 = arith.constant 0 : i32
        %dma_wait3A_131 = tpu.memref_slice %arg3[%arg0, %add3A_52, %dma_wait3A_130] : memref<2x32x10368xi32, #tpu.memory_space<hbm>> -> memref<1x1x128xi32, #tpu.memory_space<hbm>>
        %dma_wait3A_132 = tpu.memref_squeeze %dma_wait3A_131 : memref<1x1x128xi32, #tpu.memory_space<hbm>> -> memref<128xi32, #tpu.memory_space<hbm>>
        tpu.wait_dma2 semaphore(%run_scoped3A : memref<!tpu.dma_semaphore, #tpu.memory_space<semaphore_mem>>) src(%dma_wait3A_132 : memref<128xi32, #tpu.memory_space<hbm>>) dst(%arg7 : memref<128xi32, #tpu.memory_space<vmem>>)
        tpu.yield
      }) : () -> ()
      "tpu.region"() ({
        %run_scoped3A = tpu.sem_alloc : memref<!tpu.dma_semaphore, #tpu.memory_space<semaphore_mem>>
        %dma_start3A_122 = arith.constant 0 : i32
        %dma_start3A_123 = tpu.memref_slice %arg4[%arg0, %add3A_52, %dma_start3A_122] : memref<2x32x10368xi32, #tpu.memory_space<hbm>> -> memref<1x1x128xi32, #tpu.memory_space<hbm>>
        %dma_start3A_124 = tpu.memref_squeeze %dma_start3A_123 : memref<1x1x128xi32, #tpu.memory_space<hbm>> -> memref<128xi32, #tpu.memory_space<hbm>>
        %dma_start3A_125 = arith.constant 0 : i32
        %dma_start3A_126 = tpu.memref_slice %arg4[%arg0, %add3A_52, %dma_start3A_125] : memref<2x32x10368xi32, #tpu.memory_space<hbm>> -> memref<1x1x128xi32, #tpu.memory_space<hbm>>
        %dma_start3A_127 = tpu.memref_squeeze %dma_start3A_126 : memref<1x1x128xi32, #tpu.memory_space<hbm>> -> memref<128xi32, #tpu.memory_space<hbm>>
        tpu.enqueue_dma source(%dma_start3A_127 : memref<128xi32, #tpu.memory_space<hbm>>) target(%arg9 : memref<128xi32, #tpu.memory_space<vmem>>) target_semaphore(%run_scoped3A : memref<!tpu.dma_semaphore, #tpu.memory_space<semaphore_mem>>)
        %dma_wait3A = arith.constant 0 : i32
        %dma_wait3A_128 = tpu.memref_slice %arg4[%arg0, %add3A_52, %dma_wait3A] : memref<2x32x10368xi32, #tpu.memory_space<hbm>> -> memref<1x1x128xi32, #tpu.memory_space<hbm>>
        %dma_wait3A_129 = tpu.memref_squeeze %dma_wait3A_128 : memref<1x1x128xi32, #tpu.memory_space<hbm>> -> memref<128xi32, #tpu.memory_space<hbm>>
        %dma_wait3A_130 = arith.constant 0 : i32
        %dma_wait3A_131 = tpu.memref_slice %arg4[%arg0, %add3A_52, %dma_wait3A_130] : memref<2x32x10368xi32, #tpu.memory_space<hbm>> -> memref<1x1x128xi32, #tpu.memory_space<hbm>>
        %dma_wait3A_132 = tpu.memref_squeeze %dma_wait3A_131 : memref<1x1x128xi32, #tpu.memory_space<hbm>> -> memref<128xi32, #tpu.memory_space<hbm>>
        tpu.wait_dma2 semaphore(%run_scoped3A : memref<!tpu.dma_semaphore, #tpu.memory_space<semaphore_mem>>) src(%dma_wait3A_132 : memref<128xi32, #tpu.memory_space<hbm>>) dst(%arg9 : memref<128xi32, #tpu.memory_space<vmem>>)
        tpu.yield
      }) : () -> ()
      %dma_start3A = arith.constant 0 : i32
      %dma_start3A_107 = arith.constant 0 : i32
      %dma_start3A_108 = tpu.memref_slice %arg13[%dma_start3A, %dma_start3A_107] : memref<128x128xf32, #tpu.memory_space<vmem>> -> memref<64x128xf32, #tpu.memory_space<vmem>>
      %dma_start3A_109 = arith.constant 0 : i32
      %dma_start3A_110 = tpu.memref_slice %arg7[%dma_start3A_109] : memref<128xi32, #tpu.memory_space<vmem>> -> memref<64xi32, #tpu.memory_space<vmem>>
      %dma_start3A_111 = arith.constant 0 : i32
      %dma_start3A_112 = arith.constant 0 : i32
      %dma_start3A_113 = tpu.memref_slice %arg2[%dma_start3A_111, %dma_start3A_112] : memref<10240x128xf32, #tpu.memory_space<hbm>> -> memref<10240x128xf32, #tpu.memory_space<hbm>>
      tpu.enqueue_indirect_dma source(%dma_start3A_113 : memref<10240x128xf32, #tpu.memory_space<hbm>>) target(%dma_start3A_108 : memref<64x128xf32, #tpu.memory_space<vmem>>) offsets(%dma_start3A_110 : memref<64xi32, #tpu.memory_space<vmem>>) semaphore(%arg17 : memref<!tpu.dma_semaphore, #tpu.memory_space<semaphore_mem>>)
      %dma_start3A_114 = arith.constant 64 : i32
      %dma_start3A_115 = arith.constant 0 : i32
      %dma_start3A_116 = tpu.memref_slice %arg13[%dma_start3A_114, %dma_start3A_115] : memref<128x128xf32, #tpu.memory_space<vmem>> -> memref<64x128xf32, #tpu.memory_space<vmem>>
      %dma_start3A_117 = arith.constant 64 : i32
      %dma_start3A_118 = tpu.memref_slice %arg7[%dma_start3A_117] : memref<128xi32, #tpu.memory_space<vmem>> -> memref<64xi32, #tpu.memory_space<vmem>>
      %dma_start3A_119 = arith.constant 0 : i32
      %dma_start3A_120 = arith.constant 0 : i32
      %dma_start3A_121 = tpu.memref_slice %arg2[%dma_start3A_119, %dma_start3A_120] : memref<10240x128xf32, #tpu.memory_space<hbm>> -> memref<10240x128xf32, #tpu.memory_space<hbm>>
      tpu.enqueue_indirect_dma source(%dma_start3A_121 : memref<10240x128xf32, #tpu.memory_space<hbm>>) target(%dma_start3A_116 : memref<64x128xf32, #tpu.memory_space<vmem>>) offsets(%dma_start3A_118 : memref<64xi32, #tpu.memory_space<vmem>>) semaphore(%arg19 : memref<!tpu.dma_semaphore, #tpu.memory_space<semaphore_mem>>)
    } else {
    }
    %add3A_70 = arith.constant 1 : i32
    %add3A_71 = arith.addi %reduce_sum3A_64, %add3A_70 : i32
    %jit3A_72 = arith.constant 2 : i32
    %div3A_73 = arith.divsi %add3A_71, %jit3A_72 : i32
    %sign3A_74 = arith.constant 0 : i32
    %sign3A_75 = arith.cmpi sgt, %add3A_71, %sign3A_74 : i32
    %sign3A_76 = arith.extui %sign3A_75 : i1 to i32
    %sign3A_77 = arith.constant 0 : i32
    %sign3A_78 = arith.cmpi slt, %add3A_71, %sign3A_77 : i32
    %sign3A_79 = arith.extui %sign3A_78 : i1 to i32
    %sign3A_80 = arith.subi %sign3A_76, %sign3A_79 : i32
    %sign3A_81 = arith.constant 0 : i32
    %sign3A_82 = arith.cmpi sgt, %jit3A_72, %sign3A_81 : i32
    %sign3A_83 = arith.extui %sign3A_82 : i1 to i32
    %sign3A_84 = arith.constant 0 : i32
    %sign3A_85 = arith.cmpi slt, %jit3A_72, %sign3A_84 : i32
    %sign3A_86 = arith.extui %sign3A_85 : i1 to i32
    %sign3A_87 = arith.subi %sign3A_83, %sign3A_86 : i32
    %ne3A_88 = arith.cmpi ne, %sign3A_80, %sign3A_87 : i32
    %rem3A_89 = arith.remsi %add3A_71, %jit3A_72 : i32
    %ne3A_90 = arith.constant 0 : i32
    %ne3A_91 = arith.cmpi ne, %rem3A_89, %ne3A_90 : i32
    %and3A_92 = arith.andi %ne3A_88, %ne3A_91 : i1
    %sub3A_93 = arith.constant 1 : i32
    %sub3A_94 = arith.subi %div3A_73, %sub3A_93 : i32
    %select_n3A_95 = arith.select %and3A_92, %sub3A_94, %div3A_73 : i32
    %while3A_96 = arith.constant 0 : i32
    %while3A_97 = arith.constant 0 : i32
    %while3A_98 = arith.subi %select_n3A_95, %while3A_97 : i32
    %while3A_99 = arith.addi %while3A_97, %while3A_98 : i32
    %while3A_100 = arith.constant 1 : i32
    %while3A_101 = arith.divsi %while3A_98, %while3A_100 : i32
    %while3A_102 = arith.muli %while3A_101, %while3A_100 : i32
    %while3A_103 = arith.addi %while3A_97, %while3A_102 : i32
    %while3A_104 = arith.constant 1 : i32
    scf.for %while3A_107 = %while3A_97 to %while3A_103 step %while3A_104  : i32 {
      %mul3A_108 = arith.constant 2 : i32
      %mul3A_109 = arith.muli %mul3A_108, %while3A_107 : i32
      %add3A_110 = arith.constant 1 : i32
      %add3A_111 = arith.addi %mul3A_109, %add3A_110 : i32
      %add3A_112 = arith.constant 2 : i32
      %add3A_113 = arith.addi %mul3A_109, %add3A_112 : i32
      %lt3A = arith.cmpi slt, %mul3A_109, %reduce_sum3A_64 : i32
      %convert_element_type3A_114 = arith.extui %lt3A : i1 to i32
      %cond3A_115 = arith.constant 0 : i32
      %cond3A_116 = arith.cmpi ne, %convert_element_type3A_114, %cond3A_115 : i32
      scf.if %cond3A_116 {
        %dma_wait3A = arith.constant 0 : i32
        %dma_wait3A_121 = arith.constant 0 : i32
        %dma_wait3A_122 = tpu.memref_slice %arg13[%dma_wait3A, %dma_wait3A_121] : memref<128x128xf32, #tpu.memory_space<vmem>> -> memref<64x128xf32, #tpu.memory_space<vmem>>
        %dma_wait3A_123 = arith.constant 0 : i32
        %dma_wait3A_124 = tpu.memref_slice %arg7[%dma_wait3A_123] : memref<128xi32, #tpu.memory_space<vmem>> -> memref<64xi32, #tpu.memory_space<vmem>>
        %dma_wait3A_125 = arith.constant 0 : i32
        %dma_wait3A_126 = arith.constant 0 : i32
        %dma_wait3A_127 = tpu.memref_slice %arg2[%dma_wait3A_125, %dma_wait3A_126] : memref<10240x128xf32, #tpu.memory_space<hbm>> -> memref<10240x128xf32, #tpu.memory_space<hbm>>
        tpu.wait_indirect_dma semaphore(%arg17 : memref<!tpu.dma_semaphore, #tpu.memory_space<semaphore_mem>>) src(%dma_wait3A_127 : memref<10240x128xf32, #tpu.memory_space<hbm>>) dst(%dma_wait3A_122 : memref<64x128xf32, #tpu.memory_space<vmem>>)
        %dma_wait3A_128 = arith.constant 64 : i32
        %dma_wait3A_129 = arith.constant 0 : i32
        %dma_wait3A_130 = tpu.memref_slice %arg13[%dma_wait3A_128, %dma_wait3A_129] : memref<128x128xf32, #tpu.memory_space<vmem>> -> memref<64x128xf32, #tpu.memory_space<vmem>>
        %dma_wait3A_131 = arith.constant 64 : i32
        %dma_wait3A_132 = tpu.memref_slice %arg7[%dma_wait3A_131] : memref<128xi32, #tpu.memory_space<vmem>> -> memref<64xi32, #tpu.memory_space<vmem>>
        %dma_wait3A_133 = arith.constant 0 : i32
        %dma_wait3A_134 = arith.constant 0 : i32
        %dma_wait3A_135 = tpu.memref_slice %arg2[%dma_wait3A_133, %dma_wait3A_134] : memref<10240x128xf32, #tpu.memory_space<hbm>> -> memref<10240x128xf32, #tpu.memory_space<hbm>>
        tpu.wait_indirect_dma semaphore(%arg19 : memref<!tpu.dma_semaphore, #tpu.memory_space<semaphore_mem>>) src(%dma_wait3A_135 : memref<10240x128xf32, #tpu.memory_space<hbm>>) dst(%dma_wait3A_130 : memref<64x128xf32, #tpu.memory_space<vmem>>)
        %lt3A_136 = arith.cmpi slt, %add3A_111, %reduce_sum3A_64 : i32
        %convert_element_type3A_137 = arith.extui %lt3A_136 : i1 to i32
        %cond3A_138 = arith.constant 0 : i32
        %cond3A_139 = arith.cmpi ne, %convert_element_type3A_137, %cond3A_138 : i32
        scf.if %cond3A_139 {
          %mul3A_187 = arith.constant 128 : i32
          %mul3A_188 = arith.muli %add3A_111, %mul3A_187 : i32
          "tpu.region"() ({
            %run_scoped3A = tpu.sem_alloc : memref<!tpu.dma_semaphore, #tpu.memory_space<semaphore_mem>>
            %dma_start3A_204 = tpu.memref_slice %arg3[%arg0, %add3A_52, %mul3A_188] : memref<2x32x10368xi32, #tpu.memory_space<hbm>> -> memref<1x1x128xi32, #tpu.memory_space<hbm>>
            %dma_start3A_205 = tpu.memref_squeeze %dma_start3A_204 : memref<1x1x128xi32, #tpu.memory_space<hbm>> -> memref<128xi32, #tpu.memory_space<hbm>>
            %dma_start3A_206 = tpu.memref_slice %arg3[%arg0, %add3A_52, %mul3A_188] : memref<2x32x10368xi32, #tpu.memory_space<hbm>> -> memref<1x1x128xi32, #tpu.memory_space<hbm>>
            %dma_start3A_207 = tpu.memref_squeeze %dma_start3A_206 : memref<1x1x128xi32, #tpu.memory_space<hbm>> -> memref<128xi32, #tpu.memory_space<hbm>>
            tpu.enqueue_dma source(%dma_start3A_207 : memref<128xi32, #tpu.memory_space<hbm>>) target(%arg8 : memref<128xi32, #tpu.memory_space<vmem>>) target_semaphore(%run_scoped3A : memref<!tpu.dma_semaphore, #tpu.memory_space<semaphore_mem>>)
            %dma_wait3A_208 = tpu.memref_slice %arg3[%arg0, %add3A_52, %mul3A_188] : memref<2x32x10368xi32, #tpu.memory_space<hbm>> -> memref<1x1x128xi32, #tpu.memory_space<hbm>>
            %dma_wait3A_209 = tpu.memref_squeeze %dma_wait3A_208 : memref<1x1x128xi32, #tpu.memory_space<hbm>> -> memref<128xi32, #tpu.memory_space<hbm>>
            %dma_wait3A_210 = tpu.memref_slice %arg3[%arg0, %add3A_52, %mul3A_188] : memref<2x32x10368xi32, #tpu.memory_space<hbm>> -> memref<1x1x128xi32, #tpu.memory_space<hbm>>
            %dma_wait3A_211 = tpu.memref_squeeze %dma_wait3A_210 : memref<1x1x128xi32, #tpu.memory_space<hbm>> -> memref<128xi32, #tpu.memory_space<hbm>>
            tpu.wait_dma2 semaphore(%run_scoped3A : memref<!tpu.dma_semaphore, #tpu.memory_space<semaphore_mem>>) src(%dma_wait3A_211 : memref<128xi32, #tpu.memory_space<hbm>>) dst(%arg8 : memref<128xi32, #tpu.memory_space<vmem>>)
            tpu.yield
          }) : () -> ()
          "tpu.region"() ({
            %run_scoped3A = tpu.sem_alloc : memref<!tpu.dma_semaphore, #tpu.memory_space<semaphore_mem>>
            %dma_start3A_204 = tpu.memref_slice %arg4[%arg0, %add3A_52, %mul3A_188] : memref<2x32x10368xi32, #tpu.memory_space<hbm>> -> memref<1x1x128xi32, #tpu.memory_space<hbm>>
            %dma_start3A_205 = tpu.memref_squeeze %dma_start3A_204 : memref<1x1x128xi32, #tpu.memory_space<hbm>> -> memref<128xi32, #tpu.memory_space<hbm>>
            %dma_start3A_206 = tpu.memref_slice %arg4[%arg0, %add3A_52, %mul3A_188] : memref<2x32x10368xi32, #tpu.memory_space<hbm>> -> memref<1x1x128xi32, #tpu.memory_space<hbm>>
            %dma_start3A_207 = tpu.memref_squeeze %dma_start3A_206 : memref<1x1x128xi32, #tpu.memory_space<hbm>> -> memref<128xi32, #tpu.memory_space<hbm>>
            tpu.enqueue_dma source(%dma_start3A_207 : memref<128xi32, #tpu.memory_space<hbm>>) target(%arg10 : memref<128xi32, #tpu.memory_space<vmem>>) target_semaphore(%run_scoped3A : memref<!tpu.dma_semaphore, #tpu.memory_space<semaphore_mem>>)
            %dma_wait3A_208 = tpu.memref_slice %arg4[%arg0, %add3A_52, %mul3A_188] : memref<2x32x10368xi32, #tpu.memory_space<hbm>> -> memref<1x1x128xi32, #tpu.memory_space<hbm>>
            %dma_wait3A_209 = tpu.memref_squeeze %dma_wait3A_208 : memref<1x1x128xi32, #tpu.memory_space<hbm>> -> memref<128xi32, #tpu.memory_space<hbm>>
            %dma_wait3A_210 = tpu.memref_slice %arg4[%arg0, %add3A_52, %mul3A_188] : memref<2x32x10368xi32, #tpu.memory_space<hbm>> -> memref<1x1x128xi32, #tpu.memory_space<hbm>>
            %dma_wait3A_211 = tpu.memref_squeeze %dma_wait3A_210 : memref<1x1x128xi32, #tpu.memory_space<hbm>> -> memref<128xi32, #tpu.memory_space<hbm>>
            tpu.wait_dma2 semaphore(%run_scoped3A : memref<!tpu.dma_semaphore, #tpu.memory_space<semaphore_mem>>) src(%dma_wait3A_211 : memref<128xi32, #tpu.memory_space<hbm>>) dst(%arg10 : memref<128xi32, #tpu.memory_space<vmem>>)
            tpu.yield
          }) : () -> ()
          %dma_start3A = arith.constant 0 : i32
          %dma_start3A_189 = arith.constant 0 : i32
          %dma_start3A_190 = tpu.memref_slice %arg14[%dma_start3A, %dma_start3A_189] : memref<128x128xf32, #tpu.memory_space<vmem>> -> memref<64x128xf32, #tpu.memory_space<vmem>>
          %dma_start3A_191 = arith.constant 0 : i32
          %dma_start3A_192 = tpu.memref_slice %arg8[%dma_start3A_191] : memref<128xi32, #tpu.memory_space<vmem>> -> memref<64xi32, #tpu.memory_space<vmem>>
          %dma_start3A_193 = arith.constant 0 : i32
          %dma_start3A_194 = arith.constant 0 : i32
          %dma_start3A_195 = tpu.memref_slice %arg2[%dma_start3A_193, %dma_start3A_194] : memref<10240x128xf32, #tpu.memory_space<hbm>> -> memref<10240x128xf32, #tpu.memory_space<hbm>>
          tpu.enqueue_indirect_dma source(%dma_start3A_195 : memref<10240x128xf32, #tpu.memory_space<hbm>>) target(%dma_start3A_190 : memref<64x128xf32, #tpu.memory_space<vmem>>) offsets(%dma_start3A_192 : memref<64xi32, #tpu.memory_space<vmem>>) semaphore(%arg18 : memref<!tpu.dma_semaphore, #tpu.memory_space<semaphore_mem>>)
          %dma_start3A_196 = arith.constant 64 : i32
          %dma_start3A_197 = arith.constant 0 : i32
          %dma_start3A_198 = tpu.memref_slice %arg14[%dma_start3A_196, %dma_start3A_197] : memref<128x128xf32, #tpu.memory_space<vmem>> -> memref<64x128xf32, #tpu.memory_space<vmem>>
          %dma_start3A_199 = arith.constant 64 : i32
          %dma_start3A_200 = tpu.memref_slice %arg8[%dma_start3A_199] : memref<128xi32, #tpu.memory_space<vmem>> -> memref<64xi32, #tpu.memory_space<vmem>>
          %dma_start3A_201 = arith.constant 0 : i32
          %dma_start3A_202 = arith.constant 0 : i32
          %dma_start3A_203 = tpu.memref_slice %arg2[%dma_start3A_201, %dma_start3A_202] : memref<10240x128xf32, #tpu.memory_space<hbm>> -> memref<10240x128xf32, #tpu.memory_space<hbm>>
          tpu.enqueue_indirect_dma source(%dma_start3A_203 : memref<10240x128xf32, #tpu.memory_space<hbm>>) target(%dma_start3A_198 : memref<64x128xf32, #tpu.memory_space<vmem>>) offsets(%dma_start3A_200 : memref<64xi32, #tpu.memory_space<vmem>>) semaphore(%arg20 : memref<!tpu.dma_semaphore, #tpu.memory_space<semaphore_mem>>)
        } else {
        }
        %get3A_140 = arith.constant 0 : index
        %get3A_141 = tpu.vector_load %arg9[%get3A_140] {strides = array<i32>} : memref<128xi32, #tpu.memory_space<vmem>>, vector<16xi32>,
        %sub3A_142 = vector.broadcast %mul3A_2 : i32 to vector<16xi32>
        %sub3A_143 = arith.subi %get3A_141, %sub3A_142 : vector<16xi32>
        %swap3A = arith.constant 0 : index
        %swap3A_144 = tpu.vector_load %arg11[%swap3A] {strides = array<i32>} : memref<128xi32, #tpu.memory_space<vmem>>, vector<16xi32>,
        tpu.vector_store %arg11[%swap3A], %sub3A_143 {strides = array<i32>} : memref<128xi32, #tpu.memory_space<vmem>>, vector<16xi32>,
        %get3A_145 = arith.constant 16 : index
        %get3A_146 = tpu.vector_load %arg9[%get3A_145] {strides = array<i32>} : memref<128xi32, #tpu.memory_space<vmem>>, vector<16xi32>,
        %sub3A_147 = vector.broadcast %mul3A_2 : i32 to vector<16xi32>
        %sub3A_148 = arith.subi %get3A_146, %sub3A_147 : vector<16xi32>
        %swap3A_149 = arith.constant 16 : index
        %swap3A_150 = tpu.vector_load %arg11[%swap3A_149] {strides = array<i32>} : memref<128xi32, #tpu.memory_space<vmem>>, vector<16xi32>,
        tpu.vector_store %arg11[%swap3A_149], %sub3A_148 {strides = array<i32>} : memref<128xi32, #tpu.memory_space<vmem>>, vector<16xi32>,
        %get3A_151 = arith.constant 32 : index
        %get3A_152 = tpu.vector_load %arg9[%get3A_151] {strides = array<i32>} : memref<128xi32, #tpu.memory_space<vmem>>, vector<16xi32>,
        %sub3A_153 = vector.broadcast %mul3A_2 : i32 to vector<16xi32>
        %sub3A_154 = arith.subi %get3A_152, %sub3A_153 : vector<16xi32>
        %swap3A_155 = arith.constant 32 : index
        %swap3A_156 = tpu.vector_load %arg11[%swap3A_155] {strides = array<i32>} : memref<128xi32, #tpu.memory_space<vmem>>, vector<16xi32>,
        tpu.vector_store %arg11[%swap3A_155], %sub3A_154 {strides = array<i32>} : memref<128xi32, #tpu.memory_space<vmem>>, vector<16xi32>,
        %get3A_157 = arith.constant 48 : index
        %get3A_158 = tpu.vector_load %arg9[%get3A_157] {strides = array<i32>} : memref<128xi32, #tpu.memory_space<vmem>>, vector<16xi32>,
        %sub3A_159 = vector.broadcast %mul3A_2 : i32 to vector<16xi32>
        %sub3A_160 = arith.subi %get3A_158, %sub3A_159 : vector<16xi32>
        %swap3A_161 = arith.constant 48 : index
        %swap3A_162 = tpu.vector_load %arg11[%swap3A_161] {strides = array<i32>} : memref<128xi32, #tpu.memory_space<vmem>>, vector<16xi32>,
        tpu.vector_store %arg11[%swap3A_161], %sub3A_160 {strides = array<i32>} : memref<128xi32, #tpu.memory_space<vmem>>, vector<16xi32>,
        %get3A_163 = arith.constant 64 : index
        %get3A_164 = tpu.vector_load %arg9[%get3A_163] {strides = array<i32>} : memref<128xi32, #tpu.memory_space<vmem>>, vector<16xi32>,
        %sub3A_165 = vector.broadcast %mul3A_2 : i32 to vector<16xi32>
        %sub3A_166 = arith.subi %get3A_164, %sub3A_165 : vector<16xi32>
        %swap3A_167 = arith.constant 64 : index
        %swap3A_168 = tpu.vector_load %arg11[%swap3A_167] {strides = array<i32>} : memref<128xi32, #tpu.memory_space<vmem>>, vector<16xi32>,
        tpu.vector_store %arg11[%swap3A_167], %sub3A_166 {strides = array<i32>} : memref<128xi32, #tpu.memory_space<vmem>>, vector<16xi32>,
        %get3A_169 = arith.constant 80 : index
        %get3A_170 = tpu.vector_load %arg9[%get3A_169] {strides = array<i32>} : memref<128xi32, #tpu.memory_space<vmem>>, vector<16xi32>,
        %sub3A_171 = vector.broadcast %mul3A_2 : i32 to vector<16xi32>
        %sub3A_172 = arith.subi %get3A_170, %sub3A_171 : vector<16xi32>
        %swap3A_173 = arith.constant 80 : index
        %swap3A_174 = tpu.vector_load %arg11[%swap3A_173] {strides = array<i32>} : memref<128xi32, #tpu.memory_space<vmem>>, vector<16xi32>,
        tpu.vector_store %arg11[%swap3A_173], %sub3A_172 {strides = array<i32>} : memref<128xi32, #tpu.memory_space<vmem>>, vector<16xi32>,
        %get3A_175 = arith.constant 96 : index
        %get3A_176 = tpu.vector_load %arg9[%get3A_175] {strides = array<i32>} : memref<128xi32, #tpu.memory_space<vmem>>, vector<16xi32>,
        %sub3A_177 = vector.broadcast %mul3A_2 : i32 to vector<16xi32>
        %sub3A_178 = arith.subi %get3A_176, %sub3A_177 : vector<16xi32>
        %swap3A_179 = arith.constant 96 : index
        %swap3A_180 = tpu.vector_load %arg11[%swap3A_179] {strides = array<i32>} : memref<128xi32, #tpu.memory_space<vmem>>, vector<16xi32>,
        tpu.vector_store %arg11[%swap3A_179], %sub3A_178 {strides = array<i32>} : memref<128xi32, #tpu.memory_space<vmem>>, vector<16xi32>,
        %get3A_181 = arith.constant 112 : index
        %get3A_182 = tpu.vector_load %arg9[%get3A_181] {strides = array<i32>} : memref<128xi32, #tpu.memory_space<vmem>>, vector<16xi32>,
        %sub3A_183 = vector.broadcast %mul3A_2 : i32 to vector<16xi32>
        %sub3A_184 = arith.subi %get3A_182, %sub3A_183 : vector<16xi32>
        %swap3A_185 = arith.constant 112 : index
        %swap3A_186 = tpu.vector_load %arg11[%swap3A_185] {strides = array<i32>} : memref<128xi32, #tpu.memory_space<vmem>>, vector<16xi32>,
        tpu.vector_store %arg11[%swap3A_185], %sub3A_184 {strides = array<i32>} : memref<128xi32, #tpu.memory_space<vmem>>, vector<16xi32>,
        "tpu.region"() ({
          %run_scoped3A = tpu.sem_alloc : memref<!tpu.dma_semaphore, #tpu.memory_space<semaphore_mem>>
          %dma_start3A = arith.constant 0 : i32
          %dma_start3A_187 = arith.constant 0 : i32
          %dma_start3A_188 = tpu.memref_slice %arg21[%dma_start3A, %dma_start3A_187] : memref<5248x128xf32, #tpu.memory_space<vmem_shared>> -> memref<5248x128xf32, #tpu.memory_space<vmem_shared>>
          tpu.enqueue_indirect_dma source(%arg13 : memref<128x128xf32, #tpu.memory_space<vmem>>) target(%dma_start3A_188 : memref<5248x128xf32, #tpu.memory_space<vmem_shared>>) offsets(%arg11 : memref<128xi32, #tpu.memory_space<vmem>>) semaphore(%run_scoped3A : memref<!tpu.dma_semaphore, #tpu.memory_space<semaphore_mem>>) {add = true}
          %dma_wait3A_189 = arith.constant 0 : i32
          %dma_wait3A_190 = arith.constant 0 : i32
          %dma_wait3A_191 = tpu.memref_slice %arg21[%dma_wait3A_189, %dma_wait3A_190] : memref<5248x128xf32, #tpu.memory_space<vmem_shared>> -> memref<5248x128xf32, #tpu.memory_space<vmem_shared>>
          tpu.wait_indirect_dma semaphore(%run_scoped3A : memref<!tpu.dma_semaphore, #tpu.memory_space<semaphore_mem>>) src(%arg13 : memref<128x128xf32, #tpu.memory_space<vmem>>) dst(%dma_wait3A_191 : memref<5248x128xf32, #tpu.memory_space<vmem_shared>>)
          tpu.yield
        }) : () -> ()
      } else {
      }
      %lt3A_117 = arith.cmpi slt, %add3A_111, %reduce_sum3A_64 : i32
      %convert_element_type3A_118 = arith.extui %lt3A_117 : i1 to i32
      %cond3A_119 = arith.constant 0 : i32
      %cond3A_120 = arith.cmpi ne, %convert_element_type3A_118, %cond3A_119 : i32
      scf.if %cond3A_120 {
        %dma_wait3A = arith.constant 0 : i32
        %dma_wait3A_121 = arith.constant 0 : i32
        %dma_wait3A_122 = tpu.memref_slice %arg14[%dma_wait3A, %dma_wait3A_121] : memref<128x128xf32, #tpu.memory_space<vmem>> -> memref<64x128xf32, #tpu.memory_space<vmem>>
        %dma_wait3A_123 = arith.constant 0 : i32
        %dma_wait3A_124 = tpu.memref_slice %arg8[%dma_wait3A_123] : memref<128xi32, #tpu.memory_space<vmem>> -> memref<64xi32, #tpu.memory_space<vmem>>
        %dma_wait3A_125 = arith.constant 0 : i32
        %dma_wait3A_126 = arith.constant 0 : i32
        %dma_wait3A_127 = tpu.memref_slice %arg2[%dma_wait3A_125, %dma_wait3A_126] : memref<10240x128xf32, #tpu.memory_space<hbm>> -> memref<10240x128xf32, #tpu.memory_space<hbm>>
        tpu.wait_indirect_dma semaphore(%arg18 : memref<!tpu.dma_semaphore, #tpu.memory_space<semaphore_mem>>) src(%dma_wait3A_127 : memref<10240x128xf32, #tpu.memory_space<hbm>>) dst(%dma_wait3A_122 : memref<64x128xf32, #tpu.memory_space<vmem>>)
        %dma_wait3A_128 = arith.constant 64 : i32
        %dma_wait3A_129 = arith.constant 0 : i32
        %dma_wait3A_130 = tpu.memref_slice %arg14[%dma_wait3A_128, %dma_wait3A_129] : memref<128x128xf32, #tpu.memory_space<vmem>> -> memref<64x128xf32, #tpu.memory_space<vmem>>
        %dma_wait3A_131 = arith.constant 64 : i32
        %dma_wait3A_132 = tpu.memref_slice %arg8[%dma_wait3A_131] : memref<128xi32, #tpu.memory_space<vmem>> -> memref<64xi32, #tpu.memory_space<vmem>>
        %dma_wait3A_133 = arith.constant 0 : i32
        %dma_wait3A_134 = arith.constant 0 : i32
        %dma_wait3A_135 = tpu.memref_slice %arg2[%dma_wait3A_133, %dma_wait3A_134] : memref<10240x128xf32, #tpu.memory_space<hbm>> -> memref<10240x128xf32, #tpu.memory_space<hbm>>
        tpu.wait_indirect_dma semaphore(%arg20 : memref<!tpu.dma_semaphore, #tpu.memory_space<semaphore_mem>>) src(%dma_wait3A_135 : memref<10240x128xf32, #tpu.memory_space<hbm>>) dst(%dma_wait3A_130 : memref<64x128xf32, #tpu.memory_space<vmem>>)
        %lt3A_136 = arith.cmpi slt, %add3A_113, %reduce_sum3A_64 : i32
        %convert_element_type3A_137 = arith.extui %lt3A_136 : i1 to i32
        %cond3A_138 = arith.constant 0 : i32
        %cond3A_139 = arith.cmpi ne, %convert_element_type3A_137, %cond3A_138 : i32
        scf.if %cond3A_139 {
          %mul3A_187 = arith.constant 128 : i32
          %mul3A_188 = arith.muli %add3A_113, %mul3A_187 : i32
          "tpu.region"() ({
            %run_scoped3A = tpu.sem_alloc : memref<!tpu.dma_semaphore, #tpu.memory_space<semaphore_mem>>
            %dma_start3A_204 = tpu.memref_slice %arg3[%arg0, %add3A_52, %mul3A_188] : memref<2x32x10368xi32, #tpu.memory_space<hbm>> -> memref<1x1x128xi32, #tpu.memory_space<hbm>>
            %dma_start3A_205 = tpu.memref_squeeze %dma_start3A_204 : memref<1x1x128xi32, #tpu.memory_space<hbm>> -> memref<128xi32, #tpu.memory_space<hbm>>
            %dma_start3A_206 = tpu.memref_slice %arg3[%arg0, %add3A_52, %mul3A_188] : memref<2x32x10368xi32, #tpu.memory_space<hbm>> -> memref<1x1x128xi32, #tpu.memory_space<hbm>>
            %dma_start3A_207 = tpu.memref_squeeze %dma_start3A_206 : memref<1x1x128xi32, #tpu.memory_space<hbm>> -> memref<128xi32, #tpu.memory_space<hbm>>
            tpu.enqueue_dma source(%dma_start3A_207 : memref<128xi32, #tpu.memory_space<hbm>>) target(%arg7 : memref<128xi32, #tpu.memory_space<vmem>>) target_semaphore(%run_scoped3A : memref<!tpu.dma_semaphore, #tpu.memory_space<semaphore_mem>>)
            %dma_wait3A_208 = tpu.memref_slice %arg3[%arg0, %add3A_52, %mul3A_188] : memref<2x32x10368xi32, #tpu.memory_space<hbm>> -> memref<1x1x128xi32, #tpu.memory_space<hbm>>
            %dma_wait3A_209 = tpu.memref_squeeze %dma_wait3A_208 : memref<1x1x128xi32, #tpu.memory_space<hbm>> -> memref<128xi32, #tpu.memory_space<hbm>>
            %dma_wait3A_210 = tpu.memref_slice %arg3[%arg0, %add3A_52, %mul3A_188] : memref<2x32x10368xi32, #tpu.memory_space<hbm>> -> memref<1x1x128xi32, #tpu.memory_space<hbm>>
            %dma_wait3A_211 = tpu.memref_squeeze %dma_wait3A_210 : memref<1x1x128xi32, #tpu.memory_space<hbm>> -> memref<128xi32, #tpu.memory_space<hbm>>
            tpu.wait_dma2 semaphore(%run_scoped3A : memref<!tpu.dma_semaphore, #tpu.memory_space<semaphore_mem>>) src(%dma_wait3A_211 : memref<128xi32, #tpu.memory_space<hbm>>) dst(%arg7 : memref<128xi32, #tpu.memory_space<vmem>>)
            tpu.yield
          }) : () -> ()
          "tpu.region"() ({
            %run_scoped3A = tpu.sem_alloc : memref<!tpu.dma_semaphore, #tpu.memory_space<semaphore_mem>>
            %dma_start3A_204 = tpu.memref_slice %arg4[%arg0, %add3A_52, %mul3A_188] : memref<2x32x10368xi32, #tpu.memory_space<hbm>> -> memref<1x1x128xi32, #tpu.memory_space<hbm>>
            %dma_start3A_205 = tpu.memref_squeeze %dma_start3A_204 : memref<1x1x128xi32, #tpu.memory_space<hbm>> -> memref<128xi32, #tpu.memory_space<hbm>>
            %dma_start3A_206 = tpu.memref_slice %arg4[%arg0, %add3A_52, %mul3A_188] : memref<2x32x10368xi32, #tpu.memory_space<hbm>> -> memref<1x1x128xi32, #tpu.memory_space<hbm>>
            %dma_start3A_207 = tpu.memref_squeeze %dma_start3A_206 : memref<1x1x128xi32, #tpu.memory_space<hbm>> -> memref<128xi32, #tpu.memory_space<hbm>>
            tpu.enqueue_dma source(%dma_start3A_207 : memref<128xi32, #tpu.memory_space<hbm>>) target(%arg9 : memref<128xi32, #tpu.memory_space<vmem>>) target_semaphore(%run_scoped3A : memref<!tpu.dma_semaphore, #tpu.memory_space<semaphore_mem>>)
            %dma_wait3A_208 = tpu.memref_slice %arg4[%arg0, %add3A_52, %mul3A_188] : memref<2x32x10368xi32, #tpu.memory_space<hbm>> -> memref<1x1x128xi32, #tpu.memory_space<hbm>>
            %dma_wait3A_209 = tpu.memref_squeeze %dma_wait3A_208 : memref<1x1x128xi32, #tpu.memory_space<hbm>> -> memref<128xi32, #tpu.memory_space<hbm>>
            %dma_wait3A_210 = tpu.memref_slice %arg4[%arg0, %add3A_52, %mul3A_188] : memref<2x32x10368xi32, #tpu.memory_space<hbm>> -> memref<1x1x128xi32, #tpu.memory_space<hbm>>
            %dma_wait3A_211 = tpu.memref_squeeze %dma_wait3A_210 : memref<1x1x128xi32, #tpu.memory_space<hbm>> -> memref<128xi32, #tpu.memory_space<hbm>>
            tpu.wait_dma2 semaphore(%run_scoped3A : memref<!tpu.dma_semaphore, #tpu.memory_space<semaphore_mem>>) src(%dma_wait3A_211 : memref<128xi32, #tpu.memory_space<hbm>>) dst(%arg9 : memref<128xi32, #tpu.memory_space<vmem>>)
            tpu.yield
          }) : () -> ()
          %dma_start3A = arith.constant 0 : i32
          %dma_start3A_189 = arith.constant 0 : i32
          %dma_start3A_190 = tpu.memref_slice %arg13[%dma_start3A, %dma_start3A_189] : memref<128x128xf32, #tpu.memory_space<vmem>> -> memref<64x128xf32, #tpu.memory_space<vmem>>
          %dma_start3A_191 = arith.constant 0 : i32
          %dma_start3A_192 = tpu.memref_slice %arg7[%dma_start3A_191] : memref<128xi32, #tpu.memory_space<vmem>> -> memref<64xi32, #tpu.memory_space<vmem>>
          %dma_start3A_193 = arith.constant 0 : i32
          %dma_start3A_194 = arith.constant 0 : i32
          %dma_start3A_195 = tpu.memref_slice %arg2[%dma_start3A_193, %dma_start3A_194] : memref<10240x128xf32, #tpu.memory_space<hbm>> -> memref<10240x128xf32, #tpu.memory_space<hbm>>
          tpu.enqueue_indirect_dma source(%dma_start3A_195 : memref<10240x128xf32, #tpu.memory_space<hbm>>) target(%dma_start3A_190 : memref<64x128xf32, #tpu.memory_space<vmem>>) offsets(%dma_start3A_192 : memref<64xi32, #tpu.memory_space<vmem>>) semaphore(%arg17 : memref<!tpu.dma_semaphore, #tpu.memory_space<semaphore_mem>>)
          %dma_start3A_196 = arith.constant 64 : i32
          %dma_start3A_197 = arith.constant 0 : i32
          %dma_start3A_198 = tpu.memref_slice %arg13[%dma_start3A_196, %dma_start3A_197] : memref<128x128xf32, #tpu.memory_space<vmem>> -> memref<64x128xf32, #tpu.memory_space<vmem>>
          %dma_start3A_199 = arith.constant 64 : i32
          %dma_start3A_200 = tpu.memref_slice %arg7[%dma_start3A_199] : memref<128xi32, #tpu.memory_space<vmem>> -> memref<64xi32, #tpu.memory_space<vmem>>
          %dma_start3A_201 = arith.constant 0 : i32
          %dma_start3A_202 = arith.constant 0 : i32
          %dma_start3A_203 = tpu.memref_slice %arg2[%dma_start3A_201, %dma_start3A_202] : memref<10240x128xf32, #tpu.memory_space<hbm>> -> memref<10240x128xf32, #tpu.memory_space<hbm>>
          tpu.enqueue_indirect_dma source(%dma_start3A_203 : memref<10240x128xf32, #tpu.memory_space<hbm>>) target(%dma_start3A_198 : memref<64x128xf32, #tpu.memory_space<vmem>>) offsets(%dma_start3A_200 : memref<64xi32, #tpu.memory_space<vmem>>) semaphore(%arg19 : memref<!tpu.dma_semaphore, #tpu.memory_space<semaphore_mem>>)
        } else {
        }
        %get3A_140 = arith.constant 0 : index
        %get3A_141 = tpu.vector_load %arg10[%get3A_140] {strides = array<i32>} : memref<128xi32, #tpu.memory_space<vmem>>, vector<16xi32>,
        %sub3A_142 = vector.broadcast %mul3A_2 : i32 to vector<16xi32>
        %sub3A_143 = arith.subi %get3A_141, %sub3A_142 : vector<16xi32>
        %swap3A = arith.constant 0 : index
        %swap3A_144 = tpu.vector_load %arg12[%swap3A] {strides = array<i32>} : memref<128xi32, #tpu.memory_space<vmem>>, vector<16xi32>,
        tpu.vector_store %arg12[%swap3A], %sub3A_143 {strides = array<i32>} : memref<128xi32, #tpu.memory_space<vmem>>, vector<16xi32>,
        %get3A_145 = arith.constant 16 : index
        %get3A_146 = tpu.vector_load %arg10[%get3A_145] {strides = array<i32>} : memref<128xi32, #tpu.memory_space<vmem>>, vector<16xi32>,
        %sub3A_147 = vector.broadcast %mul3A_2 : i32 to vector<16xi32>
        %sub3A_148 = arith.subi %get3A_146, %sub3A_147 : vector<16xi32>
        %swap3A_149 = arith.constant 16 : index
        %swap3A_150 = tpu.vector_load %arg12[%swap3A_149] {strides = array<i32>} : memref<128xi32, #tpu.memory_space<vmem>>, vector<16xi32>,
        tpu.vector_store %arg12[%swap3A_149], %sub3A_148 {strides = array<i32>} : memref<128xi32, #tpu.memory_space<vmem>>, vector<16xi32>,
        %get3A_151 = arith.constant 32 : index
        %get3A_152 = tpu.vector_load %arg10[%get3A_151] {strides = array<i32>} : memref<128xi32, #tpu.memory_space<vmem>>, vector<16xi32>,
        %sub3A_153 = vector.broadcast %mul3A_2 : i32 to vector<16xi32>
        %sub3A_154 = arith.subi %get3A_152, %sub3A_153 : vector<16xi32>
        %swap3A_155 = arith.constant 32 : index
        %swap3A_156 = tpu.vector_load %arg12[%swap3A_155] {strides = array<i32>} : memref<128xi32, #tpu.memory_space<vmem>>, vector<16xi32>,
        tpu.vector_store %arg12[%swap3A_155], %sub3A_154 {strides = array<i32>} : memref<128xi32, #tpu.memory_space<vmem>>, vector<16xi32>,
        %get3A_157 = arith.constant 48 : index
        %get3A_158 = tpu.vector_load %arg10[%get3A_157] {strides = array<i32>} : memref<128xi32, #tpu.memory_space<vmem>>, vector<16xi32>,
        %sub3A_159 = vector.broadcast %mul3A_2 : i32 to vector<16xi32>
        %sub3A_160 = arith.subi %get3A_158, %sub3A_159 : vector<16xi32>
        %swap3A_161 = arith.constant 48 : index
        %swap3A_162 = tpu.vector_load %arg12[%swap3A_161] {strides = array<i32>} : memref<128xi32, #tpu.memory_space<vmem>>, vector<16xi32>,
        tpu.vector_store %arg12[%swap3A_161], %sub3A_160 {strides = array<i32>} : memref<128xi32, #tpu.memory_space<vmem>>, vector<16xi32>,
        %get3A_163 = arith.constant 64 : index
        %get3A_164 = tpu.vector_load %arg10[%get3A_163] {strides = array<i32>} : memref<128xi32, #tpu.memory_space<vmem>>, vector<16xi32>,
        %sub3A_165 = vector.broadcast %mul3A_2 : i32 to vector<16xi32>
        %sub3A_166 = arith.subi %get3A_164, %sub3A_165 : vector<16xi32>
        %swap3A_167 = arith.constant 64 : index
        %swap3A_168 = tpu.vector_load %arg12[%swap3A_167] {strides = array<i32>} : memref<128xi32, #tpu.memory_space<vmem>>, vector<16xi32>,
        tpu.vector_store %arg12[%swap3A_167], %sub3A_166 {strides = array<i32>} : memref<128xi32, #tpu.memory_space<vmem>>, vector<16xi32>,
        %get3A_169 = arith.constant 80 : index
        %get3A_170 = tpu.vector_load %arg10[%get3A_169] {strides = array<i32>} : memref<128xi32, #tpu.memory_space<vmem>>, vector<16xi32>,
        %sub3A_171 = vector.broadcast %mul3A_2 : i32 to vector<16xi32>
        %sub3A_172 = arith.subi %get3A_170, %sub3A_171 : vector<16xi32>
        %swap3A_173 = arith.constant 80 : index
        %swap3A_174 = tpu.vector_load %arg12[%swap3A_173] {strides = array<i32>} : memref<128xi32, #tpu.memory_space<vmem>>, vector<16xi32>,
        tpu.vector_store %arg12[%swap3A_173], %sub3A_172 {strides = array<i32>} : memref<128xi32, #tpu.memory_space<vmem>>, vector<16xi32>,
        %get3A_175 = arith.constant 96 : index
        %get3A_176 = tpu.vector_load %arg10[%get3A_175] {strides = array<i32>} : memref<128xi32, #tpu.memory_space<vmem>>, vector<16xi32>,
        %sub3A_177 = vector.broadcast %mul3A_2 : i32 to vector<16xi32>
        %sub3A_178 = arith.subi %get3A_176, %sub3A_177 : vector<16xi32>
        %swap3A_179 = arith.constant 96 : index
        %swap3A_180 = tpu.vector_load %arg12[%swap3A_179] {strides = array<i32>} : memref<128xi32, #tpu.memory_space<vmem>>, vector<16xi32>,
        tpu.vector_store %arg12[%swap3A_179], %sub3A_178 {strides = array<i32>} : memref<128xi32, #tpu.memory_space<vmem>>, vector<16xi32>,
        %get3A_181 = arith.constant 112 : index
        %get3A_182 = tpu.vector_load %arg10[%get3A_181] {strides = array<i32>} : memref<128xi32, #tpu.memory_space<vmem>>, vector<16xi32>,
        %sub3A_183 = vector.broadcast %mul3A_2 : i32 to vector<16xi32>
        %sub3A_184 = arith.subi %get3A_182, %sub3A_183 : vector<16xi32>
        %swap3A_185 = arith.constant 112 : index
        %swap3A_186 = tpu.vector_load %arg12[%swap3A_185] {strides = array<i32>} : memref<128xi32, #tpu.memory_space<vmem>>, vector<16xi32>,
        tpu.vector_store %arg12[%swap3A_185], %sub3A_184 {strides = array<i32>} : memref<128xi32, #tpu.memory_space<vmem>>, vector<16xi32>,
        "tpu.region"() ({
          %run_scoped3A = tpu.sem_alloc : memref<!tpu.dma_semaphore, #tpu.memory_space<semaphore_mem>>
          %dma_start3A = arith.constant 0 : i32
          %dma_start3A_187 = arith.constant 0 : i32
          %dma_start3A_188 = tpu.memref_slice %arg21[%dma_start3A, %dma_start3A_187] : memref<5248x128xf32, #tpu.memory_space<vmem_shared>> -> memref<5248x128xf32, #tpu.memory_space<vmem_shared>>
          tpu.enqueue_indirect_dma source(%arg14 : memref<128x128xf32, #tpu.memory_space<vmem>>) target(%dma_start3A_188 : memref<5248x128xf32, #tpu.memory_space<vmem_shared>>) offsets(%arg12 : memref<128xi32, #tpu.memory_space<vmem>>) semaphore(%run_scoped3A : memref<!tpu.dma_semaphore, #tpu.memory_space<semaphore_mem>>) {add = true}
          %dma_wait3A_189 = arith.constant 0 : i32
          %dma_wait3A_190 = arith.constant 0 : i32
          %dma_wait3A_191 = tpu.memref_slice %arg21[%dma_wait3A_189, %dma_wait3A_190] : memref<5248x128xf32, #tpu.memory_space<vmem_shared>> -> memref<5248x128xf32, #tpu.memory_space<vmem_shared>>
          tpu.wait_indirect_dma semaphore(%run_scoped3A : memref<!tpu.dma_semaphore, #tpu.memory_space<semaphore_mem>>) src(%arg14 : memref<128x128xf32, #tpu.memory_space<vmem>>) dst(%dma_wait3A_191 : memref<5248x128xf32, #tpu.memory_space<vmem_shared>>)
          tpu.yield
        }) : () -> ()
      } else {
      }
    }
    %while3A_105 = arith.constant 1 : i32
    scf.for %while3A_107 = %while3A_103 to %while3A_99 step %while3A_105  : i32 {
      %mul3A_108 = arith.constant 2 : i32
      %mul3A_109 = arith.muli %mul3A_108, %while3A_107 : i32
      %add3A_110 = arith.constant 1 : i32
      %add3A_111 = arith.addi %mul3A_109, %add3A_110 : i32
      %add3A_112 = arith.constant 2 : i32
      %add3A_113 = arith.addi %mul3A_109, %add3A_112 : i32
      %lt3A = arith.cmpi slt, %mul3A_109, %reduce_sum3A_64 : i32
      %convert_element_type3A_114 = arith.extui %lt3A : i1 to i32
      %cond3A_115 = arith.constant 0 : i32
      %cond3A_116 = arith.cmpi ne, %convert_element_type3A_114, %cond3A_115 : i32
      scf.if %cond3A_116 {
        %dma_wait3A = arith.constant 0 : i32
        %dma_wait3A_121 = arith.constant 0 : i32
        %dma_wait3A_122 = tpu.memref_slice %arg13[%dma_wait3A, %dma_wait3A_121] : memref<128x128xf32, #tpu.memory_space<vmem>> -> memref<64x128xf32, #tpu.memory_space<vmem>>
        %dma_wait3A_123 = arith.constant 0 : i32
        %dma_wait3A_124 = tpu.memref_slice %arg7[%dma_wait3A_123] : memref<128xi32, #tpu.memory_space<vmem>> -> memref<64xi32, #tpu.memory_space<vmem>>
        %dma_wait3A_125 = arith.constant 0 : i32
        %dma_wait3A_126 = arith.constant 0 : i32
        %dma_wait3A_127 = tpu.memref_slice %arg2[%dma_wait3A_125, %dma_wait3A_126] : memref<10240x128xf32, #tpu.memory_space<hbm>> -> memref<10240x128xf32, #tpu.memory_space<hbm>>
        tpu.wait_indirect_dma semaphore(%arg17 : memref<!tpu.dma_semaphore, #tpu.memory_space<semaphore_mem>>) src(%dma_wait3A_127 : memref<10240x128xf32, #tpu.memory_space<hbm>>) dst(%dma_wait3A_122 : memref<64x128xf32, #tpu.memory_space<vmem>>)
        %dma_wait3A_128 = arith.constant 64 : i32
        %dma_wait3A_129 = arith.constant 0 : i32
        %dma_wait3A_130 = tpu.memref_slice %arg13[%dma_wait3A_128, %dma_wait3A_129] : memref<128x128xf32, #tpu.memory_space<vmem>> -> memref<64x128xf32, #tpu.memory_space<vmem>>
        %dma_wait3A_131 = arith.constant 64 : i32
        %dma_wait3A_132 = tpu.memref_slice %arg7[%dma_wait3A_131] : memref<128xi32, #tpu.memory_space<vmem>> -> memref<64xi32, #tpu.memory_space<vmem>>
        %dma_wait3A_133 = arith.constant 0 : i32
        %dma_wait3A_134 = arith.constant 0 : i32
        %dma_wait3A_135 = tpu.memref_slice %arg2[%dma_wait3A_133, %dma_wait3A_134] : memref<10240x128xf32, #tpu.memory_space<hbm>> -> memref<10240x128xf32, #tpu.memory_space<hbm>>
        tpu.wait_indirect_dma semaphore(%arg19 : memref<!tpu.dma_semaphore, #tpu.memory_space<semaphore_mem>>) src(%dma_wait3A_135 : memref<10240x128xf32, #tpu.memory_space<hbm>>) dst(%dma_wait3A_130 : memref<64x128xf32, #tpu.memory_space<vmem>>)
        %lt3A_136 = arith.cmpi slt, %add3A_111, %reduce_sum3A_64 : i32
        %convert_element_type3A_137 = arith.extui %lt3A_136 : i1 to i32
        %cond3A_138 = arith.constant 0 : i32
        %cond3A_139 = arith.cmpi ne, %convert_element_type3A_137, %cond3A_138 : i32
        scf.if %cond3A_139 {
          %mul3A_187 = arith.constant 128 : i32
          %mul3A_188 = arith.muli %add3A_111, %mul3A_187 : i32
          "tpu.region"() ({
            %run_scoped3A = tpu.sem_alloc : memref<!tpu.dma_semaphore, #tpu.memory_space<semaphore_mem>>
            %dma_start3A_204 = tpu.memref_slice %arg3[%arg0, %add3A_52, %mul3A_188] : memref<2x32x10368xi32, #tpu.memory_space<hbm>> -> memref<1x1x128xi32, #tpu.memory_space<hbm>>
            %dma_start3A_205 = tpu.memref_squeeze %dma_start3A_204 : memref<1x1x128xi32, #tpu.memory_space<hbm>> -> memref<128xi32, #tpu.memory_space<hbm>>
            %dma_start3A_206 = tpu.memref_slice %arg3[%arg0, %add3A_52, %mul3A_188] : memref<2x32x10368xi32, #tpu.memory_space<hbm>> -> memref<1x1x128xi32, #tpu.memory_space<hbm>>
            %dma_start3A_207 = tpu.memref_squeeze %dma_start3A_206 : memref<1x1x128xi32, #tpu.memory_space<hbm>> -> memref<128xi32, #tpu.memory_space<hbm>>
            tpu.enqueue_dma source(%dma_start3A_207 : memref<128xi32, #tpu.memory_space<hbm>>) target(%arg8 : memref<128xi32, #tpu.memory_space<vmem>>) target_semaphore(%run_scoped3A : memref<!tpu.dma_semaphore, #tpu.memory_space<semaphore_mem>>)
            %dma_wait3A_208 = tpu.memref_slice %arg3[%arg0, %add3A_52, %mul3A_188] : memref<2x32x10368xi32, #tpu.memory_space<hbm>> -> memref<1x1x128xi32, #tpu.memory_space<hbm>>
            %dma_wait3A_209 = tpu.memref_squeeze %dma_wait3A_208 : memref<1x1x128xi32, #tpu.memory_space<hbm>> -> memref<128xi32, #tpu.memory_space<hbm>>
            %dma_wait3A_210 = tpu.memref_slice %arg3[%arg0, %add3A_52, %mul3A_188] : memref<2x32x10368xi32, #tpu.memory_space<hbm>> -> memref<1x1x128xi32, #tpu.memory_space<hbm>>
            %dma_wait3A_211 = tpu.memref_squeeze %dma_wait3A_210 : memref<1x1x128xi32, #tpu.memory_space<hbm>> -> memref<128xi32, #tpu.memory_space<hbm>>
            tpu.wait_dma2 semaphore(%run_scoped3A : memref<!tpu.dma_semaphore, #tpu.memory_space<semaphore_mem>>) src(%dma_wait3A_211 : memref<128xi32, #tpu.memory_space<hbm>>) dst(%arg8 : memref<128xi32, #tpu.memory_space<vmem>>)
            tpu.yield
          }) : () -> ()
          "tpu.region"() ({
            %run_scoped3A = tpu.sem_alloc : memref<!tpu.dma_semaphore, #tpu.memory_space<semaphore_mem>>
            %dma_start3A_204 = tpu.memref_slice %arg4[%arg0, %add3A_52, %mul3A_188] : memref<2x32x10368xi32, #tpu.memory_space<hbm>> -> memref<1x1x128xi32, #tpu.memory_space<hbm>>
            %dma_start3A_205 = tpu.memref_squeeze %dma_start3A_204 : memref<1x1x128xi32, #tpu.memory_space<hbm>> -> memref<128xi32, #tpu.memory_space<hbm>>
            %dma_start3A_206 = tpu.memref_slice %arg4[%arg0, %add3A_52, %mul3A_188] : memref<2x32x10368xi32, #tpu.memory_space<hbm>> -> memref<1x1x128xi32, #tpu.memory_space<hbm>>
            %dma_start3A_207 = tpu.memref_squeeze %dma_start3A_206 : memref<1x1x128xi32, #tpu.memory_space<hbm>> -> memref<128xi32, #tpu.memory_space<hbm>>
            tpu.enqueue_dma source(%dma_start3A_207 : memref<128xi32, #tpu.memory_space<hbm>>) target(%arg10 : memref<128xi32, #tpu.memory_space<vmem>>) target_semaphore(%run_scoped3A : memref<!tpu.dma_semaphore, #tpu.memory_space<semaphore_mem>>)
            %dma_wait3A_208 = tpu.memref_slice %arg4[%arg0, %add3A_52, %mul3A_188] : memref<2x32x10368xi32, #tpu.memory_space<hbm>> -> memref<1x1x128xi32, #tpu.memory_space<hbm>>
            %dma_wait3A_209 = tpu.memref_squeeze %dma_wait3A_208 : memref<1x1x128xi32, #tpu.memory_space<hbm>> -> memref<128xi32, #tpu.memory_space<hbm>>
            %dma_wait3A_210 = tpu.memref_slice %arg4[%arg0, %add3A_52, %mul3A_188] : memref<2x32x10368xi32, #tpu.memory_space<hbm>> -> memref<1x1x128xi32, #tpu.memory_space<hbm>>
            %dma_wait3A_211 = tpu.memref_squeeze %dma_wait3A_210 : memref<1x1x128xi32, #tpu.memory_space<hbm>> -> memref<128xi32, #tpu.memory_space<hbm>>
            tpu.wait_dma2 semaphore(%run_scoped3A : memref<!tpu.dma_semaphore, #tpu.memory_space<semaphore_mem>>) src(%dma_wait3A_211 : memref<128xi32, #tpu.memory_space<hbm>>) dst(%arg10 : memref<128xi32, #tpu.memory_space<vmem>>)
            tpu.yield
          }) : () -> ()
          %dma_start3A = arith.constant 0 : i32
          %dma_start3A_189 = arith.constant 0 : i32
          %dma_start3A_190 = tpu.memref_slice %arg14[%dma_start3A, %dma_start3A_189] : memref<128x128xf32, #tpu.memory_space<vmem>> -> memref<64x128xf32, #tpu.memory_space<vmem>>
          %dma_start3A_191 = arith.constant 0 : i32
          %dma_start3A_192 = tpu.memref_slice %arg8[%dma_start3A_191] : memref<128xi32, #tpu.memory_space<vmem>> -> memref<64xi32, #tpu.memory_space<vmem>>
          %dma_start3A_193 = arith.constant 0 : i32
          %dma_start3A_194 = arith.constant 0 : i32
          %dma_start3A_195 = tpu.memref_slice %arg2[%dma_start3A_193, %dma_start3A_194] : memref<10240x128xf32, #tpu.memory_space<hbm>> -> memref<10240x128xf32, #tpu.memory_space<hbm>>
          tpu.enqueue_indirect_dma source(%dma_start3A_195 : memref<10240x128xf32, #tpu.memory_space<hbm>>) target(%dma_start3A_190 : memref<64x128xf32, #tpu.memory_space<vmem>>) offsets(%dma_start3A_192 : memref<64xi32, #tpu.memory_space<vmem>>) semaphore(%arg18 : memref<!tpu.dma_semaphore, #tpu.memory_space<semaphore_mem>>)
          %dma_start3A_196 = arith.constant 64 : i32
          %dma_start3A_197 = arith.constant 0 : i32
          %dma_start3A_198 = tpu.memref_slice %arg14[%dma_start3A_196, %dma_start3A_197] : memref<128x128xf32, #tpu.memory_space<vmem>> -> memref<64x128xf32, #tpu.memory_space<vmem>>
          %dma_start3A_199 = arith.constant 64 : i32
          %dma_start3A_200 = tpu.memref_slice %arg8[%dma_start3A_199] : memref<128xi32, #tpu.memory_space<vmem>> -> memref<64xi32, #tpu.memory_space<vmem>>
          %dma_start3A_201 = arith.constant 0 : i32
          %dma_start3A_202 = arith.constant 0 : i32
          %dma_start3A_203 = tpu.memref_slice %arg2[%dma_start3A_201, %dma_start3A_202] : memref<10240x128xf32, #tpu.memory_space<hbm>> -> memref<10240x128xf32, #tpu.memory_space<hbm>>
          tpu.enqueue_indirect_dma source(%dma_start3A_203 : memref<10240x128xf32, #tpu.memory_space<hbm>>) target(%dma_start3A_198 : memref<64x128xf32, #tpu.memory_space<vmem>>) offsets(%dma_start3A_200 : memref<64xi32, #tpu.memory_space<vmem>>) semaphore(%arg20 : memref<!tpu.dma_semaphore, #tpu.memory_space<semaphore_mem>>)
        } else {
        }
        %get3A_140 = arith.constant 0 : index
        %get3A_141 = tpu.vector_load %arg9[%get3A_140] {strides = array<i32>} : memref<128xi32, #tpu.memory_space<vmem>>, vector<16xi32>,
        %sub3A_142 = vector.broadcast %mul3A_2 : i32 to vector<16xi32>
        %sub3A_143 = arith.subi %get3A_141, %sub3A_142 : vector<16xi32>
        %swap3A = arith.constant 0 : index
        %swap3A_144 = tpu.vector_load %arg11[%swap3A] {strides = array<i32>} : memref<128xi32, #tpu.memory_space<vmem>>, vector<16xi32>,
        tpu.vector_store %arg11[%swap3A], %sub3A_143 {strides = array<i32>} : memref<128xi32, #tpu.memory_space<vmem>>, vector<16xi32>,
        %get3A_145 = arith.constant 16 : index
        %get3A_146 = tpu.vector_load %arg9[%get3A_145] {strides = array<i32>} : memref<128xi32, #tpu.memory_space<vmem>>, vector<16xi32>,
        %sub3A_147 = vector.broadcast %mul3A_2 : i32 to vector<16xi32>
        %sub3A_148 = arith.subi %get3A_146, %sub3A_147 : vector<16xi32>
        %swap3A_149 = arith.constant 16 : index
        %swap3A_150 = tpu.vector_load %arg11[%swap3A_149] {strides = array<i32>} : memref<128xi32, #tpu.memory_space<vmem>>, vector<16xi32>,
        tpu.vector_store %arg11[%swap3A_149], %sub3A_148 {strides = array<i32>} : memref<128xi32, #tpu.memory_space<vmem>>, vector<16xi32>,
        %get3A_151 = arith.constant 32 : index
        %get3A_152 = tpu.vector_load %arg9[%get3A_151] {strides = array<i32>} : memref<128xi32, #tpu.memory_space<vmem>>, vector<16xi32>,
        %sub3A_153 = vector.broadcast %mul3A_2 : i32 to vector<16xi32>
        %sub3A_154 = arith.subi %get3A_152, %sub3A_153 : vector<16xi32>
        %swap3A_155 = arith.constant 32 : index
        %swap3A_156 = tpu.vector_load %arg11[%swap3A_155] {strides = array<i32>} : memref<128xi32, #tpu.memory_space<vmem>>, vector<16xi32>,
        tpu.vector_store %arg11[%swap3A_155], %sub3A_154 {strides = array<i32>} : memref<128xi32, #tpu.memory_space<vmem>>, vector<16xi32>,
        %get3A_157 = arith.constant 48 : index
        %get3A_158 = tpu.vector_load %arg9[%get3A_157] {strides = array<i32>} : memref<128xi32, #tpu.memory_space<vmem>>, vector<16xi32>,
        %sub3A_159 = vector.broadcast %mul3A_2 : i32 to vector<16xi32>
        %sub3A_160 = arith.subi %get3A_158, %sub3A_159 : vector<16xi32>
        %swap3A_161 = arith.constant 48 : index
        %swap3A_162 = tpu.vector_load %arg11[%swap3A_161] {strides = array<i32>} : memref<128xi32, #tpu.memory_space<vmem>>, vector<16xi32>,
        tpu.vector_store %arg11[%swap3A_161], %sub3A_160 {strides = array<i32>} : memref<128xi32, #tpu.memory_space<vmem>>, vector<16xi32>,
        %get3A_163 = arith.constant 64 : index
        %get3A_164 = tpu.vector_load %arg9[%get3A_163] {strides = array<i32>} : memref<128xi32, #tpu.memory_space<vmem>>, vector<16xi32>,
        %sub3A_165 = vector.broadcast %mul3A_2 : i32 to vector<16xi32>
        %sub3A_166 = arith.subi %get3A_164, %sub3A_165 : vector<16xi32>
        %swap3A_167 = arith.constant 64 : index
        %swap3A_168 = tpu.vector_load %arg11[%swap3A_167] {strides = array<i32>} : memref<128xi32, #tpu.memory_space<vmem>>, vector<16xi32>,
        tpu.vector_store %arg11[%swap3A_167], %sub3A_166 {strides = array<i32>} : memref<128xi32, #tpu.memory_space<vmem>>, vector<16xi32>,
        %get3A_169 = arith.constant 80 : index
        %get3A_170 = tpu.vector_load %arg9[%get3A_169] {strides = array<i32>} : memref<128xi32, #tpu.memory_space<vmem>>, vector<16xi32>,
        %sub3A_171 = vector.broadcast %mul3A_2 : i32 to vector<16xi32>
        %sub3A_172 = arith.subi %get3A_170, %sub3A_171 : vector<16xi32>
        %swap3A_173 = arith.constant 80 : index
        %swap3A_174 = tpu.vector_load %arg11[%swap3A_173] {strides = array<i32>} : memref<128xi32, #tpu.memory_space<vmem>>, vector<16xi32>,
        tpu.vector_store %arg11[%swap3A_173], %sub3A_172 {strides = array<i32>} : memref<128xi32, #tpu.memory_space<vmem>>, vector<16xi32>,
        %get3A_175 = arith.constant 96 : index
        %get3A_176 = tpu.vector_load %arg9[%get3A_175] {strides = array<i32>} : memref<128xi32, #tpu.memory_space<vmem>>, vector<16xi32>,
        %sub3A_177 = vector.broadcast %mul3A_2 : i32 to vector<16xi32>
        %sub3A_178 = arith.subi %get3A_176, %sub3A_177 : vector<16xi32>
        %swap3A_179 = arith.constant 96 : index
        %swap3A_180 = tpu.vector_load %arg11[%swap3A_179] {strides = array<i32>} : memref<128xi32, #tpu.memory_space<vmem>>, vector<16xi32>,
        tpu.vector_store %arg11[%swap3A_179], %sub3A_178 {strides = array<i32>} : memref<128xi32, #tpu.memory_space<vmem>>, vector<16xi32>,
        %get3A_181 = arith.constant 112 : index
        %get3A_182 = tpu.vector_load %arg9[%get3A_181] {strides = array<i32>} : memref<128xi32, #tpu.memory_space<vmem>>, vector<16xi32>,
        %sub3A_183 = vector.broadcast %mul3A_2 : i32 to vector<16xi32>
        %sub3A_184 = arith.subi %get3A_182, %sub3A_183 : vector<16xi32>
        %swap3A_185 = arith.constant 112 : index
        %swap3A_186 = tpu.vector_load %arg11[%swap3A_185] {strides = array<i32>} : memref<128xi32, #tpu.memory_space<vmem>>, vector<16xi32>,
        tpu.vector_store %arg11[%swap3A_185], %sub3A_184 {strides = array<i32>} : memref<128xi32, #tpu.memory_space<vmem>>, vector<16xi32>,
        "tpu.region"() ({
          %run_scoped3A = tpu.sem_alloc : memref<!tpu.dma_semaphore, #tpu.memory_space<semaphore_mem>>
          %dma_start3A = arith.constant 0 : i32
          %dma_start3A_187 = arith.constant 0 : i32
          %dma_start3A_188 = tpu.memref_slice %arg21[%dma_start3A, %dma_start3A_187] : memref<5248x128xf32, #tpu.memory_space<vmem_shared>> -> memref<5248x128xf32, #tpu.memory_space<vmem_shared>>
          tpu.enqueue_indirect_dma source(%arg13 : memref<128x128xf32, #tpu.memory_space<vmem>>) target(%dma_start3A_188 : memref<5248x128xf32, #tpu.memory_space<vmem_shared>>) offsets(%arg11 : memref<128xi32, #tpu.memory_space<vmem>>) semaphore(%run_scoped3A : memref<!tpu.dma_semaphore, #tpu.memory_space<semaphore_mem>>) {add = true}
          %dma_wait3A_189 = arith.constant 0 : i32
          %dma_wait3A_190 = arith.constant 0 : i32
          %dma_wait3A_191 = tpu.memref_slice %arg21[%dma_wait3A_189, %dma_wait3A_190] : memref<5248x128xf32, #tpu.memory_space<vmem_shared>> -> memref<5248x128xf32, #tpu.memory_space<vmem_shared>>
          tpu.wait_indirect_dma semaphore(%run_scoped3A : memref<!tpu.dma_semaphore, #tpu.memory_space<semaphore_mem>>) src(%arg13 : memref<128x128xf32, #tpu.memory_space<vmem>>) dst(%dma_wait3A_191 : memref<5248x128xf32, #tpu.memory_space<vmem_shared>>)
          tpu.yield
        }) : () -> ()
      } else {
      }
      %lt3A_117 = arith.cmpi slt, %add3A_111, %reduce_sum3A_64 : i32
      %convert_element_type3A_118 = arith.extui %lt3A_117 : i1 to i32
      %cond3A_119 = arith.constant 0 : i32
      %cond3A_120 = arith.cmpi ne, %convert_element_type3A_118, %cond3A_119 : i32
      scf.if %cond3A_120 {
        %dma_wait3A = arith.constant 0 : i32
        %dma_wait3A_121 = arith.constant 0 : i32
        %dma_wait3A_122 = tpu.memref_slice %arg14[%dma_wait3A, %dma_wait3A_121] : memref<128x128xf32, #tpu.memory_space<vmem>> -> memref<64x128xf32, #tpu.memory_space<vmem>>
        %dma_wait3A_123 = arith.constant 0 : i32
        %dma_wait3A_124 = tpu.memref_slice %arg8[%dma_wait3A_123] : memref<128xi32, #tpu.memory_space<vmem>> -> memref<64xi32, #tpu.memory_space<vmem>>
        %dma_wait3A_125 = arith.constant 0 : i32
        %dma_wait3A_126 = arith.constant 0 : i32
        %dma_wait3A_127 = tpu.memref_slice %arg2[%dma_wait3A_125, %dma_wait3A_126] : memref<10240x128xf32, #tpu.memory_space<hbm>> -> memref<10240x128xf32, #tpu.memory_space<hbm>>
        tpu.wait_indirect_dma semaphore(%arg18 : memref<!tpu.dma_semaphore, #tpu.memory_space<semaphore_mem>>) src(%dma_wait3A_127 : memref<10240x128xf32, #tpu.memory_space<hbm>>) dst(%dma_wait3A_122 : memref<64x128xf32, #tpu.memory_space<vmem>>)
        %dma_wait3A_128 = arith.constant 64 : i32
        %dma_wait3A_129 = arith.constant 0 : i32
        %dma_wait3A_130 = tpu.memref_slice %arg14[%dma_wait3A_128, %dma_wait3A_129] : memref<128x128xf32, #tpu.memory_space<vmem>> -> memref<64x128xf32, #tpu.memory_space<vmem>>
        %dma_wait3A_131 = arith.constant 64 : i32
        %dma_wait3A_132 = tpu.memref_slice %arg8[%dma_wait3A_131] : memref<128xi32, #tpu.memory_space<vmem>> -> memref<64xi32, #tpu.memory_space<vmem>>
        %dma_wait3A_133 = arith.constant 0 : i32
        %dma_wait3A_134 = arith.constant 0 : i32
        %dma_wait3A_135 = tpu.memref_slice %arg2[%dma_wait3A_133, %dma_wait3A_134] : memref<10240x128xf32, #tpu.memory_space<hbm>> -> memref<10240x128xf32, #tpu.memory_space<hbm>>
        tpu.wait_indirect_dma semaphore(%arg20 : memref<!tpu.dma_semaphore, #tpu.memory_space<semaphore_mem>>) src(%dma_wait3A_135 : memref<10240x128xf32, #tpu.memory_space<hbm>>) dst(%dma_wait3A_130 : memref<64x128xf32, #tpu.memory_space<vmem>>)
        %lt3A_136 = arith.cmpi slt, %add3A_113, %reduce_sum3A_64 : i32
        %convert_element_type3A_137 = arith.extui %lt3A_136 : i1 to i32
        %cond3A_138 = arith.constant 0 : i32
        %cond3A_139 = arith.cmpi ne, %convert_element_type3A_137, %cond3A_138 : i32
        scf.if %cond3A_139 {
          %mul3A_187 = arith.constant 128 : i32
          %mul3A_188 = arith.muli %add3A_113, %mul3A_187 : i32
          "tpu.region"() ({
            %run_scoped3A = tpu.sem_alloc : memref<!tpu.dma_semaphore, #tpu.memory_space<semaphore_mem>>
            %dma_start3A_204 = tpu.memref_slice %arg3[%arg0, %add3A_52, %mul3A_188] : memref<2x32x10368xi32, #tpu.memory_space<hbm>> -> memref<1x1x128xi32, #tpu.memory_space<hbm>>
            %dma_start3A_205 = tpu.memref_squeeze %dma_start3A_204 : memref<1x1x128xi32, #tpu.memory_space<hbm>> -> memref<128xi32, #tpu.memory_space<hbm>>
            %dma_start3A_206 = tpu.memref_slice %arg3[%arg0, %add3A_52, %mul3A_188] : memref<2x32x10368xi32, #tpu.memory_space<hbm>> -> memref<1x1x128xi32, #tpu.memory_space<hbm>>
            %dma_start3A_207 = tpu.memref_squeeze %dma_start3A_206 : memref<1x1x128xi32, #tpu.memory_space<hbm>> -> memref<128xi32, #tpu.memory_space<hbm>>
            tpu.enqueue_dma source(%dma_start3A_207 : memref<128xi32, #tpu.memory_space<hbm>>) target(%arg7 : memref<128xi32, #tpu.memory_space<vmem>>) target_semaphore(%run_scoped3A : memref<!tpu.dma_semaphore, #tpu.memory_space<semaphore_mem>>)
            %dma_wait3A_208 = tpu.memref_slice %arg3[%arg0, %add3A_52, %mul3A_188] : memref<2x32x10368xi32, #tpu.memory_space<hbm>> -> memref<1x1x128xi32, #tpu.memory_space<hbm>>
            %dma_wait3A_209 = tpu.memref_squeeze %dma_wait3A_208 : memref<1x1x128xi32, #tpu.memory_space<hbm>> -> memref<128xi32, #tpu.memory_space<hbm>>
            %dma_wait3A_210 = tpu.memref_slice %arg3[%arg0, %add3A_52, %mul3A_188] : memref<2x32x10368xi32, #tpu.memory_space<hbm>> -> memref<1x1x128xi32, #tpu.memory_space<hbm>>
            %dma_wait3A_211 = tpu.memref_squeeze %dma_wait3A_210 : memref<1x1x128xi32, #tpu.memory_space<hbm>> -> memref<128xi32, #tpu.memory_space<hbm>>
            tpu.wait_dma2 semaphore(%run_scoped3A : memref<!tpu.dma_semaphore, #tpu.memory_space<semaphore_mem>>) src(%dma_wait3A_211 : memref<128xi32, #tpu.memory_space<hbm>>) dst(%arg7 : memref<128xi32, #tpu.memory_space<vmem>>)
            tpu.yield
          }) : () -> ()
          "tpu.region"() ({
            %run_scoped3A = tpu.sem_alloc : memref<!tpu.dma_semaphore, #tpu.memory_space<semaphore_mem>>
            %dma_start3A_204 = tpu.memref_slice %arg4[%arg0, %add3A_52, %mul3A_188] : memref<2x32x10368xi32, #tpu.memory_space<hbm>> -> memref<1x1x128xi32, #tpu.memory_space<hbm>>
            %dma_start3A_205 = tpu.memref_squeeze %dma_start3A_204 : memref<1x1x128xi32, #tpu.memory_space<hbm>> -> memref<128xi32, #tpu.memory_space<hbm>>
            %dma_start3A_206 = tpu.memref_slice %arg4[%arg0, %add3A_52, %mul3A_188] : memref<2x32x10368xi32, #tpu.memory_space<hbm>> -> memref<1x1x128xi32, #tpu.memory_space<hbm>>
            %dma_start3A_207 = tpu.memref_squeeze %dma_start3A_206 : memref<1x1x128xi32, #tpu.memory_space<hbm>> -> memref<128xi32, #tpu.memory_space<hbm>>
            tpu.enqueue_dma source(%dma_start3A_207 : memref<128xi32, #tpu.memory_space<hbm>>) target(%arg9 : memref<128xi32, #tpu.memory_space<vmem>>) target_semaphore(%run_scoped3A : memref<!tpu.dma_semaphore, #tpu.memory_space<semaphore_mem>>)
            %dma_wait3A_208 = tpu.memref_slice %arg4[%arg0, %add3A_52, %mul3A_188] : memref<2x32x10368xi32, #tpu.memory_space<hbm>> -> memref<1x1x128xi32, #tpu.memory_space<hbm>>
            %dma_wait3A_209 = tpu.memref_squeeze %dma_wait3A_208 : memref<1x1x128xi32, #tpu.memory_space<hbm>> -> memref<128xi32, #tpu.memory_space<hbm>>
            %dma_wait3A_210 = tpu.memref_slice %arg4[%arg0, %add3A_52, %mul3A_188] : memref<2x32x10368xi32, #tpu.memory_space<hbm>> -> memref<1x1x128xi32, #tpu.memory_space<hbm>>
            %dma_wait3A_211 = tpu.memref_squeeze %dma_wait3A_210 : memref<1x1x128xi32, #tpu.memory_space<hbm>> -> memref<128xi32, #tpu.memory_space<hbm>>
            tpu.wait_dma2 semaphore(%run_scoped3A : memref<!tpu.dma_semaphore, #tpu.memory_space<semaphore_mem>>) src(%dma_wait3A_211 : memref<128xi32, #tpu.memory_space<hbm>>) dst(%arg9 : memref<128xi32, #tpu.memory_space<vmem>>)
            tpu.yield
          }) : () -> ()
          %dma_start3A = arith.constant 0 : i32
          %dma_start3A_189 = arith.constant 0 : i32
          %dma_start3A_190 = tpu.memref_slice %arg13[%dma_start3A, %dma_start3A_189] : memref<128x128xf32, #tpu.memory_space<vmem>> -> memref<64x128xf32, #tpu.memory_space<vmem>>
          %dma_start3A_191 = arith.constant 0 : i32
          %dma_start3A_192 = tpu.memref_slice %arg7[%dma_start3A_191] : memref<128xi32, #tpu.memory_space<vmem>> -> memref<64xi32, #tpu.memory_space<vmem>>
          %dma_start3A_193 = arith.constant 0 : i32
          %dma_start3A_194 = arith.constant 0 : i32
          %dma_start3A_195 = tpu.memref_slice %arg2[%dma_start3A_193, %dma_start3A_194] : memref<10240x128xf32, #tpu.memory_space<hbm>> -> memref<10240x128xf32, #tpu.memory_space<hbm>>
          tpu.enqueue_indirect_dma source(%dma_start3A_195 : memref<10240x128xf32, #tpu.memory_space<hbm>>) target(%dma_start3A_190 : memref<64x128xf32, #tpu.memory_space<vmem>>) offsets(%dma_start3A_192 : memref<64xi32, #tpu.memory_space<vmem>>) semaphore(%arg17 : memref<!tpu.dma_semaphore, #tpu.memory_space<semaphore_mem>>)
          %dma_start3A_196 = arith.constant 64 : i32
          %dma_start3A_197 = arith.constant 0 : i32
          %dma_start3A_198 = tpu.memref_slice %arg13[%dma_start3A_196, %dma_start3A_197] : memref<128x128xf32, #tpu.memory_space<vmem>> -> memref<64x128xf32, #tpu.memory_space<vmem>>
          %dma_start3A_199 = arith.constant 64 : i32
          %dma_start3A_200 = tpu.memref_slice %arg7[%dma_start3A_199] : memref<128xi32, #tpu.memory_space<vmem>> -> memref<64xi32, #tpu.memory_space<vmem>>
          %dma_start3A_201 = arith.constant 0 : i32
          %dma_start3A_202 = arith.constant 0 : i32
          %dma_start3A_203 = tpu.memref_slice %arg2[%dma_start3A_201, %dma_start3A_202] : memref<10240x128xf32, #tpu.memory_space<hbm>> -> memref<10240x128xf32, #tpu.memory_space<hbm>>
          tpu.enqueue_indirect_dma source(%dma_start3A_203 : memref<10240x128xf32, #tpu.memory_space<hbm>>) target(%dma_start3A_198 : memref<64x128xf32, #tpu.memory_space<vmem>>) offsets(%dma_start3A_200 : memref<64xi32, #tpu.memory_space<vmem>>) semaphore(%arg19 : memref<!tpu.dma_semaphore, #tpu.memory_space<semaphore_mem>>)
        } else {
        }
        %get3A_140 = arith.constant 0 : index
        %get3A_141 = tpu.vector_load %arg10[%get3A_140] {strides = array<i32>} : memref<128xi32, #tpu.memory_space<vmem>>, vector<16xi32>,
        %sub3A_142 = vector.broadcast %mul3A_2 : i32 to vector<16xi32>
        %sub3A_143 = arith.subi %get3A_141, %sub3A_142 : vector<16xi32>
        %swap3A = arith.constant 0 : index
        %swap3A_144 = tpu.vector_load %arg12[%swap3A] {strides = array<i32>} : memref<128xi32, #tpu.memory_space<vmem>>, vector<16xi32>,
        tpu.vector_store %arg12[%swap3A], %sub3A_143 {strides = array<i32>} : memref<128xi32, #tpu.memory_space<vmem>>, vector<16xi32>,
        %get3A_145 = arith.constant 16 : index
        %get3A_146 = tpu.vector_load %arg10[%get3A_145] {strides = array<i32>} : memref<128xi32, #tpu.memory_space<vmem>>, vector<16xi32>,
        %sub3A_147 = vector.broadcast %mul3A_2 : i32 to vector<16xi32>
        %sub3A_148 = arith.subi %get3A_146, %sub3A_147 : vector<16xi32>
        %swap3A_149 = arith.constant 16 : index
        %swap3A_150 = tpu.vector_load %arg12[%swap3A_149] {strides = array<i32>} : memref<128xi32, #tpu.memory_space<vmem>>, vector<16xi32>,
        tpu.vector_store %arg12[%swap3A_149], %sub3A_148 {strides = array<i32>} : memref<128xi32, #tpu.memory_space<vmem>>, vector<16xi32>,
        %get3A_151 = arith.constant 32 : index
        %get3A_152 = tpu.vector_load %arg10[%get3A_151] {strides = array<i32>} : memref<128xi32, #tpu.memory_space<vmem>>, vector<16xi32>,
        %sub3A_153 = vector.broadcast %mul3A_2 : i32 to vector<16xi32>
        %sub3A_154 = arith.subi %get3A_152, %sub3A_153 : vector<16xi32>
        %swap3A_155 = arith.constant 32 : index
        %swap3A_156 = tpu.vector_load %arg12[%swap3A_155] {strides = array<i32>} : memref<128xi32, #tpu.memory_space<vmem>>, vector<16xi32>,
        tpu.vector_store %arg12[%swap3A_155], %sub3A_154 {strides = array<i32>} : memref<128xi32, #tpu.memory_space<vmem>>, vector<16xi32>,
        %get3A_157 = arith.constant 48 : index
        %get3A_158 = tpu.vector_load %arg10[%get3A_157] {strides = array<i32>} : memref<128xi32, #tpu.memory_space<vmem>>, vector<16xi32>,
        %sub3A_159 = vector.broadcast %mul3A_2 : i32 to vector<16xi32>
        %sub3A_160 = arith.subi %get3A_158, %sub3A_159 : vector<16xi32>
        %swap3A_161 = arith.constant 48 : index
        %swap3A_162 = tpu.vector_load %arg12[%swap3A_161] {strides = array<i32>} : memref<128xi32, #tpu.memory_space<vmem>>, vector<16xi32>,
        tpu.vector_store %arg12[%swap3A_161], %sub3A_160 {strides = array<i32>} : memref<128xi32, #tpu.memory_space<vmem>>, vector<16xi32>,
        %get3A_163 = arith.constant 64 : index
        %get3A_164 = tpu.vector_load %arg10[%get3A_163] {strides = array<i32>} : memref<128xi32, #tpu.memory_space<vmem>>, vector<16xi32>,
        %sub3A_165 = vector.broadcast %mul3A_2 : i32 to vector<16xi32>
        %sub3A_166 = arith.subi %get3A_164, %sub3A_165 : vector<16xi32>
        %swap3A_167 = arith.constant 64 : index
        %swap3A_168 = tpu.vector_load %arg12[%swap3A_167] {strides = array<i32>} : memref<128xi32, #tpu.memory_space<vmem>>, vector<16xi32>,
        tpu.vector_store %arg12[%swap3A_167], %sub3A_166 {strides = array<i32>} : memref<128xi32, #tpu.memory_space<vmem>>, vector<16xi32>,
        %get3A_169 = arith.constant 80 : index
        %get3A_170 = tpu.vector_load %arg10[%get3A_169] {strides = array<i32>} : memref<128xi32, #tpu.memory_space<vmem>>, vector<16xi32>,
        %sub3A_171 = vector.broadcast %mul3A_2 : i32 to vector<16xi32>
        %sub3A_172 = arith.subi %get3A_170, %sub3A_171 : vector<16xi32>
        %swap3A_173 = arith.constant 80 : index
        %swap3A_174 = tpu.vector_load %arg12[%swap3A_173] {strides = array<i32>} : memref<128xi32, #tpu.memory_space<vmem>>, vector<16xi32>,
        tpu.vector_store %arg12[%swap3A_173], %sub3A_172 {strides = array<i32>} : memref<128xi32, #tpu.memory_space<vmem>>, vector<16xi32>,
        %get3A_175 = arith.constant 96 : index
        %get3A_176 = tpu.vector_load %arg10[%get3A_175] {strides = array<i32>} : memref<128xi32, #tpu.memory_space<vmem>>, vector<16xi32>,
        %sub3A_177 = vector.broadcast %mul3A_2 : i32 to vector<16xi32>
        %sub3A_178 = arith.subi %get3A_176, %sub3A_177 : vector<16xi32>
        %swap3A_179 = arith.constant 96 : index
        %swap3A_180 = tpu.vector_load %arg12[%swap3A_179] {strides = array<i32>} : memref<128xi32, #tpu.memory_space<vmem>>, vector<16xi32>,
        tpu.vector_store %arg12[%swap3A_179], %sub3A_178 {strides = array<i32>} : memref<128xi32, #tpu.memory_space<vmem>>, vector<16xi32>,
        %get3A_181 = arith.constant 112 : index
        %get3A_182 = tpu.vector_load %arg10[%get3A_181] {strides = array<i32>} : memref<128xi32, #tpu.memory_space<vmem>>, vector<16xi32>,
        %sub3A_183 = vector.broadcast %mul3A_2 : i32 to vector<16xi32>
        %sub3A_184 = arith.subi %get3A_182, %sub3A_183 : vector<16xi32>
        %swap3A_185 = arith.constant 112 : index
        %swap3A_186 = tpu.vector_load %arg12[%swap3A_185] {strides = array<i32>} : memref<128xi32, #tpu.memory_space<vmem>>, vector<16xi32>,
        tpu.vector_store %arg12[%swap3A_185], %sub3A_184 {strides = array<i32>} : memref<128xi32, #tpu.memory_space<vmem>>, vector<16xi32>,
        "tpu.region"() ({
          %run_scoped3A = tpu.sem_alloc : memref<!tpu.dma_semaphore, #tpu.memory_space<semaphore_mem>>
          %dma_start3A = arith.constant 0 : i32
          %dma_start3A_187 = arith.constant 0 : i32
          %dma_start3A_188 = tpu.memref_slice %arg21[%dma_start3A, %dma_start3A_187] : memref<5248x128xf32, #tpu.memory_space<vmem_shared>> -> memref<5248x128xf32, #tpu.memory_space<vmem_shared>>
          tpu.enqueue_indirect_dma source(%arg14 : memref<128x128xf32, #tpu.memory_space<vmem>>) target(%dma_start3A_188 : memref<5248x128xf32, #tpu.memory_space<vmem_shared>>) offsets(%arg12 : memref<128xi32, #tpu.memory_space<vmem>>) semaphore(%run_scoped3A : memref<!tpu.dma_semaphore, #tpu.memory_space<semaphore_mem>>) {add = true}
          %dma_wait3A_189 = arith.constant 0 : i32
          %dma_wait3A_190 = arith.constant 0 : i32
          %dma_wait3A_191 = tpu.memref_slice %arg21[%dma_wait3A_189, %dma_wait3A_190] : memref<5248x128xf32, #tpu.memory_space<vmem_shared>> -> memref<5248x128xf32, #tpu.memory_space<vmem_shared>>
          tpu.wait_indirect_dma semaphore(%run_scoped3A : memref<!tpu.dma_semaphore, #tpu.memory_space<semaphore_mem>>) src(%arg14 : memref<128x128xf32, #tpu.memory_space<vmem>>) dst(%dma_wait3A_191 : memref<5248x128xf32, #tpu.memory_space<vmem_shared>>)
          tpu.yield
        }) : () -> ()
      } else {
      }
    }
    %barrier3A_106 = arith.constant 0 : index
    tpu.barrier barrier_id(%barrier3A_106)
    "tpu.region"() ({
      %run_scoped3A = tpu.sem_alloc : memref<!tpu.dma_semaphore, #tpu.memory_space<semaphore_mem>>
      %dma_start3A = arith.constant 0 : i32
      %dma_start3A_107 = tpu.memref_slice %arg21[%mul3A_0, %dma_start3A] : memref<5248x128xf32, #tpu.memory_space<vmem_shared>> -> memref<320x128xf32, #tpu.memory_space<vmem_shared>>
      %dma_start3A_108 = arith.constant 0 : i32
      %dma_start3A_109 = tpu.memref_slice %arg21[%mul3A_0, %dma_start3A_108] : memref<5248x128xf32, #tpu.memory_space<vmem_shared>> -> memref<320x128xf32, #tpu.memory_space<vmem_shared>>
      tpu.enqueue_dma source(%dma_start3A_109 : memref<320x128xf32, #tpu.memory_space<vmem_shared>>) target(%arg15 : memref<320x128xf32, #tpu.memory_space<vmem>>) target_semaphore(%run_scoped3A : memref<!tpu.dma_semaphore, #tpu.memory_space<semaphore_mem>>)
      %dma_wait3A = arith.constant 0 : i32
      %dma_wait3A_110 = tpu.memref_slice %arg21[%mul3A_0, %dma_wait3A] : memref<5248x128xf32, #tpu.memory_space<vmem_shared>> -> memref<320x128xf32, #tpu.memory_space<vmem_shared>>
      %dma_wait3A_111 = arith.constant 0 : i32
      %dma_wait3A_112 = tpu.memref_slice %arg21[%mul3A_0, %dma_wait3A_111] : memref<5248x128xf32, #tpu.memory_space<vmem_shared>> -> memref<320x128xf32, #tpu.memory_space<vmem_shared>>
      tpu.wait_dma2 semaphore(%run_scoped3A : memref<!tpu.dma_semaphore, #tpu.memory_space<semaphore_mem>>) src(%dma_wait3A_112 : memref<320x128xf32, #tpu.memory_space<vmem_shared>>) dst(%arg15 : memref<320x128xf32, #tpu.memory_space<vmem>>)
      tpu.yield
    }) : () -> ()
    "tpu.region"() ({
      %run_scoped3A = tpu.sem_alloc : memref<!tpu.dma_semaphore, #tpu.memory_space<semaphore_mem>>
      %dma_start3A = arith.constant 0 : i32
      %dma_start3A_107 = tpu.memref_slice %arg6[%arg0, %mul3A_0, %dma_start3A] : memref<2x5120x128xf32, #tpu.memory_space<hbm>> -> memref<1x320x128xf32, #tpu.memory_space<hbm>>
      %dma_start3A_108 = tpu.memref_squeeze %dma_start3A_107 : memref<1x320x128xf32, #tpu.memory_space<hbm>> -> memref<320x128xf32, #tpu.memory_space<hbm>>
      %dma_start3A_109 = arith.constant 0 : i32
      %dma_start3A_110 = tpu.memref_slice %arg6[%arg0, %mul3A_0, %dma_start3A_109] : memref<2x5120x128xf32, #tpu.memory_space<hbm>> -> memref<1x320x128xf32, #tpu.memory_space<hbm>>
      %dma_start3A_111 = tpu.memref_squeeze %dma_start3A_110 : memref<1x320x128xf32, #tpu.memory_space<hbm>> -> memref<320x128xf32, #tpu.memory_space<hbm>>
      tpu.enqueue_dma source(%arg15 : memref<320x128xf32, #tpu.memory_space<vmem>>) target(%dma_start3A_111 : memref<320x128xf32, #tpu.memory_space<hbm>>) target_semaphore(%run_scoped3A : memref<!tpu.dma_semaphore, #tpu.memory_space<semaphore_mem>>)
      %dma_wait3A = arith.constant 0 : i32
      %dma_wait3A_112 = tpu.memref_slice %arg6[%arg0, %mul3A_0, %dma_wait3A] : memref<2x5120x128xf32, #tpu.memory_space<hbm>> -> memref<1x320x128xf32, #tpu.memory_space<hbm>>
      %dma_wait3A_113 = tpu.memref_squeeze %dma_wait3A_112 : memref<1x320x128xf32, #tpu.memory_space<hbm>> -> memref<320x128xf32, #tpu.memory_space<hbm>>
      %dma_wait3A_114 = arith.constant 0 : i32
      %dma_wait3A_115 = tpu.memref_slice %arg6[%arg0, %mul3A_0, %dma_wait3A_114] : memref<2x5120x128xf32, #tpu.memory_space<hbm>> -> memref<1x320x128xf32, #tpu.memory_space<hbm>>
      %dma_wait3A_116 = tpu.memref_squeeze %dma_wait3A_115 : memref<1x320x128xf32, #tpu.memory_space<hbm>> -> memref<320x128xf32, #tpu.memory_space<hbm>>
      tpu.wait_dma2 semaphore(%run_scoped3A : memref<!tpu.dma_semaphore, #tpu.memory_space<semaphore_mem>>) src(%arg15 : memref<320x128xf32, #tpu.memory_space<vmem>>) dst(%dma_wait3A_116 : memref<320x128xf32, #tpu.memory_space<hbm>>)
      tpu.yield
    }) : () -> ()
    return
  }
}

module attributes {stable_mosaic.version = 14 : i64} {
  func.func @_mid_body(%arg0: memref<10240x128xf32, #tpu.memory_space<vmem>>, %arg1: memref<2x32x10240xf32, #tpu.memory_space<vmem>>, %arg2: memref<128xf32, #tpu.memory_space<vmem>>, %arg3: memref<128xf32, #tpu.memory_space<vmem>>, %arg4: memref<128xf32, #tpu.memory_space<vmem>>, %arg5: memref<128x128xf32, #tpu.memory_space<vmem>>, %arg6: memref<10240x128xf32, #tpu.memory_space<vmem>>) attributes {dimension_semantics = [], scalar_prefetch = 0 : i64, scratch_operands = 0 : i64, tpu.core_type = #tpu.core_type<tc>} {
    %get3A = arith.constant 0 : index
    %get3A_0 = arith.constant 0 : index
    %get3A_1 = arith.constant 0 : index
    %get3A_2 = vector.load %arg1[%get3A, %get3A_0, %get3A_1] : memref<2x32x10240xf32, #tpu.memory_space<vmem>>, vector<2x32x10240xf32>
    %slice3A = vector.extract_strided_slice %get3A_2 {offsets = [0, 0, 0], sizes = [1, 32, 10240], strides = [1, 1, 1]} : vector<2x32x10240xf32> to vector<1x32x10240xf32>
    %squeeze3A = vector.shape_cast %slice3A : vector<1x32x10240xf32> to vector<32x10240xf32>
    %reduce_sum3A = arith.constant dense<0.000000e+00> : vector<10240xf32>
    %reduce_sum3A_3 = vector.multi_reduction <add>, %squeeze3A, %reduce_sum3A [0] : vector<32x10240xf32> to vector<10240xf32>
    %slice3A_4 = vector.extract_strided_slice %get3A_2 {offsets = [1, 0, 0], sizes = [1, 32, 10240], strides = [1, 1, 1]} : vector<2x32x10240xf32> to vector<1x32x10240xf32>
    %squeeze3A_5 = vector.shape_cast %slice3A_4 : vector<1x32x10240xf32> to vector<32x10240xf32>
    %reduce_sum3A_6 = arith.constant dense<0.000000e+00> : vector<10240xf32>
    %reduce_sum3A_7 = vector.multi_reduction <add>, %squeeze3A_5, %reduce_sum3A_6 [0] : vector<32x10240xf32> to vector<10240xf32>
    %max3A = arith.constant 1.000000e+00 : f32
    %max3A_8 = vector.broadcast %max3A : f32 to vector<10240xf32>
    %max3A_9 = arith.maximumf %reduce_sum3A_3, %max3A_8 : vector<10240xf32>
    %rsqrt3A = math.rsqrt %max3A_9 : vector<10240xf32>
    %max3A_10 = arith.constant 1.000000e+00 : f32
    %max3A_11 = vector.broadcast %max3A_10 : f32 to vector<10240xf32>
    %max3A_12 = arith.maximumf %reduce_sum3A_7, %max3A_11 : vector<10240xf32>
    %rsqrt3A_13 = math.rsqrt %max3A_12 : vector<10240xf32>
    %get3A_14 = arith.constant 0 : index
    %get3A_15 = arith.constant 0 : index
    %get3A_16 = vector.load %arg0[%get3A_14, %get3A_15] : memref<10240x128xf32, #tpu.memory_space<vmem>>, vector<10240x128xf32>
    %broadcast_in_dim3A = vector.shape_cast %rsqrt3A_13 : vector<10240xf32> to vector<10240x1xf32>
    %mul3A = vector.broadcast %broadcast_in_dim3A : vector<10240x1xf32> to vector<10240x128xf32>
    %mul3A_17 = arith.mulf %get3A_16, %mul3A : vector<10240x128xf32>
    %get3A_18 = arith.constant 0 : index
    %get3A_19 = vector.load %arg2[%get3A_18] : memref<128xf32, #tpu.memory_space<vmem>>, vector<128xf32>
    %broadcast_in_dim3A_20 = vector.shape_cast %get3A_19 : vector<128xf32> to vector<1x128xf32>
    %add3A = vector.broadcast %broadcast_in_dim3A_20 : vector<1x128xf32> to vector<10240x128xf32>
    %add3A_21 = arith.addf %mul3A_17, %add3A : vector<10240x128xf32>
    %iota3A = tpu.iota {dimensions = array<i32: 0>} : vector<10240x1xi32>
    %lt3A = arith.constant 10000 : i32
    %lt3A_22 = vector.broadcast %lt3A : i32 to vector<10240x1xi32>
    %lt3A_23 = arith.cmpi slt, %iota3A, %lt3A_22 : vector<10240x1xi32>
    %convert_element_type3A = arith.extui %lt3A_23 : vector<10240x1xi1> to vector<10240x1xi32>
    %convert_element_type3A_24 = arith.sitofp %convert_element_type3A : vector<10240x1xi32> to vector<10240x1xf32>
    %mul3A_25 = vector.broadcast %convert_element_type3A_24 : vector<10240x1xf32> to vector<10240x128xf32>
    %mul3A_26 = arith.mulf %add3A_21, %mul3A_25 : vector<10240x128xf32>
    %reduce_sum3A_27 = arith.constant dense<0.000000e+00> : vector<128xf32>
    %reduce_sum3A_28 = vector.multi_reduction <add>, %mul3A_26, %reduce_sum3A_27 [0] : vector<10240x128xf32> to vector<128xf32>
    %div3A = arith.constant 1.000000e+04 : f32
    %div3A_29 = vector.broadcast %div3A : f32 to vector<128xf32>
    %div3A_30 = arith.divf %reduce_sum3A_28, %div3A_29 : vector<128xf32>
    %broadcast_in_dim3A_31 = vector.shape_cast %div3A_30 : vector<128xf32> to vector<1x128xf32>
    %sub3A = vector.broadcast %broadcast_in_dim3A_31 : vector<1x128xf32> to vector<10240x128xf32>
    %sub3A_32 = arith.subf %add3A_21, %sub3A : vector<10240x128xf32>
    %mul3A_33 = arith.mulf %sub3A_32, %sub3A_32 : vector<10240x128xf32>
    %mul3A_34 = vector.broadcast %convert_element_type3A_24 : vector<10240x1xf32> to vector<10240x128xf32>
    %mul3A_35 = arith.mulf %mul3A_33, %mul3A_34 : vector<10240x128xf32>
    %reduce_sum3A_36 = arith.constant dense<0.000000e+00> : vector<128xf32>
    %reduce_sum3A_37 = vector.multi_reduction <add>, %mul3A_35, %reduce_sum3A_36 [0] : vector<10240x128xf32> to vector<128xf32>
    %div3A_38 = arith.constant 1.000000e+04 : f32
    %div3A_39 = vector.broadcast %div3A_38 : f32 to vector<128xf32>
    %div3A_40 = arith.divf %reduce_sum3A_37, %div3A_39 : vector<128xf32>
    %add3A_41 = arith.constant 9.99999974E-6 : f32
    %add3A_42 = vector.broadcast %add3A_41 : f32 to vector<128xf32>
    %add3A_43 = arith.addf %div3A_40, %add3A_42 : vector<128xf32>
    %rsqrt3A_44 = math.rsqrt %add3A_43 : vector<128xf32>
    %broadcast_in_dim3A_45 = vector.shape_cast %rsqrt3A_44 : vector<128xf32> to vector<1x128xf32>
    %mul3A_46 = vector.broadcast %broadcast_in_dim3A_45 : vector<1x128xf32> to vector<10240x128xf32>
    %mul3A_47 = arith.mulf %sub3A_32, %mul3A_46 : vector<10240x128xf32>
    %get3A_48 = arith.constant 0 : index
    %get3A_49 = vector.load %arg3[%get3A_48] : memref<128xf32, #tpu.memory_space<vmem>>, vector<128xf32>
    %broadcast_in_dim3A_50 = vector.shape_cast %get3A_49 : vector<128xf32> to vector<1x128xf32>
    %mul3A_51 = vector.broadcast %broadcast_in_dim3A_50 : vector<1x128xf32> to vector<10240x128xf32>
    %mul3A_52 = arith.mulf %mul3A_47, %mul3A_51 : vector<10240x128xf32>
    %get3A_53 = arith.constant 0 : index
    %get3A_54 = vector.load %arg4[%get3A_53] : memref<128xf32, #tpu.memory_space<vmem>>, vector<128xf32>
    %broadcast_in_dim3A_55 = vector.shape_cast %get3A_54 : vector<128xf32> to vector<1x128xf32>
    %add3A_56 = vector.broadcast %broadcast_in_dim3A_55 : vector<1x128xf32> to vector<10240x128xf32>
    %add3A_57 = arith.addf %mul3A_52, %add3A_56 : vector<10240x128xf32>
    %max3A_58 = arith.constant 0.000000e+00 : f32
    %max3A_59 = vector.broadcast %max3A_58 : f32 to vector<10240x128xf32>
    %max3A_60 = arith.maximumf %add3A_57, %max3A_59 : vector<10240x128xf32>
    %get3A_61 = arith.constant 0 : index
    %get3A_62 = arith.constant 0 : index
    %get3A_63 = vector.load %arg5[%get3A_61, %get3A_62] : memref<128x128xf32, #tpu.memory_space<vmem>>, vector<128x128xf32>
    %dot_general3A = arith.constant dense<0.000000e+00> : vector<10240x128xf32>
    %dot_general3A_64 = tpu.matmul %max3A_60, %get3A_63, %dot_general3A {dimension_numbers = #tpu.dot_dimension_numbers<[1], [0], [0], [1], [0, 0, 1, 1], [], []>, transpose_lhs_hint = false} : vector<10240x128xf32>, vector<128x128xf32>, vector<10240x128xf32> -> vector<10240x128xf32>
    %broadcast_in_dim3A_65 = vector.shape_cast %rsqrt3A : vector<10240xf32> to vector<10240x1xf32>
    %mul3A_66 = vector.broadcast %broadcast_in_dim3A_65 : vector<10240x1xf32> to vector<10240x128xf32>
    %mul3A_67 = arith.mulf %dot_general3A_64, %mul3A_66 : vector<10240x128xf32>
    %mul3A_68 = vector.broadcast %convert_element_type3A_24 : vector<10240x1xf32> to vector<10240x128xf32>
    %mul3A_69 = arith.mulf %mul3A_67, %mul3A_68 : vector<10240x128xf32>
    %swap3A = arith.constant 0 : index
    %swap3A_70 = arith.constant 0 : index
    %swap3A_71 = vector.load %arg6[%swap3A, %swap3A_70] : memref<10240x128xf32, #tpu.memory_space<vmem>>, vector<10240x128xf32>
    tpu.vector_store %arg6[%swap3A, %swap3A_70], %mul3A_69 {strides = array<i32>} : memref<10240x128xf32, #tpu.memory_space<vmem>>, vector<10240x128xf32>,
    return
  }
}

module attributes {stable_mosaic.version = 14 : i64} {
  func.func @_z1_body(%arg0: memref<10000x128xf32, #tpu.memory_space<vmem>>, %arg1: memref<128x128xf32, #tpu.memory_space<vmem>>, %arg2: memref<2x32x10240xf32, #tpu.memory_space<vmem>>, %arg3: memref<10240x128xf32, #tpu.memory_space<vmem>>) attributes {dimension_semantics = [], scalar_prefetch = 0 : i64, scratch_operands = 0 : i64, tpu.core_type = #tpu.core_type<tc>} {
    %get3A = arith.constant 0 : index
    %get3A_0 = arith.constant 0 : index
    %get3A_1 = arith.constant 0 : index
    %get3A_2 = vector.load %arg2[%get3A, %get3A_0, %get3A_1] : memref<2x32x10240xf32, #tpu.memory_space<vmem>>, vector<2x32x10240xf32>
    %slice3A = vector.extract_strided_slice %get3A_2 {offsets = [0, 0, 0], sizes = [1, 32, 10240], strides = [1, 1, 1]} : vector<2x32x10240xf32> to vector<1x32x10240xf32>
    %squeeze3A = vector.shape_cast %slice3A : vector<1x32x10240xf32> to vector<32x10240xf32>
    %reduce_sum3A = arith.constant dense<0.000000e+00> : vector<10240xf32>
    %reduce_sum3A_3 = vector.multi_reduction <add>, %squeeze3A, %reduce_sum3A [0] : vector<32x10240xf32> to vector<10240xf32>
    %max3A = arith.constant 1.000000e+00 : f32
    %max3A_4 = vector.broadcast %max3A : f32 to vector<10240xf32>
    %max3A_5 = arith.maximumf %reduce_sum3A_3, %max3A_4 : vector<10240xf32>
    %rsqrt3A = math.rsqrt %max3A_5 : vector<10240xf32>
    %get3A_6 = arith.constant 0 : index
    %get3A_7 = arith.constant 0 : index
    %get3A_8 = vector.load %arg0[%get3A_6, %get3A_7] : memref<10000x128xf32, #tpu.memory_space<vmem>>, vector<10000x128xf32>
    %get3A_9 = arith.constant 0 : index
    %get3A_10 = arith.constant 0 : index
    %get3A_11 = vector.load %arg1[%get3A_9, %get3A_10] : memref<128x128xf32, #tpu.memory_space<vmem>>, vector<128x128xf32>
    %dot_general3A = arith.constant dense<0.000000e+00> : vector<10000x128xf32>
    %dot_general3A_12 = tpu.matmul %get3A_8, %get3A_11, %dot_general3A {dimension_numbers = #tpu.dot_dimension_numbers<[1], [0], [0], [1], [0, 0, 1, 1], [], []>, transpose_lhs_hint = false} : vector<10000x128xf32>, vector<128x128xf32>, vector<10000x128xf32> -> vector<10000x128xf32>
    %slice3A_13 = vector.extract_strided_slice %rsqrt3A {offsets = [0], sizes = [10000], strides = [1]} : vector<10240xf32> to vector<10000xf32>
    %broadcast_in_dim3A = vector.shape_cast %slice3A_13 : vector<10000xf32> to vector<10000x1xf32>
    %mul3A = vector.broadcast %broadcast_in_dim3A : vector<10000x1xf32> to vector<10000x128xf32>
    %mul3A_14 = arith.mulf %dot_general3A_12, %mul3A : vector<10000x128xf32>
    %swap3A = arith.constant 0 : index
    %swap3A_15 = arith.constant 0 : index
    %swap3A_16 = vector.load %arg3[%swap3A, %swap3A_15] : memref<10240x128xf32, #tpu.memory_space<vmem>>, vector<10000x128xf32>
    tpu.vector_store %arg3[%swap3A, %swap3A_15], %mul3A_14 {strides = array<i32>} : memref<10240x128xf32, #tpu.memory_space<vmem>>, vector<10000x128xf32>,
    %broadcast_in_dim3A_17 = arith.constant 0.000000e+00 : f32
    %broadcast_in_dim3A_18 = vector.broadcast %broadcast_in_dim3A_17 : f32 to vector<240x128xf32>
    %swap3A_19 = arith.constant 10000 : index
    %swap3A_20 = arith.constant 0 : index
    %swap3A_21 = vector.load %arg3[%swap3A_19, %swap3A_20] : memref<10240x128xf32, #tpu.memory_space<vmem>>, vector<240x128xf32>
    tpu.vector_store %arg3[%swap3A_19, %swap3A_20], %broadcast_in_dim3A_18 {strides = array<i32>} : memref<10240x128xf32, #tpu.memory_space<vmem>>, vector<240x128xf32>,
    return
  }
}

module attributes {stable_mosaic.version = 14 : i64} {
  func.func @_out_body(%arg0: memref<10240x128xf32, #tpu.memory_space<vmem>>, %arg1: memref<2x32x10240xf32, #tpu.memory_space<vmem>>, %arg2: memref<64xf32, #tpu.memory_space<vmem>>, %arg3: memref<64xf32, #tpu.memory_space<vmem>>, %arg4: memref<64xf32, #tpu.memory_space<vmem>>, %arg5: memref<10000x64xf32, #tpu.memory_space<vmem>>) attributes {dimension_semantics = [], scalar_prefetch = 0 : i64, scratch_operands = 0 : i64, tpu.core_type = #tpu.core_type<tc>} {
    %get3A = arith.constant 0 : index
    %get3A_0 = arith.constant 0 : index
    %get3A_1 = arith.constant 0 : index
    %get3A_2 = vector.load %arg1[%get3A, %get3A_0, %get3A_1] : memref<2x32x10240xf32, #tpu.memory_space<vmem>>, vector<2x32x10240xf32>
    %slice3A = vector.extract_strided_slice %get3A_2 {offsets = [1, 0, 0], sizes = [1, 32, 10240], strides = [1, 1, 1]} : vector<2x32x10240xf32> to vector<1x32x10240xf32>
    %squeeze3A = vector.shape_cast %slice3A : vector<1x32x10240xf32> to vector<32x10240xf32>
    %reduce_sum3A = arith.constant dense<0.000000e+00> : vector<10240xf32>
    %reduce_sum3A_3 = vector.multi_reduction <add>, %squeeze3A, %reduce_sum3A [0] : vector<32x10240xf32> to vector<10240xf32>
    %max3A = arith.constant 1.000000e+00 : f32
    %max3A_4 = vector.broadcast %max3A : f32 to vector<10240xf32>
    %max3A_5 = arith.maximumf %reduce_sum3A_3, %max3A_4 : vector<10240xf32>
    %rsqrt3A = math.rsqrt %max3A_5 : vector<10240xf32>
    %get3A_6 = arith.constant 0 : index
    %get3A_7 = arith.constant 0 : index
    %get3A_8 = vector.load %arg0[%get3A_6, %get3A_7] : memref<10240x128xf32, #tpu.memory_space<vmem>>, vector<10240x128xf32>
    %slice3A_9 = vector.extract_strided_slice %get3A_8 {offsets = [0, 0], sizes = [10240, 64], strides = [1, 1]} : vector<10240x128xf32> to vector<10240x64xf32>
    %broadcast_in_dim3A = vector.shape_cast %rsqrt3A : vector<10240xf32> to vector<10240x1xf32>
    %mul3A = vector.broadcast %broadcast_in_dim3A : vector<10240x1xf32> to vector<10240x64xf32>
    %mul3A_10 = arith.mulf %slice3A_9, %mul3A : vector<10240x64xf32>
    %get3A_11 = arith.constant 0 : index
    %get3A_12 = vector.load %arg2[%get3A_11] : memref<64xf32, #tpu.memory_space<vmem>>, vector<64xf32>
    %broadcast_in_dim3A_13 = vector.shape_cast %get3A_12 : vector<64xf32> to vector<1x64xf32>
    %add3A = vector.broadcast %broadcast_in_dim3A_13 : vector<1x64xf32> to vector<10240x64xf32>
    %add3A_14 = arith.addf %mul3A_10, %add3A : vector<10240x64xf32>
    %iota3A = tpu.iota {dimensions = array<i32: 0>} : vector<10240x1xi32>
    %lt3A = arith.constant 10000 : i32
    %lt3A_15 = vector.broadcast %lt3A : i32 to vector<10240x1xi32>
    %lt3A_16 = arith.cmpi slt, %iota3A, %lt3A_15 : vector<10240x1xi32>
    %convert_element_type3A = arith.extui %lt3A_16 : vector<10240x1xi1> to vector<10240x1xi32>
    %convert_element_type3A_17 = arith.sitofp %convert_element_type3A : vector<10240x1xi32> to vector<10240x1xf32>
    %mul3A_18 = vector.broadcast %convert_element_type3A_17 : vector<10240x1xf32> to vector<10240x64xf32>
    %mul3A_19 = arith.mulf %add3A_14, %mul3A_18 : vector<10240x64xf32>
    %reduce_sum3A_20 = arith.constant dense<0.000000e+00> : vector<64xf32>
    %reduce_sum3A_21 = vector.multi_reduction <add>, %mul3A_19, %reduce_sum3A_20 [0] : vector<10240x64xf32> to vector<64xf32>
    %div3A = arith.constant 1.000000e+04 : f32
    %div3A_22 = vector.broadcast %div3A : f32 to vector<64xf32>
    %div3A_23 = arith.divf %reduce_sum3A_21, %div3A_22 : vector<64xf32>
    %broadcast_in_dim3A_24 = vector.shape_cast %div3A_23 : vector<64xf32> to vector<1x64xf32>
    %sub3A = vector.broadcast %broadcast_in_dim3A_24 : vector<1x64xf32> to vector<10240x64xf32>
    %sub3A_25 = arith.subf %add3A_14, %sub3A : vector<10240x64xf32>
    %mul3A_26 = arith.mulf %sub3A_25, %sub3A_25 : vector<10240x64xf32>
    %mul3A_27 = vector.broadcast %convert_element_type3A_17 : vector<10240x1xf32> to vector<10240x64xf32>
    %mul3A_28 = arith.mulf %mul3A_26, %mul3A_27 : vector<10240x64xf32>
    %reduce_sum3A_29 = arith.constant dense<0.000000e+00> : vector<64xf32>
    %reduce_sum3A_30 = vector.multi_reduction <add>, %mul3A_28, %reduce_sum3A_29 [0] : vector<10240x64xf32> to vector<64xf32>
    %div3A_31 = arith.constant 1.000000e+04 : f32
    %div3A_32 = vector.broadcast %div3A_31 : f32 to vector<64xf32>
    %div3A_33 = arith.divf %reduce_sum3A_30, %div3A_32 : vector<64xf32>
    %add3A_34 = arith.constant 9.99999974E-6 : f32
    %add3A_35 = vector.broadcast %add3A_34 : f32 to vector<64xf32>
    %add3A_36 = arith.addf %div3A_33, %add3A_35 : vector<64xf32>
    %rsqrt3A_37 = math.rsqrt %add3A_36 : vector<64xf32>
    %broadcast_in_dim3A_38 = vector.shape_cast %rsqrt3A_37 : vector<64xf32> to vector<1x64xf32>
    %mul3A_39 = vector.broadcast %broadcast_in_dim3A_38 : vector<1x64xf32> to vector<10240x64xf32>
    %mul3A_40 = arith.mulf %sub3A_25, %mul3A_39 : vector<10240x64xf32>
    %get3A_41 = arith.constant 0 : index
    %get3A_42 = vector.load %arg3[%get3A_41] : memref<64xf32, #tpu.memory_space<vmem>>, vector<64xf32>
    %broadcast_in_dim3A_43 = vector.shape_cast %get3A_42 : vector<64xf32> to vector<1x64xf32>
    %mul3A_44 = vector.broadcast %broadcast_in_dim3A_43 : vector<1x64xf32> to vector<10240x64xf32>
    %mul3A_45 = arith.mulf %mul3A_40, %mul3A_44 : vector<10240x64xf32>
    %get3A_46 = arith.constant 0 : index
    %get3A_47 = vector.load %arg4[%get3A_46] : memref<64xf32, #tpu.memory_space<vmem>>, vector<64xf32>
    %broadcast_in_dim3A_48 = vector.shape_cast %get3A_47 : vector<64xf32> to vector<1x64xf32>
    %add3A_49 = vector.broadcast %broadcast_in_dim3A_48 : vector<1x64xf32> to vector<10240x64xf32>
    %add3A_50 = arith.addf %mul3A_45, %add3A_49 : vector<10240x64xf32>
    %slice3A_51 = vector.extract_strided_slice %add3A_50 {offsets = [0, 0], sizes = [10000, 64], strides = [1, 1]} : vector<10240x64xf32> to vector<10000x64xf32>
    %reduce_max3A = arith.constant dense<0xFF800000> : vector<10000xf32>
    %reduce_max3A_52 = vector.multi_reduction <maximumf>, %slice3A_51, %reduce_max3A [1] : vector<10000x64xf32> to vector<10000xf32>
    %broadcast_in_dim3A_53 = vector.shape_cast %reduce_max3A_52 : vector<10000xf32> to vector<10000x1xf32>
    %sub3A_54 = vector.broadcast %broadcast_in_dim3A_53 : vector<10000x1xf32> to vector<10000x64xf32>
    %sub3A_55 = arith.subf %slice3A_51, %sub3A_54 : vector<10000x64xf32>
    %exp3A = math.exp %sub3A_55 : vector<10000x64xf32>
    %reduce_sum3A_56 = arith.constant dense<0.000000e+00> : vector<10000xf32>
    %reduce_sum3A_57 = vector.multi_reduction <add>, %exp3A, %reduce_sum3A_56 [1] : vector<10000x64xf32> to vector<10000xf32>
    %broadcast_in_dim3A_58 = vector.shape_cast %reduce_sum3A_57 : vector<10000xf32> to vector<10000x1xf32>
    %log3A = math.log %broadcast_in_dim3A_58 : vector<10000x1xf32>
    %sub3A_59 = vector.broadcast %broadcast_in_dim3A_53 : vector<10000x1xf32> to vector<10000x64xf32>
    %sub3A_60 = arith.subf %slice3A_51, %sub3A_59 : vector<10000x64xf32>
    %sub3A_61 = vector.broadcast %log3A : vector<10000x1xf32> to vector<10000x64xf32>
    %sub3A_62 = arith.subf %sub3A_60, %sub3A_61 : vector<10000x64xf32>
    %swap3A = arith.constant 0 : index
    %swap3A_63 = arith.constant 0 : index
    %swap3A_64 = vector.load %arg5[%swap3A, %swap3A_63] : memref<10000x64xf32, #tpu.memory_space<vmem>>, vector<10000x64xf32>
    tpu.vector_store %arg5[%swap3A, %swap3A_63], %sub3A_62 {strides = array<i32>} : memref<10000x64xf32, #tpu.memory_space<vmem>>, vector<10000x64xf32>,
    return
  }
}

</mosaic_0001>

<sc_bundles>
// kernel: kernel.11.cloned.1.call-start
scs
__scs_entry_jumppad:
0x0: {  	(pc) =	sbr.rel $0x88, $3  }
0x1: {  	(tag) =	ssettag $0x0;
	lr =	simm.s32 $0x1  }
0x2: {  	[smem:$0x3F97] =	sst lr;
	_ =	strace $0xD0000000  }
0x3: {  	_ = 	snop  }
0x4: {  	_ = 	snop  }
0x5: {  	_ = 	snop  }
0x6: {  	_ = 	snop  }
0x7: {  	_ = 	snop  }
__scs_overlays_trampoline_lowered:
0x8: {  	[smem:$0x3FA6] =	sst s0  }
0x9: {  	[smem:$0x3FA7] =	sst s1  }
0xa: {  	[smem:$0x3FA8] =	sst s2  }
0xb: {  	[smem:$0x3FA9] =	sst s3  }
0xc: {  	[smem:$0x3FAA] =	sst s4  }
0xd: {  	[smem:$0x3FAB] =	sst s5  }
0xe: {  	[smem:$0x3FAC] =	sst s6  }
0xf: {  	[smem:$0x3FAD] =	sst s7  }
0x10: {  	[smem:$0x3FAE] =	sst s8  }
0x11: {  	[smem:$0x3FAF] =	sst s9;
	s0 =	simm.s32 @!p0 $0x0  }
0x12: {  	s1 =	sld [smem:$0x3F95];
	s0 =	simm.s32 @p0 $0x1  }
0x13: {  	[smem:$0x3FB0] =	sst s0;
	s0 =	simm.s32 @!p1 $0x0  }
0x14: {  	s2 =	sld [smem:$0x3F94];
	s0 =	simm.s32 @p1 $0x1  }
0x15: {  	[smem:$0x3FB1] =	sst s0;
	s0 =	simm.s32 @!p2 $0x0  }
0x16: {  	s3 =	sld [smem:$0x3FDB];
	s0 =	simm.s32 @p2 $0x1  }
0x17: {  	s4 =	simm.s32 $0x1BF5;
	[smem:$0x3FB3] =	sst s0  }
0x18: {  	s0 =	sld [smem:$0x3F96];
	_ =	swait.ge [sflag:s4], $0x0  }
0x19: {  	s7 =	sld [smem:$0x3F97]  }
0x1a: {  	s8 =	sadd.s32 $0xFFFFE003, lr  }
0x1b: {  	s9 =	sadd.s32 $0xFFFFFEF7, lr;
	s5 =	simm.s32 $0xFFFFFFFF;
	p2 =	slt.u32 s8, $0xFFFFF086  }
0x1c: {  	p1 =	slt.u32 s9, $0xF7A;
	s5 =	simm.s32 @!p2 $0x0  }
0x1d: {  	s5 =	simm.s32 @p1 $0x1;
	p0 =	seq.s32 s7, s2  }
0x1e: {  	s7 =	smul.u32 @!p0 $0xF7A, s2;
	p2 =	seq.s32 @!p0 s5, $0x0  }
0x1f: {  	s9 =	smul.u32 $0xF7A, s1;
	s8 =	simm.s32 @!p0 $0x1BF5;
	p2 =	por !p2, p0  }
0x20: {  	[sflag:s8] =	ssyncset.s32 @!p0 $0xFFFFF086;
	s6 =	sadd.s32 @!p0 s3, s7;
	s7 =	simm.s32 @!p0 $0x108  }
0x21: {  	s3 =	sadd.s32 s3, s9;
	s6 =	sadd.s32 @!p0 $0x88, s6;
	s7 =	simm.s32 @p2 $0x1082  }
0x22: {  	[simem:s7], [sflag:s8] =	dma.local @!p0 [hbm:s6], $0xF7A  }
0x23: {  	s9 =	sor.u32 $0xD0000000, s2;
	s6 =	simm.s32 $0x108;
	_ =	swait.ge @!p0 [sflag:s8], $0x0  }
0x24: {  	s3 =	sadd.s32 $0x88, s3;
	s6 =	simm.s32 @!p1 $0x1082;
	[sflag:s4] =	ssyncset.s32 $0xFFFFF086  }
0x25: {  	[simem:s6], [sflag:s4] =	dma.local [hbm:s3], $0xF7A  }
0x26: {  	[smem:$0x3F97] =	sst s1;
	(tag) =	ssettag s2;
	_ =	strace s9  }
0x27: {  	s1 =	sld [smem:$0x3FA7]  }
0x28: {  	s2 =	sld [smem:$0x3FA8]  }
0x29: {  	s4 =	sld [smem:$0x3FAA]  }
0x2a: {  	p0 =	seq.s32 s5, $0x0;
	s5 =	sld [smem:$0x3FAB]  }
0x2b: {  	s6 =	sld [smem:$0x3FAC]  }
0x2c: {  	s7 =	sld [smem:$0x3FAD]  }
0x2d: {  	s3 =	simm.s32 $0x108;
	s8 =	sld [smem:$0x3FAE]  }
0x2e: {  	s3 =	simm.s32 @!p0 $0x1082;
	s9 =	sld [smem:$0x3FAF]  }
0x2f: {  	lr =	sadd.s32 s0, s3;
	s0 =	sld [smem:$0x3FA6]  }
0x30: {  	s3 =	sld [smem:$0x3FA9]  }
0x31: {  	[smem:$0x3FB2] =	sst s10  }
0x32: {  	s10 =	sld [smem:$0x3FB0];
	_ =	sdelay $0x3  }
0x33: {  	p0 =	seq.s32 s10, $0x1;
	s10 =	sld [smem:$0x3FB2];
	_ =	sdelay $0x3  }
0x34: {  	[smem:$0x3FB2] =	sst s10  }
0x35: {  	s10 =	sld [smem:$0x3FB1];
	_ =	sdelay $0x3  }
0x36: {  	p1 =	seq.s32 s10, $0x1;
	s10 =	sld [smem:$0x3FB2];
	_ =	sdelay $0x3  }
0x37: {  	[smem:$0x3FB2] =	sst s10  }
0x38: {  	s10 =	sld [smem:$0x3FB3]  }
0x39: {  	_ = 	snop;
	(pc) =	sbr.ind lr, $3  }
0x3a: {  	_ = 	snop  }
0x3b: {  	_ = 	snop  }
0x3c: {  	p2 =	seq.s32 s10, $0x1;
	s10 =	sld [smem:$0x3FB2]  }
0x3d: {  	_ =	shalt  }
0x3e: {  	_ =	shalt  }
0x3f: {  	_ =	shalt  }
0x40: {  	_ =	shalt  }
0x41: {  	_ =	shalt  }
0x42: {  	_ =	shalt  }
0x43: {  	_ =	shalt  }
0x44: {  	_ =	shalt  }
0x45: {  	_ =	shalt  }
0x46: {  	_ =	shalt  }
0x47: {  	_ =	shalt  }
0x48: {  	_ =	shalt  }
0x49: {  	_ =	shalt  }
0x4a: {  	_ =	shalt  }
0x4b: {  	_ =	shalt  }
0x4c: {  	_ =	shalt  }
0x4d: {  	_ =	shalt  }
0x4e: {  	_ =	shalt  }
0x4f: {  	_ =	shalt  }
0x50: {  	_ =	shalt  }
0x51: {  	_ =	shalt  }
0x52: {  	_ =	shalt  }
0x53: {  	_ =	shalt  }
0x54: {  	_ =	shalt  }
0x55: {  	_ =	shalt  }
0x56: {  	_ =	shalt  }
0x57: {  	_ =	shalt  }
0x58: {  	_ =	shalt  }
0x59: {  	_ =	shalt  }
0x5a: {  	_ =	shalt  }
0x5b: {  	_ =	shalt  }
0x5c: {  	_ =	shalt  }
0x5d: {  	_ =	shalt  }
0x5e: {  	_ =	shalt  }
0x5f: {  	_ =	shalt  }
0x60: {  	_ =	shalt  }
0x61: {  	_ =	shalt  }
0x62: {  	_ =	shalt  }
0x63: {  	_ =	shalt  }
0x64: {  	_ =	shalt  }
0x65: {  	_ =	shalt  }
0x66: {  	_ =	shalt  }
0x67: {  	_ =	shalt  }
0x68: {  	_ =	shalt  }
0x69: {  	_ =	shalt  }
0x6a: {  	_ =	shalt  }
0x6b: {  	_ =	shalt  }
0x6c: {  	_ =	shalt  }
0x6d: {  	_ =	shalt  }
0x6e: {  	_ =	shalt  }
0x6f: {  	_ =	shalt  }
0x70: {  	_ =	shalt  }
0x71: {  	_ =	shalt  }
0x72: {  	_ =	shalt  }
0x73: {  	_ =	shalt  }
0x74: {  	_ =	shalt  }
0x75: {  	_ =	shalt  }
0x76: {  	_ =	shalt  }
0x77: {  	_ =	shalt  }
0x78: {  	_ =	shalt  }
0x79: {  	_ =	shalt  }
0x7a: {  	_ =	shalt  }
0x7b: {  	_ =	shalt  }
0x7c: {  	_ =	shalt  }
0x7d: {  	_ =	shalt  }
0x7e: {  	_ =	shalt  }
0x7f: {  	_ =	shalt  }
0x80: {  	_ =	shalt  }
0x81: {  	_ =	shalt  }
0x82: {  	_ =	shalt  }
0x83: {  	_ =	shalt  }
0x84: {  	_ =	shalt  }
0x85: {  	_ =	shalt  }
0x86: {  	_ =	shalt  }
0x87: {  	_ =	shalt  }
.Lfunc_end0:
.L_simem_size_0:
called_computation.1_lowered:
.L_overlay_start_0:
0x88: {  	s2 =	sld [smem:$0x3FD9]  }
0x89: {  	s3 =	sld [smem:$0x3FFE];
	_ =	sdelay $0x1  }
0x8a: {  	s1 =	srdreg.scid  }
0x8b: {  	s0 =	sand.u32 $0x1, s1  }
0x8c: {  	s16 =	sshll.u32 s0, $0xA;
	s2 =	sadd.s32 s3, s2  }
0x8d: {  	s2 =	sadd.s32 s2, s16  }
0x8e: {  	[smem:$0x3FBE] =	sst s2  }
0x8f: {  	_ = 	snop  }
0x90: {  	(tm) =	ssettm $0x1  }
0x91: {  	s17 =	sld [smem:$0x3FFB];
	_ =	sdelay $0x3  }
0x92: {  	_ =	strace s17  }
0x93: {  	s2 =	sld [smem:$0x3FFC];
	_ =	sdelay $0x3  }
0x94: {  	_ =	strace s2  }
0x95: {  	s2 =	sld [smem:$0x3FFD];
	_ =	sdelay $0x3  }
0x96: {  	_ =	strace s2  }
0x97: {  	_ =	strace $0x8FFFFFFF  }
0x98: {  	s18 =	sld [smem:$0x3FDB];
	_ =	sdelay $0x1  }
0x99: {  	s19 =	simm.s32 $_scs_section_size  }
0x9a: {  	s4 =	simm.s32 $_size__tile_overlayer_lowered;
	s5 =	simm.s32 $_tile_overlayer_lowered  }
0x9b: {  	s22 =	simm.s32 $0x1BFF;
	s21 =	sshll.u32 s5, $0x1;
	s2 =	sadd.s32 s19, s18  }
0x9c: {  	s6 =	simm.s32 $0x0;
	s20 =	sshll.u32 s4, $0x1;
	s4 =	sadd.s32 s21, s2  }
0x9d: {  	[timem:s6], [sflag:s22] =	dma.local [hbm:s4], s20  }
0x9e: {  	_ =	swait.ge [sflag:s22], s20  }
0x9f: {  	s3 =	ssub.s32 $0x0, s20;
	[sflag:s22] =	ssyncset.done $0x0  }
0xa0: {  	[sflag:s22] =	ssyncadd.s32 s3;
	_ =	sdelay $0x1  }
0xa1: {  	s23 =	simm.s32 $0x1B8B  }
0xa2: {  	_ =	swait.ge [sflag:s23], $0x1  }
0xa3: {  	[sflag:s23] =	ssyncset.done $0x0  }
0xa4: {  	s25 =	simm.s32 $0x1B8E;
	s24 =	sld [smem:$0x3FFE];
	[sflag:s23] =	ssyncadd.s32 $0xFFFFFFFF  }
0xa5: {  	s26 =	simm.s32 $execute0_lowered;
	[smem:$0x3FD2] =	sst s25  }
0xa6: {  	s4 =	sshll.u32 s26, $0x1;
	_ =	strace $0x80000049;
	[dreg:$0x1] =	wrdreg $0xFFFFFFFF  }
0xa7: {  	s28 =	simm.s32 $_size_execute0_lowered;
	s2 =	sadd.s32 s2, s4;
	[dreg:$0x0] =	wrdreg $0x0  }
0xa8: {  	s4 =	sshll.u32 s28, $0x1;
	[dreg:$0x2] =	wrdreg s2  }
0xa9: {  	[dreg:$0x3] =	wrdreg s4  }
0xaa: {  	[dreg:$0x4] =	wrdreg $0xC0  }
0xab: {  	_ =	task [dreg:s6], $0x5FFFF  }
0xac: {  	[dreg:$0x1] =	wrdreg $0xFFFFFFFF  }
0xad: {  	[dreg:$0x0] =	wrdreg $0x60  }
0xae: {  	[dreg:$0x2] =	wrdreg s24  }
0xaf: {  	[dreg:$0x3] =	wrdreg $0x123800  }
0xb0: {  	[dreg:$0x4] =	wrdreg $0x9  }
0xb1: {  	_ =	task.clear_ibuf [dreg:s6], $0x5FFFF;
	_ =	strace $0x90000049  }
0xb2: {  	s29 =	simm.s32 $0x9;
	_ =	strace $0x8000004B  }
0xb3: {  	_ =	swait.ge [sflag:s29], $0x1  }
0xb4: {  	[sflag:s29] =	ssyncadd.s32 $0xFFFFFFFF  }
0xb5: {  	_ =	strace $0x9000004B  }
0xb6: {  	_ =	sfence  }
0xb7: {  	s30 =	sld [smem:$0x0];
	_ =	sdelay $0x2  }
0xb8: {  	s31 =	sshll.u32 s1, $0xD;
	s1 =	sshrl.u32 s1, $0x2  }
0xb9: {  	s3 =	sand.u32 $0x4000, s31;
	s1 =	sadd.s32 s1, s30  }
0xba: {  	s0 =	sor.u32 s3, s0;
	s1 =	sshll.u32 s1, $0x11  }
0xbb: {  	s0 =	sor.u32 s1, s0  }
0xbc: {  	s0 =	sadd.s32 $0x8F2B, s0  }
0xbd: {  	[sflag:s0] =	ssyncadd.remote.s32 $0x1  }
0xbe: {  	_ =	sfence.sel $0xFFFF  }
0xbf: {  	[dreg:$0x0] =	wrdreg $0xFFFFFFFF;
	(pc) =	sbr.abs _section_cstart, $3  }
0xc0: {  	[dreg:$0x1] =	wrdreg $0xFFFFFFFF  }
0xc1: {  	_ =	task.clear_ibuf [dreg:s6], $0x2FFFF;
	_ =	strace $0x9FFFFFFF  }
0xc2: {  	(tm) =	ssettm $0x7FFFFFFF  }
0xc3: {  	_ =	shalt  }
tec
execute0_lowered:
.L_overlay_start_1:
0x0: {  	(tag) =	ssettag $0x1  }
0x1: {  	s7 =	rddreg [dreg:$0x0]  }
0x2: {  	s1 =	rddreg [dreg:$0x1]  }
0x3: {  	s2 =	srdreg.scid;
	s0 =	rddreg [dreg:$0x2];
	s3 =	simm.s32 $0x0  }
0x4: {  	s20 =	simm.s32 $0x12300;
	s16 =	sand.u32 $0x1, s2;
	s2 =	stileid.u32  }
0x5: {  	s21 =	simm.s32 $0x0;
	[smem:$0x7FF] =	sst s3;
	s8 =	smul.u32 $0xA0000, s16  }
0x6: {  	s4 =	sadd.s32 $0x49200, s7;
	s5 =	sadd.s32 $0x20800, s7;
	s9 =	smul.u32 $0xA000, s2  }
0x7: {  	s6 =	sadd.s32 $0x34C00, s7;
	s11 =	sadd.s32 $0x49000, s7;
	s26 =	smul.u32 $0x28000, s2  }
0x8: {  	_ =	strace $0x8000004A;
	s25 =	ssub.s32 $0x2, s16;
	s30 =	smul.u32 $0x51000, s16  }
0x9: {  	s28 =	sshrl.u32 s2, $0x2;
	s29 =	sshll.u32 s2, $0x8;
	s19 =	smul.u32 $0x1400, s16  }
0xa: {  	s10 =	sshrl.u32 s25, $0x1;
	s12 =	sshll.u32 s28, $0xA;
	s8 =	sadd.s32 s9, s8  }
0xb: {  	s15 =	ssub.s32 s25, s10;
	s9 =	sand.u32 $0x300, s29;
	s8 =	sshrl.u32 s8, $0x3  }
0xc: {  	v0 =	vmov s19;
	s19 =	simm.s32 $0x5;
	s14 =	sadd.s32 s8, s7;
	s8 =	smul.u32 $0x14400, s28  }
0xd: {  	s13 =	sor.u32 s9, s12;
	s15 =	smax.u32 s15, $0x1;
	s7 =	sshrl.u32 s26, $0x2  }
0xe: {  	s13 =	sshrl.u32 s13, $0x3;
	s7 =	sadd.s32 s7, s1;
	s10 =	sadd.s32 s30, s8  }
0xf: {  	s14 =	sadd.s32 $0x71200, s14;
	s8 =	sadd.s32 s11, s13;
	s17 =	sor.u32 s9, s10  }
.Ltmp0:
0x10: {  	s9 =	sor.u32 $0x80, s9;
	s31 =	sshrl.u32 s17, $0x3;
	(pc) =	sbr.rel .LBB2_1-.Ltmp0, $4  }
0x11: {  	v2 =	vmov s16;
	s12 =	sor.u32 s12, s9;
	s10 =	sor.u32 s9, s10;
	s16 =	sadd.s32 $0x400, s17  }
0x12: {  	s17 =	sadd.s32 $0x480, s17;
	s9 =	sadd.s32 s5, s31;
	s12 =	sshrl.u32 s12, $0x3  }
0x13: {  	v3 =	vlaneseq.u32;
	s18 =	sshrl.u32 s10, $0x3;
	s10 =	sadd.s32 s6, s31;
	s11 =	sadd.s32 s11, s12  }
0x14: {  	v1 =	vimm.f32 $0.0e+00;
	vm0 =	veq.s32 v2, v3;
	s12 =	sadd.s32 s5, s18;
	s13 =	sadd.s32 s6, s18;
	s18 =	simm.s32 $0x8300  }
.LBB2_10:
0x15: {  	v4 =	vld @!p1 [tilespmem:$0x1E0]  }
0x16: {  	v5 =	vld @!p1 [tilespmem:$0x1D0]  }
0x17: {  	v6 =	vld @!p1 [tilespmem:$0x1A0];
	v3 =	vsub.s32 @!p1 v3, v0  }
0x18: {  	v2 =	vsub.s32 @!p1 v2, v0;
	[tilespmem:$0x280] =	vst @!p1 v3;
	v3 =	vld @!p1 [tilespmem:$0x1F0]  }
0x19: {  	[tilespmem:$0x290] =	vst @!p1 v2;
	v2 =	vld @!p1 [tilespmem:$0x1B0]  }
0x1a: {  	v7 =	vld @!p1 [tilespmem:$0x1C0];
	v4 =	vsub.s32 @!p1 v4, v0  }
0x1b: {  	v5 =	vsub.s32 @!p1 v5, v0;
	[tilespmem:$0x2E0] =	vst @!p1 v4  }
0x1c: {  	[tilespmem:$0x2D0] =	vst @!p1 v5;
	v4 =	vsub.s32 @!p1 v6, v0  }
0x1d: {  	v3 =	vsub.s32 @!p1 v3, v0;
	[tilespmem:$0x2A0] =	vst @!p1 v4  }
0x1e: {  	v2 =	vsub.s32 @!p1 v2, v0;
	[tilespmem:$0x2F0] =	vst @!p1 v3  }
0x1f: {  	s22 =	simm.s32 @!p1 $0x80;
	v4 =	vsub.s32 @!p1 v7, v0;
	[tilespmem:$0x2B0] =	vst @!p1 v2  }
0x20: {  	s23 =	simm.s32 @!p1 $0x280;
	s24 =	simm.s32 @!p1 $0x4300;
	s25 =	simm.s32 @!p1 $0x5;
	[tilespmem:$0x2C0] =	vst @!p1 v4  }
0x21: {  	[spmem:s1] =	stream.indirect.scatter.add.f32 @!p1 [tilespmem:s24], [sflag:$0x5], $0x80, s23, s22, $0xb8;
	[tilespmem:$0x1C780] =	vst v63  }
0x22: {  	_ =	swait.ge @!p1 [sflag:s25], $0x4000  }
0x23: {  	[sflag:s25] =	ssyncset.done @!p1 $0x0  }
0x24: {  	[sflag:s25] =	ssyncadd.s32 @!p1 $0xFFFFC000  }
.LBB2_11:
0x25: {  	[bflag:$0x0] =	sbarrier.arrive $0xFFFF  }
0x26: {  	[tilespmem:s18], [sflag:$0x5] =	stream.linear.gather [spmem:s7], $0xA000, $0x38;
	[tilespmem:$0x1C780] =	vst v63  }
0x27: {  	s21 =	sadd.s32 $0x1, s21;
	_ =	swait.ge [sflag:s19], $0xA000  }
0x28: {  	p0 =	sne.s32 s21, s15;
	[sflag:s19] =	ssyncset.done $0x0  }
.Ltmp1:
0x29: {  	[sflag:s19] =	ssyncadd.s32 $0xFFFF6000;
	(pc) =	sbr.rel @!p0 .LBB2_12-.Ltmp1, $4  }
0x2a: {  	[hbm4b:s14+s3] =	stream.linear.scatter [tilespmem:s18], [sflag:$0x5], $0xA000, $0x38;
	[tilespmem:$0x1C780] =	vst v63  }
0x2b: {  	_ =	swait.ge [sflag:s19], $0xA000  }
0x2c: {  	[sflag:s19] =	ssyncset.done $0x0  }
0x2d: {  	[sflag:s19] =	ssyncadd.s32 $0xFFFF6000  }
.LBB2_1:
0x2e: {  	s22 =	simm.s32 $0x0;
	s23 =	simm.s32 $0x200  }
.LBB2_2:
0x2f: {  	p0 =	sne.s32 s23, $0x27E00;
	[tilespmem:s22+$0x8370] =	vst v1  }
0x30: {  	[tilespmem:s22+$0x8300] =	vst v1  }
0x31: {  	[tilespmem:s22+$0x8310] =	vst v1  }
.Ltmp2:
0x32: {  	[tilespmem:s22+$0x8320] =	vst v1;
	(pc) =	sbr.rel @p0 .LBB2_2-.Ltmp2, $4  }
0x33: {  	[tilespmem:s22+$0x8330] =	vst v1  }
0x34: {  	[tilespmem:s22+$0x8340] =	vst v1  }
0x35: {  	[tilespmem:s22+$0x8350] =	vst v1  }
0x36: {  	[tilespmem:s22+$0x8360] =	vst v1;
	s22 =	sshra.s32 s23, $0x2;
	s23 =	sadd.s32 $0x200, s23  }
0x37: {  	[tilespmem:s22+$0x8370] =	vst v1  }
0x38: {  	[tilespmem:s22+$0x8300] =	vst v1  }
0x39: {  	[tilespmem:s22+$0x8310] =	vst v1  }
0x3a: {  	[tilespmem:s22+$0x8320] =	vst v1  }
0x3b: {  	[tilespmem:s22+$0x8330] =	vst v1  }
0x3c: {  	[tilespmem:s22+$0x8340] =	vst v1  }
0x3d: {  	[tilespmem:s22+$0x8350] =	vst v1  }
0x3e: {  	[tilespmem:s22+$0x8360] =	vst v1  }
0x3f: {  	[spmem:s7] =	stream.linear.scatter [tilespmem:s18], [sflag:$0x5], $0xA000, $0x38;
	[tilespmem:$0x1C780] =	vst v63  }
0x40: {  	_ =	swait.ge [sflag:s19], $0xA000  }
0x41: {  	[sflag:s19] =	ssyncset.done $0x0  }
0x42: {  	[sflag:s19] =	ssyncadd.s32 $0xFFFF6000  }
0x43: {  	[bflag:$0x0] =	sbarrier.arrive $0xFFFF  }
0x44: {  	[tilespmem:s20], [sflag:$0x5] =	stream.linear.gather [hbm4b:s8+s3], $0x80, $0x38;
	[tilespmem:$0x1C780] =	vst v63  }
0x45: {  	_ =	swait.ge [sflag:s19], $0x80  }
0x46: {  	[sflag:s19] =	ssyncset.done $0x0  }
0x47: {  	[sflag:s19] =	ssyncadd.s32 $0xFFFFFF80  }
0x48: {  	v2 =	vld [tilespmem:$0x12300];
	_ =	sdelay $0x4  }
0x49: {  	v2 =	vnsel vm0, $0x0, v2  }
0x4a: {  	(xrf0) =	vadd.scan.msk.s32 $0xffff, v2;
	_ =	sdelay $0x5  }
0x4b: {  	v2, _, _ =	vpop (xrf0)  }
0x4c: {  	(v2sf) =	vpush v2, $0xF;
	_ =	sdelay $0xe  }
0x4d: {  	s22 =	spop (v2sf)  }
0x4e: {  	p0 =	slt.s32 s22, $0x1  }
0x4f: {  	s23 =	simm.s32 @!p0 $0x0;
	s24 =	simm.s32 @!p0 $0x5  }
0x50: {  	[tilespmem:s23], [sflag:$0x5] =	stream.linear.gather @!p0 [hbm4b:s9+s23], $0x80, $0x38;
	[tilespmem:$0x1C780] =	vst v63  }
0x51: {  	_ =	swait.ge @!p0 [sflag:s24], $0x80  }
0x52: {  	[sflag:s24] =	ssyncset.done @!p0 $0x0  }
0x53: {  	s25 =	simm.s32 @!p0 $0x100;
	[sflag:s24] =	ssyncadd.s32 @!p0 $0xFFFFFF80  }
0x54: {  	[tilespmem:s25], [sflag:$0x5] =	stream.linear.gather @!p0 [hbm4b:s10+s23], $0x80, $0x38;
	[tilespmem:$0x1C780] =	vst v63  }
0x55: {  	_ =	swait.ge @!p0 [sflag:s24], $0x80  }
0x56: {  	[sflag:s24] =	ssyncset.done @!p0 $0x0  }
0x57: {  	s25 =	simm.s32 @!p0 $0x300;
	[sflag:s24] =	ssyncadd.s32 @!p0 $0xFFFFFF80;
	s24 =	simm.s32 @!p0 $0x40  }
0x58: {  	[tilespmem:s25], [sflag:$0x1] =	stream.indirect.gather @!p0 [hbm4b:s4+s24], $0x80, s23, s24, $0xb8;
	[tilespmem:$0x1C780] =	vst v63  }
0x59: {  	s23 =	simm.s32 @!p0 $0x2300  }
0x5a: {  	[tilespmem:s23], [sflag:$0x3] =	stream.indirect.gather @!p0 [hbm4b:s4+s24], $0x80, s24, s24, $0xb8;
	[tilespmem:$0x1C780] =	vst v63  }
0x5b: {  	s28 =	sadd.s32 $0x1, s22;
	p0 =	slt.u32 s22, $0x7FFFFFFF;
	s24 =	simm.s32 $0x1  }
0x5c: {  	s29 =	sshra.s32 s28, $0x1F;
	s24 =	simm.s32 @!p0 $0x0  }
0x5d: {  	s30 =	sand.u32 $0x1, s28;
	s24 =	sadd.s32 s24, s29  }
0x5e: {  	p1 =	seq.s32 s30, $0x1;
	p6 =	sne.s32 s24, $0x1  }
0x5f: {  	s31 =	sshrl.u32 s28, $0x1F;
	p0 =	por !p6, !p1  }
0x60: {  	s23 =	sadd.s32 s31, s28;
	s24 =	simm.s32 $0x1;
	p0 =	por !p0, !p0  }
0x61: {  	s23 =	sshra.s32 s23, $0x1;
	s24 =	simm.s32 @!p0 $0x0  }
0x62: {  	s24 =	ssub.s32 s23, s24  }
0x63: {  	p0 =	slt.s32 s24, $0x1  }
.Ltmp3:
0x64: {  	_ = 	snop;
	(pc) =	sbr.rel @p0 .LBB2_7-.Ltmp3, $2  }
0x65: {  	_ =	sdelay $0x2  }
0x66: {  	s23 =	simm.s32 $0x1  }
0x67: {  	s25 =	sadd.s32 $0xFFFFFFFF, s23  }
0x68: {  	p0 =	sge.s32 s25, s22  }
0x69: {  	s25 =	simm.s32 @!p0 $0x1  }
0x6a: {  	_ =	swait.ge @!p0 [sflag:s25], $0x2000  }
0x6b: {  	p1 =	sge.s32 @!p0 s23, s22;
	[sflag:s25] =	ssyncset.done @!p0 $0x0  }
0x6c: {  	s26 =	simm.s32 @!p0 $0x3;
	p1 =	por p1, p0;
	[sflag:s25] =	ssyncadd.s32 @!p0 $0xFFFFE000  }
0x6d: {  	s28 =	simm.s32 @!p1 $0x0;
	_ =	swait.ge @!p0 [sflag:s26], $0x2000  }
0x6e: {  	s30 =	simm.s32 @!p1 $0x80;
	s25 =	sshrl.u32 @!p1 s16, $0x3;
	[sflag:s26] =	ssyncset.done @!p0 $0x0  }
0x6f: {  	s29 =	sadd.s32 @!p1 s5, s25;
	[sflag:s26] =	ssyncadd.s32 @!p0 $0xFFFFE000;
	s26 =	simm.s32 @!p1 $0x6  }
0x70: {  	[tilespmem:s30], [sflag:$0x6] =	stream.linear.gather @!p1 [hbm4b:s29+s28], $0x80, $0x38;
	[tilespmem:$0x1C780] =	vst v63  }
0x71: {  	_ =	swait.ge @!p1 [sflag:s26], $0x80  }
0x72: {  	[sflag:s26] =	ssyncset.done @!p1 $0x0  }
0x73: {  	s25 =	sadd.s32 @!p1 s6, s25;
	s29 =	simm.s32 @!p1 $0x180;
	[sflag:s26] =	ssyncadd.s32 @!p1 $0xFFFFFF80  }
0x74: {  	[tilespmem:s29], [sflag:$0x6] =	stream.linear.gather @!p1 [hbm4b:s25+s28], $0x80, $0x38;
	[tilespmem:$0x1C780] =	vst v63  }
0x75: {  	_ =	swait.ge @!p1 [sflag:s26], $0x80  }
0x76: {  	[sflag:s26] =	ssyncset.done @!p1 $0x0  }
0x77: {  	s25 =	simm.s32 @!p1 $0x40;
	[sflag:s26] =	ssyncadd.s32 @!p1 $0xFFFFFF80;
	s26 =	simm.s32 @!p1 $0x4300  }
0x78: {  	[tilespmem:s26], [sflag:$0x2] =	stream.indirect.gather @!p1 [hbm4b:s4+s25], $0x80, s30, s25, $0xb8;
	[tilespmem:$0x1C780] =	vst v63  }
0x79: {  	s28 =	simm.s32 @!p1 $0x6300;
	s26 =	simm.s32 @!p1 $0xC0  }
0x7a: {  	[tilespmem:s28], [sflag:$0x4] =	stream.indirect.gather @!p1 [hbm4b:s4+s25], $0x80, s26, s25, $0xb8;
	[tilespmem:$0x1C780] =	vst v63  }
0x7b: {  	v2 =	vld @!p0 [tilespmem:$0x170]  }
0x7c: {  	v3 =	vld @!p0 [tilespmem:$0x150]  }
0x7d: {  	v4 =	vld @!p0 [tilespmem:$0x160]  }
0x7e: {  	v5 =	vld @!p0 [tilespmem:$0x130]  }
0x7f: {  	v6 =	vld @!p0 [tilespmem:$0x120]  }
0x80: {  	v8 =	vld @!p0 [tilespmem:$0x110];
	v2 =	vsub.s32 @!p0 v2, v0  }
0x81: {  	v7 =	vld @!p0 [tilespmem:$0x140];
	v3 =	vsub.s32 @!p0 v3, v0;
	[tilespmem:$0x270] =	vst @!p0 v2  }
0x82: {  	v2 =	vld @!p0 [tilespmem:$0x100];
	[tilespmem:$0x250] =	vst @!p0 v3;
	v3 =	vsub.s32 @!p0 v4, v0  }
0x83: {  	v4 =	vsub.s32 @!p0 v5, v0;
	[tilespmem:$0x260] =	vst @!p0 v3  }
0x84: {  	v3 =	vsub.s32 @!p0 v6, v0;
	[tilespmem:$0x230] =	vst @!p0 v4  }
0x85: {  	v4 =	vsub.s32 @!p0 v8, v0;
	[tilespmem:$0x220] =	vst @!p0 v3  }
0x86: {  	v3 =	vsub.s32 @!p0 v7, v0;
	[tilespmem:$0x210] =	vst @!p0 v4  }
0x87: {  	s29 =	simm.s32 @!p0 $0x300;
	[tilespmem:$0x240] =	vst @!p0 v3;
	v2 =	vsub.s32 @!p0 v2, v0  }
0x88: {  	s25 =	simm.s32 @!p0 $0x6;
	s26 =	simm.s32 @!p0 $0x80;
	s28 =	simm.s32 @!p0 $0x200;
	[tilespmem:$0x200] =	vst @!p0 v2  }
0x89: {  	[spmem:s1] =	stream.indirect.scatter.add.f32 @!p0 [tilespmem:s29], [sflag:$0x6], $0x80, s28, s26, $0xb8;
	[tilespmem:$0x1C780] =	vst v63  }
0x8a: {  	_ =	swait.ge @!p0 [sflag:s25], $0x4000  }
0x8b: {  	p1 =	sge.s32 s23, s22;
	[sflag:s25] =	ssyncset.done @!p0 $0x0  }
0x8c: {  	[sflag:s25] =	ssyncadd.s32 @!p0 $0xFFFFC000;
	s25 =	simm.s32 @!p1 $0x2  }
0x8d: {  	s26 =	sadd.s32 $0x1, s23;
	_ =	swait.ge @!p1 [sflag:s25], $0x2000  }
0x8e: {  	p0 =	sge.s32 @!p1 s26, s22;
	[sflag:s25] =	ssyncset.done @!p1 $0x0  }
0x8f: {  	p0 =	por p0, p1;
	[sflag:s25] =	ssyncadd.s32 @!p1 $0xFFFFE000;
	s25 =	simm.s32 @!p1 $0x4  }
0x90: {  	s26 =	sadd.s32 @!p0 $0x400, s16;
	_ =	swait.ge @!p1 [sflag:s25], $0x2000  }
0x91: {  	s28 =	simm.s32 @!p0 $0x6;
	s26 =	sshrl.u32 @!p0 s26, $0x3;
	[sflag:s25] =	ssyncset.done @!p1 $0x0  }
0x92: {  	s29 =	simm.s32 @!p0 $0x0;
	[sflag:s25] =	ssyncadd.s32 @!p1 $0xFFFFE000;
	s25 =	sadd.s32 @!p0 s5, s26  }
0x93: {  	[tilespmem:s29], [sflag:$0x6] =	stream.linear.gather @!p0 [hbm4b:s25+s29], $0x80, $0x38;
	[tilespmem:$0x1C780] =	vst v63  }
0x94: {  	_ =	swait.ge @!p0 [sflag:s28], $0x80  }
0x95: {  	[sflag:s28] =	ssyncset.done @!p0 $0x0  }
0x96: {  	s25 =	sadd.s32 @!p0 s6, s26;
	s26 =	simm.s32 @!p0 $0x100;
	[sflag:s28] =	ssyncadd.s32 @!p0 $0xFFFFFF80  }
0x97: {  	[tilespmem:s26], [sflag:$0x6] =	stream.linear.gather @!p0 [hbm4b:s25+s29], $0x80, $0x38;
	[tilespmem:$0x1C780] =	vst v63  }
0x98: {  	_ =	swait.ge @!p0 [sflag:s28], $0x80  }
0x99: {  	[sflag:s28] =	ssyncset.done @!p0 $0x0  }
0x9a: {  	s25 =	simm.s32 @!p0 $0x40;
	s26 =	simm.s32 @!p0 $0x300;
	[sflag:s28] =	ssyncadd.s32 @!p0 $0xFFFFFF80  }
0x9b: {  	[tilespmem:s26], [sflag:$0x1] =	stream.indirect.gather @!p0 [hbm4b:s4+s25], $0x80, s29, s25, $0xb8;
	[tilespmem:$0x1C780] =	vst v63  }
0x9c: {  	s24 =	sadd.s32 $0xFFFFFFFF, s24;
	s26 =	simm.s32 @!p0 $0x2300  }
0x9d: {  	[tilespmem:s26], [sflag:$0x3] =	stream.indirect.gather @!p0 [hbm4b:s4+s25], $0x80, s25, s25, $0xb8;
	[tilespmem:$0x1C780] =	vst v63  }
0x9e: {  	p0 =	sne.s32 s24, $0x0  }
.Ltmp4:
0x9f: {  	_ = 	snop;
	(pc) =	sbr.rel @!p0 .LBB2_6-.Ltmp4, $3  }
0xa0: {  	_ =	sdelay $0x1  }
0xa1: {  	v3 =	vld @!p1 [tilespmem:$0x180]  }
0xa2: {  	s25 =	smov.u32 s16;
	v2 =	vld @!p1 [tilespmem:$0x190]  }
.LBB2_5:
0xa3: {  	s24 =	sadd.s32 $0xFFFFFFFF, s24;
	v4 =	vld @!p1 [tilespmem:$0x1E0];
	s25 =	sadd.s32 $0x800, s25;
	s23 =	sadd.s32 $0x2, s23  }
0xa4: {  	p0 =	sne.s32 s24, $0x0;
	v5 =	vld @!p1 [tilespmem:$0x1D0]  }
0xa5: {  	v6 =	vld @!p1 [tilespmem:$0x1B0]  }
0xa6: {  	v3 =	vsub.s32 @!p1 v3, v0;
	v7 =	vld @!p1 [tilespmem:$0x1A0]  }
0xa7: {  	[tilespmem:$0x280] =	vst @!p1 v3;
	v2 =	vsub.s32 @!p1 v2, v0;
	v3 =	vld @!p1 [tilespmem:$0x1C0]  }
0xa8: {  	[tilespmem:$0x290] =	vst @!p1 v2;
	v2 =	vsub.s32 @!p1 v4, v0;
	v4 =	vld @!p1 [tilespmem:$0x1F0]  }
0xa9: {  	v5 =	vsub.s32 @!p1 v5, v0;
	[tilespmem:$0x2E0] =	vst @!p1 v2  }
0xaa: {  	[tilespmem:$0x2D0] =	vst @!p1 v5  }
0xab: {  	v2 =	vsub.s32 @!p1 v7, v0  }
0xac: {  	[tilespmem:$0x2A0] =	vst @!p1 v2;
	v2 =	vsub.s32 @!p1 v6, v0;
	v3 =	vsub.s32 @!p1 v3, v0  }
0xad: {  	[tilespmem:$0x2C0] =	vst @!p1 v3;
	v3 =	vsub.s32 @!p1 v4, v0  }
0xae: {  	s26 =	simm.s32 @!p1 $0x80;
	s28 =	simm.s32 @!p1 $0x280;
	s29 =	simm.s32 @!p1 $0x4300;
	[tilespmem:$0x2F0] =	vst @!p1 v3  }
0xaf: {  	s31 =	simm.s32 @!p1 $0x5;
	s30 =	sadd.s32 $0xFFFFFFFF, s23;
	[tilespmem:$0x2B0] =	vst @!p1 v2  }
0xb0: {  	[spmem:s1] =	stream.indirect.scatter.add.f32 @!p1 [tilespmem:s29], [sflag:$0x5], $0x80, s28, s26, $0xb8;
	[tilespmem:$0x1C780] =	vst v63  }
0xb1: {  	p2 =	sge.s32 s30, s22;
	_ =	swait.ge @!p1 [sflag:s31], $0x4000  }
0xb2: {  	p3 =	sge.s32 @!p2 s23, s22;
	s26 =	simm.s32 @!p2 $0x1;
	[sflag:s31] =	ssyncset.done @!p1 $0x0  }
0xb3: {  	[sflag:s31] =	ssyncadd.s32 @!p1 $0xFFFFC000  }
0xb4: {  	_ =	swait.ge @!p2 [sflag:s26], $0x2000  }
0xb5: {  	s28 =	simm.s32 @!p2 $0x3;
	[sflag:s26] =	ssyncset.done @!p2 $0x0  }
0xb6: {  	p1 =	por p3, p2;
	[sflag:s26] =	ssyncadd.s32 @!p2 $0xFFFFE000  }
0xb7: {  	s29 =	simm.s32 @!p1 $0x0;
	s26 =	sshrl.u32 @!p1 s25, $0x3;
	_ =	swait.ge @!p2 [sflag:s28], $0x2000  }
0xb8: {  	s31 =	simm.s32 @!p1 $0x80;
	s30 =	sadd.s32 @!p1 s5, s26;
	[sflag:s28] =	ssyncset.done @!p2 $0x0  }
0xb9: {  	s26 =	sadd.s32 @!p1 s6, s26;
	[sflag:s28] =	ssyncadd.s32 @!p2 $0xFFFFE000;
	s28 =	simm.s32 @!p1 $0x6  }
0xba: {  	[tilespmem:s31], [sflag:$0x6] =	stream.linear.gather @!p1 [hbm4b:s30+s29], $0x80, $0x38;
	[tilespmem:$0x1C780] =	vst v63  }
0xbb: {  	_ =	swait.ge @!p1 [sflag:s28], $0x80  }
0xbc: {  	[sflag:s28] =	ssyncset.done @!p1 $0x0  }
0xbd: {  	s30 =	simm.s32 @!p1 $0x180;
	[sflag:s28] =	ssyncadd.s32 @!p1 $0xFFFFFF80  }
0xbe: {  	[tilespmem:s30], [sflag:$0x6] =	stream.linear.gather @!p1 [hbm4b:s26+s29], $0x80, $0x38;
	[tilespmem:$0x1C780] =	vst v63  }
0xbf: {  	_ =	swait.ge @!p1 [sflag:s28], $0x80  }
0xc0: {  	[sflag:s28] =	ssyncset.done @!p1 $0x0  }
0xc1: {  	s26 =	simm.s32 @!p1 $0x40;
	[sflag:s28] =	ssyncadd.s32 @!p1 $0xFFFFFF80;
	s28 =	simm.s32 @!p1 $0x4300  }
0xc2: {  	[tilespmem:s28], [sflag:$0x2] =	stream.indirect.gather @!p1 [hbm4b:s4+s26], $0x80, s31, s26, $0xb8;
	[tilespmem:$0x1C780] =	vst v63  }
0xc3: {  	s29 =	simm.s32 @!p1 $0x6300;
	s28 =	simm.s32 @!p1 $0xC0  }
0xc4: {  	[tilespmem:s29], [sflag:$0x4] =	stream.indirect.gather @!p1 [hbm4b:s4+s26], $0x80, s28, s26, $0xb8;
	[tilespmem:$0x1C780] =	vst v63  }
0xc5: {  	v2 =	vld @!p2 [tilespmem:$0x170]  }
0xc6: {  	v3 =	vld @!p2 [tilespmem:$0x150]  }
0xc7: {  	v4 =	vld @!p2 [tilespmem:$0x160]  }
0xc8: {  	v5 =	vld @!p2 [tilespmem:$0x130]  }
0xc9: {  	v6 =	vld @!p2 [tilespmem:$0x120]  }
0xca: {  	v7 =	vld @!p2 [tilespmem:$0x140];
	v2 =	vsub.s32 @!p2 v2, v0  }
0xcb: {  	v8 =	vld @!p2 [tilespmem:$0x110];
	v3 =	vsub.s32 @!p2 v3, v0;
	[tilespmem:$0x270] =	vst @!p2 v2  }
0xcc: {  	v2 =	vld @!p2 [tilespmem:$0x100];
	[tilespmem:$0x250] =	vst @!p2 v3;
	v3 =	vsub.s32 @!p2 v4, v0  }
0xcd: {  	v4 =	vsub.s32 @!p2 v5, v0;
	[tilespmem:$0x260] =	vst @!p2 v3  }
0xce: {  	v3 =	vsub.s32 @!p2 v6, v0;
	[tilespmem:$0x230] =	vst @!p2 v4  }
0xcf: {  	[tilespmem:$0x220] =	vst @!p2 v3;
	v3 =	vsub.s32 @!p2 v7, v0  }
0xd0: {  	v4 =	vsub.s32 @!p2 v8, v0;
	[tilespmem:$0x240] =	vst @!p2 v3  }
0xd1: {  	s26 =	simm.s32 @!p2 $0x6;
	v2 =	vsub.s32 @!p2 v2, v0;
	[tilespmem:$0x210] =	vst @!p2 v4  }
0xd2: {  	s30 =	simm.s32 @!p2 $0x300;
	s28 =	simm.s32 @!p2 $0x80;
	s29 =	simm.s32 @!p2 $0x200;
	[tilespmem:$0x200] =	vst @!p2 v2  }
0xd3: {  	[spmem:s1] =	stream.indirect.scatter.add.f32 @!p2 [tilespmem:s30], [sflag:$0x6], $0x80, s29, s28, $0xb8;
	[tilespmem:$0x1C780] =	vst v63  }
0xd4: {  	_ =	swait.ge @!p2 [sflag:s26], $0x4000  }
0xd5: {  	p1 =	sge.s32 s23, s22;
	[sflag:s26] =	ssyncset.done @!p2 $0x0  }
0xd6: {  	[sflag:s26] =	ssyncadd.s32 @!p2 $0xFFFFC000;
	s26 =	simm.s32 @!p1 $0x2  }
0xd7: {  	s28 =	sadd.s32 $0x1, s23;
	_ =	swait.ge @!p1 [sflag:s26], $0x2000  }
0xd8: {  	p2 =	sge.s32 @!p1 s28, s22;
	[sflag:s26] =	ssyncset.done @!p1 $0x0  }
0xd9: {  	p2 =	por p2, p1;
	[sflag:s26] =	ssyncadd.s32 @!p1 $0xFFFFE000;
	s26 =	simm.s32 @!p1 $0x4  }
0xda: {  	s28 =	sadd.s32 @!p2 $0x400, s25;
	_ =	swait.ge @!p1 [sflag:s26], $0x2000  }
0xdb: {  	s29 =	simm.s32 @!p2 $0x6;
	s28 =	sshrl.u32 @!p2 s28, $0x3;
	[sflag:s26] =	ssyncset.done @!p1 $0x0  }
0xdc: {  	s30 =	simm.s32 @!p2 $0x0;
	[sflag:s26] =	ssyncadd.s32 @!p1 $0xFFFFE000;
	s26 =	sadd.s32 @!p2 s5, s28  }
0xdd: {  	[tilespmem:s30], [sflag:$0x6] =	stream.linear.gather @!p2 [hbm4b:s26+s30], $0x80, $0x38;
	[tilespmem:$0x1C780] =	vst v63  }
0xde: {  	_ =	swait.ge @!p2 [sflag:s29], $0x80  }
0xdf: {  	[sflag:s29] =	ssyncset.done @!p2 $0x0  }
0xe0: {  	s26 =	sadd.s32 @!p2 s6, s28;
	s28 =	simm.s32 @!p2 $0x100;
	[sflag:s29] =	ssyncadd.s32 @!p2 $0xFFFFFF80  }
0xe1: {  	[tilespmem:s28], [sflag:$0x6] =	stream.linear.gather @!p2 [hbm4b:s26+s30], $0x80, $0x38;
	[tilespmem:$0x1C780] =	vst v63  }
0xe2: {  	_ =	swait.ge @!p2 [sflag:s29], $0x80  }
0xe3: {  	[sflag:s29] =	ssyncset.done @!p2 $0x0  }
0xe4: {  	s26 =	simm.s32 @!p2 $0x40;
	s28 =	simm.s32 @!p2 $0x300;
	[sflag:s29] =	ssyncadd.s32 @!p2 $0xFFFFFF80  }
0xe5: {  	[tilespmem:s28], [sflag:$0x1] =	stream.indirect.gather @!p2 [hbm4b:s4+s26], $0x80, s30, s26, $0xb8;
	[tilespmem:$0x1C780] =	vst v63  }
.Ltmp5:
0xe6: {  	_ = 	snop;
	(pc) =	sbr.rel @p0 .LBB2_5-.Ltmp5, $4  }
0xe7: {  	s28 =	simm.s32 @!p2 $0x2300  }
0xe8: {  	[tilespmem:s28], [sflag:$0x3] =	stream.indirect.gather @!p2 [hbm4b:s4+s26], $0x80, s26, s26, $0xb8;
	[tilespmem:$0x1C780] =	vst v63  }
0xe9: {  	v3 =	vld @!p1 [tilespmem:$0x180]  }
0xea: {  	v2 =	vld @!p1 [tilespmem:$0x190]  }
.LBB2_6:
0xeb: {  	v4 =	vld @!p1 [tilespmem:$0x1E0]  }
0xec: {  	v5 =	vld @!p1 [tilespmem:$0x1D0]  }
0xed: {  	v6 =	vld @!p1 [tilespmem:$0x1A0]  }
0xee: {  	v7 =	vld @!p1 [tilespmem:$0x1C0];
	v3 =	vsub.s32 @!p1 v3, v0  }
0xef: {  	[tilespmem:$0x280] =	vst @!p1 v3;
	v2 =	vsub.s32 @!p1 v2, v0;
	v3 =	vld @!p1 [tilespmem:$0x1F0]  }
0xf0: {  	[tilespmem:$0x290] =	vst @!p1 v2;
	v2 =	vld @!p1 [tilespmem:$0x1B0];
	v4 =	vsub.s32 @!p1 v4, v0  }
0xf1: {  	v5 =	vsub.s32 @!p1 v5, v0;
	[tilespmem:$0x2E0] =	vst @!p1 v4  }
0xf2: {  	[tilespmem:$0x2D0] =	vst @!p1 v5;
	v4 =	vsub.s32 @!p1 v6, v0  }
0xf3: {  	[tilespmem:$0x2A0] =	vst @!p1 v4;
	v4 =	vsub.s32 @!p1 v7, v0  }
0xf4: {  	[tilespmem:$0x2C0] =	vst @!p1 v4;
	v3 =	vsub.s32 @!p1 v3, v0  }
0xf5: {  	s22 =	simm.s32 @!p1 $0x80;
	v2 =	vsub.s32 @!p1 v2, v0;
	[tilespmem:$0x2F0] =	vst @!p1 v3  }
0xf6: {  	s23 =	simm.s32 @!p1 $0x280;
	s24 =	simm.s32 @!p1 $0x4300;
	s25 =	simm.s32 @!p1 $0x5;
	[tilespmem:$0x2B0] =	vst @!p1 v2  }
0xf7: {  	[spmem:s1] =	stream.indirect.scatter.add.f32 @!p1 [tilespmem:s24], [sflag:$0x5], $0x80, s23, s22, $0xb8;
	[tilespmem:$0x1C780] =	vst v63  }
0xf8: {  	_ =	swait.ge @!p1 [sflag:s25], $0x4000  }
0xf9: {  	[sflag:s25] =	ssyncset.done @!p1 $0x0  }
0xfa: {  	[sflag:s25] =	ssyncadd.s32 @!p1 $0xFFFFC000  }
.LBB2_7:
0xfb: {  	[tilespmem:s20], [sflag:$0x5] =	stream.linear.gather [hbm4b:s11+s3], $0x80, $0x38;
	[tilespmem:$0x1C780] =	vst v63  }
0xfc: {  	_ =	swait.ge [sflag:s19], $0x80  }
0xfd: {  	[sflag:s19] =	ssyncset.done $0x0  }
0xfe: {  	[sflag:s19] =	ssyncadd.s32 $0xFFFFFF80  }
0xff: {  	v2 =	vld [tilespmem:$0x12300];
	_ =	sdelay $0x4  }
0x100: {  	v2 =	vnsel vm0, $0x0, v2  }
0x101: {  	(xrf0) =	vadd.scan.msk.s32 $0xffff, v2;
	_ =	sdelay $0x5  }
0x102: {  	v2, _, _ =	vpop (xrf0)  }
0x103: {  	(v2sf) =	vpush v2, $0xF;
	_ =	sdelay $0xe  }
0x104: {  	s22 =	spop (v2sf)  }
0x105: {  	p0 =	slt.s32 s22, $0x1  }
0x106: {  	s23 =	simm.s32 @!p0 $0x0;
	s24 =	simm.s32 @!p0 $0x5  }
0x107: {  	[tilespmem:s23], [sflag:$0x5] =	stream.linear.gather @!p0 [hbm4b:s12+s23], $0x80, $0x38;
	[tilespmem:$0x1C780] =	vst v63  }
0x108: {  	_ =	swait.ge @!p0 [sflag:s24], $0x80  }
0x109: {  	[sflag:s24] =	ssyncset.done @!p0 $0x0  }
0x10a: {  	s25 =	simm.s32 @!p0 $0x100;
	[sflag:s24] =	ssyncadd.s32 @!p0 $0xFFFFFF80  }
0x10b: {  	[tilespmem:s25], [sflag:$0x5] =	stream.linear.gather @!p0 [hbm4b:s13+s23], $0x80, $0x38;
	[tilespmem:$0x1C780] =	vst v63  }
0x10c: {  	_ =	swait.ge @!p0 [sflag:s24], $0x80  }
0x10d: {  	[sflag:s24] =	ssyncset.done @!p0 $0x0  }
0x10e: {  	s25 =	simm.s32 @!p0 $0x300;
	[sflag:s24] =	ssyncadd.s32 @!p0 $0xFFFFFF80;
	s24 =	simm.s32 @!p0 $0x40  }
0x10f: {  	[tilespmem:s25], [sflag:$0x1] =	stream.indirect.gather @!p0 [hbm4b:s4+s24], $0x80, s23, s24, $0xb8;
	[tilespmem:$0x1C780] =	vst v63  }
0x110: {  	s23 =	simm.s32 @!p0 $0x2300  }
0x111: {  	[tilespmem:s23], [sflag:$0x3] =	stream.indirect.gather @!p0 [hbm4b:s4+s24], $0x80, s24, s24, $0xb8;
	[tilespmem:$0x1C780] =	vst v63  }
0x112: {  	s28 =	sadd.s32 $0x1, s22;
	p0 =	slt.u32 s22, $0x7FFFFFFF;
	s24 =	simm.s32 $0x1  }
0x113: {  	s29 =	sshra.s32 s28, $0x1F;
	s24 =	simm.s32 @!p0 $0x0  }
0x114: {  	s30 =	sand.u32 $0x1, s28;
	s24 =	sadd.s32 s24, s29  }
0x115: {  	p1 =	seq.s32 s30, $0x1;
	p6 =	sne.s32 s24, $0x1  }
0x116: {  	s31 =	sshrl.u32 s28, $0x1F;
	p0 =	por !p6, !p1  }
0x117: {  	s23 =	sadd.s32 s31, s28;
	s24 =	simm.s32 $0x1;
	p0 =	por !p0, !p0  }
0x118: {  	s23 =	sshra.s32 s23, $0x1;
	s24 =	simm.s32 @!p0 $0x0  }
0x119: {  	s24 =	ssub.s32 s23, s24  }
0x11a: {  	p0 =	slt.s32 s24, $0x1  }
.Ltmp6:
0x11b: {  	_ = 	snop;
	(pc) =	sbr.rel @p0 .LBB2_11-.Ltmp6, $2  }
0x11c: {  	_ =	sdelay $0x2  }
0x11d: {  	s23 =	simm.s32 $0x1  }
0x11e: {  	s25 =	sadd.s32 $0xFFFFFFFF, s23  }
0x11f: {  	p0 =	sge.s32 s25, s22  }
0x120: {  	s25 =	simm.s32 @!p0 $0x1  }
0x121: {  	_ =	swait.ge @!p0 [sflag:s25], $0x2000  }
0x122: {  	p1 =	sge.s32 @!p0 s23, s22;
	[sflag:s25] =	ssyncset.done @!p0 $0x0  }
0x123: {  	s26 =	simm.s32 @!p0 $0x3;
	p1 =	por p1, p0;
	[sflag:s25] =	ssyncadd.s32 @!p0 $0xFFFFE000  }
0x124: {  	s28 =	simm.s32 @!p1 $0x0;
	_ =	swait.ge @!p0 [sflag:s26], $0x2000  }
0x125: {  	s30 =	simm.s32 @!p1 $0x80;
	s25 =	sshrl.u32 @!p1 s17, $0x3;
	[sflag:s26] =	ssyncset.done @!p0 $0x0  }
0x126: {  	s29 =	sadd.s32 @!p1 s5, s25;
	[sflag:s26] =	ssyncadd.s32 @!p0 $0xFFFFE000;
	s26 =	simm.s32 @!p1 $0x6  }
0x127: {  	[tilespmem:s30], [sflag:$0x6] =	stream.linear.gather @!p1 [hbm4b:s29+s28], $0x80, $0x38;
	[tilespmem:$0x1C780] =	vst v63  }
0x128: {  	_ =	swait.ge @!p1 [sflag:s26], $0x80  }
0x129: {  	[sflag:s26] =	ssyncset.done @!p1 $0x0  }
0x12a: {  	s25 =	sadd.s32 @!p1 s6, s25;
	s29 =	simm.s32 @!p1 $0x180;
	[sflag:s26] =	ssyncadd.s32 @!p1 $0xFFFFFF80  }
0x12b: {  	[tilespmem:s29], [sflag:$0x6] =	stream.linear.gather @!p1 [hbm4b:s25+s28], $0x80, $0x38;
	[tilespmem:$0x1C780] =	vst v63  }
0x12c: {  	_ =	swait.ge @!p1 [sflag:s26], $0x80  }
0x12d: {  	[sflag:s26] =	ssyncset.done @!p1 $0x0  }
0x12e: {  	s25 =	simm.s32 @!p1 $0x40;
	[sflag:s26] =	ssyncadd.s32 @!p1 $0xFFFFFF80;
	s26 =	simm.s32 @!p1 $0x4300  }
0x12f: {  	[tilespmem:s26], [sflag:$0x2] =	stream.indirect.gather @!p1 [hbm4b:s4+s25], $0x80, s30, s25, $0xb8;
	[tilespmem:$0x1C780] =	vst v63  }
0x130: {  	s28 =	simm.s32 @!p1 $0x6300;
	s26 =	simm.s32 @!p1 $0xC0  }
0x131: {  	[tilespmem:s28], [sflag:$0x4] =	stream.indirect.gather @!p1 [hbm4b:s4+s25], $0x80, s26, s25, $0xb8;
	[tilespmem:$0x1C780] =	vst v63  }
0x132: {  	v2 =	vld @!p0 [tilespmem:$0x170]  }
0x133: {  	v3 =	vld @!p0 [tilespmem:$0x150]  }
0x134: {  	v4 =	vld @!p0 [tilespmem:$0x160]  }
0x135: {  	v5 =	vld @!p0 [tilespmem:$0x130]  }
0x136: {  	v6 =	vld @!p0 [tilespmem:$0x120]  }
0x137: {  	v8 =	vld @!p0 [tilespmem:$0x110];
	v2 =	vsub.s32 @!p0 v2, v0  }
0x138: {  	v7 =	vld @!p0 [tilespmem:$0x140];
	v3 =	vsub.s32 @!p0 v3, v0;
	[tilespmem:$0x270] =	vst @!p0 v2  }
0x139: {  	v2 =	vld @!p0 [tilespmem:$0x100];
	[tilespmem:$0x250] =	vst @!p0 v3;
	v3 =	vsub.s32 @!p0 v4, v0  }
0x13a: {  	v4 =	vsub.s32 @!p0 v5, v0;
	[tilespmem:$0x260] =	vst @!p0 v3  }
0x13b: {  	v3 =	vsub.s32 @!p0 v6, v0;
	[tilespmem:$0x230] =	vst @!p0 v4  }
0x13c: {  	v4 =	vsub.s32 @!p0 v8, v0;
	[tilespmem:$0x220] =	vst @!p0 v3  }
0x13d: {  	v3 =	vsub.s32 @!p0 v7, v0;
	[tilespmem:$0x210] =	vst @!p0 v4  }
0x13e: {  	s29 =	simm.s32 @!p0 $0x300;
	[tilespmem:$0x240] =	vst @!p0 v3;
	v2 =	vsub.s32 @!p0 v2, v0  }
0x13f: {  	s25 =	simm.s32 @!p0 $0x6;
	s26 =	simm.s32 @!p0 $0x80;
	s28 =	simm.s32 @!p0 $0x200;
	[tilespmem:$0x200] =	vst @!p0 v2  }
0x140: {  	[spmem:s1] =	stream.indirect.scatter.add.f32 @!p0 [tilespmem:s29], [sflag:$0x6], $0x80, s28, s26, $0xb8;
	[tilespmem:$0x1C780] =	vst v63  }
0x141: {  	_ =	swait.ge @!p0 [sflag:s25], $0x4000  }
0x142: {  	p1 =	sge.s32 s23, s22;
	[sflag:s25] =	ssyncset.done @!p0 $0x0  }
0x143: {  	[sflag:s25] =	ssyncadd.s32 @!p0 $0xFFFFC000;
	s25 =	simm.s32 @!p1 $0x2  }
0x144: {  	s26 =	sadd.s32 $0x1, s23;
	_ =	swait.ge @!p1 [sflag:s25], $0x2000  }
0x145: {  	p0 =	sge.s32 @!p1 s26, s22;
	[sflag:s25] =	ssyncset.done @!p1 $0x0  }
0x146: {  	p0 =	por p0, p1;
	[sflag:s25] =	ssyncadd.s32 @!p1 $0xFFFFE000;
	s25 =	simm.s32 @!p1 $0x4  }
0x147: {  	s26 =	sadd.s32 @!p0 $0x400, s17;
	_ =	swait.ge @!p1 [sflag:s25], $0x2000  }
0x148: {  	s28 =	simm.s32 @!p0 $0x6;
	s26 =	sshrl.u32 @!p0 s26, $0x3;
	[sflag:s25] =	ssyncset.done @!p1 $0x0  }
0x149: {  	s29 =	simm.s32 @!p0 $0x0;
	[sflag:s25] =	ssyncadd.s32 @!p1 $0xFFFFE000;
	s25 =	sadd.s32 @!p0 s5, s26  }
0x14a: {  	[tilespmem:s29], [sflag:$0x6] =	stream.linear.gather @!p0 [hbm4b:s25+s29], $0x80, $0x38;
	[tilespmem:$0x1C780] =	vst v63  }
0x14b: {  	_ =	swait.ge @!p0 [sflag:s28], $0x80  }
0x14c: {  	[sflag:s28] =	ssyncset.done @!p0 $0x0  }
0x14d: {  	s25 =	sadd.s32 @!p0 s6, s26;
	s26 =	simm.s32 @!p0 $0x100;
	[sflag:s28] =	ssyncadd.s32 @!p0 $0xFFFFFF80  }
0x14e: {  	[tilespmem:s26], [sflag:$0x6] =	stream.linear.gather @!p0 [hbm4b:s25+s29], $0x80, $0x38;
	[tilespmem:$0x1C780] =	vst v63  }
0x14f: {  	_ =	swait.ge @!p0 [sflag:s28], $0x80  }
0x150: {  	[sflag:s28] =	ssyncset.done @!p0 $0x0  }
0x151: {  	s25 =	simm.s32 @!p0 $0x40;
	s26 =	simm.s32 @!p0 $0x300;
	[sflag:s28] =	ssyncadd.s32 @!p0 $0xFFFFFF80  }
0x152: {  	[tilespmem:s26], [sflag:$0x1] =	stream.indirect.gather @!p0 [hbm4b:s4+s25], $0x80, s29, s25, $0xb8;
	[tilespmem:$0x1C780] =	vst v63  }
0x153: {  	s24 =	sadd.s32 $0xFFFFFFFF, s24;
	s26 =	simm.s32 @!p0 $0x2300  }
0x154: {  	[tilespmem:s26], [sflag:$0x3] =	stream.indirect.gather @!p0 [hbm4b:s4+s25], $0x80, s25, s25, $0xb8;
	[tilespmem:$0x1C780] =	vst v63  }
0x155: {  	p0 =	sne.s32 s24, $0x0  }
.Ltmp7:
0x156: {  	_ = 	snop;
	(pc) =	sbr.rel @!p0 .LBB2_10-.Ltmp7, $4  }
0x157: {  	_ = 	snop  }
0x158: {  	v3 =	vld @!p1 [tilespmem:$0x180]  }
0x159: {  	v2 =	vld @!p1 [tilespmem:$0x190]  }
0x15a: {  	s25 =	smov.u32 s17  }
.LBB2_9:
0x15b: {  	s24 =	sadd.s32 $0xFFFFFFFF, s24;
	v4 =	vld @!p1 [tilespmem:$0x1E0];
	s25 =	sadd.s32 $0x800, s25;
	s23 =	sadd.s32 $0x2, s23  }
0x15c: {  	p0 =	sne.s32 s24, $0x0;
	v5 =	vld @!p1 [tilespmem:$0x1D0]  }
0x15d: {  	v6 =	vld @!p1 [tilespmem:$0x1B0]  }
0x15e: {  	v3 =	vsub.s32 @!p1 v3, v0;
	v7 =	vld @!p1 [tilespmem:$0x1A0]  }
0x15f: {  	v2 =	vsub.s32 @!p1 v2, v0;
	[tilespmem:$0x280] =	vst @!p1 v3;
	v3 =	vld @!p1 [tilespmem:$0x1C0]  }
0x160: {  	[tilespmem:$0x290] =	vst @!p1 v2;
	v2 =	vsub.s32 @!p1 v4, v0;
	v4 =	vld @!p1 [tilespmem:$0x1F0]  }
0x161: {  	v5 =	vsub.s32 @!p1 v5, v0;
	[tilespmem:$0x2E0] =	vst @!p1 v2  }
0x162: {  	[tilespmem:$0x2D0] =	vst @!p1 v5  }
0x163: {  	v2 =	vsub.s32 @!p1 v7, v0  }
0x164: {  	[tilespmem:$0x2A0] =	vst @!p1 v2;
	v2 =	vsub.s32 @!p1 v6, v0;
	v3 =	vsub.s32 @!p1 v3, v0  }
0x165: {  	[tilespmem:$0x2C0] =	vst @!p1 v3;
	v3 =	vsub.s32 @!p1 v4, v0  }
0x166: {  	s26 =	simm.s32 @!p1 $0x80;
	s28 =	simm.s32 @!p1 $0x280;
	s29 =	simm.s32 @!p1 $0x4300;
	[tilespmem:$0x2F0] =	vst @!p1 v3  }
0x167: {  	s31 =	simm.s32 @!p1 $0x5;
	s30 =	sadd.s32 $0xFFFFFFFF, s23;
	[tilespmem:$0x2B0] =	vst @!p1 v2  }
0x168: {  	[spmem:s1] =	stream.indirect.scatter.add.f32 @!p1 [tilespmem:s29], [sflag:$0x5], $0x80, s28, s26, $0xb8;
	[tilespmem:$0x1C780] =	vst v63  }
0x169: {  	p2 =	sge.s32 s30, s22;
	_ =	swait.ge @!p1 [sflag:s31], $0x4000  }
0x16a: {  	p3 =	sge.s32 @!p2 s23, s22;
	s26 =	simm.s32 @!p2 $0x1;
	[sflag:s31] =	ssyncset.done @!p1 $0x0  }
0x16b: {  	[sflag:s31] =	ssyncadd.s32 @!p1 $0xFFFFC000  }
0x16c: {  	_ =	swait.ge @!p2 [sflag:s26], $0x2000  }
0x16d: {  	s28 =	simm.s32 @!p2 $0x3;
	[sflag:s26] =	ssyncset.done @!p2 $0x0  }
0x16e: {  	p1 =	por p3, p2;
	[sflag:s26] =	ssyncadd.s32 @!p2 $0xFFFFE000  }
0x16f: {  	s29 =	simm.s32 @!p1 $0x0;
	s26 =	sshrl.u32 @!p1 s25, $0x3;
	_ =	swait.ge @!p2 [sflag:s28], $0x2000  }
0x170: {  	s31 =	simm.s32 @!p1 $0x80;
	s30 =	sadd.s32 @!p1 s5, s26;
	[sflag:s28] =	ssyncset.done @!p2 $0x0  }
0x171: {  	s26 =	sadd.s32 @!p1 s6, s26;
	[sflag:s28] =	ssyncadd.s32 @!p2 $0xFFFFE000;
	s28 =	simm.s32 @!p1 $0x6  }
0x172: {  	[tilespmem:s31], [sflag:$0x6] =	stream.linear.gather @!p1 [hbm4b:s30+s29], $0x80, $0x38;
	[tilespmem:$0x1C780] =	vst v63  }
0x173: {  	_ =	swait.ge @!p1 [sflag:s28], $0x80  }
0x174: {  	[sflag:s28] =	ssyncset.done @!p1 $0x0  }
0x175: {  	s30 =	simm.s32 @!p1 $0x180;
	[sflag:s28] =	ssyncadd.s32 @!p1 $0xFFFFFF80  }
0x176: {  	[tilespmem:s30], [sflag:$0x6] =	stream.linear.gather @!p1 [hbm4b:s26+s29], $0x80, $0x38;
	[tilespmem:$0x1C780] =	vst v63  }
0x177: {  	_ =	swait.ge @!p1 [sflag:s28], $0x80  }
0x178: {  	[sflag:s28] =	ssyncset.done @!p1 $0x0  }
0x179: {  	s26 =	simm.s32 @!p1 $0x40;
	[sflag:s28] =	ssyncadd.s32 @!p1 $0xFFFFFF80;
	s28 =	simm.s32 @!p1 $0x4300  }
0x17a: {  	[tilespmem:s28], [sflag:$0x2] =	stream.indirect.gather @!p1 [hbm4b:s4+s26], $0x80, s31, s26, $0xb8;
	[tilespmem:$0x1C780] =	vst v63  }
0x17b: {  	s29 =	simm.s32 @!p1 $0x6300;
	s28 =	simm.s32 @!p1 $0xC0  }
0x17c: {  	[tilespmem:s29], [sflag:$0x4] =	stream.indirect.gather @!p1 [hbm4b:s4+s26], $0x80, s28, s26, $0xb8;
	[tilespmem:$0x1C780] =	vst v63  }
0x17d: {  	v2 =	vld @!p2 [tilespmem:$0x170]  }
0x17e: {  	v3 =	vld @!p2 [tilespmem:$0x150]  }
0x17f: {  	v4 =	vld @!p2 [tilespmem:$0x160]  }
0x180: {  	v5 =	vld @!p2 [tilespmem:$0x130]  }
0x181: {  	v6 =	vld @!p2 [tilespmem:$0x120]  }
0x182: {  	v7 =	vld @!p2 [tilespmem:$0x140];
	v2 =	vsub.s32 @!p2 v2, v0  }
0x183: {  	v8 =	vld @!p2 [tilespmem:$0x110];
	v3 =	vsub.s32 @!p2 v3, v0;
	[tilespmem:$0x270] =	vst @!p2 v2  }
0x184: {  	v2 =	vld @!p2 [tilespmem:$0x100];
	[tilespmem:$0x250] =	vst @!p2 v3;
	v3 =	vsub.s32 @!p2 v4, v0  }
0x185: {  	v4 =	vsub.s32 @!p2 v5, v0;
	[tilespmem:$0x260] =	vst @!p2 v3  }
0x186: {  	v3 =	vsub.s32 @!p2 v6, v0;
	[tilespmem:$0x230] =	vst @!p2 v4  }
0x187: {  	[tilespmem:$0x220] =	vst @!p2 v3;
	v3 =	vsub.s32 @!p2 v7, v0  }
0x188: {  	v4 =	vsub.s32 @!p2 v8, v0;
	[tilespmem:$0x240] =	vst @!p2 v3  }
0x189: {  	s26 =	simm.s32 @!p2 $0x6;
	v2 =	vsub.s32 @!p2 v2, v0;
	[tilespmem:$0x210] =	vst @!p2 v4  }
0x18a: {  	s30 =	simm.s32 @!p2 $0x300;
	s28 =	simm.s32 @!p2 $0x80;
	s29 =	simm.s32 @!p2 $0x200;
	[tilespmem:$0x200] =	vst @!p2 v2  }
0x18b: {  	[spmem:s1] =	stream.indirect.scatter.add.f32 @!p2 [tilespmem:s30], [sflag:$0x6], $0x80, s29, s28, $0xb8;
	[tilespmem:$0x1C780] =	vst v63  }
0x18c: {  	_ =	swait.ge @!p2 [sflag:s26], $0x4000  }
0x18d: {  	p1 =	sge.s32 s23, s22;
	[sflag:s26] =	ssyncset.done @!p2 $0x0  }
0x18e: {  	[sflag:s26] =	ssyncadd.s32 @!p2 $0xFFFFC000;
	s26 =	simm.s32 @!p1 $0x2  }
0x18f: {  	s28 =	sadd.s32 $0x1, s23;
	_ =	swait.ge @!p1 [sflag:s26], $0x2000  }
0x190: {  	p2 =	sge.s32 @!p1 s28, s22;
	[sflag:s26] =	ssyncset.done @!p1 $0x0  }
0x191: {  	p2 =	por p2, p1;
	[sflag:s26] =	ssyncadd.s32 @!p1 $0xFFFFE000;
	s26 =	simm.s32 @!p1 $0x4  }
0x192: {  	s28 =	sadd.s32 @!p2 $0x400, s25;
	_ =	swait.ge @!p1 [sflag:s26], $0x2000  }
0x193: {  	s29 =	simm.s32 @!p2 $0x6;
	s28 =	sshrl.u32 @!p2 s28, $0x3;
	[sflag:s26] =	ssyncset.done @!p1 $0x0  }
0x194: {  	s30 =	simm.s32 @!p2 $0x0;
	[sflag:s26] =	ssyncadd.s32 @!p1 $0xFFFFE000;
	s26 =	sadd.s32 @!p2 s5, s28  }
0x195: {  	[tilespmem:s30], [sflag:$0x6] =	stream.linear.gather @!p2 [hbm4b:s26+s30], $0x80, $0x38;
	[tilespmem:$0x1C780] =	vst v63  }
0x196: {  	_ =	swait.ge @!p2 [sflag:s29], $0x80  }
0x197: {  	[sflag:s29] =	ssyncset.done @!p2 $0x0  }
0x198: {  	s26 =	sadd.s32 @!p2 s6, s28;
	s28 =	simm.s32 @!p2 $0x100;
	[sflag:s29] =	ssyncadd.s32 @!p2 $0xFFFFFF80  }
0x199: {  	[tilespmem:s28], [sflag:$0x6] =	stream.linear.gather @!p2 [hbm4b:s26+s30], $0x80, $0x38;
	[tilespmem:$0x1C780] =	vst v63  }
0x19a: {  	_ =	swait.ge @!p2 [sflag:s29], $0x80  }
0x19b: {  	[sflag:s29] =	ssyncset.done @!p2 $0x0  }
0x19c: {  	s26 =	simm.s32 @!p2 $0x40;
	s28 =	simm.s32 @!p2 $0x300;
	[sflag:s29] =	ssyncadd.s32 @!p2 $0xFFFFFF80  }
0x19d: {  	[tilespmem:s28], [sflag:$0x1] =	stream.indirect.gather @!p2 [hbm4b:s4+s26], $0x80, s30, s26, $0xb8;
	[tilespmem:$0x1C780] =	vst v63  }
.Ltmp8:
0x19e: {  	_ = 	snop;
	(pc) =	sbr.rel @p0 .LBB2_9-.Ltmp8, $4  }
0x19f: {  	s28 =	simm.s32 @!p2 $0x2300  }
0x1a0: {  	[tilespmem:s28], [sflag:$0x3] =	stream.indirect.gather @!p2 [hbm4b:s4+s26], $0x80, s26, s26, $0xb8;
	[tilespmem:$0x1C780] =	vst v63  }
0x1a1: {  	v3 =	vld @!p1 [tilespmem:$0x180]  }
0x1a2: {  	v2 =	vld @!p1 [tilespmem:$0x190]  }
.Ltmp9:
0x1a3: {  	_ = 	snop;
	(pc) =	sbr.rel .LBB2_10-.Ltmp9, $1  }
0x1a4: {  	_ =	sdelay $0x3  }
.LBB2_12:
0x1a5: {  	_ =	sfence.sel $0x180000  }
0x1a6: {  	[bflag:$0x0] =	sbarrier.arrive $0xFFFF  }
0x1a7: {  	p0 =	sne.s32 s2, $0x0;
	_ =	strace $0x9000004A  }
0x1a8: {  	s0 =	sadd.s32 @!p0 $0x100000, s0;
	[bflag:$0x2] =	sbarrier.arrive $0xFFFF  }
0x1a9: {  	[sflag:s0] =	ssyncadd.tile.s32 @!p0 $0x1;
	_ =	shalt  }
.Lfunc_end2:
_tile_overlayer_lowered:
.L_overlay_start_2:
0x1aa: {  	(tag) =	ssettag $0x2  }
0x1ab: {  	s0 =	rddreg [dreg:$0x0];
	s2 =	stileid.u32  }
0x1ac: {  	s1 =	rddreg [dreg:$0x1];
	p0 =	sne.s32 s2, $0x0  }
0x1ad: {  	s3 =	rddreg [dreg:$0x2];
	[bflag:$0x3] =	sbarrier.arrive $0xFFFF;
	s2 =	simm.s32 @!p0 $0x1C05  }
0x1ae: {  	[timem:s3], [sflag:s2] =	dma.local @!p0 [hbm:s0], s1  }
0x1af: {  	s0 =	simm.s32 @!p0 $0x5  }
0x1b0: {  	_ =	swait.ge @!p0 [sflag:s0], s1  }
0x1b1: {  	s1 =	ssub.s32 @!p0 $0x0, s1;
	[sflag:s0] =	ssyncset.done @!p0 $0x0  }
0x1b2: {  	[sflag:s0] =	ssyncadd.s32 @!p0 s1  }
0x1b3: {  	[bflag:$0x3] =	sbarrier.arrive $0xFFFF  }
0x1b4: {  	_ =	shalt  }

// kernel: kernel.14.cloned.1.call-start
scs
__scs_entry_jumppad:
0x0: {  	(pc) =	sbr.rel $0x88, $3  }
0x1: {  	(tag) =	ssettag $0x0;
	lr =	simm.s32 $0x1  }
0x2: {  	[smem:$0x3F97] =	sst lr;
	_ =	strace $0xD0000000  }
0x3: {  	_ = 	snop  }
0x4: {  	_ = 	snop  }
0x5: {  	_ = 	snop  }
0x6: {  	_ = 	snop  }
0x7: {  	_ = 	snop  }
__scs_overlays_trampoline_lowered:
0x8: {  	[smem:$0x3FA6] =	sst s0  }
0x9: {  	[smem:$0x3FA7] =	sst s1  }
0xa: {  	[smem:$0x3FA8] =	sst s2  }
0xb: {  	[smem:$0x3FA9] =	sst s3  }
0xc: {  	[smem:$0x3FAA] =	sst s4  }
0xd: {  	[smem:$0x3FAB] =	sst s5  }
0xe: {  	[smem:$0x3FAC] =	sst s6  }
0xf: {  	[smem:$0x3FAD] =	sst s7  }
0x10: {  	[smem:$0x3FAE] =	sst s8  }
0x11: {  	[smem:$0x3FAF] =	sst s9;
	s0 =	simm.s32 @!p0 $0x0  }
0x12: {  	s1 =	sld [smem:$0x3F95];
	s0 =	simm.s32 @p0 $0x1  }
0x13: {  	[smem:$0x3FB0] =	sst s0;
	s0 =	simm.s32 @!p1 $0x0  }
0x14: {  	s2 =	sld [smem:$0x3F94];
	s0 =	simm.s32 @p1 $0x1  }
0x15: {  	[smem:$0x3FB1] =	sst s0;
	s0 =	simm.s32 @!p2 $0x0  }
0x16: {  	s3 =	sld [smem:$0x3FDB];
	s0 =	simm.s32 @p2 $0x1  }
0x17: {  	s4 =	simm.s32 $0x1BF5;
	[smem:$0x3FB3] =	sst s0  }
0x18: {  	s0 =	sld [smem:$0x3F96];
	_ =	swait.ge [sflag:s4], $0x0  }
0x19: {  	s7 =	sld [smem:$0x3F97]  }
0x1a: {  	s8 =	sadd.s32 $0xFFFFE003, lr  }
0x1b: {  	s9 =	sadd.s32 $0xFFFFFEF7, lr;
	s5 =	simm.s32 $0xFFFFFFFF;
	p2 =	slt.u32 s8, $0xFFFFF086  }
0x1c: {  	p1 =	slt.u32 s9, $0xF7A;
	s5 =	simm.s32 @!p2 $0x0  }
0x1d: {  	s5 =	simm.s32 @p1 $0x1;
	p0 =	seq.s32 s7, s2  }
0x1e: {  	s7 =	smul.u32 @!p0 $0xF7A, s2;
	p2 =	seq.s32 @!p0 s5, $0x0  }
0x1f: {  	s9 =	smul.u32 $0xF7A, s1;
	s8 =	simm.s32 @!p0 $0x1BF5;
	p2 =	por !p2, p0  }
0x20: {  	[sflag:s8] =	ssyncset.s32 @!p0 $0xFFFFF086;
	s6 =	sadd.s32 @!p0 s3, s7;
	s7 =	simm.s32 @!p0 $0x108  }
0x21: {  	s3 =	sadd.s32 s3, s9;
	s6 =	sadd.s32 @!p0 $0x88, s6;
	s7 =	simm.s32 @p2 $0x1082  }
0x22: {  	[simem:s7], [sflag:s8] =	dma.local @!p0 [hbm:s6], $0xF7A  }
0x23: {  	s9 =	sor.u32 $0xD0000000, s2;
	s6 =	simm.s32 $0x108;
	_ =	swait.ge @!p0 [sflag:s8], $0x0  }
0x24: {  	s3 =	sadd.s32 $0x88, s3;
	s6 =	simm.s32 @!p1 $0x1082;
	[sflag:s4] =	ssyncset.s32 $0xFFFFF086  }
0x25: {  	[simem:s6], [sflag:s4] =	dma.local [hbm:s3], $0xF7A  }
0x26: {  	[smem:$0x3F97] =	sst s1;
	(tag) =	ssettag s2;
	_ =	strace s9  }
0x27: {  	s1 =	sld [smem:$0x3FA7]  }
0x28: {  	s2 =	sld [smem:$0x3FA8]  }
0x29: {  	s4 =	sld [smem:$0x3FAA]  }
0x2a: {  	p0 =	seq.s32 s5, $0x0;
	s5 =	sld [smem:$0x3FAB]  }
0x2b: {  	s6 =	sld [smem:$0x3FAC]  }
0x2c: {  	s7 =	sld [smem:$0x3FAD]  }
0x2d: {  	s3 =	simm.s32 $0x108;
	s8 =	sld [smem:$0x3FAE]  }
0x2e: {  	s3 =	simm.s32 @!p0 $0x1082;
	s9 =	sld [smem:$0x3FAF]  }
0x2f: {  	lr =	sadd.s32 s0, s3;
	s0 =	sld [smem:$0x3FA6]  }
0x30: {  	s3 =	sld [smem:$0x3FA9]  }
0x31: {  	[smem:$0x3FB2] =	sst s10  }
0x32: {  	s10 =	sld [smem:$0x3FB0];
	_ =	sdelay $0x3  }
0x33: {  	p0 =	seq.s32 s10, $0x1;
	s10 =	sld [smem:$0x3FB2];
	_ =	sdelay $0x3  }
0x34: {  	[smem:$0x3FB2] =	sst s10  }
0x35: {  	s10 =	sld [smem:$0x3FB1];
	_ =	sdelay $0x3  }
0x36: {  	p1 =	seq.s32 s10, $0x1;
	s10 =	sld [smem:$0x3FB2];
	_ =	sdelay $0x3  }
0x37: {  	[smem:$0x3FB2] =	sst s10  }
0x38: {  	s10 =	sld [smem:$0x3FB3]  }
0x39: {  	_ = 	snop;
	(pc) =	sbr.ind lr, $3  }
0x3a: {  	_ = 	snop  }
0x3b: {  	_ = 	snop  }
0x3c: {  	p2 =	seq.s32 s10, $0x1;
	s10 =	sld [smem:$0x3FB2]  }
0x3d: {  	_ =	shalt  }
0x3e: {  	_ =	shalt  }
0x3f: {  	_ =	shalt  }
0x40: {  	_ =	shalt  }
0x41: {  	_ =	shalt  }
0x42: {  	_ =	shalt  }
0x43: {  	_ =	shalt  }
0x44: {  	_ =	shalt  }
0x45: {  	_ =	shalt  }
0x46: {  	_ =	shalt  }
0x47: {  	_ =	shalt  }
0x48: {  	_ =	shalt  }
0x49: {  	_ =	shalt  }
0x4a: {  	_ =	shalt  }
0x4b: {  	_ =	shalt  }
0x4c: {  	_ =	shalt  }
0x4d: {  	_ =	shalt  }
0x4e: {  	_ =	shalt  }
0x4f: {  	_ =	shalt  }
0x50: {  	_ =	shalt  }
0x51: {  	_ =	shalt  }
0x52: {  	_ =	shalt  }
0x53: {  	_ =	shalt  }
0x54: {  	_ =	shalt  }
0x55: {  	_ =	shalt  }
0x56: {  	_ =	shalt  }
0x57: {  	_ =	shalt  }
0x58: {  	_ =	shalt  }
0x59: {  	_ =	shalt  }
0x5a: {  	_ =	shalt  }
0x5b: {  	_ =	shalt  }
0x5c: {  	_ =	shalt  }
0x5d: {  	_ =	shalt  }
0x5e: {  	_ =	shalt  }
0x5f: {  	_ =	shalt  }
0x60: {  	_ =	shalt  }
0x61: {  	_ =	shalt  }
0x62: {  	_ =	shalt  }
0x63: {  	_ =	shalt  }
0x64: {  	_ =	shalt  }
0x65: {  	_ =	shalt  }
0x66: {  	_ =	shalt  }
0x67: {  	_ =	shalt  }
0x68: {  	_ =	shalt  }
0x69: {  	_ =	shalt  }
0x6a: {  	_ =	shalt  }
0x6b: {  	_ =	shalt  }
0x6c: {  	_ =	shalt  }
0x6d: {  	_ =	shalt  }
0x6e: {  	_ =	shalt  }
0x6f: {  	_ =	shalt  }
0x70: {  	_ =	shalt  }
0x71: {  	_ =	shalt  }
0x72: {  	_ =	shalt  }
0x73: {  	_ =	shalt  }
0x74: {  	_ =	shalt  }
0x75: {  	_ =	shalt  }
0x76: {  	_ =	shalt  }
0x77: {  	_ =	shalt  }
0x78: {  	_ =	shalt  }
0x79: {  	_ =	shalt  }
0x7a: {  	_ =	shalt  }
0x7b: {  	_ =	shalt  }
0x7c: {  	_ =	shalt  }
0x7d: {  	_ =	shalt  }
0x7e: {  	_ =	shalt  }
0x7f: {  	_ =	shalt  }
0x80: {  	_ =	shalt  }
0x81: {  	_ =	shalt  }
0x82: {  	_ =	shalt  }
0x83: {  	_ =	shalt  }
0x84: {  	_ =	shalt  }
0x85: {  	_ =	shalt  }
0x86: {  	_ =	shalt  }
0x87: {  	_ =	shalt  }
.Lfunc_end0:
.L_simem_size_0:
called_computation.2_lowered:
.L_overlay_start_0:
0x88: {  	s2 =	sld [smem:$0x3FD9]  }
0x89: {  	s3 =	sld [smem:$0x3FFE];
	_ =	sdelay $0x1  }
0x8a: {  	s1 =	srdreg.scid  }
0x8b: {  	s0 =	sand.u32 $0x1, s1  }
0x8c: {  	s16 =	sshll.u32 s0, $0xA;
	s2 =	sadd.s32 s3, s2  }
0x8d: {  	s2 =	sadd.s32 s2, s16  }
0x8e: {  	[smem:$0x3FBE] =	sst s2  }
0x8f: {  	_ = 	snop  }
0x90: {  	(tm) =	ssettm $0x1  }
0x91: {  	s17 =	sld [smem:$0x3FFB];
	_ =	sdelay $0x3  }
0x92: {  	_ =	strace s17  }
0x93: {  	s2 =	sld [smem:$0x3FFC];
	_ =	sdelay $0x3  }
0x94: {  	_ =	strace s2  }
0x95: {  	s2 =	sld [smem:$0x3FFD];
	_ =	sdelay $0x3  }
0x96: {  	_ =	strace s2  }
0x97: {  	_ =	strace $0x8FFFFFFF  }
0x98: {  	s18 =	sld [smem:$0x3FDB];
	_ =	sdelay $0x1  }
0x99: {  	s19 =	simm.s32 $_scs_section_size  }
0x9a: {  	s4 =	simm.s32 $_size__tile_overlayer_lowered;
	s5 =	simm.s32 $_tile_overlayer_lowered  }
0x9b: {  	s22 =	simm.s32 $0x1BFF;
	s21 =	sshll.u32 s5, $0x1;
	s2 =	sadd.s32 s19, s18  }
0x9c: {  	s6 =	simm.s32 $0x0;
	s20 =	sshll.u32 s4, $0x1;
	s4 =	sadd.s32 s21, s2  }
0x9d: {  	[timem:s6], [sflag:s22] =	dma.local [hbm:s4], s20  }
0x9e: {  	_ =	swait.ge [sflag:s22], s20  }
0x9f: {  	s3 =	ssub.s32 $0x0, s20;
	[sflag:s22] =	ssyncset.done $0x0  }
0xa0: {  	[sflag:s22] =	ssyncadd.s32 s3;
	_ =	sdelay $0x1  }
0xa1: {  	s23 =	simm.s32 $0x1B8B  }
0xa2: {  	_ =	swait.ge [sflag:s23], $0x1  }
0xa3: {  	[sflag:s23] =	ssyncset.done $0x0  }
0xa4: {  	s25 =	simm.s32 $0x1B8E;
	s24 =	sld [smem:$0x3FFE];
	[sflag:s23] =	ssyncadd.s32 $0xFFFFFFFF  }
0xa5: {  	s26 =	simm.s32 $execute0_lowered;
	[smem:$0x3FD2] =	sst s25  }
0xa6: {  	s4 =	sshll.u32 s26, $0x1;
	_ =	strace $0x8000004C;
	[dreg:$0x1] =	wrdreg $0xFFFFFFFF  }
0xa7: {  	s28 =	simm.s32 $_size_execute0_lowered;
	s2 =	sadd.s32 s2, s4;
	[dreg:$0x0] =	wrdreg $0x0  }
0xa8: {  	s4 =	sshll.u32 s28, $0x1;
	[dreg:$0x2] =	wrdreg s2  }
0xa9: {  	[dreg:$0x3] =	wrdreg s4  }
0xaa: {  	[dreg:$0x4] =	wrdreg $0xC0  }
0xab: {  	_ =	task [dreg:s6], $0x5FFFF  }
0xac: {  	[dreg:$0x1] =	wrdreg $0xFFFFFFFF  }
0xad: {  	[dreg:$0x0] =	wrdreg $0x60  }
0xae: {  	[dreg:$0x2] =	wrdreg s24  }
0xaf: {  	[dreg:$0x3] =	wrdreg $0x123800  }
0xb0: {  	[dreg:$0x4] =	wrdreg $0x9  }
0xb1: {  	_ =	task.clear_ibuf [dreg:s6], $0x5FFFF;
	_ =	strace $0x9000004C  }
0xb2: {  	s29 =	simm.s32 $0x9;
	_ =	strace $0x8000004E  }
0xb3: {  	_ =	swait.ge [sflag:s29], $0x1  }
0xb4: {  	[sflag:s29] =	ssyncadd.s32 $0xFFFFFFFF  }
0xb5: {  	_ =	strace $0x9000004E  }
0xb6: {  	_ =	sfence  }
0xb7: {  	s30 =	sld [smem:$0x0];
	_ =	sdelay $0x2  }
0xb8: {  	s31 =	sshll.u32 s1, $0xD;
	s1 =	sshrl.u32 s1, $0x2  }
0xb9: {  	s3 =	sand.u32 $0x4000, s31;
	s1 =	sadd.s32 s1, s30  }
0xba: {  	s0 =	sor.u32 s3, s0;
	s1 =	sshll.u32 s1, $0x11  }
0xbb: {  	s0 =	sor.u32 s1, s0  }
0xbc: {  	s0 =	sadd.s32 $0x8F2B, s0  }
0xbd: {  	[sflag:s0] =	ssyncadd.remote.s32 $0x1  }
0xbe: {  	_ =	sfence.sel $0xFFFF  }
0xbf: {  	[dreg:$0x0] =	wrdreg $0xFFFFFFFF;
	(pc) =	sbr.abs _section_cstart, $3  }
0xc0: {  	[dreg:$0x1] =	wrdreg $0xFFFFFFFF  }
0xc1: {  	_ =	task.clear_ibuf [dreg:s6], $0x2FFFF;
	_ =	strace $0x9FFFFFFF  }
0xc2: {  	(tm) =	ssettm $0x7FFFFFFF  }
0xc3: {  	_ =	shalt  }
tec
execute0_lowered:
.L_overlay_start_1:
0x0: {  	(tag) =	ssettag $0x1  }
0x1: {  	s7 =	rddreg [dreg:$0x0]  }
0x2: {  	s1 =	rddreg [dreg:$0x1]  }
0x3: {  	s2 =	srdreg.scid;
	s0 =	rddreg [dreg:$0x2];
	s3 =	simm.s32 $0x0  }
0x4: {  	s20 =	simm.s32 $0x12300;
	s16 =	sand.u32 $0x1, s2;
	s2 =	stileid.u32  }
0x5: {  	s21 =	simm.s32 $0x0;
	[smem:$0x7FF] =	sst s3;
	s8 =	smul.u32 $0xA0000, s16  }
0x6: {  	s4 =	sadd.s32 $0x49200, s7;
	s5 =	sadd.s32 $0x20800, s7;
	s9 =	smul.u32 $0xA000, s2  }
0x7: {  	s6 =	sadd.s32 $0x34C00, s7;
	s11 =	sadd.s32 $0x49000, s7;
	s26 =	smul.u32 $0x28000, s2  }
0x8: {  	_ =	strace $0x8000004D;
	s25 =	ssub.s32 $0x2, s16;
	s30 =	smul.u32 $0x51000, s16  }
0x9: {  	s28 =	sshrl.u32 s2, $0x2;
	s29 =	sshll.u32 s2, $0x8;
	s19 =	smul.u32 $0x1400, s16  }
0xa: {  	s10 =	sshrl.u32 s25, $0x1;
	s12 =	sshll.u32 s28, $0xA;
	s8 =	sadd.s32 s9, s8  }
0xb: {  	s15 =	ssub.s32 s25, s10;
	s9 =	sand.u32 $0x300, s29;
	s8 =	sshrl.u32 s8, $0x3  }
0xc: {  	v0 =	vmov s19;
	s19 =	simm.s32 $0x5;
	s14 =	sadd.s32 s8, s7;
	s8 =	smul.u32 $0x14400, s28  }
0xd: {  	s13 =	sor.u32 s9, s12;
	s15 =	smax.u32 s15, $0x1;
	s7 =	sshrl.u32 s26, $0x2  }
0xe: {  	s13 =	sshrl.u32 s13, $0x3;
	s7 =	sadd.s32 s7, s1;
	s10 =	sadd.s32 s30, s8  }
0xf: {  	s14 =	sadd.s32 $0x71200, s14;
	s8 =	sadd.s32 s11, s13;
	s17 =	sor.u32 s9, s10  }
.Ltmp0:
0x10: {  	s9 =	sor.u32 $0x80, s9;
	s31 =	sshrl.u32 s17, $0x3;
	(pc) =	sbr.rel .LBB2_1-.Ltmp0, $4  }
0x11: {  	v2 =	vmov s16;
	s12 =	sor.u32 s12, s9;
	s10 =	sor.u32 s9, s10;
	s16 =	sadd.s32 $0x400, s17  }
0x12: {  	s17 =	sadd.s32 $0x480, s17;
	s9 =	sadd.s32 s5, s31;
	s12 =	sshrl.u32 s12, $0x3  }
0x13: {  	v3 =	vlaneseq.u32;
	s18 =	sshrl.u32 s10, $0x3;
	s10 =	sadd.s32 s6, s31;
	s11 =	sadd.s32 s11, s12  }
0x14: {  	v1 =	vimm.f32 $0.0e+00;
	vm0 =	veq.s32 v2, v3;
	s12 =	sadd.s32 s5, s18;
	s13 =	sadd.s32 s6, s18;
	s18 =	simm.s32 $0x8300  }
.LBB2_10:
0x15: {  	v4 =	vld @!p1 [tilespmem:$0x1E0]  }
0x16: {  	v5 =	vld @!p1 [tilespmem:$0x1D0]  }
0x17: {  	v6 =	vld @!p1 [tilespmem:$0x1A0];
	v3 =	vsub.s32 @!p1 v3, v0  }
0x18: {  	v2 =	vsub.s32 @!p1 v2, v0;
	[tilespmem:$0x280] =	vst @!p1 v3;
	v3 =	vld @!p1 [tilespmem:$0x1F0]  }
0x19: {  	[tilespmem:$0x290] =	vst @!p1 v2;
	v2 =	vld @!p1 [tilespmem:$0x1B0]  }
0x1a: {  	v7 =	vld @!p1 [tilespmem:$0x1C0];
	v4 =	vsub.s32 @!p1 v4, v0  }
0x1b: {  	v5 =	vsub.s32 @!p1 v5, v0;
	[tilespmem:$0x2E0] =	vst @!p1 v4  }
0x1c: {  	[tilespmem:$0x2D0] =	vst @!p1 v5;
	v4 =	vsub.s32 @!p1 v6, v0  }
0x1d: {  	v3 =	vsub.s32 @!p1 v3, v0;
	[tilespmem:$0x2A0] =	vst @!p1 v4  }
0x1e: {  	v2 =	vsub.s32 @!p1 v2, v0;
	[tilespmem:$0x2F0] =	vst @!p1 v3  }
0x1f: {  	s22 =	simm.s32 @!p1 $0x80;
	v4 =	vsub.s32 @!p1 v7, v0;
	[tilespmem:$0x2B0] =	vst @!p1 v2  }
0x20: {  	s23 =	simm.s32 @!p1 $0x280;
	s24 =	simm.s32 @!p1 $0x4300;
	s25 =	simm.s32 @!p1 $0x5;
	[tilespmem:$0x2C0] =	vst @!p1 v4  }
0x21: {  	[spmem:s1] =	stream.indirect.scatter.add.f32 @!p1 [tilespmem:s24], [sflag:$0x5], $0x80, s23, s22, $0xb8;
	[tilespmem:$0x1C780] =	vst v63  }
0x22: {  	_ =	swait.ge @!p1 [sflag:s25], $0x4000  }
0x23: {  	[sflag:s25] =	ssyncset.done @!p1 $0x0  }
0x24: {  	[sflag:s25] =	ssyncadd.s32 @!p1 $0xFFFFC000  }
.LBB2_11:
0x25: {  	[bflag:$0x0] =	sbarrier.arrive $0xFFFF  }
0x26: {  	[tilespmem:s18], [sflag:$0x5] =	stream.linear.gather [spmem:s7], $0xA000, $0x38;
	[tilespmem:$0x1C780] =	vst v63  }
0x27: {  	s21 =	sadd.s32 $0x1, s21;
	_ =	swait.ge [sflag:s19], $0xA000  }
0x28: {  	p0 =	sne.s32 s21, s15;
	[sflag:s19] =	ssyncset.done $0x0  }
.Ltmp1:
0x29: {  	[sflag:s19] =	ssyncadd.s32 $0xFFFF6000;
	(pc) =	sbr.rel @!p0 .LBB2_12-.Ltmp1, $4  }
0x2a: {  	[hbm4b:s14+s3] =	stream.linear.scatter [tilespmem:s18], [sflag:$0x5], $0xA000, $0x38;
	[tilespmem:$0x1C780] =	vst v63  }
0x2b: {  	_ =	swait.ge [sflag:s19], $0xA000  }
0x2c: {  	[sflag:s19] =	ssyncset.done $0x0  }
0x2d: {  	[sflag:s19] =	ssyncadd.s32 $0xFFFF6000  }
.LBB2_1:
0x2e: {  	s22 =	simm.s32 $0x0;
	s23 =	simm.s32 $0x200  }
.LBB2_2:
0x2f: {  	p0 =	sne.s32 s23, $0x27E00;
	[tilespmem:s22+$0x8370] =	vst v1  }
0x30: {  	[tilespmem:s22+$0x8300] =	vst v1  }
0x31: {  	[tilespmem:s22+$0x8310] =	vst v1  }
.Ltmp2:
0x32: {  	[tilespmem:s22+$0x8320] =	vst v1;
	(pc) =	sbr.rel @p0 .LBB2_2-.Ltmp2, $4  }
0x33: {  	[tilespmem:s22+$0x8330] =	vst v1  }
0x34: {  	[tilespmem:s22+$0x8340] =	vst v1  }
0x35: {  	[tilespmem:s22+$0x8350] =	vst v1  }
0x36: {  	[tilespmem:s22+$0x8360] =	vst v1;
	s22 =	sshra.s32 s23, $0x2;
	s23 =	sadd.s32 $0x200, s23  }
0x37: {  	[tilespmem:s22+$0x8370] =	vst v1  }
0x38: {  	[tilespmem:s22+$0x8300] =	vst v1  }
0x39: {  	[tilespmem:s22+$0x8310] =	vst v1  }
0x3a: {  	[tilespmem:s22+$0x8320] =	vst v1  }
0x3b: {  	[tilespmem:s22+$0x8330] =	vst v1  }
0x3c: {  	[tilespmem:s22+$0x8340] =	vst v1  }
0x3d: {  	[tilespmem:s22+$0x8350] =	vst v1  }
0x3e: {  	[tilespmem:s22+$0x8360] =	vst v1  }
0x3f: {  	[spmem:s7] =	stream.linear.scatter [tilespmem:s18], [sflag:$0x5], $0xA000, $0x38;
	[tilespmem:$0x1C780] =	vst v63  }
0x40: {  	_ =	swait.ge [sflag:s19], $0xA000  }
0x41: {  	[sflag:s19] =	ssyncset.done $0x0  }
0x42: {  	[sflag:s19] =	ssyncadd.s32 $0xFFFF6000  }
0x43: {  	[bflag:$0x0] =	sbarrier.arrive $0xFFFF  }
0x44: {  	[tilespmem:s20], [sflag:$0x5] =	stream.linear.gather [hbm4b:s8+s3], $0x80, $0x38;
	[tilespmem:$0x1C780] =	vst v63  }
0x45: {  	_ =	swait.ge [sflag:s19], $0x80  }
0x46: {  	[sflag:s19] =	ssyncset.done $0x0  }
0x47: {  	[sflag:s19] =	ssyncadd.s32 $0xFFFFFF80  }
0x48: {  	v2 =	vld [tilespmem:$0x12300];
	_ =	sdelay $0x4  }
0x49: {  	v2 =	vnsel vm0, $0x0, v2  }
0x4a: {  	(xrf0) =	vadd.scan.msk.s32 $0xffff, v2;
	_ =	sdelay $0x5  }
0x4b: {  	v2, _, _ =	vpop (xrf0)  }
0x4c: {  	(v2sf) =	vpush v2, $0xF;
	_ =	sdelay $0xe  }
0x4d: {  	s22 =	spop (v2sf)  }
0x4e: {  	p0 =	slt.s32 s22, $0x1  }
0x4f: {  	s23 =	simm.s32 @!p0 $0x0;
	s24 =	simm.s32 @!p0 $0x5  }
0x50: {  	[tilespmem:s23], [sflag:$0x5] =	stream.linear.gather @!p0 [hbm4b:s9+s23], $0x80, $0x38;
	[tilespmem:$0x1C780] =	vst v63  }
0x51: {  	_ =	swait.ge @!p0 [sflag:s24], $0x80  }
0x52: {  	[sflag:s24] =	ssyncset.done @!p0 $0x0  }
0x53: {  	s25 =	simm.s32 @!p0 $0x100;
	[sflag:s24] =	ssyncadd.s32 @!p0 $0xFFFFFF80  }
0x54: {  	[tilespmem:s25], [sflag:$0x5] =	stream.linear.gather @!p0 [hbm4b:s10+s23], $0x80, $0x38;
	[tilespmem:$0x1C780] =	vst v63  }
0x55: {  	_ =	swait.ge @!p0 [sflag:s24], $0x80  }
0x56: {  	[sflag:s24] =	ssyncset.done @!p0 $0x0  }
0x57: {  	s25 =	simm.s32 @!p0 $0x300;
	[sflag:s24] =	ssyncadd.s32 @!p0 $0xFFFFFF80;
	s24 =	simm.s32 @!p0 $0x40  }
0x58: {  	[tilespmem:s25], [sflag:$0x1] =	stream.indirect.gather @!p0 [hbm4b:s4+s24], $0x80, s23, s24, $0xb8;
	[tilespmem:$0x1C780] =	vst v63  }
0x59: {  	s23 =	simm.s32 @!p0 $0x2300  }
0x5a: {  	[tilespmem:s23], [sflag:$0x3] =	stream.indirect.gather @!p0 [hbm4b:s4+s24], $0x80, s24, s24, $0xb8;
	[tilespmem:$0x1C780] =	vst v63  }
0x5b: {  	s28 =	sadd.s32 $0x1, s22;
	p0 =	slt.u32 s22, $0x7FFFFFFF;
	s24 =	simm.s32 $0x1  }
0x5c: {  	s29 =	sshra.s32 s28, $0x1F;
	s24 =	simm.s32 @!p0 $0x0  }
0x5d: {  	s30 =	sand.u32 $0x1, s28;
	s24 =	sadd.s32 s24, s29  }
0x5e: {  	p1 =	seq.s32 s30, $0x1;
	p6 =	sne.s32 s24, $0x1  }
0x5f: {  	s31 =	sshrl.u32 s28, $0x1F;
	p0 =	por !p6, !p1  }
0x60: {  	s23 =	sadd.s32 s31, s28;
	s24 =	simm.s32 $0x1;
	p0 =	por !p0, !p0  }
0x61: {  	s23 =	sshra.s32 s23, $0x1;
	s24 =	simm.s32 @!p0 $0x0  }
0x62: {  	s24 =	ssub.s32 s23, s24  }
0x63: {  	p0 =	slt.s32 s24, $0x1  }
.Ltmp3:
0x64: {  	_ = 	snop;
	(pc) =	sbr.rel @p0 .LBB2_7-.Ltmp3, $2  }
0x65: {  	_ =	sdelay $0x2  }
0x66: {  	s23 =	simm.s32 $0x1  }
0x67: {  	s25 =	sadd.s32 $0xFFFFFFFF, s23  }
0x68: {  	p0 =	sge.s32 s25, s22  }
0x69: {  	s25 =	simm.s32 @!p0 $0x1  }
0x6a: {  	_ =	swait.ge @!p0 [sflag:s25], $0x2000  }
0x6b: {  	p1 =	sge.s32 @!p0 s23, s22;
	[sflag:s25] =	ssyncset.done @!p0 $0x0  }
0x6c: {  	s26 =	simm.s32 @!p0 $0x3;
	p1 =	por p1, p0;
	[sflag:s25] =	ssyncadd.s32 @!p0 $0xFFFFE000  }
0x6d: {  	s28 =	simm.s32 @!p1 $0x0;
	_ =	swait.ge @!p0 [sflag:s26], $0x2000  }
0x6e: {  	s30 =	simm.s32 @!p1 $0x80;
	s25 =	sshrl.u32 @!p1 s16, $0x3;
	[sflag:s26] =	ssyncset.done @!p0 $0x0  }
0x6f: {  	s29 =	sadd.s32 @!p1 s5, s25;
	[sflag:s26] =	ssyncadd.s32 @!p0 $0xFFFFE000;
	s26 =	simm.s32 @!p1 $0x6  }
0x70: {  	[tilespmem:s30], [sflag:$0x6] =	stream.linear.gather @!p1 [hbm4b:s29+s28], $0x80, $0x38;
	[tilespmem:$0x1C780] =	vst v63  }
0x71: {  	_ =	swait.ge @!p1 [sflag:s26], $0x80  }
0x72: {  	[sflag:s26] =	ssyncset.done @!p1 $0x0  }
0x73: {  	s25 =	sadd.s32 @!p1 s6, s25;
	s29 =	simm.s32 @!p1 $0x180;
	[sflag:s26] =	ssyncadd.s32 @!p1 $0xFFFFFF80  }
0x74: {  	[tilespmem:s29], [sflag:$0x6] =	stream.linear.gather @!p1 [hbm4b:s25+s28], $0x80, $0x38;
	[tilespmem:$0x1C780] =	vst v63  }
0x75: {  	_ =	swait.ge @!p1 [sflag:s26], $0x80  }
0x76: {  	[sflag:s26] =	ssyncset.done @!p1 $0x0  }
0x77: {  	s25 =	simm.s32 @!p1 $0x40;
	[sflag:s26] =	ssyncadd.s32 @!p1 $0xFFFFFF80;
	s26 =	simm.s32 @!p1 $0x4300  }
0x78: {  	[tilespmem:s26], [sflag:$0x2] =	stream.indirect.gather @!p1 [hbm4b:s4+s25], $0x80, s30, s25, $0xb8;
	[tilespmem:$0x1C780] =	vst v63  }
0x79: {  	s28 =	simm.s32 @!p1 $0x6300;
	s26 =	simm.s32 @!p1 $0xC0  }
0x7a: {  	[tilespmem:s28], [sflag:$0x4] =	stream.indirect.gather @!p1 [hbm4b:s4+s25], $0x80, s26, s25, $0xb8;
	[tilespmem:$0x1C780] =	vst v63  }
0x7b: {  	v2 =	vld @!p0 [tilespmem:$0x170]  }
0x7c: {  	v3 =	vld @!p0 [tilespmem:$0x150]  }
0x7d: {  	v4 =	vld @!p0 [tilespmem:$0x160]  }
0x7e: {  	v5 =	vld @!p0 [tilespmem:$0x130]  }
0x7f: {  	v6 =	vld @!p0 [tilespmem:$0x120]  }
0x80: {  	v8 =	vld @!p0 [tilespmem:$0x110];
	v2 =	vsub.s32 @!p0 v2, v0  }
0x81: {  	v7 =	vld @!p0 [tilespmem:$0x140];
	v3 =	vsub.s32 @!p0 v3, v0;
	[tilespmem:$0x270] =	vst @!p0 v2  }
0x82: {  	v2 =	vld @!p0 [tilespmem:$0x100];
	[tilespmem:$0x250] =	vst @!p0 v3;
	v3 =	vsub.s32 @!p0 v4, v0  }
0x83: {  	v4 =	vsub.s32 @!p0 v5, v0;
	[tilespmem:$0x260] =	vst @!p0 v3  }
0x84: {  	v3 =	vsub.s32 @!p0 v6, v0;
	[tilespmem:$0x230] =	vst @!p0 v4  }
0x85: {  	v4 =	vsub.s32 @!p0 v8, v0;
	[tilespmem:$0x220] =	vst @!p0 v3  }
0x86: {  	v3 =	vsub.s32 @!p0 v7, v0;
	[tilespmem:$0x210] =	vst @!p0 v4  }
0x87: {  	s29 =	simm.s32 @!p0 $0x300;
	[tilespmem:$0x240] =	vst @!p0 v3;
	v2 =	vsub.s32 @!p0 v2, v0  }
0x88: {  	s25 =	simm.s32 @!p0 $0x6;
	s26 =	simm.s32 @!p0 $0x80;
	s28 =	simm.s32 @!p0 $0x200;
	[tilespmem:$0x200] =	vst @!p0 v2  }
0x89: {  	[spmem:s1] =	stream.indirect.scatter.add.f32 @!p0 [tilespmem:s29], [sflag:$0x6], $0x80, s28, s26, $0xb8;
	[tilespmem:$0x1C780] =	vst v63  }
0x8a: {  	_ =	swait.ge @!p0 [sflag:s25], $0x4000  }
0x8b: {  	p1 =	sge.s32 s23, s22;
	[sflag:s25] =	ssyncset.done @!p0 $0x0  }
0x8c: {  	[sflag:s25] =	ssyncadd.s32 @!p0 $0xFFFFC000;
	s25 =	simm.s32 @!p1 $0x2  }
0x8d: {  	s26 =	sadd.s32 $0x1, s23;
	_ =	swait.ge @!p1 [sflag:s25], $0x2000  }
0x8e: {  	p0 =	sge.s32 @!p1 s26, s22;
	[sflag:s25] =	ssyncset.done @!p1 $0x0  }
0x8f: {  	p0 =	por p0, p1;
	[sflag:s25] =	ssyncadd.s32 @!p1 $0xFFFFE000;
	s25 =	simm.s32 @!p1 $0x4  }
0x90: {  	s26 =	sadd.s32 @!p0 $0x400, s16;
	_ =	swait.ge @!p1 [sflag:s25], $0x2000  }
0x91: {  	s28 =	simm.s32 @!p0 $0x6;
	s26 =	sshrl.u32 @!p0 s26, $0x3;
	[sflag:s25] =	ssyncset.done @!p1 $0x0  }
0x92: {  	s29 =	simm.s32 @!p0 $0x0;
	[sflag:s25] =	ssyncadd.s32 @!p1 $0xFFFFE000;
	s25 =	sadd.s32 @!p0 s5, s26  }
0x93: {  	[tilespmem:s29], [sflag:$0x6] =	stream.linear.gather @!p0 [hbm4b:s25+s29], $0x80, $0x38;
	[tilespmem:$0x1C780] =	vst v63  }
0x94: {  	_ =	swait.ge @!p0 [sflag:s28], $0x80  }
0x95: {  	[sflag:s28] =	ssyncset.done @!p0 $0x0  }
0x96: {  	s25 =	sadd.s32 @!p0 s6, s26;
	s26 =	simm.s32 @!p0 $0x100;
	[sflag:s28] =	ssyncadd.s32 @!p0 $0xFFFFFF80  }
0x97: {  	[tilespmem:s26], [sflag:$0x6] =	stream.linear.gather @!p0 [hbm4b:s25+s29], $0x80, $0x38;
	[tilespmem:$0x1C780] =	vst v63  }
0x98: {  	_ =	swait.ge @!p0 [sflag:s28], $0x80  }
0x99: {  	[sflag:s28] =	ssyncset.done @!p0 $0x0  }
0x9a: {  	s25 =	simm.s32 @!p0 $0x40;
	s26 =	simm.s32 @!p0 $0x300;
	[sflag:s28] =	ssyncadd.s32 @!p0 $0xFFFFFF80  }
0x9b: {  	[tilespmem:s26], [sflag:$0x1] =	stream.indirect.gather @!p0 [hbm4b:s4+s25], $0x80, s29, s25, $0xb8;
	[tilespmem:$0x1C780] =	vst v63  }
0x9c: {  	s24 =	sadd.s32 $0xFFFFFFFF, s24;
	s26 =	simm.s32 @!p0 $0x2300  }
0x9d: {  	[tilespmem:s26], [sflag:$0x3] =	stream.indirect.gather @!p0 [hbm4b:s4+s25], $0x80, s25, s25, $0xb8;
	[tilespmem:$0x1C780] =	vst v63  }
0x9e: {  	p0 =	sne.s32 s24, $0x0  }
.Ltmp4:
0x9f: {  	_ = 	snop;
	(pc) =	sbr.rel @!p0 .LBB2_6-.Ltmp4, $3  }
0xa0: {  	_ =	sdelay $0x1  }
0xa1: {  	v3 =	vld @!p1 [tilespmem:$0x180]  }
0xa2: {  	s25 =	smov.u32 s16;
	v2 =	vld @!p1 [tilespmem:$0x190]  }
.LBB2_5:
0xa3: {  	s24 =	sadd.s32 $0xFFFFFFFF, s24;
	v4 =	vld @!p1 [tilespmem:$0x1E0];
	s25 =	sadd.s32 $0x800, s25;
	s23 =	sadd.s32 $0x2, s23  }
0xa4: {  	p0 =	sne.s32 s24, $0x0;
	v5 =	vld @!p1 [tilespmem:$0x1D0]  }
0xa5: {  	v6 =	vld @!p1 [tilespmem:$0x1B0]  }
0xa6: {  	v3 =	vsub.s32 @!p1 v3, v0;
	v7 =	vld @!p1 [tilespmem:$0x1A0]  }
0xa7: {  	[tilespmem:$0x280] =	vst @!p1 v3;
	v2 =	vsub.s32 @!p1 v2, v0;
	v3 =	vld @!p1 [tilespmem:$0x1C0]  }
0xa8: {  	[tilespmem:$0x290] =	vst @!p1 v2;
	v2 =	vsub.s32 @!p1 v4, v0;
	v4 =	vld @!p1 [tilespmem:$0x1F0]  }
0xa9: {  	v5 =	vsub.s32 @!p1 v5, v0;
	[tilespmem:$0x2E0] =	vst @!p1 v2  }
0xaa: {  	[tilespmem:$0x2D0] =	vst @!p1 v5  }
0xab: {  	v2 =	vsub.s32 @!p1 v7, v0  }
0xac: {  	[tilespmem:$0x2A0] =	vst @!p1 v2;
	v2 =	vsub.s32 @!p1 v6, v0;
	v3 =	vsub.s32 @!p1 v3, v0  }
0xad: {  	[tilespmem:$0x2C0] =	vst @!p1 v3;
	v3 =	vsub.s32 @!p1 v4, v0  }
0xae: {  	s26 =	simm.s32 @!p1 $0x80;
	s28 =	simm.s32 @!p1 $0x280;
	s29 =	simm.s32 @!p1 $0x4300;
	[tilespmem:$0x2F0] =	vst @!p1 v3  }
0xaf: {  	s31 =	simm.s32 @!p1 $0x5;
	s30 =	sadd.s32 $0xFFFFFFFF, s23;
	[tilespmem:$0x2B0] =	vst @!p1 v2  }
0xb0: {  	[spmem:s1] =	stream.indirect.scatter.add.f32 @!p1 [tilespmem:s29], [sflag:$0x5], $0x80, s28, s26, $0xb8;
	[tilespmem:$0x1C780] =	vst v63  }
0xb1: {  	p2 =	sge.s32 s30, s22;
	_ =	swait.ge @!p1 [sflag:s31], $0x4000  }
0xb2: {  	p3 =	sge.s32 @!p2 s23, s22;
	s26 =	simm.s32 @!p2 $0x1;
	[sflag:s31] =	ssyncset.done @!p1 $0x0  }
0xb3: {  	[sflag:s31] =	ssyncadd.s32 @!p1 $0xFFFFC000  }
0xb4: {  	_ =	swait.ge @!p2 [sflag:s26], $0x2000  }
0xb5: {  	s28 =	simm.s32 @!p2 $0x3;
	[sflag:s26] =	ssyncset.done @!p2 $0x0  }
0xb6: {  	p1 =	por p3, p2;
	[sflag:s26] =	ssyncadd.s32 @!p2 $0xFFFFE000  }
0xb7: {  	s29 =	simm.s32 @!p1 $0x0;
	s26 =	sshrl.u32 @!p1 s25, $0x3;
	_ =	swait.ge @!p2 [sflag:s28], $0x2000  }
0xb8: {  	s31 =	simm.s32 @!p1 $0x80;
	s30 =	sadd.s32 @!p1 s5, s26;
	[sflag:s28] =	ssyncset.done @!p2 $0x0  }
0xb9: {  	s26 =	sadd.s32 @!p1 s6, s26;
	[sflag:s28] =	ssyncadd.s32 @!p2 $0xFFFFE000;
	s28 =	simm.s32 @!p1 $0x6  }
0xba: {  	[tilespmem:s31], [sflag:$0x6] =	stream.linear.gather @!p1 [hbm4b:s30+s29], $0x80, $0x38;
	[tilespmem:$0x1C780] =	vst v63  }
0xbb: {  	_ =	swait.ge @!p1 [sflag:s28], $0x80  }
0xbc: {  	[sflag:s28] =	ssyncset.done @!p1 $0x0  }
0xbd: {  	s30 =	simm.s32 @!p1 $0x180;
	[sflag:s28] =	ssyncadd.s32 @!p1 $0xFFFFFF80  }
0xbe: {  	[tilespmem:s30], [sflag:$0x6] =	stream.linear.gather @!p1 [hbm4b:s26+s29], $0x80, $0x38;
	[tilespmem:$0x1C780] =	vst v63  }
0xbf: {  	_ =	swait.ge @!p1 [sflag:s28], $0x80  }
0xc0: {  	[sflag:s28] =	ssyncset.done @!p1 $0x0  }
0xc1: {  	s26 =	simm.s32 @!p1 $0x40;
	[sflag:s28] =	ssyncadd.s32 @!p1 $0xFFFFFF80;
	s28 =	simm.s32 @!p1 $0x4300  }
0xc2: {  	[tilespmem:s28], [sflag:$0x2] =	stream.indirect.gather @!p1 [hbm4b:s4+s26], $0x80, s31, s26, $0xb8;
	[tilespmem:$0x1C780] =	vst v63  }
0xc3: {  	s29 =	simm.s32 @!p1 $0x6300;
	s28 =	simm.s32 @!p1 $0xC0  }
0xc4: {  	[tilespmem:s29], [sflag:$0x4] =	stream.indirect.gather @!p1 [hbm4b:s4+s26], $0x80, s28, s26, $0xb8;
	[tilespmem:$0x1C780] =	vst v63  }
0xc5: {  	v2 =	vld @!p2 [tilespmem:$0x170]  }
0xc6: {  	v3 =	vld @!p2 [tilespmem:$0x150]  }
0xc7: {  	v4 =	vld @!p2 [tilespmem:$0x160]  }
0xc8: {  	v5 =	vld @!p2 [tilespmem:$0x130]  }
0xc9: {  	v6 =	vld @!p2 [tilespmem:$0x120]  }
0xca: {  	v7 =	vld @!p2 [tilespmem:$0x140];
	v2 =	vsub.s32 @!p2 v2, v0  }
0xcb: {  	v8 =	vld @!p2 [tilespmem:$0x110];
	v3 =	vsub.s32 @!p2 v3, v0;
	[tilespmem:$0x270] =	vst @!p2 v2  }
0xcc: {  	v2 =	vld @!p2 [tilespmem:$0x100];
	[tilespmem:$0x250] =	vst @!p2 v3;
	v3 =	vsub.s32 @!p2 v4, v0  }
0xcd: {  	v4 =	vsub.s32 @!p2 v5, v0;
	[tilespmem:$0x260] =	vst @!p2 v3  }
0xce: {  	v3 =	vsub.s32 @!p2 v6, v0;
	[tilespmem:$0x230] =	vst @!p2 v4  }
0xcf: {  	[tilespmem:$0x220] =	vst @!p2 v3;
	v3 =	vsub.s32 @!p2 v7, v0  }
0xd0: {  	v4 =	vsub.s32 @!p2 v8, v0;
	[tilespmem:$0x240] =	vst @!p2 v3  }
0xd1: {  	s26 =	simm.s32 @!p2 $0x6;
	v2 =	vsub.s32 @!p2 v2, v0;
	[tilespmem:$0x210] =	vst @!p2 v4  }
0xd2: {  	s30 =	simm.s32 @!p2 $0x300;
	s28 =	simm.s32 @!p2 $0x80;
	s29 =	simm.s32 @!p2 $0x200;
	[tilespmem:$0x200] =	vst @!p2 v2  }
0xd3: {  	[spmem:s1] =	stream.indirect.scatter.add.f32 @!p2 [tilespmem:s30], [sflag:$0x6], $0x80, s29, s28, $0xb8;
	[tilespmem:$0x1C780] =	vst v63  }
0xd4: {  	_ =	swait.ge @!p2 [sflag:s26], $0x4000  }
0xd5: {  	p1 =	sge.s32 s23, s22;
	[sflag:s26] =	ssyncset.done @!p2 $0x0  }
0xd6: {  	[sflag:s26] =	ssyncadd.s32 @!p2 $0xFFFFC000;
	s26 =	simm.s32 @!p1 $0x2  }
0xd7: {  	s28 =	sadd.s32 $0x1, s23;
	_ =	swait.ge @!p1 [sflag:s26], $0x2000  }
0xd8: {  	p2 =	sge.s32 @!p1 s28, s22;
	[sflag:s26] =	ssyncset.done @!p1 $0x0  }
0xd9: {  	p2 =	por p2, p1;
	[sflag:s26] =	ssyncadd.s32 @!p1 $0xFFFFE000;
	s26 =	simm.s32 @!p1 $0x4  }
0xda: {  	s28 =	sadd.s32 @!p2 $0x400, s25;
	_ =	swait.ge @!p1 [sflag:s26], $0x2000  }
0xdb: {  	s29 =	simm.s32 @!p2 $0x6;
	s28 =	sshrl.u32 @!p2 s28, $0x3;
	[sflag:s26] =	ssyncset.done @!p1 $0x0  }
0xdc: {  	s30 =	simm.s32 @!p2 $0x0;
	[sflag:s26] =	ssyncadd.s32 @!p1 $0xFFFFE000;
	s26 =	sadd.s32 @!p2 s5, s28  }
0xdd: {  	[tilespmem:s30], [sflag:$0x6] =	stream.linear.gather @!p2 [hbm4b:s26+s30], $0x80, $0x38;
	[tilespmem:$0x1C780] =	vst v63  }
0xde: {  	_ =	swait.ge @!p2 [sflag:s29], $0x80  }
0xdf: {  	[sflag:s29] =	ssyncset.done @!p2 $0x0  }
0xe0: {  	s26 =	sadd.s32 @!p2 s6, s28;
	s28 =	simm.s32 @!p2 $0x100;
	[sflag:s29] =	ssyncadd.s32 @!p2 $0xFFFFFF80  }
0xe1: {  	[tilespmem:s28], [sflag:$0x6] =	stream.linear.gather @!p2 [hbm4b:s26+s30], $0x80, $0x38;
	[tilespmem:$0x1C780] =	vst v63  }
0xe2: {  	_ =	swait.ge @!p2 [sflag:s29], $0x80  }
0xe3: {  	[sflag:s29] =	ssyncset.done @!p2 $0x0  }
0xe4: {  	s26 =	simm.s32 @!p2 $0x40;
	s28 =	simm.s32 @!p2 $0x300;
	[sflag:s29] =	ssyncadd.s32 @!p2 $0xFFFFFF80  }
0xe5: {  	[tilespmem:s28], [sflag:$0x1] =	stream.indirect.gather @!p2 [hbm4b:s4+s26], $0x80, s30, s26, $0xb8;
	[tilespmem:$0x1C780] =	vst v63  }
.Ltmp5:
0xe6: {  	_ = 	snop;
	(pc) =	sbr.rel @p0 .LBB2_5-.Ltmp5, $4  }
0xe7: {  	s28 =	simm.s32 @!p2 $0x2300  }
0xe8: {  	[tilespmem:s28], [sflag:$0x3] =	stream.indirect.gather @!p2 [hbm4b:s4+s26], $0x80, s26, s26, $0xb8;
	[tilespmem:$0x1C780] =	vst v63  }
0xe9: {  	v3 =	vld @!p1 [tilespmem:$0x180]  }
0xea: {  	v2 =	vld @!p1 [tilespmem:$0x190]  }
.LBB2_6:
0xeb: {  	v4 =	vld @!p1 [tilespmem:$0x1E0]  }
0xec: {  	v5 =	vld @!p1 [tilespmem:$0x1D0]  }
0xed: {  	v6 =	vld @!p1 [tilespmem:$0x1A0]  }
0xee: {  	v7 =	vld @!p1 [tilespmem:$0x1C0];
	v3 =	vsub.s32 @!p1 v3, v0  }
0xef: {  	[tilespmem:$0x280] =	vst @!p1 v3;
	v2 =	vsub.s32 @!p1 v2, v0;
	v3 =	vld @!p1 [tilespmem:$0x1F0]  }
0xf0: {  	[tilespmem:$0x290] =	vst @!p1 v2;
	v2 =	vld @!p1 [tilespmem:$0x1B0];
	v4 =	vsub.s32 @!p1 v4, v0  }
0xf1: {  	v5 =	vsub.s32 @!p1 v5, v0;
	[tilespmem:$0x2E0] =	vst @!p1 v4  }
0xf2: {  	[tilespmem:$0x2D0] =	vst @!p1 v5;
	v4 =	vsub.s32 @!p1 v6, v0  }
0xf3: {  	[tilespmem:$0x2A0] =	vst @!p1 v4;
	v4 =	vsub.s32 @!p1 v7, v0  }
0xf4: {  	[tilespmem:$0x2C0] =	vst @!p1 v4;
	v3 =	vsub.s32 @!p1 v3, v0  }
0xf5: {  	s22 =	simm.s32 @!p1 $0x80;
	v2 =	vsub.s32 @!p1 v2, v0;
	[tilespmem:$0x2F0] =	vst @!p1 v3  }
0xf6: {  	s23 =	simm.s32 @!p1 $0x280;
	s24 =	simm.s32 @!p1 $0x4300;
	s25 =	simm.s32 @!p1 $0x5;
	[tilespmem:$0x2B0] =	vst @!p1 v2  }
0xf7: {  	[spmem:s1] =	stream.indirect.scatter.add.f32 @!p1 [tilespmem:s24], [sflag:$0x5], $0x80, s23, s22, $0xb8;
	[tilespmem:$0x1C780] =	vst v63  }
0xf8: {  	_ =	swait.ge @!p1 [sflag:s25], $0x4000  }
0xf9: {  	[sflag:s25] =	ssyncset.done @!p1 $0x0  }
0xfa: {  	[sflag:s25] =	ssyncadd.s32 @!p1 $0xFFFFC000  }
.LBB2_7:
0xfb: {  	[tilespmem:s20], [sflag:$0x5] =	stream.linear.gather [hbm4b:s11+s3], $0x80, $0x38;
	[tilespmem:$0x1C780] =	vst v63  }
0xfc: {  	_ =	swait.ge [sflag:s19], $0x80  }
0xfd: {  	[sflag:s19] =	ssyncset.done $0x0  }
0xfe: {  	[sflag:s19] =	ssyncadd.s32 $0xFFFFFF80  }
0xff: {  	v2 =	vld [tilespmem:$0x12300];
	_ =	sdelay $0x4  }
0x100: {  	v2 =	vnsel vm0, $0x0, v2  }
0x101: {  	(xrf0) =	vadd.scan.msk.s32 $0xffff, v2;
	_ =	sdelay $0x5  }
0x102: {  	v2, _, _ =	vpop (xrf0)  }
0x103: {  	(v2sf) =	vpush v2, $0xF;
	_ =	sdelay $0xe  }
0x104: {  	s22 =	spop (v2sf)  }
0x105: {  	p0 =	slt.s32 s22, $0x1  }
0x106: {  	s23 =	simm.s32 @!p0 $0x0;
	s24 =	simm.s32 @!p0 $0x5  }
0x107: {  	[tilespmem:s23], [sflag:$0x5] =	stream.linear.gather @!p0 [hbm4b:s12+s23], $0x80, $0x38;
	[tilespmem:$0x1C780] =	vst v63  }
0x108: {  	_ =	swait.ge @!p0 [sflag:s24], $0x80  }
0x109: {  	[sflag:s24] =	ssyncset.done @!p0 $0x0  }
0x10a: {  	s25 =	simm.s32 @!p0 $0x100;
	[sflag:s24] =	ssyncadd.s32 @!p0 $0xFFFFFF80  }
0x10b: {  	[tilespmem:s25], [sflag:$0x5] =	stream.linear.gather @!p0 [hbm4b:s13+s23], $0x80, $0x38;
	[tilespmem:$0x1C780] =	vst v63  }
0x10c: {  	_ =	swait.ge @!p0 [sflag:s24], $0x80  }
0x10d: {  	[sflag:s24] =	ssyncset.done @!p0 $0x0  }
0x10e: {  	s25 =	simm.s32 @!p0 $0x300;
	[sflag:s24] =	ssyncadd.s32 @!p0 $0xFFFFFF80;
	s24 =	simm.s32 @!p0 $0x40  }
0x10f: {  	[tilespmem:s25], [sflag:$0x1] =	stream.indirect.gather @!p0 [hbm4b:s4+s24], $0x80, s23, s24, $0xb8;
	[tilespmem:$0x1C780] =	vst v63  }
0x110: {  	s23 =	simm.s32 @!p0 $0x2300  }
0x111: {  	[tilespmem:s23], [sflag:$0x3] =	stream.indirect.gather @!p0 [hbm4b:s4+s24], $0x80, s24, s24, $0xb8;
	[tilespmem:$0x1C780] =	vst v63  }
0x112: {  	s28 =	sadd.s32 $0x1, s22;
	p0 =	slt.u32 s22, $0x7FFFFFFF;
	s24 =	simm.s32 $0x1  }
0x113: {  	s29 =	sshra.s32 s28, $0x1F;
	s24 =	simm.s32 @!p0 $0x0  }
0x114: {  	s30 =	sand.u32 $0x1, s28;
	s24 =	sadd.s32 s24, s29  }
0x115: {  	p1 =	seq.s32 s30, $0x1;
	p6 =	sne.s32 s24, $0x1  }
0x116: {  	s31 =	sshrl.u32 s28, $0x1F;
	p0 =	por !p6, !p1  }
0x117: {  	s23 =	sadd.s32 s31, s28;
	s24 =	simm.s32 $0x1;
	p0 =	por !p0, !p0  }
0x118: {  	s23 =	sshra.s32 s23, $0x1;
	s24 =	simm.s32 @!p0 $0x0  }
0x119: {  	s24 =	ssub.s32 s23, s24  }
0x11a: {  	p0 =	slt.s32 s24, $0x1  }
.Ltmp6:
0x11b: {  	_ = 	snop;
	(pc) =	sbr.rel @p0 .LBB2_11-.Ltmp6, $2  }
0x11c: {  	_ =	sdelay $0x2  }
0x11d: {  	s23 =	simm.s32 $0x1  }
0x11e: {  	s25 =	sadd.s32 $0xFFFFFFFF, s23  }
0x11f: {  	p0 =	sge.s32 s25, s22  }
0x120: {  	s25 =	simm.s32 @!p0 $0x1  }
0x121: {  	_ =	swait.ge @!p0 [sflag:s25], $0x2000  }
0x122: {  	p1 =	sge.s32 @!p0 s23, s22;
	[sflag:s25] =	ssyncset.done @!p0 $0x0  }
0x123: {  	s26 =	simm.s32 @!p0 $0x3;
	p1 =	por p1, p0;
	[sflag:s25] =	ssyncadd.s32 @!p0 $0xFFFFE000  }
0x124: {  	s28 =	simm.s32 @!p1 $0x0;
	_ =	swait.ge @!p0 [sflag:s26], $0x2000  }
0x125: {  	s30 =	simm.s32 @!p1 $0x80;
	s25 =	sshrl.u32 @!p1 s17, $0x3;
	[sflag:s26] =	ssyncset.done @!p0 $0x0  }
0x126: {  	s29 =	sadd.s32 @!p1 s5, s25;
	[sflag:s26] =	ssyncadd.s32 @!p0 $0xFFFFE000;
	s26 =	simm.s32 @!p1 $0x6  }
0x127: {  	[tilespmem:s30], [sflag:$0x6] =	stream.linear.gather @!p1 [hbm4b:s29+s28], $0x80, $0x38;
	[tilespmem:$0x1C780] =	vst v63  }
0x128: {  	_ =	swait.ge @!p1 [sflag:s26], $0x80  }
0x129: {  	[sflag:s26] =	ssyncset.done @!p1 $0x0  }
0x12a: {  	s25 =	sadd.s32 @!p1 s6, s25;
	s29 =	simm.s32 @!p1 $0x180;
	[sflag:s26] =	ssyncadd.s32 @!p1 $0xFFFFFF80  }
0x12b: {  	[tilespmem:s29], [sflag:$0x6] =	stream.linear.gather @!p1 [hbm4b:s25+s28], $0x80, $0x38;
	[tilespmem:$0x1C780] =	vst v63  }
0x12c: {  	_ =	swait.ge @!p1 [sflag:s26], $0x80  }
0x12d: {  	[sflag:s26] =	ssyncset.done @!p1 $0x0  }
0x12e: {  	s25 =	simm.s32 @!p1 $0x40;
	[sflag:s26] =	ssyncadd.s32 @!p1 $0xFFFFFF80;
	s26 =	simm.s32 @!p1 $0x4300  }
0x12f: {  	[tilespmem:s26], [sflag:$0x2] =	stream.indirect.gather @!p1 [hbm4b:s4+s25], $0x80, s30, s25, $0xb8;
	[tilespmem:$0x1C780] =	vst v63  }
0x130: {  	s28 =	simm.s32 @!p1 $0x6300;
	s26 =	simm.s32 @!p1 $0xC0  }
0x131: {  	[tilespmem:s28], [sflag:$0x4] =	stream.indirect.gather @!p1 [hbm4b:s4+s25], $0x80, s26, s25, $0xb8;
	[tilespmem:$0x1C780] =	vst v63  }
0x132: {  	v2 =	vld @!p0 [tilespmem:$0x170]  }
0x133: {  	v3 =	vld @!p0 [tilespmem:$0x150]  }
0x134: {  	v4 =	vld @!p0 [tilespmem:$0x160]  }
0x135: {  	v5 =	vld @!p0 [tilespmem:$0x130]  }
0x136: {  	v6 =	vld @!p0 [tilespmem:$0x120]  }
0x137: {  	v8 =	vld @!p0 [tilespmem:$0x110];
	v2 =	vsub.s32 @!p0 v2, v0  }
0x138: {  	v7 =	vld @!p0 [tilespmem:$0x140];
	v3 =	vsub.s32 @!p0 v3, v0;
	[tilespmem:$0x270] =	vst @!p0 v2  }
0x139: {  	v2 =	vld @!p0 [tilespmem:$0x100];
	[tilespmem:$0x250] =	vst @!p0 v3;
	v3 =	vsub.s32 @!p0 v4, v0  }
0x13a: {  	v4 =	vsub.s32 @!p0 v5, v0;
	[tilespmem:$0x260] =	vst @!p0 v3  }
0x13b: {  	v3 =	vsub.s32 @!p0 v6, v0;
	[tilespmem:$0x230] =	vst @!p0 v4  }
0x13c: {  	v4 =	vsub.s32 @!p0 v8, v0;
	[tilespmem:$0x220] =	vst @!p0 v3  }
0x13d: {  	v3 =	vsub.s32 @!p0 v7, v0;
	[tilespmem:$0x210] =	vst @!p0 v4  }
0x13e: {  	s29 =	simm.s32 @!p0 $0x300;
	[tilespmem:$0x240] =	vst @!p0 v3;
	v2 =	vsub.s32 @!p0 v2, v0  }
0x13f: {  	s25 =	simm.s32 @!p0 $0x6;
	s26 =	simm.s32 @!p0 $0x80;
	s28 =	simm.s32 @!p0 $0x200;
	[tilespmem:$0x200] =	vst @!p0 v2  }
0x140: {  	[spmem:s1] =	stream.indirect.scatter.add.f32 @!p0 [tilespmem:s29], [sflag:$0x6], $0x80, s28, s26, $0xb8;
	[tilespmem:$0x1C780] =	vst v63  }
0x141: {  	_ =	swait.ge @!p0 [sflag:s25], $0x4000  }
0x142: {  	p1 =	sge.s32 s23, s22;
	[sflag:s25] =	ssyncset.done @!p0 $0x0  }
0x143: {  	[sflag:s25] =	ssyncadd.s32 @!p0 $0xFFFFC000;
	s25 =	simm.s32 @!p1 $0x2  }
0x144: {  	s26 =	sadd.s32 $0x1, s23;
	_ =	swait.ge @!p1 [sflag:s25], $0x2000  }
0x145: {  	p0 =	sge.s32 @!p1 s26, s22;
	[sflag:s25] =	ssyncset.done @!p1 $0x0  }
0x146: {  	p0 =	por p0, p1;
	[sflag:s25] =	ssyncadd.s32 @!p1 $0xFFFFE000;
	s25 =	simm.s32 @!p1 $0x4  }
0x147: {  	s26 =	sadd.s32 @!p0 $0x400, s17;
	_ =	swait.ge @!p1 [sflag:s25], $0x2000  }
0x148: {  	s28 =	simm.s32 @!p0 $0x6;
	s26 =	sshrl.u32 @!p0 s26, $0x3;
	[sflag:s25] =	ssyncset.done @!p1 $0x0  }
0x149: {  	s29 =	simm.s32 @!p0 $0x0;
	[sflag:s25] =	ssyncadd.s32 @!p1 $0xFFFFE000;
	s25 =	sadd.s32 @!p0 s5, s26  }
0x14a: {  	[tilespmem:s29], [sflag:$0x6] =	stream.linear.gather @!p0 [hbm4b:s25+s29], $0x80, $0x38;
	[tilespmem:$0x1C780] =	vst v63  }
0x14b: {  	_ =	swait.ge @!p0 [sflag:s28], $0x80  }
0x14c: {  	[sflag:s28] =	ssyncset.done @!p0 $0x0  }
0x14d: {  	s25 =	sadd.s32 @!p0 s6, s26;
	s26 =	simm.s32 @!p0 $0x100;
	[sflag:s28] =	ssyncadd.s32 @!p0 $0xFFFFFF80  }
0x14e: {  	[tilespmem:s26], [sflag:$0x6] =	stream.linear.gather @!p0 [hbm4b:s25+s29], $0x80, $0x38;
	[tilespmem:$0x1C780] =	vst v63  }
0x14f: {  	_ =	swait.ge @!p0 [sflag:s28], $0x80  }
0x150: {  	[sflag:s28] =	ssyncset.done @!p0 $0x0  }
0x151: {  	s25 =	simm.s32 @!p0 $0x40;
	s26 =	simm.s32 @!p0 $0x300;
	[sflag:s28] =	ssyncadd.s32 @!p0 $0xFFFFFF80  }
0x152: {  	[tilespmem:s26], [sflag:$0x1] =	stream.indirect.gather @!p0 [hbm4b:s4+s25], $0x80, s29, s25, $0xb8;
	[tilespmem:$0x1C780] =	vst v63  }
0x153: {  	s24 =	sadd.s32 $0xFFFFFFFF, s24;
	s26 =	simm.s32 @!p0 $0x2300  }
0x154: {  	[tilespmem:s26], [sflag:$0x3] =	stream.indirect.gather @!p0 [hbm4b:s4+s25], $0x80, s25, s25, $0xb8;
	[tilespmem:$0x1C780] =	vst v63  }
0x155: {  	p0 =	sne.s32 s24, $0x0  }
.Ltmp7:
0x156: {  	_ = 	snop;
	(pc) =	sbr.rel @!p0 .LBB2_10-.Ltmp7, $4  }
0x157: {  	_ = 	snop  }
0x158: {  	v3 =	vld @!p1 [tilespmem:$0x180]  }
0x159: {  	v2 =	vld @!p1 [tilespmem:$0x190]  }
0x15a: {  	s25 =	smov.u32 s17  }
.LBB2_9:
0x15b: {  	s24 =	sadd.s32 $0xFFFFFFFF, s24;
	v4 =	vld @!p1 [tilespmem:$0x1E0];
	s25 =	sadd.s32 $0x800, s25;
	s23 =	sadd.s32 $0x2, s23  }
0x15c: {  	p0 =	sne.s32 s24, $0x0;
	v5 =	vld @!p1 [tilespmem:$0x1D0]  }
0x15d: {  	v6 =	vld @!p1 [tilespmem:$0x1B0]  }
0x15e: {  	v3 =	vsub.s32 @!p1 v3, v0;
	v7 =	vld @!p1 [tilespmem:$0x1A0]  }
0x15f: {  	v2 =	vsub.s32 @!p1 v2, v0;
	[tilespmem:$0x280] =	vst @!p1 v3;
	v3 =	vld @!p1 [tilespmem:$0x1C0]  }
0x160: {  	[tilespmem:$0x290] =	vst @!p1 v2;
	v2 =	vsub.s32 @!p1 v4, v0;
	v4 =	vld @!p1 [tilespmem:$0x1F0]  }
0x161: {  	v5 =	vsub.s32 @!p1 v5, v0;
	[tilespmem:$0x2E0] =	vst @!p1 v2  }
0x162: {  	[tilespmem:$0x2D0] =	vst @!p1 v5  }
0x163: {  	v2 =	vsub.s32 @!p1 v7, v0  }
0x164: {  	[tilespmem:$0x2A0] =	vst @!p1 v2;
	v2 =	vsub.s32 @!p1 v6, v0;
	v3 =	vsub.s32 @!p1 v3, v0  }
0x165: {  	[tilespmem:$0x2C0] =	vst @!p1 v3;
	v3 =	vsub.s32 @!p1 v4, v0  }
0x166: {  	s26 =	simm.s32 @!p1 $0x80;
	s28 =	simm.s32 @!p1 $0x280;
	s29 =	simm.s32 @!p1 $0x4300;
	[tilespmem:$0x2F0] =	vst @!p1 v3  }
0x167: {  	s31 =	simm.s32 @!p1 $0x5;
	s30 =	sadd.s32 $0xFFFFFFFF, s23;
	[tilespmem:$0x2B0] =	vst @!p1 v2  }
0x168: {  	[spmem:s1] =	stream.indirect.scatter.add.f32 @!p1 [tilespmem:s29], [sflag:$0x5], $0x80, s28, s26, $0xb8;
	[tilespmem:$0x1C780] =	vst v63  }
0x169: {  	p2 =	sge.s32 s30, s22;
	_ =	swait.ge @!p1 [sflag:s31], $0x4000  }
0x16a: {  	p3 =	sge.s32 @!p2 s23, s22;
	s26 =	simm.s32 @!p2 $0x1;
	[sflag:s31] =	ssyncset.done @!p1 $0x0  }
0x16b: {  	[sflag:s31] =	ssyncadd.s32 @!p1 $0xFFFFC000  }
0x16c: {  	_ =	swait.ge @!p2 [sflag:s26], $0x2000  }
0x16d: {  	s28 =	simm.s32 @!p2 $0x3;
	[sflag:s26] =	ssyncset.done @!p2 $0x0  }
0x16e: {  	p1 =	por p3, p2;
	[sflag:s26] =	ssyncadd.s32 @!p2 $0xFFFFE000  }
0x16f: {  	s29 =	simm.s32 @!p1 $0x0;
	s26 =	sshrl.u32 @!p1 s25, $0x3;
	_ =	swait.ge @!p2 [sflag:s28], $0x2000  }
0x170: {  	s31 =	simm.s32 @!p1 $0x80;
	s30 =	sadd.s32 @!p1 s5, s26;
	[sflag:s28] =	ssyncset.done @!p2 $0x0  }
0x171: {  	s26 =	sadd.s32 @!p1 s6, s26;
	[sflag:s28] =	ssyncadd.s32 @!p2 $0xFFFFE000;
	s28 =	simm.s32 @!p1 $0x6  }
0x172: {  	[tilespmem:s31], [sflag:$0x6] =	stream.linear.gather @!p1 [hbm4b:s30+s29], $0x80, $0x38;
	[tilespmem:$0x1C780] =	vst v63  }
0x173: {  	_ =	swait.ge @!p1 [sflag:s28], $0x80  }
0x174: {  	[sflag:s28] =	ssyncset.done @!p1 $0x0  }
0x175: {  	s30 =	simm.s32 @!p1 $0x180;
	[sflag:s28] =	ssyncadd.s32 @!p1 $0xFFFFFF80  }
0x176: {  	[tilespmem:s30], [sflag:$0x6] =	stream.linear.gather @!p1 [hbm4b:s26+s29], $0x80, $0x38;
	[tilespmem:$0x1C780] =	vst v63  }
0x177: {  	_ =	swait.ge @!p1 [sflag:s28], $0x80  }
0x178: {  	[sflag:s28] =	ssyncset.done @!p1 $0x0  }
0x179: {  	s26 =	simm.s32 @!p1 $0x40;
	[sflag:s28] =	ssyncadd.s32 @!p1 $0xFFFFFF80;
	s28 =	simm.s32 @!p1 $0x4300  }
0x17a: {  	[tilespmem:s28], [sflag:$0x2] =	stream.indirect.gather @!p1 [hbm4b:s4+s26], $0x80, s31, s26, $0xb8;
	[tilespmem:$0x1C780] =	vst v63  }
0x17b: {  	s29 =	simm.s32 @!p1 $0x6300;
	s28 =	simm.s32 @!p1 $0xC0  }
0x17c: {  	[tilespmem:s29], [sflag:$0x4] =	stream.indirect.gather @!p1 [hbm4b:s4+s26], $0x80, s28, s26, $0xb8;
	[tilespmem:$0x1C780] =	vst v63  }
0x17d: {  	v2 =	vld @!p2 [tilespmem:$0x170]  }
0x17e: {  	v3 =	vld @!p2 [tilespmem:$0x150]  }
0x17f: {  	v4 =	vld @!p2 [tilespmem:$0x160]  }
0x180: {  	v5 =	vld @!p2 [tilespmem:$0x130]  }
0x181: {  	v6 =	vld @!p2 [tilespmem:$0x120]  }
0x182: {  	v7 =	vld @!p2 [tilespmem:$0x140];
	v2 =	vsub.s32 @!p2 v2, v0  }
0x183: {  	v8 =	vld @!p2 [tilespmem:$0x110];
	v3 =	vsub.s32 @!p2 v3, v0;
	[tilespmem:$0x270] =	vst @!p2 v2  }
0x184: {  	v2 =	vld @!p2 [tilespmem:$0x100];
	[tilespmem:$0x250] =	vst @!p2 v3;
	v3 =	vsub.s32 @!p2 v4, v0  }
0x185: {  	v4 =	vsub.s32 @!p2 v5, v0;
	[tilespmem:$0x260] =	vst @!p2 v3  }
0x186: {  	v3 =	vsub.s32 @!p2 v6, v0;
	[tilespmem:$0x230] =	vst @!p2 v4  }
0x187: {  	[tilespmem:$0x220] =	vst @!p2 v3;
	v3 =	vsub.s32 @!p2 v7, v0  }
0x188: {  	v4 =	vsub.s32 @!p2 v8, v0;
	[tilespmem:$0x240] =	vst @!p2 v3  }
0x189: {  	s26 =	simm.s32 @!p2 $0x6;
	v2 =	vsub.s32 @!p2 v2, v0;
	[tilespmem:$0x210] =	vst @!p2 v4  }
0x18a: {  	s30 =	simm.s32 @!p2 $0x300;
	s28 =	simm.s32 @!p2 $0x80;
	s29 =	simm.s32 @!p2 $0x200;
	[tilespmem:$0x200] =	vst @!p2 v2  }
0x18b: {  	[spmem:s1] =	stream.indirect.scatter.add.f32 @!p2 [tilespmem:s30], [sflag:$0x6], $0x80, s29, s28, $0xb8;
	[tilespmem:$0x1C780] =	vst v63  }
0x18c: {  	_ =	swait.ge @!p2 [sflag:s26], $0x4000  }
0x18d: {  	p1 =	sge.s32 s23, s22;
	[sflag:s26] =	ssyncset.done @!p2 $0x0  }
0x18e: {  	[sflag:s26] =	ssyncadd.s32 @!p2 $0xFFFFC000;
	s26 =	simm.s32 @!p1 $0x2  }
0x18f: {  	s28 =	sadd.s32 $0x1, s23;
	_ =	swait.ge @!p1 [sflag:s26], $0x2000  }
0x190: {  	p2 =	sge.s32 @!p1 s28, s22;
	[sflag:s26] =	ssyncset.done @!p1 $0x0  }
0x191: {  	p2 =	por p2, p1;
	[sflag:s26] =	ssyncadd.s32 @!p1 $0xFFFFE000;
	s26 =	simm.s32 @!p1 $0x4  }
0x192: {  	s28 =	sadd.s32 @!p2 $0x400, s25;
	_ =	swait.ge @!p1 [sflag:s26], $0x2000  }
0x193: {  	s29 =	simm.s32 @!p2 $0x6;
	s28 =	sshrl.u32 @!p2 s28, $0x3;
	[sflag:s26] =	ssyncset.done @!p1 $0x0  }
0x194: {  	s30 =	simm.s32 @!p2 $0x0;
	[sflag:s26] =	ssyncadd.s32 @!p1 $0xFFFFE000;
	s26 =	sadd.s32 @!p2 s5, s28  }
0x195: {  	[tilespmem:s30], [sflag:$0x6] =	stream.linear.gather @!p2 [hbm4b:s26+s30], $0x80, $0x38;
	[tilespmem:$0x1C780] =	vst v63  }
0x196: {  	_ =	swait.ge @!p2 [sflag:s29], $0x80  }
0x197: {  	[sflag:s29] =	ssyncset.done @!p2 $0x0  }
0x198: {  	s26 =	sadd.s32 @!p2 s6, s28;
	s28 =	simm.s32 @!p2 $0x100;
	[sflag:s29] =	ssyncadd.s32 @!p2 $0xFFFFFF80  }
0x199: {  	[tilespmem:s28], [sflag:$0x6] =	stream.linear.gather @!p2 [hbm4b:s26+s30], $0x80, $0x38;
	[tilespmem:$0x1C780] =	vst v63  }
0x19a: {  	_ =	swait.ge @!p2 [sflag:s29], $0x80  }
0x19b: {  	[sflag:s29] =	ssyncset.done @!p2 $0x0  }
0x19c: {  	s26 =	simm.s32 @!p2 $0x40;
	s28 =	simm.s32 @!p2 $0x300;
	[sflag:s29] =	ssyncadd.s32 @!p2 $0xFFFFFF80  }
0x19d: {  	[tilespmem:s28], [sflag:$0x1] =	stream.indirect.gather @!p2 [hbm4b:s4+s26], $0x80, s30, s26, $0xb8;
	[tilespmem:$0x1C780] =	vst v63  }
.Ltmp8:
0x19e: {  	_ = 	snop;
	(pc) =	sbr.rel @p0 .LBB2_9-.Ltmp8, $4  }
0x19f: {  	s28 =	simm.s32 @!p2 $0x2300  }
0x1a0: {  	[tilespmem:s28], [sflag:$0x3] =	stream.indirect.gather @!p2 [hbm4b:s4+s26], $0x80, s26, s26, $0xb8;
	[tilespmem:$0x1C780] =	vst v63  }
0x1a1: {  	v3 =	vld @!p1 [tilespmem:$0x180]  }
0x1a2: {  	v2 =	vld @!p1 [tilespmem:$0x190]  }
.Ltmp9:
0x1a3: {  	_ = 	snop;
	(pc) =	sbr.rel .LBB2_10-.Ltmp9, $1  }
0x1a4: {  	_ =	sdelay $0x3  }
.LBB2_12:
0x1a5: {  	_ =	sfence.sel $0x180000  }
0x1a6: {  	[bflag:$0x0] =	sbarrier.arrive $0xFFFF  }
0x1a7: {  	p0 =	sne.s32 s2, $0x0;
	_ =	strace $0x9000004D  }
0x1a8: {  	s0 =	sadd.s32 @!p0 $0x100000, s0;
	[bflag:$0x2] =	sbarrier.arrive $0xFFFF  }
0x1a9: {  	[sflag:s0] =	ssyncadd.tile.s32 @!p0 $0x1;
	_ =	shalt  }
.Lfunc_end2:
_tile_overlayer_lowered:
.L_overlay_start_2:
0x1aa: {  	(tag) =	ssettag $0x2  }
0x1ab: {  	s0 =	rddreg [dreg:$0x0];
	s2 =	stileid.u32  }
0x1ac: {  	s1 =	rddreg [dreg:$0x1];
	p0 =	sne.s32 s2, $0x0  }
0x1ad: {  	s3 =	rddreg [dreg:$0x2];
	[bflag:$0x3] =	sbarrier.arrive $0xFFFF;
	s2 =	simm.s32 @!p0 $0x1C05  }
0x1ae: {  	[timem:s3], [sflag:s2] =	dma.local @!p0 [hbm:s0], s1  }
0x1af: {  	s0 =	simm.s32 @!p0 $0x5  }
0x1b0: {  	_ =	swait.ge @!p0 [sflag:s0], s1  }
0x1b1: {  	s1 =	ssub.s32 @!p0 $0x0, s1;
	[sflag:s0] =	ssyncset.done @!p0 $0x0  }
0x1b2: {  	[sflag:s0] =	ssyncadd.s32 @!p0 s1  }
0x1b3: {  	[bflag:$0x3] =	sbarrier.arrive $0xFFFF  }
0x1b4: {  	_ =	shalt  }

// kernel: kernel.8.cloned.1.call-start
scs
__scs_entry_jumppad:
0x0: {  	(pc) =	sbr.rel $0x88, $3  }
0x1: {  	(tag) =	ssettag $0x0;
	lr =	simm.s32 $0x1  }
0x2: {  	[smem:$0x3F97] =	sst lr;
	_ =	strace $0xD0000000  }
0x3: {  	_ = 	snop  }
0x4: {  	_ = 	snop  }
0x5: {  	_ = 	snop  }
0x6: {  	_ = 	snop  }
0x7: {  	_ = 	snop  }
__scs_overlays_trampoline_lowered:
0x8: {  	[smem:$0x3FA6] =	sst s0  }
0x9: {  	[smem:$0x3FA7] =	sst s1  }
0xa: {  	[smem:$0x3FA8] =	sst s2  }
0xb: {  	[smem:$0x3FA9] =	sst s3  }
0xc: {  	[smem:$0x3FAA] =	sst s4  }
0xd: {  	[smem:$0x3FAB] =	sst s5  }
0xe: {  	[smem:$0x3FAC] =	sst s6  }
0xf: {  	[smem:$0x3FAD] =	sst s7  }
0x10: {  	[smem:$0x3FAE] =	sst s8  }
0x11: {  	[smem:$0x3FAF] =	sst s9;
	s0 =	simm.s32 @!p0 $0x0  }
0x12: {  	s1 =	sld [smem:$0x3F95];
	s0 =	simm.s32 @p0 $0x1  }
0x13: {  	[smem:$0x3FB0] =	sst s0;
	s0 =	simm.s32 @!p1 $0x0  }
0x14: {  	s2 =	sld [smem:$0x3F94];
	s0 =	simm.s32 @p1 $0x1  }
0x15: {  	[smem:$0x3FB1] =	sst s0;
	s0 =	simm.s32 @!p2 $0x0  }
0x16: {  	s3 =	sld [smem:$0x3FDB];
	s0 =	simm.s32 @p2 $0x1  }
0x17: {  	s4 =	simm.s32 $0x1BF5;
	[smem:$0x3FB3] =	sst s0  }
0x18: {  	s0 =	sld [smem:$0x3F96];
	_ =	swait.ge [sflag:s4], $0x0  }
0x19: {  	s7 =	sld [smem:$0x3F97]  }
0x1a: {  	s8 =	sadd.s32 $0xFFFFE003, lr  }
0x1b: {  	s9 =	sadd.s32 $0xFFFFFEF7, lr;
	s5 =	simm.s32 $0xFFFFFFFF;
	p2 =	slt.u32 s8, $0xFFFFF086  }
0x1c: {  	p1 =	slt.u32 s9, $0xF7A;
	s5 =	simm.s32 @!p2 $0x0  }
0x1d: {  	s5 =	simm.s32 @p1 $0x1;
	p0 =	seq.s32 s7, s2  }
0x1e: {  	s7 =	smul.u32 @!p0 $0xF7A, s2;
	p2 =	seq.s32 @!p0 s5, $0x0  }
0x1f: {  	s9 =	smul.u32 $0xF7A, s1;
	s8 =	simm.s32 @!p0 $0x1BF5;
	p2 =	por !p2, p0  }
0x20: {  	[sflag:s8] =	ssyncset.s32 @!p0 $0xFFFFF086;
	s6 =	sadd.s32 @!p0 s3, s7;
	s7 =	simm.s32 @!p0 $0x108  }
0x21: {  	s3 =	sadd.s32 s3, s9;
	s6 =	sadd.s32 @!p0 $0x88, s6;
	s7 =	simm.s32 @p2 $0x1082  }
0x22: {  	[simem:s7], [sflag:s8] =	dma.local @!p0 [hbm:s6], $0xF7A  }
0x23: {  	s9 =	sor.u32 $0xD0000000, s2;
	s6 =	simm.s32 $0x108;
	_ =	swait.ge @!p0 [sflag:s8], $0x0  }
0x24: {  	s3 =	sadd.s32 $0x88, s3;
	s6 =	simm.s32 @!p1 $0x1082;
	[sflag:s4] =	ssyncset.s32 $0xFFFFF086  }
0x25: {  	[simem:s6], [sflag:s4] =	dma.local [hbm:s3], $0xF7A  }
0x26: {  	[smem:$0x3F97] =	sst s1;
	(tag) =	ssettag s2;
	_ =	strace s9  }
0x27: {  	s1 =	sld [smem:$0x3FA7]  }
0x28: {  	s2 =	sld [smem:$0x3FA8]  }
0x29: {  	s4 =	sld [smem:$0x3FAA]  }
0x2a: {  	p0 =	seq.s32 s5, $0x0;
	s5 =	sld [smem:$0x3FAB]  }
0x2b: {  	s6 =	sld [smem:$0x3FAC]  }
0x2c: {  	s7 =	sld [smem:$0x3FAD]  }
0x2d: {  	s3 =	simm.s32 $0x108;
	s8 =	sld [smem:$0x3FAE]  }
0x2e: {  	s3 =	simm.s32 @!p0 $0x1082;
	s9 =	sld [smem:$0x3FAF]  }
0x2f: {  	lr =	sadd.s32 s0, s3;
	s0 =	sld [smem:$0x3FA6]  }
0x30: {  	s3 =	sld [smem:$0x3FA9]  }
0x31: {  	[smem:$0x3FB2] =	sst s10  }
0x32: {  	s10 =	sld [smem:$0x3FB0];
	_ =	sdelay $0x3  }
0x33: {  	p0 =	seq.s32 s10, $0x1;
	s10 =	sld [smem:$0x3FB2];
	_ =	sdelay $0x3  }
0x34: {  	[smem:$0x3FB2] =	sst s10  }
0x35: {  	s10 =	sld [smem:$0x3FB1];
	_ =	sdelay $0x3  }
0x36: {  	p1 =	seq.s32 s10, $0x1;
	s10 =	sld [smem:$0x3FB2];
	_ =	sdelay $0x3  }
0x37: {  	[smem:$0x3FB2] =	sst s10  }
0x38: {  	s10 =	sld [smem:$0x3FB3]  }
0x39: {  	_ = 	snop;
	(pc) =	sbr.ind lr, $3  }
0x3a: {  	_ = 	snop  }
0x3b: {  	_ = 	snop  }
0x3c: {  	p2 =	seq.s32 s10, $0x1;
	s10 =	sld [smem:$0x3FB2]  }
0x3d: {  	_ =	shalt  }
0x3e: {  	_ =	shalt  }
0x3f: {  	_ =	shalt  }
0x40: {  	_ =	shalt  }
0x41: {  	_ =	shalt  }
0x42: {  	_ =	shalt  }
0x43: {  	_ =	shalt  }
0x44: {  	_ =	shalt  }
0x45: {  	_ =	shalt  }
0x46: {  	_ =	shalt  }
0x47: {  	_ =	shalt  }
0x48: {  	_ =	shalt  }
0x49: {  	_ =	shalt  }
0x4a: {  	_ =	shalt  }
0x4b: {  	_ =	shalt  }
0x4c: {  	_ =	shalt  }
0x4d: {  	_ =	shalt  }
0x4e: {  	_ =	shalt  }
0x4f: {  	_ =	shalt  }
0x50: {  	_ =	shalt  }
0x51: {  	_ =	shalt  }
0x52: {  	_ =	shalt  }
0x53: {  	_ =	shalt  }
0x54: {  	_ =	shalt  }
0x55: {  	_ =	shalt  }
0x56: {  	_ =	shalt  }
0x57: {  	_ =	shalt  }
0x58: {  	_ =	shalt  }
0x59: {  	_ =	shalt  }
0x5a: {  	_ =	shalt  }
0x5b: {  	_ =	shalt  }
0x5c: {  	_ =	shalt  }
0x5d: {  	_ =	shalt  }
0x5e: {  	_ =	shalt  }
0x5f: {  	_ =	shalt  }
0x60: {  	_ =	shalt  }
0x61: {  	_ =	shalt  }
0x62: {  	_ =	shalt  }
0x63: {  	_ =	shalt  }
0x64: {  	_ =	shalt  }
0x65: {  	_ =	shalt  }
0x66: {  	_ =	shalt  }
0x67: {  	_ =	shalt  }
0x68: {  	_ =	shalt  }
0x69: {  	_ =	shalt  }
0x6a: {  	_ =	shalt  }
0x6b: {  	_ =	shalt  }
0x6c: {  	_ =	shalt  }
0x6d: {  	_ =	shalt  }
0x6e: {  	_ =	shalt  }
0x6f: {  	_ =	shalt  }
0x70: {  	_ =	shalt  }
0x71: {  	_ =	shalt  }
0x72: {  	_ =	shalt  }
0x73: {  	_ =	shalt  }
0x74: {  	_ =	shalt  }
0x75: {  	_ =	shalt  }
0x76: {  	_ =	shalt  }
0x77: {  	_ =	shalt  }
0x78: {  	_ =	shalt  }
0x79: {  	_ =	shalt  }
0x7a: {  	_ =	shalt  }
0x7b: {  	_ =	shalt  }
0x7c: {  	_ =	shalt  }
0x7d: {  	_ =	shalt  }
0x7e: {  	_ =	shalt  }
0x7f: {  	_ =	shalt  }
0x80: {  	_ =	shalt  }
0x81: {  	_ =	shalt  }
0x82: {  	_ =	shalt  }
0x83: {  	_ =	shalt  }
0x84: {  	_ =	shalt  }
0x85: {  	_ =	shalt  }
0x86: {  	_ =	shalt  }
0x87: {  	_ =	shalt  }
.Lfunc_end0:
.L_simem_size_0:
called_computation_lowered:
.L_overlay_start_0:
0x88: {  	s2 =	sld [smem:$0x3FD9]  }
0x89: {  	s3 =	sld [smem:$0x3FFE];
	_ =	sdelay $0x1  }
0x8a: {  	s1 =	srdreg.scid  }
0x8b: {  	s0 =	sand.u32 $0x1, s1  }
0x8c: {  	s17 =	sshll.u32 s0, $0xA;
	s2 =	sadd.s32 s3, s2  }
0x8d: {  	s2 =	sadd.s32 s2, s17  }
0x8e: {  	[smem:$0x3FBE] =	sst s2  }
0x8f: {  	_ = 	snop  }
0x90: {  	s2 =	sld [smem:$0x3FD0];
	(tm) =	ssettm $0x1  }
0x91: {  	s18 =	sld [smem:$0x3FFB];
	_ =	sdelay $0x3  }
0x92: {  	_ =	strace s18  }
0x93: {  	s3 =	sld [smem:$0x3FFC];
	_ =	sdelay $0x3  }
0x94: {  	_ =	strace s3  }
0x95: {  	s3 =	sld [smem:$0x3FFD];
	_ =	sdelay $0x3  }
0x96: {  	_ =	strace s3  }
0x97: {  	_ =	strace $0x8FFFFFFF  }
0x98: {  	s19 =	sld [smem:$0x3FDB];
	_ =	sdelay $0x1  }
0x99: {  	s4 =	simm.s32 $_scs_section_size  }
0x9a: {  	s5 =	simm.s32 $_size__tile_overlayer_lowered;
	s6 =	simm.s32 $_tile_overlayer_lowered  }
0x9b: {  	s22 =	simm.s32 $0x1BFF;
	s21 =	sshll.u32 s6, $0x1;
	s3 =	sadd.s32 s4, s19  }
0x9c: {  	s7 =	simm.s32 $0x0;
	s20 =	sshll.u32 s5, $0x1;
	s5 =	sadd.s32 s21, s3  }
0x9d: {  	[timem:s7], [sflag:s22] =	dma.local [hbm:s5], s20  }
0x9e: {  	_ =	swait.ge [sflag:s22], s20  }
0x9f: {  	s4 =	ssub.s32 $0x0, s20;
	[sflag:s22] =	ssyncset.done $0x0  }
0xa0: {  	[sflag:s22] =	ssyncadd.s32 s4;
	_ =	sdelay $0x1  }
0xa1: {  	s23 =	simm.s32 $0x1B8B  }
0xa2: {  	_ =	swait.ge [sflag:s23], $0x1  }
0xa3: {  	[sflag:s23] =	ssyncset.done $0x0  }
0xa4: {  	s25 =	simm.s32 $0x1B8E;
	s24 =	sld [smem:$0x3FFE];
	[sflag:s23] =	ssyncadd.s32 $0xFFFFFFFF  }
0xa5: {  	s26 =	simm.s32 $execute0_lowered;
	[smem:$0x3FD2] =	sst s25  }
0xa6: {  	s5 =	sshll.u32 s26, $0x1;
	_ =	strace $0x80000046;
	[dreg:$0x1] =	wrdreg $0xFFFFFFFF  }
0xa7: {  	s28 =	simm.s32 $_size_execute0_lowered;
	s3 =	sadd.s32 s3, s5;
	[dreg:$0x0] =	wrdreg $0x0  }
0xa8: {  	s5 =	sshll.u32 s28, $0x1;
	[dreg:$0x2] =	wrdreg s3  }
0xa9: {  	[dreg:$0x3] =	wrdreg s5  }
0xaa: {  	[dreg:$0x4] =	wrdreg $0xC0  }
0xab: {  	_ =	task [dreg:s7], $0x5FFFF  }
0xac: {  	[dreg:$0x1] =	wrdreg $0xFFFFFFFF  }
0xad: {  	[dreg:$0x0] =	wrdreg $0x60  }
0xae: {  	[dreg:$0x2] =	wrdreg s24  }
0xaf: {  	[dreg:$0x3] =	wrdreg s2  }
0xb0: {  	[dreg:$0x4] =	wrdreg $0x9  }
0xb1: {  	_ =	task.clear_ibuf [dreg:s7], $0x5FFFF;
	_ =	strace $0x90000046  }
0xb2: {  	s29 =	simm.s32 $0x9;
	_ =	strace $0x80000048  }
0xb3: {  	_ =	swait.ge [sflag:s29], $0x1  }
0xb4: {  	[sflag:s29] =	ssyncadd.s32 $0xFFFFFFFF  }
0xb5: {  	_ =	strace $0x90000048  }
0xb6: {  	_ =	sfence  }
0xb7: {  	s30 =	sld [smem:$0x0];
	_ =	sdelay $0x2  }
0xb8: {  	s31 =	sshll.u32 s1, $0xD;
	s1 =	sshrl.u32 s1, $0x2  }
0xb9: {  	s3 =	sand.u32 $0x4000, s31;
	s1 =	sadd.s32 s1, s30  }
0xba: {  	s0 =	sor.u32 s3, s0;
	s1 =	sshll.u32 s1, $0x11  }
0xbb: {  	s0 =	sor.u32 s1, s0  }
0xbc: {  	s0 =	sadd.s32 $0x8F2B, s0  }
0xbd: {  	[sflag:s0] =	ssyncadd.remote.s32 $0x1  }
0xbe: {  	_ =	sfence.sel $0xFFFF  }
0xbf: {  	[dreg:$0x0] =	wrdreg $0xFFFFFFFF;
	(pc) =	sbr.abs _section_cstart, $3  }
0xc0: {  	[dreg:$0x1] =	wrdreg $0xFFFFFFFF  }
0xc1: {  	_ =	task.clear_ibuf [dreg:s7], $0x2FFFF;
	_ =	strace $0x9FFFFFFF  }
0xc2: {  	(tm) =	ssettm $0x7FFFFFFF  }
0xc3: {  	_ =	shalt  }
tec
execute0_lowered:
.L_overlay_start_1:
0x0: {  	(tag) =	ssettag $0x1  }
0x1: {  	s3 =	rddreg [dreg:$0x0]  }
0x2: {  	s1 =	srdreg.scid;
	s0 =	stileid.u32  }
0x3: {  	s4 =	rddreg [dreg:$0x1];
	s2 =	simm.s32 $0x0;
	s16 =	simm.s32 $0x80  }
0x4: {  	s17 =	simm.s32 $0x400;
	s18 =	simm.s32 $0x7800;
	s19 =	simm.s32 $0xA080  }
0x5: {  	s20 =	simm.s32 $0xC900;
	s21 =	simm.s32 $0xF180;
	s22 =	simm.s32 $0x11A00  }
0x6: {  	s23 =	simm.s32 $0x0;
	s5 =	sand.u32 $0x1, s1;
	s1 =	rddreg [dreg:$0x2]  }
0x7: {  	s6 =	sshll.u32 s0, $0x1;
	[smem:$0x7FF] =	sst s2;
	s9 =	sshrl.u32 s0, $0x2  }
0x8: {  	v33 =	vlaneseq.u32;
	s10 =	sadd.s32 $0xC800, s3;
	s12 =	sadd.s32 $0x20800, s3;
	s15 =	sadd.s32 $0x34C00, s3  }
0x9: {  	v15 =	vimm.f32 $0.0e+00;
	v16 =	vimm.f32 $1.000000000e+00;
	v17 =	vimm.s32 $0x0;
	s6 =	sor.u32 s5, s6;
	_ =	strace $0x80000047;
	s14 =	smul.u32 $0x14000, s9  }
0xa: {  	vm0 =	vcmask $0x300;
	vm1 =	vcmask $0x704;
	v0 =	vor.u32 $0x2710, v33;
	s11 =	sshll.u32 s9, $0xA;
	s5 =	ssub.s32 $0x2, s5;
	s7 =	smul.u32 $0x4E2, s6  }
0xb: {  	v1 =	vor.u32 $0x2720, v33;
	v2 =	vor.u32 $0x2730, v33;
	v3 =	vor.u32 $0x2740, v33;
	s25 =	smul.u32 $0x14400, s9;
	s6 =	sshll.u32 s6, $0x7;
	s13 =	sshrl.u32 s5, $0x1  }
0xc: {  	v4 =	vor.u32 $0x2750, v33;
	v5 =	vor.u32 $0x2760, v33;
	v6 =	vor.u32 $0x2770, v33;
	s6 =	sand.u32 $0x380, s6;
	s13 =	ssub.s32 s5, s13;
	s8 =	sadd.s32 s7, s3  }
0xd: {  	v7 =	vor.u32 $0x2780, v33;
	v8 =	vor.u32 $0x2790, v33;
	v9 =	vor.u32 $0x27A0, v33;
	s11 =	sor.u32 s11, s6;
	s24 =	sor.u32 s14, s6;
	s4 =	sadd.s32 s4, s7  }
0xe: {  	v10 =	vor.u32 $0x27B0, v33;
	v11 =	vor.u32 $0x27C0, v33;
	v12 =	vor.u32 $0x27D0, v33;
	s14 =	simm.s32 $0x2800;
	s11 =	sshrl.u32 s11, $0x3;
	s26 =	sshrl.u32 s24, $0x3  }
0xf: {  	v13 =	vor.u32 $0x27E0, v33;
	v14 =	vor.u32 $0x27F0, v33;
	v18 =	vor.u32 $0x1400, v33;
	s28 =	sadd.s32 $0x50000, s24;
	s11 =	sadd.s32 s11, s3;
	s3 =	sadd.s32 $0x2A00, s8  }
0x10: {  	v19 =	vor.u32 $0x2800, v33;
	v20 =	vor.u32 $0x1410, v33;
	v21 =	vor.u32 $0x2810, v33;
	s5 =	sadd.s32 s10, s26;
	s29 =	sshrl.u32 s28, $0x3;
	s8 =	sor.u32 s25, s6  }
0x11: {  	v22 =	vor.u32 $0x1420, v33;
	v23 =	vor.u32 $0x2820, v33;
	v24 =	vor.u32 $0x1430, v33;
	s6 =	sadd.s32 s10, s29;
	s30 =	sshrl.u32 s8, $0x3;
	s31 =	sadd.s32 $0x51000, s8  }
0x12: {  	v25 =	vor.u32 $0x2830, v33;
	v26 =	vor.u32 $0x1440, v33;
	v27 =	vor.u32 $0x2840, v33;
	s11 =	sadd.s32 $0x49000, s11;
	s7 =	sadd.s32 s12, s30;
	s10 =	sshrl.u32 s31, $0x3  }
0x13: {  	v28 =	vor.u32 $0x1450, v33;
	v29 =	vor.u32 $0x2850, v33;
	v30 =	vor.u32 $0x1460, v33;
	s8 =	sadd.s32 s15, s30;
	s9 =	sadd.s32 s12, s10;
	s10 =	sadd.s32 s15, s10  }
0x14: {  	v31 =	vor.u32 $0x2860, v33;
	v32 =	vor.u32 $0x1470, v33;
	v33 =	vor.u32 $0x2870, v33;
	s12 =	smax.u32 s13, $0x1;
	s13 =	simm.s32 $0x1;
	s15 =	simm.s32 $0x5000  }
.LBB2_1:
0x15: {  	[tilespmem:s2], [sflag:$0x1] =	stream.linear.gather [hbm4b:s3+s2], $0x2710, $0x38;
	[tilespmem:$0x11A80] =	vst v63  }
0x16: {  	_ =	swait.ge [sflag:s13], $0x2710  }
0x17: {  	[sflag:s13] =	ssyncset.done $0x0  }
0x18: {  	[sflag:s13] =	ssyncadd.s32 $0xFFFFD8F0  }
0x19: {  	[tilespmem:s14], [sflag:$0x1] =	stream.linear.gather [hbm4b:s4+s2], $0x2710, $0x38;
	[tilespmem:$0x11A80] =	vst v63  }
0x1a: {  	_ =	swait.ge [sflag:s13], $0x2710  }
0x1b: {  	[sflag:s13] =	ssyncset.done $0x0  }
0x1c: {  	[sflag:s13] =	ssyncadd.s32 $0xFFFFD8F0  }
0x1d: {  	[tilespmem:$0x2710] =	vst v0  }
0x1e: {  	[tilespmem:$0x4F10] =	vst v0  }
0x1f: {  	[tilespmem:$0x2720] =	vst v1  }
0x20: {  	[tilespmem:$0x4F20] =	vst v1  }
0x21: {  	[tilespmem:$0x2730] =	vst v2  }
0x22: {  	[tilespmem:$0x4F30] =	vst v2  }
0x23: {  	[tilespmem:$0x2740] =	vst v3  }
0x24: {  	[tilespmem:$0x4F40] =	vst v3  }
0x25: {  	[tilespmem:$0x2750] =	vst v4  }
0x26: {  	[tilespmem:$0x4F50] =	vst v4  }
0x27: {  	[tilespmem:$0x2760] =	vst v5  }
0x28: {  	[tilespmem:$0x4F60] =	vst v5  }
0x29: {  	[tilespmem:$0x2770] =	vst v6  }
0x2a: {  	[tilespmem:$0x4F70] =	vst v6  }
0x2b: {  	[tilespmem:$0x2780] =	vst v7  }
0x2c: {  	[tilespmem:$0x4F80] =	vst v7  }
0x2d: {  	[tilespmem:$0x2790] =	vst v8  }
0x2e: {  	[tilespmem:$0x4F90] =	vst v8  }
0x2f: {  	[tilespmem:$0x27A0] =	vst v9  }
0x30: {  	[tilespmem:$0x4FA0] =	vst v9  }
0x31: {  	[tilespmem:$0x27B0] =	vst v10  }
0x32: {  	[tilespmem:$0x4FB0] =	vst v10  }
0x33: {  	[tilespmem:$0x27C0] =	vst v11  }
0x34: {  	[tilespmem:$0x4FC0] =	vst v11  }
0x35: {  	[tilespmem:$0x27D0] =	vst v12  }
0x36: {  	[tilespmem:$0x4FD0] =	vst v12  }
0x37: {  	[tilespmem:$0x27E0] =	vst v13  }
0x38: {  	[tilespmem:$0x4FE0] =	vst v13  }
0x39: {  	[tilespmem:$0x27F0] =	vst v14  }
0x3a: {  	s24 =	simm.s32 $0x0;
	[tilespmem:$0x4FF0] =	vst v14  }
.LBB2_2:
0x3b: {  	p0 =	sne.s32 s24, $0x9FC0  }
.Ltmp0:
0x3c: {  	_ = 	snop;
	(pc) =	sbr.rel @p0 .LBB2_2-.Ltmp0, $3  }
0x3d: {  	_ =	sdelay $0x1  }
0x3e: {  	s25 =	sshra.s32 s24, $0x2  }
0x3f: {  	s24 =	sadd.s32 $0x40, s24;
	[tilespmem:s25+$0x5000] =	vst v15  }
0x40: {  	s25 =	simm.s32 $0x0;
	s24 =	simm.s32 $0x40  }
.LBB2_4:
0x41: {  	p0 =	sne.s32 s24, $0x9FC0;
	v34 =	vld [tilespmem:s25+$0x0];
	_ =	sdelay $0x3  }
.Ltmp1:
0x42: {  	(pc) =	sbr.rel @p0 .LBB2_4-.Ltmp1, $2  }
0x43: {  	_ =	sdelay $0x2  }
0x44: {  	s25 =	sshra.s32 s24, $0x2;
	s24 =	sadd.s32 $0x40, s24;
	[tilespmem:v34+s15+$0x0] =	vst.idx.add.f32.msk $0xffff, v16  }
0x45: {  	v34 =	vld [tilespmem:s25+$0x0];
	_ =	sdelay $0x7  }
0x46: {  	[tilespmem:v34+s15+$0x0] =	vst.idx.add.f32.msk $0xffff, v16  }
0x47: {  	[hbm4b:s5+s16] =	stream.strided.scatter [tilespmem:s15], [sflag:$0x1], $0x2800, s17, s16, $0x38;
	[tilespmem:$0x11A80] =	vst v63  }
0x48: {  	_ =	swait.ge [sflag:s13], $0x2800  }
0x49: {  	[sflag:s13] =	ssyncset.done $0x0  }
0x4a: {  	s24 =	simm.s32 $0x40;
	s25 =	simm.s32 $0x0;
	[sflag:s13] =	ssyncadd.s32 $0xFFFFD800  }
.LBB2_6:
0x4b: {  	p0 =	sne.s32 s24, $0x9FC0;
	[tilespmem:s25+$0x5000] =	vst v15;
	s25 =	smov.u32 s24;
	s24 =	sadd.s32 $0x40, s24  }
.Ltmp2:
0x4c: {  	(pc) =	sbr.rel @p0 .LBB2_6-.Ltmp2, $2  }
0x4d: {  	_ =	sdelay $0x2  }
0x4e: {  	s25 =	sshra.s32 s25, $0x2  }
0x4f: {  	[tilespmem:s25+$0x5000] =	vst v15;
	s25 =	simm.s32 $0x0;
	s24 =	simm.s32 $0x40  }
.LBB2_8:
0x50: {  	p0 =	sne.s32 s24, $0x9FC0;
	v34 =	vld [tilespmem:s25+$0x2800];
	_ =	sdelay $0x3  }
.Ltmp3:
0x51: {  	(pc) =	sbr.rel @p0 .LBB2_8-.Ltmp3, $2  }
0x52: {  	_ =	sdelay $0x2  }
0x53: {  	s25 =	sshra.s32 s24, $0x2;
	s24 =	sadd.s32 $0x40, s24;
	[tilespmem:v34+s15+$0x0] =	vst.idx.add.f32.msk $0xffff, v16  }
0x54: {  	v34 =	vld [tilespmem:s25+$0x2800];
	_ =	sdelay $0x7  }
0x55: {  	[tilespmem:v34+s15+$0x0] =	vst.idx.add.f32.msk $0xffff, v16  }
0x56: {  	[hbm4b:s6+s16] =	stream.strided.scatter [tilespmem:s15], [sflag:$0x1], $0x2800, s17, s16, $0x38;
	[tilespmem:$0x11A80] =	vst v63  }
0x57: {  	_ =	swait.ge [sflag:s13], $0x2800  }
0x58: {  	[sflag:s13] =	ssyncset.done $0x0  }
0x59: {  	s24 =	simm.s32 $0x0;
	[sflag:s13] =	ssyncadd.s32 $0xFFFFD800  }
0x5a: {  	v62 =	vld [tilespmem:s24+$0x2800];
	_ =	sdelay $0x4  }
0x5b: {  	vm2 =	vlt.s32 v62, $0x1400  }
0x5c: {  	v35 =	vsel vm2, $0x1, v17  }
0x5d: {  	(xrf0) =	vadd.scan.msk.s32 $0xffff, v35;
	_ =	sdelay $0x2  }
0x5e: {  	v36 =	vld [tilespmem:s24+$0x0];
	_ =	sdelay $0x2  }
0x5f: {  	v35, _, _ =	vpop (xrf0)  }
0x60: {  	s31 =	simm.s32 $0x0;
	(v2sf) =	vpush v35, $0xF  }
0x61: {  	[tilespmem:s31+$0x7800] =	vst.msk vm2, v36  }
0x62: {  	vm3 =	vge.s32 v62, $0x1400;
	[tilespmem:s31+$0xA080] =	vst.msk vm2, v62  }
0x63: {  	[tilespmem:s31+$0xC900] =	vst.msk vm3, v36  }
0x64: {  	s26 =	simm.s32 $0x10;
	[tilespmem:s31+$0xF180] =	vst.msk vm3, v62  }
0x65: {  	v34 =	vld [tilespmem:s26+$0x2800];
	_ =	sdelay $0x4  }
0x66: {  	vm2 =	vlt.s32 v34, $0x1400  }
0x67: {  	v63 =	vsel vm2, $0x1, v17  }
0x68: {  	(xrf0) =	vadd.scan.msk.s32 $0xffff, v63;
	_ =	sdelay $0x1  }
0x69: {  	v35 =	vld [tilespmem:s26+$0x0]  }
0x6a: {  	s28 =	spop (v2sf)  }
0x6b: {  	s25 =	simm.s32 $0x80;
	s24 =	sadd.s32 $0x0, s28;
	s26 =	ssub.s32 $0x0, s28  }
.LBB2_10:
0x6c: {  	p0 =	sne.s32 s25, $0x9FC0  }
0x6d: {  	v36, _, _ =	vpop (xrf0);
	s26 =	sadd.s32 $0x10, s26;
	s28 =	smov.u32 s25;
	s25 =	sadd.s32 $0x40, s25  }
0x6e: {  	[tilespmem:s24+$0x7800] =	vst.msk vm2, v35;
	(v2sf) =	vpush v36, $0xF  }
0x6f: {  	vm3 =	vge.s32 v34, $0x1400;
	[tilespmem:s24+$0xA080] =	vst.msk vm2, v34  }
0x70: {  	[tilespmem:s26+$0xC900] =	vst.msk vm3, v35  }
0x71: {  	s28 =	sshra.s32 s28, $0x2;
	[tilespmem:s26+$0xF180] =	vst.msk vm3, v34  }
0x72: {  	v34 =	vld [tilespmem:s28+$0x2800];
	_ =	sdelay $0x4  }
0x73: {  	vm2 =	vlt.s32 v34, $0x1400  }
0x74: {  	v35 =	vsel vm2, $0x1, v17  }
0x75: {  	(xrf0) =	vadd.scan.msk.s32 $0xffff, v35  }
.Ltmp4:
0x76: {  	(pc) =	sbr.rel @p0 .LBB2_10-.Ltmp4, $3  }
0x77: {  	v35 =	vld [tilespmem:s28+$0x0];
	_ =	sdelay $0x1  }
0x78: {  	s28 =	spop (v2sf)  }
0x79: {  	s24 =	sadd.s32 s24, s28;
	s26 =	ssub.s32 s26, s28  }
0x7a: {  	v36, _, _ =	vpop (xrf0)  }
0x7b: {  	(v2sf) =	vpush v36, $0xF;
	_ =	sdelay $0xc  }
0x7c: {  	[tilespmem:s24+$0x7800] =	vst.msk vm2, v35  }
0x7d: {  	s25 =	sadd.s32 $0x10, s26;
	vm3 =	vge.s32 v34, $0x1400;
	[tilespmem:s24+$0xA080] =	vst.msk vm2, v34  }
0x7e: {  	[tilespmem:s25+$0xC900] =	vst.msk vm3, v35;
	s28 =	spop (v2sf)  }
0x7f: {  	[tilespmem:s25+$0xF180] =	vst.msk vm3, v34;
	s29 =	sadd.s32 s24, s28  }
0x80: {  	s25 =	ssub.s32 s25, s28;
	[tilespmem:s29+$0x7800] =	vst v0  }
0x81: {  	s25 =	sadd.s32 $0x10, s25;
	[tilespmem:s29+$0xA080] =	vst v18  }
0x82: {  	[tilespmem:s25+$0xC900] =	vst v0  }
0x83: {  	[tilespmem:s25+$0xF180] =	vst v19  }
0x84: {  	[tilespmem:s29+$0x7810] =	vst v1  }
0x85: {  	[tilespmem:s29+$0xA090] =	vst v20  }
0x86: {  	[tilespmem:s25+$0xC910] =	vst v1  }
0x87: {  	[tilespmem:s25+$0xF190] =	vst v21  }
0x88: {  	[tilespmem:s29+$0x7820] =	vst v2  }
0x89: {  	[tilespmem:s29+$0xA0A0] =	vst v22  }
0x8a: {  	[tilespmem:s25+$0xC920] =	vst v2  }
0x8b: {  	[tilespmem:s25+$0xF1A0] =	vst v23  }
0x8c: {  	[tilespmem:s29+$0x7830] =	vst v3  }
0x8d: {  	[tilespmem:s29+$0xA0B0] =	vst v24  }
0x8e: {  	[tilespmem:s25+$0xC930] =	vst v3  }
0x8f: {  	[tilespmem:s25+$0xF1B0] =	vst v25  }
0x90: {  	[tilespmem:s29+$0x7840] =	vst v4  }
0x91: {  	[tilespmem:s29+$0xA0C0] =	vst v26  }
0x92: {  	[tilespmem:s25+$0xC940] =	vst v4  }
0x93: {  	[tilespmem:s25+$0xF1C0] =	vst v27  }
0x94: {  	[tilespmem:s29+$0x7850] =	vst v5  }
0x95: {  	[tilespmem:s29+$0xA0D0] =	vst v28  }
0x96: {  	[tilespmem:s25+$0xC950] =	vst v5  }
0x97: {  	[tilespmem:s25+$0xF1D0] =	vst v29  }
0x98: {  	[tilespmem:s29+$0x7860] =	vst v6  }
0x99: {  	[tilespmem:s29+$0xA0E0] =	vst v30  }
0x9a: {  	[tilespmem:s25+$0xC960] =	vst v6  }
0x9b: {  	[tilespmem:s25+$0xF1E0] =	vst v31  }
0x9c: {  	[tilespmem:s29+$0x7870] =	vst v7  }
0x9d: {  	s24 =	sadd.s32 $0x7F, s29;
	[tilespmem:s29+$0xA0F0] =	vst v32  }
0x9e: {  	s30 =	sshra.s32 s24, $0x1F;
	s28 =	sand.u32 $0x7F, s24;
	[tilespmem:s25+$0xC970] =	vst v7  }
0x9f: {  	p0 =	slt.s32 s24, $0x1;
	s26 =	sshrl.u32 s30, $0x19;
	p1 =	sne.s32 s28, $0x0;
	[tilespmem:s25+$0xF1F0] =	vst v33  }
0xa0: {  	[hbm4b:s7+s16] =	stream.strided.scatter [tilespmem:s18], [sflag:$0x1], $0x2880, s17, s16, $0x38;
	[tilespmem:$0x11A80] =	vst v63  }
0xa1: {  	s24 =	sadd.s32 s26, s24;
	p0 =	por !p0, !p1;
	_ =	swait.ge [sflag:s13], $0x2880  }
0xa2: {  	s26 =	simm.s32 $0x1;
	p0 =	por !p0, !p0;
	[sflag:s13] =	ssyncset.done $0x0  }
0xa3: {  	s24 =	sshra.s32 s24, $0x7;
	s26 =	simm.s32 @!p0 $0x0;
	[sflag:s13] =	ssyncadd.s32 $0xFFFFD780  }
0xa4: {  	[hbm4b:s8+s16] =	stream.strided.scatter [tilespmem:s19], [sflag:$0x1], $0x2880, s17, s16, $0x38;
	[tilespmem:$0x11A80] =	vst v63  }
0xa5: {  	s24 =	ssub.s32 s24, s26;
	_ =	swait.ge [sflag:s13], $0x2880  }
0xa6: {  	s26 =	simm.s32 $0x1;
	s25 =	sadd.s32 $0x7F, s25;
	[sflag:s13] =	ssyncset.done $0x0  }
0xa7: {  	s31 =	sand.u32 $0x7F, s25;
	s29 =	sshra.s32 s25, $0x1F;
	[sflag:s13] =	ssyncadd.s32 $0xFFFFD780  }
0xa8: {  	[hbm4b:s9+s16] =	stream.strided.scatter [tilespmem:s20], [sflag:$0x1], $0x2880, s17, s16, $0x38;
	[tilespmem:$0x11A80] =	vst v63  }
0xa9: {  	p6 =	slt.s32 s25, $0x1;
	p5 =	sne.s32 s31, $0x0;
	_ =	swait.ge [sflag:s13], $0x2880  }
0xaa: {  	s30 =	sshrl.u32 s29, $0x19;
	p0 =	por !p6, !p5;
	[sflag:s13] =	ssyncset.done $0x0  }
0xab: {  	s25 =	sadd.s32 s30, s25;
	p0 =	por !p0, !p0;
	[sflag:s13] =	ssyncadd.s32 $0xFFFFD780  }
0xac: {  	[hbm4b:s10+s16] =	stream.strided.scatter [tilespmem:s21], [sflag:$0x1], $0x2880, s17, s16, $0x38;
	[tilespmem:$0x11A80] =	vst v63  }
0xad: {  	v63 =	vmov s24;
	s25 =	sshra.s32 s25, $0x7;
	s26 =	simm.s32 @!p0 $0x0;
	_ =	swait.ge [sflag:s13], $0x2880  }
0xae: {  	s23 =	sadd.s32 $0x1, s23;
	v34 =	vnsel vm0, $0x0, v63;
	s31 =	ssub.s32 s25, s26;
	[sflag:s13] =	ssyncset.done $0x0  }
0xaf: {  	p0 =	sne.s32 s23, s12;
	v34 =	vsel vm1, s31, v34;
	[sflag:s13] =	ssyncadd.s32 $0xFFFFD780  }
.Ltmp5:
0xb0: {  	[tilespmem:$0x11A00] =	vst v34;
	(pc) =	sbr.rel @p0 .LBB2_1-.Ltmp5, $4  }
0xb1: {  	[hbm4b:s11+s2] =	stream.linear.scatter [tilespmem:s22], [sflag:$0x1], $0x80, $0x38;
	[tilespmem:$0x11A80] =	vst v63  }
0xb2: {  	_ =	swait.ge [sflag:s13], $0x80  }
0xb3: {  	[sflag:s13] =	ssyncset.done $0x0  }
0xb4: {  	[sflag:s13] =	ssyncadd.s32 $0xFFFFFF80  }
0xb5: {  	_ =	sfence.sel $0x180000  }
0xb6: {  	[bflag:$0x0] =	sbarrier.arrive $0xFFFF  }
0xb7: {  	p0 =	sne.s32 s0, $0x0;
	_ =	strace $0x90000047  }
0xb8: {  	s0 =	sadd.s32 @!p0 $0x100000, s1;
	[bflag:$0x2] =	sbarrier.arrive $0xFFFF  }
0xb9: {  	[sflag:s0] =	ssyncadd.tile.s32 @!p0 $0x1;
	_ =	shalt  }
.Lfunc_end2:
_tile_overlayer_lowered:
.L_overlay_start_2:
0xba: {  	(tag) =	ssettag $0x2  }
0xbb: {  	s0 =	rddreg [dreg:$0x0];
	s2 =	stileid.u32  }
0xbc: {  	s1 =	rddreg [dreg:$0x1];
	p0 =	sne.s32 s2, $0x0  }
0xbd: {  	s3 =	rddreg [dreg:$0x2];
	[bflag:$0x3] =	sbarrier.arrive $0xFFFF;
	s2 =	simm.s32 @!p0 $0x1C01  }
0xbe: {  	[timem:s3], [sflag:s2] =	dma.local @!p0 [hbm:s0], s1  }
0xbf: {  	s0 =	simm.s32 @!p0 $0x1  }
0xc0: {  	_ =	swait.ge @!p0 [sflag:s0], s1  }
0xc1: {  	s1 =	ssub.s32 @!p0 $0x0, s1;
	[sflag:s0] =	ssyncset.done @!p0 $0x0  }
0xc2: {  	[sflag:s0] =	ssyncadd.s32 @!p0 s1  }
0xc3: {  	[bflag:$0x3] =	sbarrier.arrive $0xFFFF  }
0xc4: {  	_ =	shalt  }

</sc_bundles>
